<compile_context>
chip_gen: v7x
topology: tpu7x:2x2x1
jax: 0.10.2.dev20260603
libtpu: 0.0.44.dev20260713+nightly
codegen_flags: <defaults>
</compile_context>

<pallas_src>
import functools

import jax
import jax.numpy as jnp
from jax import lax
from jax.experimental import pallas as pl
from jax.experimental.pallas import tpu as pltpu
from jax.experimental.pallas import tpu_sc as plsc

N = 10000
E = 160000
X = 128
H = 128
M = 7
T = 16

NCHUNK = 20
NPAD = 10240
CHUNK = NPAD // NCHUNK
CH_PER_SC = NCHUNK // 2
ACC_ROWS = (M + 1) * CHUNK
ACC_ALLOC = ACC_ROWS + 512
EPT = E // 16
EB = 2000
NG16 = EB // 16
G = 64
ZR = 16
TPKN = N // 4 + 16


def _tc_pre_body(x_ref, wiou_ref, biou_ref, wf_ref, bf_ref, uf_ref,
                 xiou_ref, xf_ref, h_ref, c_ref, ufn_ref):
    xb = x_ref[...]
    xiou = jnp.dot(xb, wiou_ref[...], preferred_element_type=jnp.float32) + biou_ref[...]
    xf = jnp.dot(xb, wf_ref[...], preferred_element_type=jnp.float32) + bf_ref[...]
    i = jax.nn.sigmoid(xiou[:, :H])
    o = jax.nn.sigmoid(xiou[:, H:2 * H])
    u = jnp.tanh(xiou[:, 2 * H:])
    c1 = i * u
    h1 = o * jnp.tanh(c1)
    xiou_ref[...] = xiou
    xf_ref[...] = xf
    h_ref[...] = h1
    c_ref[...] = c1
    for m in range(M):
        ufn_ref[m] = jnp.dot(h1, uf_ref[m], preferred_element_type=jnp.float32)


def _tc_post_body(sums_ref, uiou_ref, xiou_ref, h_ref, c_ref):
    acc = xiou_ref[...]
    for m in range(M):
        acc = acc + jnp.dot(sums_ref[m + 1], uiou_ref[m], preferred_element_type=jnp.float32)
    i = jax.nn.sigmoid(acc[:, :H])
    o = jax.nn.sigmoid(acc[:, H:2 * H])
    u = jnp.tanh(acc[:, 2 * H:])
    c2 = i * u + sums_ref[0]
    h2 = o * jnp.tanh(c2)
    h_ref[...] = h2
    c_ref[...] = c2


def _sc_edge_body(esrc, edst, tpk, rel, htab, ctab, uftab, xftab,
                  out,
                  tpk_v, rel_v, epk, cpk, zbuf,
                  h_b0, c_b0, uf_b0, xf_b0, h_b1, c_b1, uf_b1, xf_b1,
                  is0, iu0, ix0, iah0, iaf0, is1, iu1, ix1, iah1, iaf1,
                  acc, s00, s01, s02, s03, t00, t01, s10, s11, s12, s13, t10, t11):
    cid = lax.axis_index("c")
    sid = lax.axis_index("s")

    bufs = ((h_b0, c_b0, uf_b0, xf_b0, is0, iu0, ix0, iah0, iaf0,
             (s00, s01, s02, s03, t00, t01)),
            (h_b1, c_b1, uf_b1, xf_b1, is1, iu1, ix1, iah1, iaf1,
             (s10, s11, s12, s13, t10, t11)))

    pltpu.sync_copy(tpk, tpk_v)
    pltpu.sync_copy(rel, rel_v)

    z16 = jnp.zeros((16,), jnp.float32)
    for r in range(ZR):
        for k in range(H // 16):
            zbuf[r, pl.ds(k * 16, 16)] = z16

    lane = lax.iota(jnp.int32, 16)

    def pre_blk(b, carry):
        base = sid * EPT + b * EB
        pltpu.sync_copy(esrc.at[pl.ds(base, EB)], cpk.at[pl.ds(0, EB)])
        pltpu.sync_copy(edst.at[pl.ds(base, EB)], cpk.at[pl.ds(EB, EB)])

        def pre_grp(g, cg):
            s16 = cpk[pl.ds(g * 16, 16)]
            d16 = cpk[pl.ds(EB + g * 16, 16)]
            tsw = plsc.load_gather(tpk_v, [lax.shift_right_logical(s16, 2)])
            ts = lax.shift_right_logical(tsw, (s16 & 3) * 8) & 0xFF
            tdw = plsc.load_gather(tpk_v, [lax.shift_right_logical(d16, 2)])
            td = lax.shift_right_logical(tdw, (d16 & 3) * 8) & 0xFF
            m16 = plsc.load_gather(rel_v, [ts * T + td])
            epk[pl.ds(b * EB + g * 16, 16)] = (
                s16 | lax.shift_left(d16, 14) | lax.shift_left(m16, 28))
            return cg

        lax.fori_loop(0, NG16, pre_grp, 0)
        return carry

    lax.fori_loop(0, EPT // EB, pre_blk, 0)

    sc_lo = cid * (CH_PER_SC * CHUNK)

    def hfil(g, cnt):
        v16 = epk[pl.ds(g * 16, 16)]
        d16 = lax.shift_right_logical(v16, 14) & 0x3FFF
        msk = (d16 >= sc_lo) & (d16 < sc_lo + CH_PER_SC * CHUNK)
        plsc.store_compressed(epk.at[pl.ds(cnt, 16)], v16, mask=msk)
        return cnt + jnp.sum(msk.astype(jnp.int32))

    ecnt = lax.fori_loop(0, EPT // 16, hfil, jnp.int32(0))
    eg16 = (ecnt + 15) // 16

    def pass_body(p, carry):
        chunk = cid * CH_PER_SC + p
        lo = chunk * CHUNK

        def zcp(z, cz):
            pltpu.sync_copy(zbuf, acc.at[pl.ds(sid * (ACC_ALLOC // 16) + z * ZR, ZR)])
            return cz
        lax.fori_loop(0, ACC_ALLOC // 16 // ZR, zcp, 0)
        plsc.subcore_barrier()

        def cgrp(g, cnt):
            v16 = epk[pl.ds(g * 16, 16)]
            d16 = lax.shift_right_logical(v16, 14) & 0x3FFF
            msk = (d16 >= lo) & (d16 < lo + CHUNK) & ((g * 16 + lane) < ecnt)
            plsc.store_compressed(cpk.at[pl.ds(cnt, 16)], v16, mask=msk)
            return cnt + jnp.sum(msk.astype(jnp.int32))

        cnt = lax.fori_loop(0, eg16, cgrp, jnp.int32(0))

        ngrp = (cnt + G - 1) // G
        trash = ACC_ROWS + sid

        def mkidx_and_fire(g, par):
            h_b, c_b, uf_b, xf_b, i_s, i_u, i_x, i_ah, i_af, sems = bufs[par]
            off = g * G

            @pl.when(g >= 2)
            def _drain():
                pltpu.make_async_copy(h_b, acc.at[i_ah], sems[4]).wait()
                pltpu.make_async_copy(xf_b, acc.at[i_af], sems[5]).wait()

            def mkidx(q, cq):
                e0 = off + q * 16
                valid = (e0 + lane) < cnt
                v16 = cpk[pl.ds(e0, 16)]
                sv = v16 & 0x3FFF
                dv = lax.shift_right_logical(v16, 14) & 0x3FFF
                mv = lax.shift_right_logical(v16, 28)
                i_s[pl.ds(q * 16, 16)] = jnp.where(valid, sv, 0)
                i_u[pl.ds(q * 16, 16)] = jnp.where(valid, mv * N + sv, 0)
                i_x[pl.ds(q * 16, 16)] = jnp.where(valid, dv, 0)
                dl = dv - lo
                i_ah[pl.ds(q * 16, 16)] = jnp.where(valid, (mv + 1) * CHUNK + dl, trash)
                i_af[pl.ds(q * 16, 16)] = jnp.where(valid, dl, trash)
                return cq
            lax.fori_loop(0, G // 16, mkidx, 0)

            pltpu.async_copy(htab.at[i_s], h_b, sems[0])
            pltpu.async_copy(ctab.at[i_s], c_b, sems[1])
            pltpu.async_copy(uftab.at[i_u], uf_b, sems[2])
            pltpu.async_copy(xftab.at[i_x], xf_b, sems[3])

        def consume(par):
            h_b, c_b, uf_b, xf_b, i_s, i_u, i_x, i_ah, i_af, sems = bufs[par]
            pltpu.make_async_copy(htab.at[i_s], h_b, sems[0]).wait()
            pltpu.make_async_copy(ctab.at[i_s], c_b, sems[1]).wait()
            pltpu.make_async_copy(uftab.at[i_u], uf_b, sems[2]).wait()
            pltpu.make_async_copy(xftab.at[i_x], xf_b, sems[3]).wait()

            pltpu.async_copy(h_b, acc.at[i_ah], sems[4], add=True)

            @plsc.parallel_loop(0, G, unroll=2)
            def frow(r):
                for k in range(H // 16):
                    z = xf_b[r, pl.ds(k * 16, 16)] + uf_b[r, pl.ds(k * 16, 16)]
                    f = 1.0 / (1.0 + jnp.exp(-z))
                    xf_b[r, pl.ds(k * 16, 16)] = c_b[r, pl.ds(k * 16, 16)] * f

            pltpu.async_copy(xf_b, acc.at[i_af], sems[5], add=True)

        @pl.when(ngrp > 0)
        def _prologue():
            mkidx_and_fire(0, 0)

        def pair(i, carry2):
            for par in (0, 1):
                g = 2 * i + par

                @pl.when(g + 1 < ngrp)
                def _fire_next():
                    mkidx_and_fire(g + 1, 1 - par)

                @pl.when(g < ngrp)
                def _consume():
                    consume(par)
            return carry2

        lax.fori_loop(0, (ngrp + 1) // 2, pair, 0)

        for par in (0, 1):
            h_b, c_b, uf_b, xf_b, i_s, i_u, i_x, i_ah, i_af, sems = bufs[par]

            @pl.when(ngrp > par)
            def _final_drain():
                pltpu.make_async_copy(h_b, acc.at[i_ah], sems[4]).wait()
                pltpu.make_async_copy(xf_b, acc.at[i_af], sems[5]).wait()

        plsc.subcore_barrier()

        rg = sid // 2
        kh = sid % 2
        row0 = rg * CHUNK + kh * (CHUNK // 2)
        dst0 = rg * NPAD + lo + kh * (CHUNK // 2)
        pltpu.sync_copy(acc.at[pl.ds(row0, CHUNK // 2)],
                        out.at[pl.ds(dst0, CHUNK // 2)])
        plsc.subcore_barrier()
        return carry

    lax.fori_loop(0, CH_PER_SC, pass_body, 0)


_sc_edge = functools.partial(
    pl.kernel,
    mesh=plsc.VectorSubcoreMesh(core_axis_name="c", subcore_axis_name="s"),
    out_type=jax.ShapeDtypeStruct(((M + 1) * NPAD, H), jnp.float32),
    compiler_params=pltpu.CompilerParams(needs_layout_passes=False),
    scratch_types=(
        [
            pltpu.VMEM((TPKN,), jnp.int32),
            pltpu.VMEM((T * T,), jnp.int32),
            pltpu.VMEM((EPT,), jnp.int32),
            pltpu.VMEM((EPT + 16,), jnp.int32),
            pltpu.VMEM((ZR, H), jnp.float32),
        ]
        + [pltpu.VMEM((G, H), jnp.float32)] * 8
        + [pltpu.VMEM((G,), jnp.int32)] * 10
        + [pltpu.VMEM_SHARED((ACC_ALLOC, H), jnp.float32)]
        + [pltpu.SemaphoreType.DMA] * 12
    ),
)(_sc_edge_body)


def kernel(x, edge_index, type_id, rel_table, W_iou, b_iou, W_f, b_f, U_iou, U_f):
    R = 400
    grid = (N // R,)

    xiou, xf, h1, c1, ufn = pl.pallas_call(
        _tc_pre_body,
        grid=grid,
        in_specs=[
            pl.BlockSpec((R, X), lambda i: (i, 0)),
            pl.BlockSpec((X, 3 * H), lambda i: (0, 0)),
            pl.BlockSpec((1, 3 * H), lambda i: (0, 0)),
            pl.BlockSpec((X, H), lambda i: (0, 0)),
            pl.BlockSpec((1, H), lambda i: (0, 0)),
            pl.BlockSpec((M, H, H), lambda i: (0, 0, 0)),
        ],
        out_specs=[
            pl.BlockSpec((R, 3 * H), lambda i: (i, 0)),
            pl.BlockSpec((R, H), lambda i: (i, 0)),
            pl.BlockSpec((R, H), lambda i: (i, 0)),
            pl.BlockSpec((R, H), lambda i: (i, 0)),
            pl.BlockSpec((M, R, H), lambda i: (0, i, 0)),
        ],
        out_shape=[
            jax.ShapeDtypeStruct((N, 3 * H), jnp.float32),
            jax.ShapeDtypeStruct((N, H), jnp.float32),
            jax.ShapeDtypeStruct((N, H), jnp.float32),
            jax.ShapeDtypeStruct((N, H), jnp.float32),
            jax.ShapeDtypeStruct((M, N, H), jnp.float32),
        ],
    )(x, W_iou.T, b_iou, W_f.T, b_f, U_f)

    tpk = jnp.pad(
        jax.lax.bitcast_convert_type(
            type_id.astype(jnp.uint8).reshape(N // 4, 4), jnp.int32),
        (0, TPKN - N // 4))
    out_all = _sc_edge(
        edge_index[0], edge_index[1], tpk, rel_table.reshape(T * T),
        h1, c1, ufn.reshape(M * N, H), xf)

    sums = out_all.reshape(M + 1, NPAD, H)

    h2, c2 = pl.pallas_call(
        _tc_post_body,
        grid=grid,
        in_specs=[
            pl.BlockSpec((M + 1, R, H), lambda i: (0, i, 0)),
            pl.BlockSpec((M, H, 3 * H), lambda i: (0, 0, 0)),
            pl.BlockSpec((R, 3 * H), lambda i: (i, 0)),
        ],
        out_specs=[
            pl.BlockSpec((R, H), lambda i: (i, 0)),
            pl.BlockSpec((R, H), lambda i: (i, 0)),
        ],
        out_shape=[
            jax.ShapeDtypeStruct((N, H), jnp.float32),
            jax.ShapeDtypeStruct((N, H), jnp.float32),
        ],
    )(sums, U_iou, xiou)
    return h2, c2

# --- scband reference (transcript-rebuilt; emitter-appended) ---
"""Pipeline reference for scband-edge-specific-tree-lstmcell-39273180954989 (READ-ONLY COPY).

The authoritative reference and input builder live on the scoring server;
editing this copy changes nothing except your own understanding.
"""

import jax, jax.numpy as jnp
import numpy as np

N = 10000
E = 160000
X = 128
H = 128
M = 7  # count_diff_matrix: 1 default + 6 edge-type groups
T = 16  # number of node types
STEPS = 2  # unrolled topological propagation steps (h,c start at zero)


def setup_inputs(seed: int = 0) -> dict:
    key = jax.random.key(seed)
    ks = jax.random.split(key, 10)
    x = jax.random.normal(ks[0], (N, X), dtype=jnp.float32)
    edge_index = jax.random.randint(ks[1], (2, E), 0, N, dtype=jnp.int32)
    type_id = jax.random.randint(ks[2], (N,), 0, T, dtype=jnp.int32)
    rel_table = jax.random.randint(ks[3], (T, T), 0, M, dtype=jnp.int32)
    W_iou = jax.random.normal(ks[4], (3 * H, X), dtype=jnp.float32) / np.sqrt(X)
    b_iou = jnp.zeros((1, 3 * H), dtype=jnp.float32)
    W_f = jax.random.normal(ks[5], (H, X), dtype=jnp.float32) / np.sqrt(X)
    b_f = jnp.zeros((1, H), dtype=jnp.float32)
    U_iou = jax.random.uniform(ks[6], (M, H, 3 * H), dtype=jnp.float32)
    U_f = jax.random.uniform(ks[7], (M, H, H), dtype=jnp.float32)
    return {
        'x': x,
        'edge_index': edge_index,
        'type_id': type_id,
        'rel_table': rel_table,
        'W_iou': W_iou,
        'b_iou': b_iou,
        'W_f': W_f,
        'b_f': b_f,
        'U_iou': U_iou,
        'U_f': U_f,
    }


def reference(x, edge_index, type_id, rel_table, W_iou, b_iou, W_f, b_f, U_iou, U_f):
    src = edge_index[0]
    dst = edge_index[1]
    # edge_matrix_id lookup: matrix id per edge from (src_type, dst_type)
    matrix_id = rel_table[type_id[src], type_id[dst]]

    # _init_matrices
    x_iou = x @ W_iou.T + b_iou  # [N, 3H]
    x_f = x @ W_f.T + b_f        # [N, H]
    h = jnp.zeros((N, H), dtype=x.dtype)
    c = jnp.zeros((N, H), dtype=x.dtype)

    # dgl.prop_nodes_topo unrolled as STEPS synchronous message-passing rounds
    for _ in range(STEPS):
        # message_func: per-edge bmm with edge-specific U matrices, computed as
        # node-level products for each of the M matrices, then gathered per edge
        Uh_nodes = jnp.einsum('nh,mhk->mnk', h, U_iou)  # [M, N, 3H]
        Uf_nodes = jnp.einsum('nh,mhk->mnk', h, U_f)    # [M, N, H]
        Uh = Uh_nodes[matrix_id, src]                    # [E, 3H]
        h_f = Uf_nodes[matrix_id, src]                   # [E, H]
        f = jax.nn.sigmoid(x_f[dst] + h_f)
        fc = c[src] * f
        # reduce_func: fn.sum over incoming edges
        Uh_sum = jax.ops.segment_sum(Uh, dst, num_segments=N)
        fc_sum = jax.ops.segment_sum(fc, dst, num_segments=N)
        # apply_node_func
        iou = x_iou + Uh_sum
        i, o, u = jnp.split(iou, 3, axis=1)
        i = jax.nn.sigmoid(i)
        o = jax.nn.sigmoid(o)
        u = jnp.tanh(u)
        c = i * u + fc_sum
        h = o * jnp.tanh(c)
    return h, c

if __name__ == "__main__":
    import jax
    _d = setup_inputs()
    print(jax.jit(kernel)(*tuple(_d.values())))

</pallas_src>

<mosaic_0001>
#map = affine_map<(d0, d1) -> (0)>
#map1 = affine_map<(d0, d1) -> (0, 0)>
module attributes {stable_mosaic.version = 14 : i64} {
  func.func @_sc_edge_body(%arg0: i32, %arg1: i32, %arg2: memref<160000xi32, #tpu.memory_space<hbm>>, %arg3: memref<160000xi32, #tpu.memory_space<hbm>>, %arg4: memref<2516xi32, #tpu.memory_space<hbm>>, %arg5: memref<256xi32, #tpu.memory_space<hbm>>, %arg6: memref<10000x128xf32, #tpu.memory_space<hbm>>, %arg7: memref<10000x128xf32, #tpu.memory_space<hbm>>, %arg8: memref<70000x128xf32, #tpu.memory_space<hbm>>, %arg9: memref<10000x128xf32, #tpu.memory_space<hbm>>, %arg10: memref<81920x128xf32, #tpu.memory_space<hbm>>, %arg11: memref<2516xi32, #tpu.memory_space<vmem>>, %arg12: memref<256xi32, #tpu.memory_space<vmem>>, %arg13: memref<10000xi32, #tpu.memory_space<vmem>>, %arg14: memref<10016xi32, #tpu.memory_space<vmem>>, %arg15: memref<16x128xf32, #tpu.memory_space<vmem>>, %arg16: memref<64x128xf32, #tpu.memory_space<vmem>>, %arg17: memref<64x128xf32, #tpu.memory_space<vmem>>, %arg18: memref<64x128xf32, #tpu.memory_space<vmem>>, %arg19: memref<64x128xf32, #tpu.memory_space<vmem>>, %arg20: memref<64x128xf32, #tpu.memory_space<vmem>>, %arg21: memref<64x128xf32, #tpu.memory_space<vmem>>, %arg22: memref<64x128xf32, #tpu.memory_space<vmem>>, %arg23: memref<64x128xf32, #tpu.memory_space<vmem>>, %arg24: memref<64xi32, #tpu.memory_space<vmem>>, %arg25: memref<64xi32, #tpu.memory_space<vmem>>, %arg26: memref<64xi32, #tpu.memory_space<vmem>>, %arg27: memref<64xi32, #tpu.memory_space<vmem>>, %arg28: memref<64xi32, #tpu.memory_space<vmem>>, %arg29: memref<64xi32, #tpu.memory_space<vmem>>, %arg30: memref<64xi32, #tpu.memory_space<vmem>>, %arg31: memref<64xi32, #tpu.memory_space<vmem>>, %arg32: memref<64xi32, #tpu.memory_space<vmem>>, %arg33: memref<64xi32, #tpu.memory_space<vmem>>, %arg34: memref<4608x128xf32, #tpu.memory_space<vmem_shared>>, %arg35: memref<!tpu.dma_semaphore, #tpu.memory_space<semaphore_mem>>, %arg36: memref<!tpu.dma_semaphore, #tpu.memory_space<semaphore_mem>>, %arg37: memref<!tpu.dma_semaphore, #tpu.memory_space<semaphore_mem>>, %arg38: memref<!tpu.dma_semaphore, #tpu.memory_space<semaphore_mem>>, %arg39: memref<!tpu.dma_semaphore, #tpu.memory_space<semaphore_mem>>, %arg40: memref<!tpu.dma_semaphore, #tpu.memory_space<semaphore_mem>>, %arg41: memref<!tpu.dma_semaphore, #tpu.memory_space<semaphore_mem>>, %arg42: memref<!tpu.dma_semaphore, #tpu.memory_space<semaphore_mem>>, %arg43: memref<!tpu.dma_semaphore, #tpu.memory_space<semaphore_mem>>, %arg44: memref<!tpu.dma_semaphore, #tpu.memory_space<semaphore_mem>>, %arg45: memref<!tpu.dma_semaphore, #tpu.memory_space<semaphore_mem>>, %arg46: memref<!tpu.dma_semaphore, #tpu.memory_space<semaphore_mem>>) attributes {dimension_semantics = [#tpu.dimension_semantics<core_parallel>, #tpu.dimension_semantics<subcore_parallel>], iteration_bounds = array<i64: 2, 16>, scalar_prefetch = 0 : i64, scratch_operands = 36 : i64, tpu.core_type = #tpu.core_type<sc_vector_subcore>, window_params = [{transform_indices = #map}, {transform_indices = #map}, {transform_indices = #map}, {transform_indices = #map}, {transform_indices = #map1}, {transform_indices = #map1}, {transform_indices = #map1}, {transform_indices = #map1}, {transform_indices = #map1}]} {
    "tpu.region"() ({
      %run_scoped3A = tpu.sem_alloc : memref<!tpu.dma_semaphore, #tpu.memory_space<semaphore_mem>>
      tpu.enqueue_dma source(%arg4 : memref<2516xi32, #tpu.memory_space<hbm>>) target(%arg11 : memref<2516xi32, #tpu.memory_space<vmem>>) target_semaphore(%run_scoped3A : memref<!tpu.dma_semaphore, #tpu.memory_space<semaphore_mem>>)
      tpu.wait_dma2 semaphore(%run_scoped3A : memref<!tpu.dma_semaphore, #tpu.memory_space<semaphore_mem>>) src(%arg4 : memref<2516xi32, #tpu.memory_space<hbm>>) dst(%arg11 : memref<2516xi32, #tpu.memory_space<vmem>>)
      tpu.yield
    }) : () -> ()
    "tpu.region"() ({
      %run_scoped3A = tpu.sem_alloc : memref<!tpu.dma_semaphore, #tpu.memory_space<semaphore_mem>>
      tpu.enqueue_dma source(%arg5 : memref<256xi32, #tpu.memory_space<hbm>>) target(%arg12 : memref<256xi32, #tpu.memory_space<vmem>>) target_semaphore(%run_scoped3A : memref<!tpu.dma_semaphore, #tpu.memory_space<semaphore_mem>>)
      tpu.wait_dma2 semaphore(%run_scoped3A : memref<!tpu.dma_semaphore, #tpu.memory_space<semaphore_mem>>) src(%arg5 : memref<256xi32, #tpu.memory_space<hbm>>) dst(%arg12 : memref<256xi32, #tpu.memory_space<vmem>>)
      tpu.yield
    }) : () -> ()
    %broadcast_in_dim3A = arith.constant 0.000000e+00 : f32
    %broadcast_in_dim3A_0 = vector.broadcast %broadcast_in_dim3A : f32 to vector<16xf32>
    %swap3A = arith.constant 0 : i32
    %swap3A_1 = arith.index_cast %swap3A : i32 to index
    %swap3A_2 = arith.constant 0 : index
    %swap3A_3 = tpu.vector_load %arg15[%swap3A_1, %swap3A_2] {strides = array<i32>} : memref<16x128xf32, #tpu.memory_space<vmem>>, vector<16xf32>,
    tpu.vector_store %arg15[%swap3A_1, %swap3A_2], %broadcast_in_dim3A_0 {strides = array<i32>} : memref<16x128xf32, #tpu.memory_space<vmem>>, vector<16xf32>,
    %swap3A_4 = arith.constant 0 : i32
    %swap3A_5 = arith.index_cast %swap3A_4 : i32 to index
    %swap3A_6 = arith.constant 16 : index
    %swap3A_7 = tpu.vector_load %arg15[%swap3A_5, %swap3A_6] {strides = array<i32>} : memref<16x128xf32, #tpu.memory_space<vmem>>, vector<16xf32>,
    tpu.vector_store %arg15[%swap3A_5, %swap3A_6], %broadcast_in_dim3A_0 {strides = array<i32>} : memref<16x128xf32, #tpu.memory_space<vmem>>, vector<16xf32>,
    %swap3A_8 = arith.constant 0 : i32
    %swap3A_9 = arith.index_cast %swap3A_8 : i32 to index
    %swap3A_10 = arith.constant 32 : index
    %swap3A_11 = tpu.vector_load %arg15[%swap3A_9, %swap3A_10] {strides = array<i32>} : memref<16x128xf32, #tpu.memory_space<vmem>>, vector<16xf32>,
    tpu.vector_store %arg15[%swap3A_9, %swap3A_10], %broadcast_in_dim3A_0 {strides = array<i32>} : memref<16x128xf32, #tpu.memory_space<vmem>>, vector<16xf32>,
    %swap3A_12 = arith.constant 0 : i32
    %swap3A_13 = arith.index_cast %swap3A_12 : i32 to index
    %swap3A_14 = arith.constant 48 : index
    %swap3A_15 = tpu.vector_load %arg15[%swap3A_13, %swap3A_14] {strides = array<i32>} : memref<16x128xf32, #tpu.memory_space<vmem>>, vector<16xf32>,
    tpu.vector_store %arg15[%swap3A_13, %swap3A_14], %broadcast_in_dim3A_0 {strides = array<i32>} : memref<16x128xf32, #tpu.memory_space<vmem>>, vector<16xf32>,
    %swap3A_16 = arith.constant 0 : i32
    %swap3A_17 = arith.index_cast %swap3A_16 : i32 to index
    %swap3A_18 = arith.constant 64 : index
    %swap3A_19 = tpu.vector_load %arg15[%swap3A_17, %swap3A_18] {strides = array<i32>} : memref<16x128xf32, #tpu.memory_space<vmem>>, vector<16xf32>,
    tpu.vector_store %arg15[%swap3A_17, %swap3A_18], %broadcast_in_dim3A_0 {strides = array<i32>} : memref<16x128xf32, #tpu.memory_space<vmem>>, vector<16xf32>,
    %swap3A_20 = arith.constant 0 : i32
    %swap3A_21 = arith.index_cast %swap3A_20 : i32 to index
    %swap3A_22 = arith.constant 80 : index
    %swap3A_23 = tpu.vector_load %arg15[%swap3A_21, %swap3A_22] {strides = array<i32>} : memref<16x128xf32, #tpu.memory_space<vmem>>, vector<16xf32>,
    tpu.vector_store %arg15[%swap3A_21, %swap3A_22], %broadcast_in_dim3A_0 {strides = array<i32>} : memref<16x128xf32, #tpu.memory_space<vmem>>, vector<16xf32>,
    %swap3A_24 = arith.constant 0 : i32
    %swap3A_25 = arith.index_cast %swap3A_24 : i32 to index
    %swap3A_26 = arith.constant 96 : index
    %swap3A_27 = tpu.vector_load %arg15[%swap3A_25, %swap3A_26] {strides = array<i32>} : memref<16x128xf32, #tpu.memory_space<vmem>>, vector<16xf32>,
    tpu.vector_store %arg15[%swap3A_25, %swap3A_26], %broadcast_in_dim3A_0 {strides = array<i32>} : memref<16x128xf32, #tpu.memory_space<vmem>>, vector<16xf32>,
    %swap3A_28 = arith.constant 0 : i32
    %swap3A_29 = arith.index_cast %swap3A_28 : i32 to index
    %swap3A_30 = arith.constant 112 : index
    %swap3A_31 = tpu.vector_load %arg15[%swap3A_29, %swap3A_30] {strides = array<i32>} : memref<16x128xf32, #tpu.memory_space<vmem>>, vector<16xf32>,
    tpu.vector_store %arg15[%swap3A_29, %swap3A_30], %broadcast_in_dim3A_0 {strides = array<i32>} : memref<16x128xf32, #tpu.memory_space<vmem>>, vector<16xf32>,
    %swap3A_32 = arith.constant 1 : i32
    %swap3A_33 = arith.index_cast %swap3A_32 : i32 to index
    %swap3A_34 = arith.constant 0 : index
    %swap3A_35 = tpu.vector_load %arg15[%swap3A_33, %swap3A_34] {strides = array<i32>} : memref<16x128xf32, #tpu.memory_space<vmem>>, vector<16xf32>,
    tpu.vector_store %arg15[%swap3A_33, %swap3A_34], %broadcast_in_dim3A_0 {strides = array<i32>} : memref<16x128xf32, #tpu.memory_space<vmem>>, vector<16xf32>,
    %swap3A_36 = arith.constant 1 : i32
    %swap3A_37 = arith.index_cast %swap3A_36 : i32 to index
    %swap3A_38 = arith.constant 16 : index
    %swap3A_39 = tpu.vector_load %arg15[%swap3A_37, %swap3A_38] {strides = array<i32>} : memref<16x128xf32, #tpu.memory_space<vmem>>, vector<16xf32>,
    tpu.vector_store %arg15[%swap3A_37, %swap3A_38], %broadcast_in_dim3A_0 {strides = array<i32>} : memref<16x128xf32, #tpu.memory_space<vmem>>, vector<16xf32>,
    %swap3A_40 = arith.constant 1 : i32
    %swap3A_41 = arith.index_cast %swap3A_40 : i32 to index
    %swap3A_42 = arith.constant 32 : index
    %swap3A_43 = tpu.vector_load %arg15[%swap3A_41, %swap3A_42] {strides = array<i32>} : memref<16x128xf32, #tpu.memory_space<vmem>>, vector<16xf32>,
    tpu.vector_store %arg15[%swap3A_41, %swap3A_42], %broadcast_in_dim3A_0 {strides = array<i32>} : memref<16x128xf32, #tpu.memory_space<vmem>>, vector<16xf32>,
    %swap3A_44 = arith.constant 1 : i32
    %swap3A_45 = arith.index_cast %swap3A_44 : i32 to index
    %swap3A_46 = arith.constant 48 : index
    %swap3A_47 = tpu.vector_load %arg15[%swap3A_45, %swap3A_46] {strides = array<i32>} : memref<16x128xf32, #tpu.memory_space<vmem>>, vector<16xf32>,
    tpu.vector_store %arg15[%swap3A_45, %swap3A_46], %broadcast_in_dim3A_0 {strides = array<i32>} : memref<16x128xf32, #tpu.memory_space<vmem>>, vector<16xf32>,
    %swap3A_48 = arith.constant 1 : i32
    %swap3A_49 = arith.index_cast %swap3A_48 : i32 to index
    %swap3A_50 = arith.constant 64 : index
    %swap3A_51 = tpu.vector_load %arg15[%swap3A_49, %swap3A_50] {strides = array<i32>} : memref<16x128xf32, #tpu.memory_space<vmem>>, vector<16xf32>,
    tpu.vector_store %arg15[%swap3A_49, %swap3A_50], %broadcast_in_dim3A_0 {strides = array<i32>} : memref<16x128xf32, #tpu.memory_space<vmem>>, vector<16xf32>,
    %swap3A_52 = arith.constant 1 : i32
    %swap3A_53 = arith.index_cast %swap3A_52 : i32 to index
    %swap3A_54 = arith.constant 80 : index
    %swap3A_55 = tpu.vector_load %arg15[%swap3A_53, %swap3A_54] {strides = array<i32>} : memref<16x128xf32, #tpu.memory_space<vmem>>, vector<16xf32>,
    tpu.vector_store %arg15[%swap3A_53, %swap3A_54], %broadcast_in_dim3A_0 {strides = array<i32>} : memref<16x128xf32, #tpu.memory_space<vmem>>, vector<16xf32>,
    %swap3A_56 = arith.constant 1 : i32
    %swap3A_57 = arith.index_cast %swap3A_56 : i32 to index
    %swap3A_58 = arith.constant 96 : index
    %swap3A_59 = tpu.vector_load %arg15[%swap3A_57, %swap3A_58] {strides = array<i32>} : memref<16x128xf32, #tpu.memory_space<vmem>>, vector<16xf32>,
    tpu.vector_store %arg15[%swap3A_57, %swap3A_58], %broadcast_in_dim3A_0 {strides = array<i32>} : memref<16x128xf32, #tpu.memory_space<vmem>>, vector<16xf32>,
    %swap3A_60 = arith.constant 1 : i32
    %swap3A_61 = arith.index_cast %swap3A_60 : i32 to index
    %swap3A_62 = arith.constant 112 : index
    %swap3A_63 = tpu.vector_load %arg15[%swap3A_61, %swap3A_62] {strides = array<i32>} : memref<16x128xf32, #tpu.memory_space<vmem>>, vector<16xf32>,
    tpu.vector_store %arg15[%swap3A_61, %swap3A_62], %broadcast_in_dim3A_0 {strides = array<i32>} : memref<16x128xf32, #tpu.memory_space<vmem>>, vector<16xf32>,
    %swap3A_64 = arith.constant 2 : i32
    %swap3A_65 = arith.index_cast %swap3A_64 : i32 to index
    %swap3A_66 = arith.constant 0 : index
    %swap3A_67 = tpu.vector_load %arg15[%swap3A_65, %swap3A_66] {strides = array<i32>} : memref<16x128xf32, #tpu.memory_space<vmem>>, vector<16xf32>,
    tpu.vector_store %arg15[%swap3A_65, %swap3A_66], %broadcast_in_dim3A_0 {strides = array<i32>} : memref<16x128xf32, #tpu.memory_space<vmem>>, vector<16xf32>,
    %swap3A_68 = arith.constant 2 : i32
    %swap3A_69 = arith.index_cast %swap3A_68 : i32 to index
    %swap3A_70 = arith.constant 16 : index
    %swap3A_71 = tpu.vector_load %arg15[%swap3A_69, %swap3A_70] {strides = array<i32>} : memref<16x128xf32, #tpu.memory_space<vmem>>, vector<16xf32>,
    tpu.vector_store %arg15[%swap3A_69, %swap3A_70], %broadcast_in_dim3A_0 {strides = array<i32>} : memref<16x128xf32, #tpu.memory_space<vmem>>, vector<16xf32>,
    %swap3A_72 = arith.constant 2 : i32
    %swap3A_73 = arith.index_cast %swap3A_72 : i32 to index
    %swap3A_74 = arith.constant 32 : index
    %swap3A_75 = tpu.vector_load %arg15[%swap3A_73, %swap3A_74] {strides = array<i32>} : memref<16x128xf32, #tpu.memory_space<vmem>>, vector<16xf32>,
    tpu.vector_store %arg15[%swap3A_73, %swap3A_74], %broadcast_in_dim3A_0 {strides = array<i32>} : memref<16x128xf32, #tpu.memory_space<vmem>>, vector<16xf32>,
    %swap3A_76 = arith.constant 2 : i32
    %swap3A_77 = arith.index_cast %swap3A_76 : i32 to index
    %swap3A_78 = arith.constant 48 : index
    %swap3A_79 = tpu.vector_load %arg15[%swap3A_77, %swap3A_78] {strides = array<i32>} : memref<16x128xf32, #tpu.memory_space<vmem>>, vector<16xf32>,
    tpu.vector_store %arg15[%swap3A_77, %swap3A_78], %broadcast_in_dim3A_0 {strides = array<i32>} : memref<16x128xf32, #tpu.memory_space<vmem>>, vector<16xf32>,
    %swap3A_80 = arith.constant 2 : i32
    %swap3A_81 = arith.index_cast %swap3A_80 : i32 to index
    %swap3A_82 = arith.constant 64 : index
    %swap3A_83 = tpu.vector_load %arg15[%swap3A_81, %swap3A_82] {strides = array<i32>} : memref<16x128xf32, #tpu.memory_space<vmem>>, vector<16xf32>,
    tpu.vector_store %arg15[%swap3A_81, %swap3A_82], %broadcast_in_dim3A_0 {strides = array<i32>} : memref<16x128xf32, #tpu.memory_space<vmem>>, vector<16xf32>,
    %swap3A_84 = arith.constant 2 : i32
    %swap3A_85 = arith.index_cast %swap3A_84 : i32 to index
    %swap3A_86 = arith.constant 80 : index
    %swap3A_87 = tpu.vector_load %arg15[%swap3A_85, %swap3A_86] {strides = array<i32>} : memref<16x128xf32, #tpu.memory_space<vmem>>, vector<16xf32>,
    tpu.vector_store %arg15[%swap3A_85, %swap3A_86], %broadcast_in_dim3A_0 {strides = array<i32>} : memref<16x128xf32, #tpu.memory_space<vmem>>, vector<16xf32>,
    %swap3A_88 = arith.constant 2 : i32
    %swap3A_89 = arith.index_cast %swap3A_88 : i32 to index
    %swap3A_90 = arith.constant 96 : index
    %swap3A_91 = tpu.vector_load %arg15[%swap3A_89, %swap3A_90] {strides = array<i32>} : memref<16x128xf32, #tpu.memory_space<vmem>>, vector<16xf32>,
    tpu.vector_store %arg15[%swap3A_89, %swap3A_90], %broadcast_in_dim3A_0 {strides = array<i32>} : memref<16x128xf32, #tpu.memory_space<vmem>>, vector<16xf32>,
    %swap3A_92 = arith.constant 2 : i32
    %swap3A_93 = arith.index_cast %swap3A_92 : i32 to index
    %swap3A_94 = arith.constant 112 : index
    %swap3A_95 = tpu.vector_load %arg15[%swap3A_93, %swap3A_94] {strides = array<i32>} : memref<16x128xf32, #tpu.memory_space<vmem>>, vector<16xf32>,
    tpu.vector_store %arg15[%swap3A_93, %swap3A_94], %broadcast_in_dim3A_0 {strides = array<i32>} : memref<16x128xf32, #tpu.memory_space<vmem>>, vector<16xf32>,
    %swap3A_96 = arith.constant 3 : i32
    %swap3A_97 = arith.index_cast %swap3A_96 : i32 to index
    %swap3A_98 = arith.constant 0 : index
    %swap3A_99 = tpu.vector_load %arg15[%swap3A_97, %swap3A_98] {strides = array<i32>} : memref<16x128xf32, #tpu.memory_space<vmem>>, vector<16xf32>,
    tpu.vector_store %arg15[%swap3A_97, %swap3A_98], %broadcast_in_dim3A_0 {strides = array<i32>} : memref<16x128xf32, #tpu.memory_space<vmem>>, vector<16xf32>,
    %swap3A_100 = arith.constant 3 : i32
    %swap3A_101 = arith.index_cast %swap3A_100 : i32 to index
    %swap3A_102 = arith.constant 16 : index
    %swap3A_103 = tpu.vector_load %arg15[%swap3A_101, %swap3A_102] {strides = array<i32>} : memref<16x128xf32, #tpu.memory_space<vmem>>, vector<16xf32>,
    tpu.vector_store %arg15[%swap3A_101, %swap3A_102], %broadcast_in_dim3A_0 {strides = array<i32>} : memref<16x128xf32, #tpu.memory_space<vmem>>, vector<16xf32>,
    %swap3A_104 = arith.constant 3 : i32
    %swap3A_105 = arith.index_cast %swap3A_104 : i32 to index
    %swap3A_106 = arith.constant 32 : index
    %swap3A_107 = tpu.vector_load %arg15[%swap3A_105, %swap3A_106] {strides = array<i32>} : memref<16x128xf32, #tpu.memory_space<vmem>>, vector<16xf32>,
    tpu.vector_store %arg15[%swap3A_105, %swap3A_106], %broadcast_in_dim3A_0 {strides = array<i32>} : memref<16x128xf32, #tpu.memory_space<vmem>>, vector<16xf32>,
    %swap3A_108 = arith.constant 3 : i32
    %swap3A_109 = arith.index_cast %swap3A_108 : i32 to index
    %swap3A_110 = arith.constant 48 : index
    %swap3A_111 = tpu.vector_load %arg15[%swap3A_109, %swap3A_110] {strides = array<i32>} : memref<16x128xf32, #tpu.memory_space<vmem>>, vector<16xf32>,
    tpu.vector_store %arg15[%swap3A_109, %swap3A_110], %broadcast_in_dim3A_0 {strides = array<i32>} : memref<16x128xf32, #tpu.memory_space<vmem>>, vector<16xf32>,
    %swap3A_112 = arith.constant 3 : i32
    %swap3A_113 = arith.index_cast %swap3A_112 : i32 to index
    %swap3A_114 = arith.constant 64 : index
    %swap3A_115 = tpu.vector_load %arg15[%swap3A_113, %swap3A_114] {strides = array<i32>} : memref<16x128xf32, #tpu.memory_space<vmem>>, vector<16xf32>,
    tpu.vector_store %arg15[%swap3A_113, %swap3A_114], %broadcast_in_dim3A_0 {strides = array<i32>} : memref<16x128xf32, #tpu.memory_space<vmem>>, vector<16xf32>,
    %swap3A_116 = arith.constant 3 : i32
    %swap3A_117 = arith.index_cast %swap3A_116 : i32 to index
    %swap3A_118 = arith.constant 80 : index
    %swap3A_119 = tpu.vector_load %arg15[%swap3A_117, %swap3A_118] {strides = array<i32>} : memref<16x128xf32, #tpu.memory_space<vmem>>, vector<16xf32>,
    tpu.vector_store %arg15[%swap3A_117, %swap3A_118], %broadcast_in_dim3A_0 {strides = array<i32>} : memref<16x128xf32, #tpu.memory_space<vmem>>, vector<16xf32>,
    %swap3A_120 = arith.constant 3 : i32
    %swap3A_121 = arith.index_cast %swap3A_120 : i32 to index
    %swap3A_122 = arith.constant 96 : index
    %swap3A_123 = tpu.vector_load %arg15[%swap3A_121, %swap3A_122] {strides = array<i32>} : memref<16x128xf32, #tpu.memory_space<vmem>>, vector<16xf32>,
    tpu.vector_store %arg15[%swap3A_121, %swap3A_122], %broadcast_in_dim3A_0 {strides = array<i32>} : memref<16x128xf32, #tpu.memory_space<vmem>>, vector<16xf32>,
    %swap3A_124 = arith.constant 3 : i32
    %swap3A_125 = arith.index_cast %swap3A_124 : i32 to index
    %swap3A_126 = arith.constant 112 : index
    %swap3A_127 = tpu.vector_load %arg15[%swap3A_125, %swap3A_126] {strides = array<i32>} : memref<16x128xf32, #tpu.memory_space<vmem>>, vector<16xf32>,
    tpu.vector_store %arg15[%swap3A_125, %swap3A_126], %broadcast_in_dim3A_0 {strides = array<i32>} : memref<16x128xf32, #tpu.memory_space<vmem>>, vector<16xf32>,
    %swap3A_128 = arith.constant 4 : i32
    %swap3A_129 = arith.index_cast %swap3A_128 : i32 to index
    %swap3A_130 = arith.constant 0 : index
    %swap3A_131 = tpu.vector_load %arg15[%swap3A_129, %swap3A_130] {strides = array<i32>} : memref<16x128xf32, #tpu.memory_space<vmem>>, vector<16xf32>,
    tpu.vector_store %arg15[%swap3A_129, %swap3A_130], %broadcast_in_dim3A_0 {strides = array<i32>} : memref<16x128xf32, #tpu.memory_space<vmem>>, vector<16xf32>,
    %swap3A_132 = arith.constant 4 : i32
    %swap3A_133 = arith.index_cast %swap3A_132 : i32 to index
    %swap3A_134 = arith.constant 16 : index
    %swap3A_135 = tpu.vector_load %arg15[%swap3A_133, %swap3A_134] {strides = array<i32>} : memref<16x128xf32, #tpu.memory_space<vmem>>, vector<16xf32>,
    tpu.vector_store %arg15[%swap3A_133, %swap3A_134], %broadcast_in_dim3A_0 {strides = array<i32>} : memref<16x128xf32, #tpu.memory_space<vmem>>, vector<16xf32>,
    %swap3A_136 = arith.constant 4 : i32
    %swap3A_137 = arith.index_cast %swap3A_136 : i32 to index
    %swap3A_138 = arith.constant 32 : index
    %swap3A_139 = tpu.vector_load %arg15[%swap3A_137, %swap3A_138] {strides = array<i32>} : memref<16x128xf32, #tpu.memory_space<vmem>>, vector<16xf32>,
    tpu.vector_store %arg15[%swap3A_137, %swap3A_138], %broadcast_in_dim3A_0 {strides = array<i32>} : memref<16x128xf32, #tpu.memory_space<vmem>>, vector<16xf32>,
    %swap3A_140 = arith.constant 4 : i32
    %swap3A_141 = arith.index_cast %swap3A_140 : i32 to index
    %swap3A_142 = arith.constant 48 : index
    %swap3A_143 = tpu.vector_load %arg15[%swap3A_141, %swap3A_142] {strides = array<i32>} : memref<16x128xf32, #tpu.memory_space<vmem>>, vector<16xf32>,
    tpu.vector_store %arg15[%swap3A_141, %swap3A_142], %broadcast_in_dim3A_0 {strides = array<i32>} : memref<16x128xf32, #tpu.memory_space<vmem>>, vector<16xf32>,
    %swap3A_144 = arith.constant 4 : i32
    %swap3A_145 = arith.index_cast %swap3A_144 : i32 to index
    %swap3A_146 = arith.constant 64 : index
    %swap3A_147 = tpu.vector_load %arg15[%swap3A_145, %swap3A_146] {strides = array<i32>} : memref<16x128xf32, #tpu.memory_space<vmem>>, vector<16xf32>,
    tpu.vector_store %arg15[%swap3A_145, %swap3A_146], %broadcast_in_dim3A_0 {strides = array<i32>} : memref<16x128xf32, #tpu.memory_space<vmem>>, vector<16xf32>,
    %swap3A_148 = arith.constant 4 : i32
    %swap3A_149 = arith.index_cast %swap3A_148 : i32 to index
    %swap3A_150 = arith.constant 80 : index
    %swap3A_151 = tpu.vector_load %arg15[%swap3A_149, %swap3A_150] {strides = array<i32>} : memref<16x128xf32, #tpu.memory_space<vmem>>, vector<16xf32>,
    tpu.vector_store %arg15[%swap3A_149, %swap3A_150], %broadcast_in_dim3A_0 {strides = array<i32>} : memref<16x128xf32, #tpu.memory_space<vmem>>, vector<16xf32>,
    %swap3A_152 = arith.constant 4 : i32
    %swap3A_153 = arith.index_cast %swap3A_152 : i32 to index
    %swap3A_154 = arith.constant 96 : index
    %swap3A_155 = tpu.vector_load %arg15[%swap3A_153, %swap3A_154] {strides = array<i32>} : memref<16x128xf32, #tpu.memory_space<vmem>>, vector<16xf32>,
    tpu.vector_store %arg15[%swap3A_153, %swap3A_154], %broadcast_in_dim3A_0 {strides = array<i32>} : memref<16x128xf32, #tpu.memory_space<vmem>>, vector<16xf32>,
    %swap3A_156 = arith.constant 4 : i32
    %swap3A_157 = arith.index_cast %swap3A_156 : i32 to index
    %swap3A_158 = arith.constant 112 : index
    %swap3A_159 = tpu.vector_load %arg15[%swap3A_157, %swap3A_158] {strides = array<i32>} : memref<16x128xf32, #tpu.memory_space<vmem>>, vector<16xf32>,
    tpu.vector_store %arg15[%swap3A_157, %swap3A_158], %broadcast_in_dim3A_0 {strides = array<i32>} : memref<16x128xf32, #tpu.memory_space<vmem>>, vector<16xf32>,
    %swap3A_160 = arith.constant 5 : i32
    %swap3A_161 = arith.index_cast %swap3A_160 : i32 to index
    %swap3A_162 = arith.constant 0 : index
    %swap3A_163 = tpu.vector_load %arg15[%swap3A_161, %swap3A_162] {strides = array<i32>} : memref<16x128xf32, #tpu.memory_space<vmem>>, vector<16xf32>,
    tpu.vector_store %arg15[%swap3A_161, %swap3A_162], %broadcast_in_dim3A_0 {strides = array<i32>} : memref<16x128xf32, #tpu.memory_space<vmem>>, vector<16xf32>,
    %swap3A_164 = arith.constant 5 : i32
    %swap3A_165 = arith.index_cast %swap3A_164 : i32 to index
    %swap3A_166 = arith.constant 16 : index
    %swap3A_167 = tpu.vector_load %arg15[%swap3A_165, %swap3A_166] {strides = array<i32>} : memref<16x128xf32, #tpu.memory_space<vmem>>, vector<16xf32>,
    tpu.vector_store %arg15[%swap3A_165, %swap3A_166], %broadcast_in_dim3A_0 {strides = array<i32>} : memref<16x128xf32, #tpu.memory_space<vmem>>, vector<16xf32>,
    %swap3A_168 = arith.constant 5 : i32
    %swap3A_169 = arith.index_cast %swap3A_168 : i32 to index
    %swap3A_170 = arith.constant 32 : index
    %swap3A_171 = tpu.vector_load %arg15[%swap3A_169, %swap3A_170] {strides = array<i32>} : memref<16x128xf32, #tpu.memory_space<vmem>>, vector<16xf32>,
    tpu.vector_store %arg15[%swap3A_169, %swap3A_170], %broadcast_in_dim3A_0 {strides = array<i32>} : memref<16x128xf32, #tpu.memory_space<vmem>>, vector<16xf32>,
    %swap3A_172 = arith.constant 5 : i32
    %swap3A_173 = arith.index_cast %swap3A_172 : i32 to index
    %swap3A_174 = arith.constant 48 : index
    %swap3A_175 = tpu.vector_load %arg15[%swap3A_173, %swap3A_174] {strides = array<i32>} : memref<16x128xf32, #tpu.memory_space<vmem>>, vector<16xf32>,
    tpu.vector_store %arg15[%swap3A_173, %swap3A_174], %broadcast_in_dim3A_0 {strides = array<i32>} : memref<16x128xf32, #tpu.memory_space<vmem>>, vector<16xf32>,
    %swap3A_176 = arith.constant 5 : i32
    %swap3A_177 = arith.index_cast %swap3A_176 : i32 to index
    %swap3A_178 = arith.constant 64 : index
    %swap3A_179 = tpu.vector_load %arg15[%swap3A_177, %swap3A_178] {strides = array<i32>} : memref<16x128xf32, #tpu.memory_space<vmem>>, vector<16xf32>,
    tpu.vector_store %arg15[%swap3A_177, %swap3A_178], %broadcast_in_dim3A_0 {strides = array<i32>} : memref<16x128xf32, #tpu.memory_space<vmem>>, vector<16xf32>,
    %swap3A_180 = arith.constant 5 : i32
    %swap3A_181 = arith.index_cast %swap3A_180 : i32 to index
    %swap3A_182 = arith.constant 80 : index
    %swap3A_183 = tpu.vector_load %arg15[%swap3A_181, %swap3A_182] {strides = array<i32>} : memref<16x128xf32, #tpu.memory_space<vmem>>, vector<16xf32>,
    tpu.vector_store %arg15[%swap3A_181, %swap3A_182], %broadcast_in_dim3A_0 {strides = array<i32>} : memref<16x128xf32, #tpu.memory_space<vmem>>, vector<16xf32>,
    %swap3A_184 = arith.constant 5 : i32
    %swap3A_185 = arith.index_cast %swap3A_184 : i32 to index
    %swap3A_186 = arith.constant 96 : index
    %swap3A_187 = tpu.vector_load %arg15[%swap3A_185, %swap3A_186] {strides = array<i32>} : memref<16x128xf32, #tpu.memory_space<vmem>>, vector<16xf32>,
    tpu.vector_store %arg15[%swap3A_185, %swap3A_186], %broadcast_in_dim3A_0 {strides = array<i32>} : memref<16x128xf32, #tpu.memory_space<vmem>>, vector<16xf32>,
    %swap3A_188 = arith.constant 5 : i32
    %swap3A_189 = arith.index_cast %swap3A_188 : i32 to index
    %swap3A_190 = arith.constant 112 : index
    %swap3A_191 = tpu.vector_load %arg15[%swap3A_189, %swap3A_190] {strides = array<i32>} : memref<16x128xf32, #tpu.memory_space<vmem>>, vector<16xf32>,
    tpu.vector_store %arg15[%swap3A_189, %swap3A_190], %broadcast_in_dim3A_0 {strides = array<i32>} : memref<16x128xf32, #tpu.memory_space<vmem>>, vector<16xf32>,
    %swap3A_192 = arith.constant 6 : i32
    %swap3A_193 = arith.index_cast %swap3A_192 : i32 to index
    %swap3A_194 = arith.constant 0 : index
    %swap3A_195 = tpu.vector_load %arg15[%swap3A_193, %swap3A_194] {strides = array<i32>} : memref<16x128xf32, #tpu.memory_space<vmem>>, vector<16xf32>,
    tpu.vector_store %arg15[%swap3A_193, %swap3A_194], %broadcast_in_dim3A_0 {strides = array<i32>} : memref<16x128xf32, #tpu.memory_space<vmem>>, vector<16xf32>,
    %swap3A_196 = arith.constant 6 : i32
    %swap3A_197 = arith.index_cast %swap3A_196 : i32 to index
    %swap3A_198 = arith.constant 16 : index
    %swap3A_199 = tpu.vector_load %arg15[%swap3A_197, %swap3A_198] {strides = array<i32>} : memref<16x128xf32, #tpu.memory_space<vmem>>, vector<16xf32>,
    tpu.vector_store %arg15[%swap3A_197, %swap3A_198], %broadcast_in_dim3A_0 {strides = array<i32>} : memref<16x128xf32, #tpu.memory_space<vmem>>, vector<16xf32>,
    %swap3A_200 = arith.constant 6 : i32
    %swap3A_201 = arith.index_cast %swap3A_200 : i32 to index
    %swap3A_202 = arith.constant 32 : index
    %swap3A_203 = tpu.vector_load %arg15[%swap3A_201, %swap3A_202] {strides = array<i32>} : memref<16x128xf32, #tpu.memory_space<vmem>>, vector<16xf32>,
    tpu.vector_store %arg15[%swap3A_201, %swap3A_202], %broadcast_in_dim3A_0 {strides = array<i32>} : memref<16x128xf32, #tpu.memory_space<vmem>>, vector<16xf32>,
    %swap3A_204 = arith.constant 6 : i32
    %swap3A_205 = arith.index_cast %swap3A_204 : i32 to index
    %swap3A_206 = arith.constant 48 : index
    %swap3A_207 = tpu.vector_load %arg15[%swap3A_205, %swap3A_206] {strides = array<i32>} : memref<16x128xf32, #tpu.memory_space<vmem>>, vector<16xf32>,
    tpu.vector_store %arg15[%swap3A_205, %swap3A_206], %broadcast_in_dim3A_0 {strides = array<i32>} : memref<16x128xf32, #tpu.memory_space<vmem>>, vector<16xf32>,
    %swap3A_208 = arith.constant 6 : i32
    %swap3A_209 = arith.index_cast %swap3A_208 : i32 to index
    %swap3A_210 = arith.constant 64 : index
    %swap3A_211 = tpu.vector_load %arg15[%swap3A_209, %swap3A_210] {strides = array<i32>} : memref<16x128xf32, #tpu.memory_space<vmem>>, vector<16xf32>,
    tpu.vector_store %arg15[%swap3A_209, %swap3A_210], %broadcast_in_dim3A_0 {strides = array<i32>} : memref<16x128xf32, #tpu.memory_space<vmem>>, vector<16xf32>,
    %swap3A_212 = arith.constant 6 : i32
    %swap3A_213 = arith.index_cast %swap3A_212 : i32 to index
    %swap3A_214 = arith.constant 80 : index
    %swap3A_215 = tpu.vector_load %arg15[%swap3A_213, %swap3A_214] {strides = array<i32>} : memref<16x128xf32, #tpu.memory_space<vmem>>, vector<16xf32>,
    tpu.vector_store %arg15[%swap3A_213, %swap3A_214], %broadcast_in_dim3A_0 {strides = array<i32>} : memref<16x128xf32, #tpu.memory_space<vmem>>, vector<16xf32>,
    %swap3A_216 = arith.constant 6 : i32
    %swap3A_217 = arith.index_cast %swap3A_216 : i32 to index
    %swap3A_218 = arith.constant 96 : index
    %swap3A_219 = tpu.vector_load %arg15[%swap3A_217, %swap3A_218] {strides = array<i32>} : memref<16x128xf32, #tpu.memory_space<vmem>>, vector<16xf32>,
    tpu.vector_store %arg15[%swap3A_217, %swap3A_218], %broadcast_in_dim3A_0 {strides = array<i32>} : memref<16x128xf32, #tpu.memory_space<vmem>>, vector<16xf32>,
    %swap3A_220 = arith.constant 6 : i32
    %swap3A_221 = arith.index_cast %swap3A_220 : i32 to index
    %swap3A_222 = arith.constant 112 : index
    %swap3A_223 = tpu.vector_load %arg15[%swap3A_221, %swap3A_222] {strides = array<i32>} : memref<16x128xf32, #tpu.memory_space<vmem>>, vector<16xf32>,
    tpu.vector_store %arg15[%swap3A_221, %swap3A_222], %broadcast_in_dim3A_0 {strides = array<i32>} : memref<16x128xf32, #tpu.memory_space<vmem>>, vector<16xf32>,
    %swap3A_224 = arith.constant 7 : i32
    %swap3A_225 = arith.index_cast %swap3A_224 : i32 to index
    %swap3A_226 = arith.constant 0 : index
    %swap3A_227 = tpu.vector_load %arg15[%swap3A_225, %swap3A_226] {strides = array<i32>} : memref<16x128xf32, #tpu.memory_space<vmem>>, vector<16xf32>,
    tpu.vector_store %arg15[%swap3A_225, %swap3A_226], %broadcast_in_dim3A_0 {strides = array<i32>} : memref<16x128xf32, #tpu.memory_space<vmem>>, vector<16xf32>,
    %swap3A_228 = arith.constant 7 : i32
    %swap3A_229 = arith.index_cast %swap3A_228 : i32 to index
    %swap3A_230 = arith.constant 16 : index
    %swap3A_231 = tpu.vector_load %arg15[%swap3A_229, %swap3A_230] {strides = array<i32>} : memref<16x128xf32, #tpu.memory_space<vmem>>, vector<16xf32>,
    tpu.vector_store %arg15[%swap3A_229, %swap3A_230], %broadcast_in_dim3A_0 {strides = array<i32>} : memref<16x128xf32, #tpu.memory_space<vmem>>, vector<16xf32>,
    %swap3A_232 = arith.constant 7 : i32
    %swap3A_233 = arith.index_cast %swap3A_232 : i32 to index
    %swap3A_234 = arith.constant 32 : index
    %swap3A_235 = tpu.vector_load %arg15[%swap3A_233, %swap3A_234] {strides = array<i32>} : memref<16x128xf32, #tpu.memory_space<vmem>>, vector<16xf32>,
    tpu.vector_store %arg15[%swap3A_233, %swap3A_234], %broadcast_in_dim3A_0 {strides = array<i32>} : memref<16x128xf32, #tpu.memory_space<vmem>>, vector<16xf32>,
    %swap3A_236 = arith.constant 7 : i32
    %swap3A_237 = arith.index_cast %swap3A_236 : i32 to index
    %swap3A_238 = arith.constant 48 : index
    %swap3A_239 = tpu.vector_load %arg15[%swap3A_237, %swap3A_238] {strides = array<i32>} : memref<16x128xf32, #tpu.memory_space<vmem>>, vector<16xf32>,
    tpu.vector_store %arg15[%swap3A_237, %swap3A_238], %broadcast_in_dim3A_0 {strides = array<i32>} : memref<16x128xf32, #tpu.memory_space<vmem>>, vector<16xf32>,
    %swap3A_240 = arith.constant 7 : i32
    %swap3A_241 = arith.index_cast %swap3A_240 : i32 to index
    %swap3A_242 = arith.constant 64 : index
    %swap3A_243 = tpu.vector_load %arg15[%swap3A_241, %swap3A_242] {strides = array<i32>} : memref<16x128xf32, #tpu.memory_space<vmem>>, vector<16xf32>,
    tpu.vector_store %arg15[%swap3A_241, %swap3A_242], %broadcast_in_dim3A_0 {strides = array<i32>} : memref<16x128xf32, #tpu.memory_space<vmem>>, vector<16xf32>,
    %swap3A_244 = arith.constant 7 : i32
    %swap3A_245 = arith.index_cast %swap3A_244 : i32 to index
    %swap3A_246 = arith.constant 80 : index
    %swap3A_247 = tpu.vector_load %arg15[%swap3A_245, %swap3A_246] {strides = array<i32>} : memref<16x128xf32, #tpu.memory_space<vmem>>, vector<16xf32>,
    tpu.vector_store %arg15[%swap3A_245, %swap3A_246], %broadcast_in_dim3A_0 {strides = array<i32>} : memref<16x128xf32, #tpu.memory_space<vmem>>, vector<16xf32>,
    %swap3A_248 = arith.constant 7 : i32
    %swap3A_249 = arith.index_cast %swap3A_248 : i32 to index
    %swap3A_250 = arith.constant 96 : index
    %swap3A_251 = tpu.vector_load %arg15[%swap3A_249, %swap3A_250] {strides = array<i32>} : memref<16x128xf32, #tpu.memory_space<vmem>>, vector<16xf32>,
    tpu.vector_store %arg15[%swap3A_249, %swap3A_250], %broadcast_in_dim3A_0 {strides = array<i32>} : memref<16x128xf32, #tpu.memory_space<vmem>>, vector<16xf32>,
    %swap3A_252 = arith.constant 7 : i32
    %swap3A_253 = arith.index_cast %swap3A_252 : i32 to index
    %swap3A_254 = arith.constant 112 : index
    %swap3A_255 = tpu.vector_load %arg15[%swap3A_253, %swap3A_254] {strides = array<i32>} : memref<16x128xf32, #tpu.memory_space<vmem>>, vector<16xf32>,
    tpu.vector_store %arg15[%swap3A_253, %swap3A_254], %broadcast_in_dim3A_0 {strides = array<i32>} : memref<16x128xf32, #tpu.memory_space<vmem>>, vector<16xf32>,
    %swap3A_256 = arith.constant 8 : i32
    %swap3A_257 = arith.index_cast %swap3A_256 : i32 to index
    %swap3A_258 = arith.constant 0 : index
    %swap3A_259 = tpu.vector_load %arg15[%swap3A_257, %swap3A_258] {strides = array<i32>} : memref<16x128xf32, #tpu.memory_space<vmem>>, vector<16xf32>,
    tpu.vector_store %arg15[%swap3A_257, %swap3A_258], %broadcast_in_dim3A_0 {strides = array<i32>} : memref<16x128xf32, #tpu.memory_space<vmem>>, vector<16xf32>,
    %swap3A_260 = arith.constant 8 : i32
    %swap3A_261 = arith.index_cast %swap3A_260 : i32 to index
    %swap3A_262 = arith.constant 16 : index
    %swap3A_263 = tpu.vector_load %arg15[%swap3A_261, %swap3A_262] {strides = array<i32>} : memref<16x128xf32, #tpu.memory_space<vmem>>, vector<16xf32>,
    tpu.vector_store %arg15[%swap3A_261, %swap3A_262], %broadcast_in_dim3A_0 {strides = array<i32>} : memref<16x128xf32, #tpu.memory_space<vmem>>, vector<16xf32>,
    %swap3A_264 = arith.constant 8 : i32
    %swap3A_265 = arith.index_cast %swap3A_264 : i32 to index
    %swap3A_266 = arith.constant 32 : index
    %swap3A_267 = tpu.vector_load %arg15[%swap3A_265, %swap3A_266] {strides = array<i32>} : memref<16x128xf32, #tpu.memory_space<vmem>>, vector<16xf32>,
    tpu.vector_store %arg15[%swap3A_265, %swap3A_266], %broadcast_in_dim3A_0 {strides = array<i32>} : memref<16x128xf32, #tpu.memory_space<vmem>>, vector<16xf32>,
    %swap3A_268 = arith.constant 8 : i32
    %swap3A_269 = arith.index_cast %swap3A_268 : i32 to index
    %swap3A_270 = arith.constant 48 : index
    %swap3A_271 = tpu.vector_load %arg15[%swap3A_269, %swap3A_270] {strides = array<i32>} : memref<16x128xf32, #tpu.memory_space<vmem>>, vector<16xf32>,
    tpu.vector_store %arg15[%swap3A_269, %swap3A_270], %broadcast_in_dim3A_0 {strides = array<i32>} : memref<16x128xf32, #tpu.memory_space<vmem>>, vector<16xf32>,
    %swap3A_272 = arith.constant 8 : i32
    %swap3A_273 = arith.index_cast %swap3A_272 : i32 to index
    %swap3A_274 = arith.constant 64 : index
    %swap3A_275 = tpu.vector_load %arg15[%swap3A_273, %swap3A_274] {strides = array<i32>} : memref<16x128xf32, #tpu.memory_space<vmem>>, vector<16xf32>,
    tpu.vector_store %arg15[%swap3A_273, %swap3A_274], %broadcast_in_dim3A_0 {strides = array<i32>} : memref<16x128xf32, #tpu.memory_space<vmem>>, vector<16xf32>,
    %swap3A_276 = arith.constant 8 : i32
    %swap3A_277 = arith.index_cast %swap3A_276 : i32 to index
    %swap3A_278 = arith.constant 80 : index
    %swap3A_279 = tpu.vector_load %arg15[%swap3A_277, %swap3A_278] {strides = array<i32>} : memref<16x128xf32, #tpu.memory_space<vmem>>, vector<16xf32>,
    tpu.vector_store %arg15[%swap3A_277, %swap3A_278], %broadcast_in_dim3A_0 {strides = array<i32>} : memref<16x128xf32, #tpu.memory_space<vmem>>, vector<16xf32>,
    %swap3A_280 = arith.constant 8 : i32
    %swap3A_281 = arith.index_cast %swap3A_280 : i32 to index
    %swap3A_282 = arith.constant 96 : index
    %swap3A_283 = tpu.vector_load %arg15[%swap3A_281, %swap3A_282] {strides = array<i32>} : memref<16x128xf32, #tpu.memory_space<vmem>>, vector<16xf32>,
    tpu.vector_store %arg15[%swap3A_281, %swap3A_282], %broadcast_in_dim3A_0 {strides = array<i32>} : memref<16x128xf32, #tpu.memory_space<vmem>>, vector<16xf32>,
    %swap3A_284 = arith.constant 8 : i32
    %swap3A_285 = arith.index_cast %swap3A_284 : i32 to index
    %swap3A_286 = arith.constant 112 : index
    %swap3A_287 = tpu.vector_load %arg15[%swap3A_285, %swap3A_286] {strides = array<i32>} : memref<16x128xf32, #tpu.memory_space<vmem>>, vector<16xf32>,
    tpu.vector_store %arg15[%swap3A_285, %swap3A_286], %broadcast_in_dim3A_0 {strides = array<i32>} : memref<16x128xf32, #tpu.memory_space<vmem>>, vector<16xf32>,
    %swap3A_288 = arith.constant 9 : i32
    %swap3A_289 = arith.index_cast %swap3A_288 : i32 to index
    %swap3A_290 = arith.constant 0 : index
    %swap3A_291 = tpu.vector_load %arg15[%swap3A_289, %swap3A_290] {strides = array<i32>} : memref<16x128xf32, #tpu.memory_space<vmem>>, vector<16xf32>,
    tpu.vector_store %arg15[%swap3A_289, %swap3A_290], %broadcast_in_dim3A_0 {strides = array<i32>} : memref<16x128xf32, #tpu.memory_space<vmem>>, vector<16xf32>,
    %swap3A_292 = arith.constant 9 : i32
    %swap3A_293 = arith.index_cast %swap3A_292 : i32 to index
    %swap3A_294 = arith.constant 16 : index
    %swap3A_295 = tpu.vector_load %arg15[%swap3A_293, %swap3A_294] {strides = array<i32>} : memref<16x128xf32, #tpu.memory_space<vmem>>, vector<16xf32>,
    tpu.vector_store %arg15[%swap3A_293, %swap3A_294], %broadcast_in_dim3A_0 {strides = array<i32>} : memref<16x128xf32, #tpu.memory_space<vmem>>, vector<16xf32>,
    %swap3A_296 = arith.constant 9 : i32
    %swap3A_297 = arith.index_cast %swap3A_296 : i32 to index
    %swap3A_298 = arith.constant 32 : index
    %swap3A_299 = tpu.vector_load %arg15[%swap3A_297, %swap3A_298] {strides = array<i32>} : memref<16x128xf32, #tpu.memory_space<vmem>>, vector<16xf32>,
    tpu.vector_store %arg15[%swap3A_297, %swap3A_298], %broadcast_in_dim3A_0 {strides = array<i32>} : memref<16x128xf32, #tpu.memory_space<vmem>>, vector<16xf32>,
    %swap3A_300 = arith.constant 9 : i32
    %swap3A_301 = arith.index_cast %swap3A_300 : i32 to index
    %swap3A_302 = arith.constant 48 : index
    %swap3A_303 = tpu.vector_load %arg15[%swap3A_301, %swap3A_302] {strides = array<i32>} : memref<16x128xf32, #tpu.memory_space<vmem>>, vector<16xf32>,
    tpu.vector_store %arg15[%swap3A_301, %swap3A_302], %broadcast_in_dim3A_0 {strides = array<i32>} : memref<16x128xf32, #tpu.memory_space<vmem>>, vector<16xf32>,
    %swap3A_304 = arith.constant 9 : i32
    %swap3A_305 = arith.index_cast %swap3A_304 : i32 to index
    %swap3A_306 = arith.constant 64 : index
    %swap3A_307 = tpu.vector_load %arg15[%swap3A_305, %swap3A_306] {strides = array<i32>} : memref<16x128xf32, #tpu.memory_space<vmem>>, vector<16xf32>,
    tpu.vector_store %arg15[%swap3A_305, %swap3A_306], %broadcast_in_dim3A_0 {strides = array<i32>} : memref<16x128xf32, #tpu.memory_space<vmem>>, vector<16xf32>,
    %swap3A_308 = arith.constant 9 : i32
    %swap3A_309 = arith.index_cast %swap3A_308 : i32 to index
    %swap3A_310 = arith.constant 80 : index
    %swap3A_311 = tpu.vector_load %arg15[%swap3A_309, %swap3A_310] {strides = array<i32>} : memref<16x128xf32, #tpu.memory_space<vmem>>, vector<16xf32>,
    tpu.vector_store %arg15[%swap3A_309, %swap3A_310], %broadcast_in_dim3A_0 {strides = array<i32>} : memref<16x128xf32, #tpu.memory_space<vmem>>, vector<16xf32>,
    %swap3A_312 = arith.constant 9 : i32
    %swap3A_313 = arith.index_cast %swap3A_312 : i32 to index
    %swap3A_314 = arith.constant 96 : index
    %swap3A_315 = tpu.vector_load %arg15[%swap3A_313, %swap3A_314] {strides = array<i32>} : memref<16x128xf32, #tpu.memory_space<vmem>>, vector<16xf32>,
    tpu.vector_store %arg15[%swap3A_313, %swap3A_314], %broadcast_in_dim3A_0 {strides = array<i32>} : memref<16x128xf32, #tpu.memory_space<vmem>>, vector<16xf32>,
    %swap3A_316 = arith.constant 9 : i32
    %swap3A_317 = arith.index_cast %swap3A_316 : i32 to index
    %swap3A_318 = arith.constant 112 : index
    %swap3A_319 = tpu.vector_load %arg15[%swap3A_317, %swap3A_318] {strides = array<i32>} : memref<16x128xf32, #tpu.memory_space<vmem>>, vector<16xf32>,
    tpu.vector_store %arg15[%swap3A_317, %swap3A_318], %broadcast_in_dim3A_0 {strides = array<i32>} : memref<16x128xf32, #tpu.memory_space<vmem>>, vector<16xf32>,
    %swap3A_320 = arith.constant 10 : i32
    %swap3A_321 = arith.index_cast %swap3A_320 : i32 to index
    %swap3A_322 = arith.constant 0 : index
    %swap3A_323 = tpu.vector_load %arg15[%swap3A_321, %swap3A_322] {strides = array<i32>} : memref<16x128xf32, #tpu.memory_space<vmem>>, vector<16xf32>,
    tpu.vector_store %arg15[%swap3A_321, %swap3A_322], %broadcast_in_dim3A_0 {strides = array<i32>} : memref<16x128xf32, #tpu.memory_space<vmem>>, vector<16xf32>,
    %swap3A_324 = arith.constant 10 : i32
    %swap3A_325 = arith.index_cast %swap3A_324 : i32 to index
    %swap3A_326 = arith.constant 16 : index
    %swap3A_327 = tpu.vector_load %arg15[%swap3A_325, %swap3A_326] {strides = array<i32>} : memref<16x128xf32, #tpu.memory_space<vmem>>, vector<16xf32>,
    tpu.vector_store %arg15[%swap3A_325, %swap3A_326], %broadcast_in_dim3A_0 {strides = array<i32>} : memref<16x128xf32, #tpu.memory_space<vmem>>, vector<16xf32>,
    %swap3A_328 = arith.constant 10 : i32
    %swap3A_329 = arith.index_cast %swap3A_328 : i32 to index
    %swap3A_330 = arith.constant 32 : index
    %swap3A_331 = tpu.vector_load %arg15[%swap3A_329, %swap3A_330] {strides = array<i32>} : memref<16x128xf32, #tpu.memory_space<vmem>>, vector<16xf32>,
    tpu.vector_store %arg15[%swap3A_329, %swap3A_330], %broadcast_in_dim3A_0 {strides = array<i32>} : memref<16x128xf32, #tpu.memory_space<vmem>>, vector<16xf32>,
    %swap3A_332 = arith.constant 10 : i32
    %swap3A_333 = arith.index_cast %swap3A_332 : i32 to index
    %swap3A_334 = arith.constant 48 : index
    %swap3A_335 = tpu.vector_load %arg15[%swap3A_333, %swap3A_334] {strides = array<i32>} : memref<16x128xf32, #tpu.memory_space<vmem>>, vector<16xf32>,
    tpu.vector_store %arg15[%swap3A_333, %swap3A_334], %broadcast_in_dim3A_0 {strides = array<i32>} : memref<16x128xf32, #tpu.memory_space<vmem>>, vector<16xf32>,
    %swap3A_336 = arith.constant 10 : i32
    %swap3A_337 = arith.index_cast %swap3A_336 : i32 to index
    %swap3A_338 = arith.constant 64 : index
    %swap3A_339 = tpu.vector_load %arg15[%swap3A_337, %swap3A_338] {strides = array<i32>} : memref<16x128xf32, #tpu.memory_space<vmem>>, vector<16xf32>,
    tpu.vector_store %arg15[%swap3A_337, %swap3A_338], %broadcast_in_dim3A_0 {strides = array<i32>} : memref<16x128xf32, #tpu.memory_space<vmem>>, vector<16xf32>,
    %swap3A_340 = arith.constant 10 : i32
    %swap3A_341 = arith.index_cast %swap3A_340 : i32 to index
    %swap3A_342 = arith.constant 80 : index
    %swap3A_343 = tpu.vector_load %arg15[%swap3A_341, %swap3A_342] {strides = array<i32>} : memref<16x128xf32, #tpu.memory_space<vmem>>, vector<16xf32>,
    tpu.vector_store %arg15[%swap3A_341, %swap3A_342], %broadcast_in_dim3A_0 {strides = array<i32>} : memref<16x128xf32, #tpu.memory_space<vmem>>, vector<16xf32>,
    %swap3A_344 = arith.constant 10 : i32
    %swap3A_345 = arith.index_cast %swap3A_344 : i32 to index
    %swap3A_346 = arith.constant 96 : index
    %swap3A_347 = tpu.vector_load %arg15[%swap3A_345, %swap3A_346] {strides = array<i32>} : memref<16x128xf32, #tpu.memory_space<vmem>>, vector<16xf32>,
    tpu.vector_store %arg15[%swap3A_345, %swap3A_346], %broadcast_in_dim3A_0 {strides = array<i32>} : memref<16x128xf32, #tpu.memory_space<vmem>>, vector<16xf32>,
    %swap3A_348 = arith.constant 10 : i32
    %swap3A_349 = arith.index_cast %swap3A_348 : i32 to index
    %swap3A_350 = arith.constant 112 : index
    %swap3A_351 = tpu.vector_load %arg15[%swap3A_349, %swap3A_350] {strides = array<i32>} : memref<16x128xf32, #tpu.memory_space<vmem>>, vector<16xf32>,
    tpu.vector_store %arg15[%swap3A_349, %swap3A_350], %broadcast_in_dim3A_0 {strides = array<i32>} : memref<16x128xf32, #tpu.memory_space<vmem>>, vector<16xf32>,
    %swap3A_352 = arith.constant 11 : i32
    %swap3A_353 = arith.index_cast %swap3A_352 : i32 to index
    %swap3A_354 = arith.constant 0 : index
    %swap3A_355 = tpu.vector_load %arg15[%swap3A_353, %swap3A_354] {strides = array<i32>} : memref<16x128xf32, #tpu.memory_space<vmem>>, vector<16xf32>,
    tpu.vector_store %arg15[%swap3A_353, %swap3A_354], %broadcast_in_dim3A_0 {strides = array<i32>} : memref<16x128xf32, #tpu.memory_space<vmem>>, vector<16xf32>,
    %swap3A_356 = arith.constant 11 : i32
    %swap3A_357 = arith.index_cast %swap3A_356 : i32 to index
    %swap3A_358 = arith.constant 16 : index
    %swap3A_359 = tpu.vector_load %arg15[%swap3A_357, %swap3A_358] {strides = array<i32>} : memref<16x128xf32, #tpu.memory_space<vmem>>, vector<16xf32>,
    tpu.vector_store %arg15[%swap3A_357, %swap3A_358], %broadcast_in_dim3A_0 {strides = array<i32>} : memref<16x128xf32, #tpu.memory_space<vmem>>, vector<16xf32>,
    %swap3A_360 = arith.constant 11 : i32
    %swap3A_361 = arith.index_cast %swap3A_360 : i32 to index
    %swap3A_362 = arith.constant 32 : index
    %swap3A_363 = tpu.vector_load %arg15[%swap3A_361, %swap3A_362] {strides = array<i32>} : memref<16x128xf32, #tpu.memory_space<vmem>>, vector<16xf32>,
    tpu.vector_store %arg15[%swap3A_361, %swap3A_362], %broadcast_in_dim3A_0 {strides = array<i32>} : memref<16x128xf32, #tpu.memory_space<vmem>>, vector<16xf32>,
    %swap3A_364 = arith.constant 11 : i32
    %swap3A_365 = arith.index_cast %swap3A_364 : i32 to index
    %swap3A_366 = arith.constant 48 : index
    %swap3A_367 = tpu.vector_load %arg15[%swap3A_365, %swap3A_366] {strides = array<i32>} : memref<16x128xf32, #tpu.memory_space<vmem>>, vector<16xf32>,
    tpu.vector_store %arg15[%swap3A_365, %swap3A_366], %broadcast_in_dim3A_0 {strides = array<i32>} : memref<16x128xf32, #tpu.memory_space<vmem>>, vector<16xf32>,
    %swap3A_368 = arith.constant 11 : i32
    %swap3A_369 = arith.index_cast %swap3A_368 : i32 to index
    %swap3A_370 = arith.constant 64 : index
    %swap3A_371 = tpu.vector_load %arg15[%swap3A_369, %swap3A_370] {strides = array<i32>} : memref<16x128xf32, #tpu.memory_space<vmem>>, vector<16xf32>,
    tpu.vector_store %arg15[%swap3A_369, %swap3A_370], %broadcast_in_dim3A_0 {strides = array<i32>} : memref<16x128xf32, #tpu.memory_space<vmem>>, vector<16xf32>,
    %swap3A_372 = arith.constant 11 : i32
    %swap3A_373 = arith.index_cast %swap3A_372 : i32 to index
    %swap3A_374 = arith.constant 80 : index
    %swap3A_375 = tpu.vector_load %arg15[%swap3A_373, %swap3A_374] {strides = array<i32>} : memref<16x128xf32, #tpu.memory_space<vmem>>, vector<16xf32>,
    tpu.vector_store %arg15[%swap3A_373, %swap3A_374], %broadcast_in_dim3A_0 {strides = array<i32>} : memref<16x128xf32, #tpu.memory_space<vmem>>, vector<16xf32>,
    %swap3A_376 = arith.constant 11 : i32
    %swap3A_377 = arith.index_cast %swap3A_376 : i32 to index
    %swap3A_378 = arith.constant 96 : index
    %swap3A_379 = tpu.vector_load %arg15[%swap3A_377, %swap3A_378] {strides = array<i32>} : memref<16x128xf32, #tpu.memory_space<vmem>>, vector<16xf32>,
    tpu.vector_store %arg15[%swap3A_377, %swap3A_378], %broadcast_in_dim3A_0 {strides = array<i32>} : memref<16x128xf32, #tpu.memory_space<vmem>>, vector<16xf32>,
    %swap3A_380 = arith.constant 11 : i32
    %swap3A_381 = arith.index_cast %swap3A_380 : i32 to index
    %swap3A_382 = arith.constant 112 : index
    %swap3A_383 = tpu.vector_load %arg15[%swap3A_381, %swap3A_382] {strides = array<i32>} : memref<16x128xf32, #tpu.memory_space<vmem>>, vector<16xf32>,
    tpu.vector_store %arg15[%swap3A_381, %swap3A_382], %broadcast_in_dim3A_0 {strides = array<i32>} : memref<16x128xf32, #tpu.memory_space<vmem>>, vector<16xf32>,
    %swap3A_384 = arith.constant 12 : i32
    %swap3A_385 = arith.index_cast %swap3A_384 : i32 to index
    %swap3A_386 = arith.constant 0 : index
    %swap3A_387 = tpu.vector_load %arg15[%swap3A_385, %swap3A_386] {strides = array<i32>} : memref<16x128xf32, #tpu.memory_space<vmem>>, vector<16xf32>,
    tpu.vector_store %arg15[%swap3A_385, %swap3A_386], %broadcast_in_dim3A_0 {strides = array<i32>} : memref<16x128xf32, #tpu.memory_space<vmem>>, vector<16xf32>,
    %swap3A_388 = arith.constant 12 : i32
    %swap3A_389 = arith.index_cast %swap3A_388 : i32 to index
    %swap3A_390 = arith.constant 16 : index
    %swap3A_391 = tpu.vector_load %arg15[%swap3A_389, %swap3A_390] {strides = array<i32>} : memref<16x128xf32, #tpu.memory_space<vmem>>, vector<16xf32>,
    tpu.vector_store %arg15[%swap3A_389, %swap3A_390], %broadcast_in_dim3A_0 {strides = array<i32>} : memref<16x128xf32, #tpu.memory_space<vmem>>, vector<16xf32>,
    %swap3A_392 = arith.constant 12 : i32
    %swap3A_393 = arith.index_cast %swap3A_392 : i32 to index
    %swap3A_394 = arith.constant 32 : index
    %swap3A_395 = tpu.vector_load %arg15[%swap3A_393, %swap3A_394] {strides = array<i32>} : memref<16x128xf32, #tpu.memory_space<vmem>>, vector<16xf32>,
    tpu.vector_store %arg15[%swap3A_393, %swap3A_394], %broadcast_in_dim3A_0 {strides = array<i32>} : memref<16x128xf32, #tpu.memory_space<vmem>>, vector<16xf32>,
    %swap3A_396 = arith.constant 12 : i32
    %swap3A_397 = arith.index_cast %swap3A_396 : i32 to index
    %swap3A_398 = arith.constant 48 : index
    %swap3A_399 = tpu.vector_load %arg15[%swap3A_397, %swap3A_398] {strides = array<i32>} : memref<16x128xf32, #tpu.memory_space<vmem>>, vector<16xf32>,
    tpu.vector_store %arg15[%swap3A_397, %swap3A_398], %broadcast_in_dim3A_0 {strides = array<i32>} : memref<16x128xf32, #tpu.memory_space<vmem>>, vector<16xf32>,
    %swap3A_400 = arith.constant 12 : i32
    %swap3A_401 = arith.index_cast %swap3A_400 : i32 to index
    %swap3A_402 = arith.constant 64 : index
    %swap3A_403 = tpu.vector_load %arg15[%swap3A_401, %swap3A_402] {strides = array<i32>} : memref<16x128xf32, #tpu.memory_space<vmem>>, vector<16xf32>,
    tpu.vector_store %arg15[%swap3A_401, %swap3A_402], %broadcast_in_dim3A_0 {strides = array<i32>} : memref<16x128xf32, #tpu.memory_space<vmem>>, vector<16xf32>,
    %swap3A_404 = arith.constant 12 : i32
    %swap3A_405 = arith.index_cast %swap3A_404 : i32 to index
    %swap3A_406 = arith.constant 80 : index
    %swap3A_407 = tpu.vector_load %arg15[%swap3A_405, %swap3A_406] {strides = array<i32>} : memref<16x128xf32, #tpu.memory_space<vmem>>, vector<16xf32>,
    tpu.vector_store %arg15[%swap3A_405, %swap3A_406], %broadcast_in_dim3A_0 {strides = array<i32>} : memref<16x128xf32, #tpu.memory_space<vmem>>, vector<16xf32>,
    %swap3A_408 = arith.constant 12 : i32
    %swap3A_409 = arith.index_cast %swap3A_408 : i32 to index
    %swap3A_410 = arith.constant 96 : index
    %swap3A_411 = tpu.vector_load %arg15[%swap3A_409, %swap3A_410] {strides = array<i32>} : memref<16x128xf32, #tpu.memory_space<vmem>>, vector<16xf32>,
    tpu.vector_store %arg15[%swap3A_409, %swap3A_410], %broadcast_in_dim3A_0 {strides = array<i32>} : memref<16x128xf32, #tpu.memory_space<vmem>>, vector<16xf32>,
    %swap3A_412 = arith.constant 12 : i32
    %swap3A_413 = arith.index_cast %swap3A_412 : i32 to index
    %swap3A_414 = arith.constant 112 : index
    %swap3A_415 = tpu.vector_load %arg15[%swap3A_413, %swap3A_414] {strides = array<i32>} : memref<16x128xf32, #tpu.memory_space<vmem>>, vector<16xf32>,
    tpu.vector_store %arg15[%swap3A_413, %swap3A_414], %broadcast_in_dim3A_0 {strides = array<i32>} : memref<16x128xf32, #tpu.memory_space<vmem>>, vector<16xf32>,
    %swap3A_416 = arith.constant 13 : i32
    %swap3A_417 = arith.index_cast %swap3A_416 : i32 to index
    %swap3A_418 = arith.constant 0 : index
    %swap3A_419 = tpu.vector_load %arg15[%swap3A_417, %swap3A_418] {strides = array<i32>} : memref<16x128xf32, #tpu.memory_space<vmem>>, vector<16xf32>,
    tpu.vector_store %arg15[%swap3A_417, %swap3A_418], %broadcast_in_dim3A_0 {strides = array<i32>} : memref<16x128xf32, #tpu.memory_space<vmem>>, vector<16xf32>,
    %swap3A_420 = arith.constant 13 : i32
    %swap3A_421 = arith.index_cast %swap3A_420 : i32 to index
    %swap3A_422 = arith.constant 16 : index
    %swap3A_423 = tpu.vector_load %arg15[%swap3A_421, %swap3A_422] {strides = array<i32>} : memref<16x128xf32, #tpu.memory_space<vmem>>, vector<16xf32>,
    tpu.vector_store %arg15[%swap3A_421, %swap3A_422], %broadcast_in_dim3A_0 {strides = array<i32>} : memref<16x128xf32, #tpu.memory_space<vmem>>, vector<16xf32>,
    %swap3A_424 = arith.constant 13 : i32
    %swap3A_425 = arith.index_cast %swap3A_424 : i32 to index
    %swap3A_426 = arith.constant 32 : index
    %swap3A_427 = tpu.vector_load %arg15[%swap3A_425, %swap3A_426] {strides = array<i32>} : memref<16x128xf32, #tpu.memory_space<vmem>>, vector<16xf32>,
    tpu.vector_store %arg15[%swap3A_425, %swap3A_426], %broadcast_in_dim3A_0 {strides = array<i32>} : memref<16x128xf32, #tpu.memory_space<vmem>>, vector<16xf32>,
    %swap3A_428 = arith.constant 13 : i32
    %swap3A_429 = arith.index_cast %swap3A_428 : i32 to index
    %swap3A_430 = arith.constant 48 : index
    %swap3A_431 = tpu.vector_load %arg15[%swap3A_429, %swap3A_430] {strides = array<i32>} : memref<16x128xf32, #tpu.memory_space<vmem>>, vector<16xf32>,
    tpu.vector_store %arg15[%swap3A_429, %swap3A_430], %broadcast_in_dim3A_0 {strides = array<i32>} : memref<16x128xf32, #tpu.memory_space<vmem>>, vector<16xf32>,
    %swap3A_432 = arith.constant 13 : i32
    %swap3A_433 = arith.index_cast %swap3A_432 : i32 to index
    %swap3A_434 = arith.constant 64 : index
    %swap3A_435 = tpu.vector_load %arg15[%swap3A_433, %swap3A_434] {strides = array<i32>} : memref<16x128xf32, #tpu.memory_space<vmem>>, vector<16xf32>,
    tpu.vector_store %arg15[%swap3A_433, %swap3A_434], %broadcast_in_dim3A_0 {strides = array<i32>} : memref<16x128xf32, #tpu.memory_space<vmem>>, vector<16xf32>,
    %swap3A_436 = arith.constant 13 : i32
    %swap3A_437 = arith.index_cast %swap3A_436 : i32 to index
    %swap3A_438 = arith.constant 80 : index
    %swap3A_439 = tpu.vector_load %arg15[%swap3A_437, %swap3A_438] {strides = array<i32>} : memref<16x128xf32, #tpu.memory_space<vmem>>, vector<16xf32>,
    tpu.vector_store %arg15[%swap3A_437, %swap3A_438], %broadcast_in_dim3A_0 {strides = array<i32>} : memref<16x128xf32, #tpu.memory_space<vmem>>, vector<16xf32>,
    %swap3A_440 = arith.constant 13 : i32
    %swap3A_441 = arith.index_cast %swap3A_440 : i32 to index
    %swap3A_442 = arith.constant 96 : index
    %swap3A_443 = tpu.vector_load %arg15[%swap3A_441, %swap3A_442] {strides = array<i32>} : memref<16x128xf32, #tpu.memory_space<vmem>>, vector<16xf32>,
    tpu.vector_store %arg15[%swap3A_441, %swap3A_442], %broadcast_in_dim3A_0 {strides = array<i32>} : memref<16x128xf32, #tpu.memory_space<vmem>>, vector<16xf32>,
    %swap3A_444 = arith.constant 13 : i32
    %swap3A_445 = arith.index_cast %swap3A_444 : i32 to index
    %swap3A_446 = arith.constant 112 : index
    %swap3A_447 = tpu.vector_load %arg15[%swap3A_445, %swap3A_446] {strides = array<i32>} : memref<16x128xf32, #tpu.memory_space<vmem>>, vector<16xf32>,
    tpu.vector_store %arg15[%swap3A_445, %swap3A_446], %broadcast_in_dim3A_0 {strides = array<i32>} : memref<16x128xf32, #tpu.memory_space<vmem>>, vector<16xf32>,
    %swap3A_448 = arith.constant 14 : i32
    %swap3A_449 = arith.index_cast %swap3A_448 : i32 to index
    %swap3A_450 = arith.constant 0 : index
    %swap3A_451 = tpu.vector_load %arg15[%swap3A_449, %swap3A_450] {strides = array<i32>} : memref<16x128xf32, #tpu.memory_space<vmem>>, vector<16xf32>,
    tpu.vector_store %arg15[%swap3A_449, %swap3A_450], %broadcast_in_dim3A_0 {strides = array<i32>} : memref<16x128xf32, #tpu.memory_space<vmem>>, vector<16xf32>,
    %swap3A_452 = arith.constant 14 : i32
    %swap3A_453 = arith.index_cast %swap3A_452 : i32 to index
    %swap3A_454 = arith.constant 16 : index
    %swap3A_455 = tpu.vector_load %arg15[%swap3A_453, %swap3A_454] {strides = array<i32>} : memref<16x128xf32, #tpu.memory_space<vmem>>, vector<16xf32>,
    tpu.vector_store %arg15[%swap3A_453, %swap3A_454], %broadcast_in_dim3A_0 {strides = array<i32>} : memref<16x128xf32, #tpu.memory_space<vmem>>, vector<16xf32>,
    %swap3A_456 = arith.constant 14 : i32
    %swap3A_457 = arith.index_cast %swap3A_456 : i32 to index
    %swap3A_458 = arith.constant 32 : index
    %swap3A_459 = tpu.vector_load %arg15[%swap3A_457, %swap3A_458] {strides = array<i32>} : memref<16x128xf32, #tpu.memory_space<vmem>>, vector<16xf32>,
    tpu.vector_store %arg15[%swap3A_457, %swap3A_458], %broadcast_in_dim3A_0 {strides = array<i32>} : memref<16x128xf32, #tpu.memory_space<vmem>>, vector<16xf32>,
    %swap3A_460 = arith.constant 14 : i32
    %swap3A_461 = arith.index_cast %swap3A_460 : i32 to index
    %swap3A_462 = arith.constant 48 : index
    %swap3A_463 = tpu.vector_load %arg15[%swap3A_461, %swap3A_462] {strides = array<i32>} : memref<16x128xf32, #tpu.memory_space<vmem>>, vector<16xf32>,
    tpu.vector_store %arg15[%swap3A_461, %swap3A_462], %broadcast_in_dim3A_0 {strides = array<i32>} : memref<16x128xf32, #tpu.memory_space<vmem>>, vector<16xf32>,
    %swap3A_464 = arith.constant 14 : i32
    %swap3A_465 = arith.index_cast %swap3A_464 : i32 to index
    %swap3A_466 = arith.constant 64 : index
    %swap3A_467 = tpu.vector_load %arg15[%swap3A_465, %swap3A_466] {strides = array<i32>} : memref<16x128xf32, #tpu.memory_space<vmem>>, vector<16xf32>,
    tpu.vector_store %arg15[%swap3A_465, %swap3A_466], %broadcast_in_dim3A_0 {strides = array<i32>} : memref<16x128xf32, #tpu.memory_space<vmem>>, vector<16xf32>,
    %swap3A_468 = arith.constant 14 : i32
    %swap3A_469 = arith.index_cast %swap3A_468 : i32 to index
    %swap3A_470 = arith.constant 80 : index
    %swap3A_471 = tpu.vector_load %arg15[%swap3A_469, %swap3A_470] {strides = array<i32>} : memref<16x128xf32, #tpu.memory_space<vmem>>, vector<16xf32>,
    tpu.vector_store %arg15[%swap3A_469, %swap3A_470], %broadcast_in_dim3A_0 {strides = array<i32>} : memref<16x128xf32, #tpu.memory_space<vmem>>, vector<16xf32>,
    %swap3A_472 = arith.constant 14 : i32
    %swap3A_473 = arith.index_cast %swap3A_472 : i32 to index
    %swap3A_474 = arith.constant 96 : index
    %swap3A_475 = tpu.vector_load %arg15[%swap3A_473, %swap3A_474] {strides = array<i32>} : memref<16x128xf32, #tpu.memory_space<vmem>>, vector<16xf32>,
    tpu.vector_store %arg15[%swap3A_473, %swap3A_474], %broadcast_in_dim3A_0 {strides = array<i32>} : memref<16x128xf32, #tpu.memory_space<vmem>>, vector<16xf32>,
    %swap3A_476 = arith.constant 14 : i32
    %swap3A_477 = arith.index_cast %swap3A_476 : i32 to index
    %swap3A_478 = arith.constant 112 : index
    %swap3A_479 = tpu.vector_load %arg15[%swap3A_477, %swap3A_478] {strides = array<i32>} : memref<16x128xf32, #tpu.memory_space<vmem>>, vector<16xf32>,
    tpu.vector_store %arg15[%swap3A_477, %swap3A_478], %broadcast_in_dim3A_0 {strides = array<i32>} : memref<16x128xf32, #tpu.memory_space<vmem>>, vector<16xf32>,
    %swap3A_480 = arith.constant 15 : i32
    %swap3A_481 = arith.index_cast %swap3A_480 : i32 to index
    %swap3A_482 = arith.constant 0 : index
    %swap3A_483 = tpu.vector_load %arg15[%swap3A_481, %swap3A_482] {strides = array<i32>} : memref<16x128xf32, #tpu.memory_space<vmem>>, vector<16xf32>,
    tpu.vector_store %arg15[%swap3A_481, %swap3A_482], %broadcast_in_dim3A_0 {strides = array<i32>} : memref<16x128xf32, #tpu.memory_space<vmem>>, vector<16xf32>,
    %swap3A_484 = arith.constant 15 : i32
    %swap3A_485 = arith.index_cast %swap3A_484 : i32 to index
    %swap3A_486 = arith.constant 16 : index
    %swap3A_487 = tpu.vector_load %arg15[%swap3A_485, %swap3A_486] {strides = array<i32>} : memref<16x128xf32, #tpu.memory_space<vmem>>, vector<16xf32>,
    tpu.vector_store %arg15[%swap3A_485, %swap3A_486], %broadcast_in_dim3A_0 {strides = array<i32>} : memref<16x128xf32, #tpu.memory_space<vmem>>, vector<16xf32>,
    %swap3A_488 = arith.constant 15 : i32
    %swap3A_489 = arith.index_cast %swap3A_488 : i32 to index
    %swap3A_490 = arith.constant 32 : index
    %swap3A_491 = tpu.vector_load %arg15[%swap3A_489, %swap3A_490] {strides = array<i32>} : memref<16x128xf32, #tpu.memory_space<vmem>>, vector<16xf32>,
    tpu.vector_store %arg15[%swap3A_489, %swap3A_490], %broadcast_in_dim3A_0 {strides = array<i32>} : memref<16x128xf32, #tpu.memory_space<vmem>>, vector<16xf32>,
    %swap3A_492 = arith.constant 15 : i32
    %swap3A_493 = arith.index_cast %swap3A_492 : i32 to index
    %swap3A_494 = arith.constant 48 : index
    %swap3A_495 = tpu.vector_load %arg15[%swap3A_493, %swap3A_494] {strides = array<i32>} : memref<16x128xf32, #tpu.memory_space<vmem>>, vector<16xf32>,
    tpu.vector_store %arg15[%swap3A_493, %swap3A_494], %broadcast_in_dim3A_0 {strides = array<i32>} : memref<16x128xf32, #tpu.memory_space<vmem>>, vector<16xf32>,
    %swap3A_496 = arith.constant 15 : i32
    %swap3A_497 = arith.index_cast %swap3A_496 : i32 to index
    %swap3A_498 = arith.constant 64 : index
    %swap3A_499 = tpu.vector_load %arg15[%swap3A_497, %swap3A_498] {strides = array<i32>} : memref<16x128xf32, #tpu.memory_space<vmem>>, vector<16xf32>,
    tpu.vector_store %arg15[%swap3A_497, %swap3A_498], %broadcast_in_dim3A_0 {strides = array<i32>} : memref<16x128xf32, #tpu.memory_space<vmem>>, vector<16xf32>,
    %swap3A_500 = arith.constant 15 : i32
    %swap3A_501 = arith.index_cast %swap3A_500 : i32 to index
    %swap3A_502 = arith.constant 80 : index
    %swap3A_503 = tpu.vector_load %arg15[%swap3A_501, %swap3A_502] {strides = array<i32>} : memref<16x128xf32, #tpu.memory_space<vmem>>, vector<16xf32>,
    tpu.vector_store %arg15[%swap3A_501, %swap3A_502], %broadcast_in_dim3A_0 {strides = array<i32>} : memref<16x128xf32, #tpu.memory_space<vmem>>, vector<16xf32>,
    %swap3A_504 = arith.constant 15 : i32
    %swap3A_505 = arith.index_cast %swap3A_504 : i32 to index
    %swap3A_506 = arith.constant 96 : index
    %swap3A_507 = tpu.vector_load %arg15[%swap3A_505, %swap3A_506] {strides = array<i32>} : memref<16x128xf32, #tpu.memory_space<vmem>>, vector<16xf32>,
    tpu.vector_store %arg15[%swap3A_505, %swap3A_506], %broadcast_in_dim3A_0 {strides = array<i32>} : memref<16x128xf32, #tpu.memory_space<vmem>>, vector<16xf32>,
    %swap3A_508 = arith.constant 15 : i32
    %swap3A_509 = arith.index_cast %swap3A_508 : i32 to index
    %swap3A_510 = arith.constant 112 : index
    %swap3A_511 = tpu.vector_load %arg15[%swap3A_509, %swap3A_510] {strides = array<i32>} : memref<16x128xf32, #tpu.memory_space<vmem>>, vector<16xf32>,
    tpu.vector_store %arg15[%swap3A_509, %swap3A_510], %broadcast_in_dim3A_0 {strides = array<i32>} : memref<16x128xf32, #tpu.memory_space<vmem>>, vector<16xf32>,
    %iota3A = tpu.iota {dimensions = array<i32: 0>} : vector<16xi32>
    %scan3A = arith.constant 0 : i32
    %scan3A_512 = arith.constant 0 : i32
    %scan3A_513 = arith.constant 5 : i32
    %scan3A_514 = arith.addi %scan3A_512, %scan3A_513 : i32
    %scan3A_515 = arith.constant 1 : i32
    scf.for %scan3A_548 = %scan3A_512 to %scan3A_514 step %scan3A_515  : i32 {
      %mul3A_549 = arith.constant 10000 : i32
      %mul3A_550 = arith.muli %arg1, %mul3A_549 : i32
      %mul3A_551 = arith.constant 2000 : i32
      %mul3A_552 = arith.muli %scan3A_548, %mul3A_551 : i32
      %add3A_553 = arith.addi %mul3A_550, %mul3A_552 : i32
      "tpu.region"() ({
        %run_scoped3A = tpu.sem_alloc : memref<!tpu.dma_semaphore, #tpu.memory_space<semaphore_mem>>
        %dma_start3A = arith.constant 0 : i32
        %dma_start3A_560 = tpu.memref_slice %arg14[%dma_start3A] : memref<10016xi32, #tpu.memory_space<vmem>> -> memref<2000xi32, #tpu.memory_space<vmem>>
        %dma_start3A_561 = tpu.memref_slice %arg2[%add3A_553] : memref<160000xi32, #tpu.memory_space<hbm>> -> memref<2000xi32, #tpu.memory_space<hbm>>
        %dma_start3A_562 = arith.constant 0 : i32
        %dma_start3A_563 = tpu.memref_slice %arg14[%dma_start3A_562] : memref<10016xi32, #tpu.memory_space<vmem>> -> memref<2000xi32, #tpu.memory_space<vmem>>
        %dma_start3A_564 = tpu.memref_slice %arg2[%add3A_553] : memref<160000xi32, #tpu.memory_space<hbm>> -> memref<2000xi32, #tpu.memory_space<hbm>>
        tpu.enqueue_dma source(%dma_start3A_564 : memref<2000xi32, #tpu.memory_space<hbm>>) target(%dma_start3A_563 : memref<2000xi32, #tpu.memory_space<vmem>>) target_semaphore(%run_scoped3A : memref<!tpu.dma_semaphore, #tpu.memory_space<semaphore_mem>>)
        %dma_wait3A = arith.constant 0 : i32
        %dma_wait3A_565 = tpu.memref_slice %arg14[%dma_wait3A] : memref<10016xi32, #tpu.memory_space<vmem>> -> memref<2000xi32, #tpu.memory_space<vmem>>
        %dma_wait3A_566 = tpu.memref_slice %arg2[%add3A_553] : memref<160000xi32, #tpu.memory_space<hbm>> -> memref<2000xi32, #tpu.memory_space<hbm>>
        %dma_wait3A_567 = arith.constant 0 : i32
        %dma_wait3A_568 = tpu.memref_slice %arg14[%dma_wait3A_567] : memref<10016xi32, #tpu.memory_space<vmem>> -> memref<2000xi32, #tpu.memory_space<vmem>>
        %dma_wait3A_569 = tpu.memref_slice %arg2[%add3A_553] : memref<160000xi32, #tpu.memory_space<hbm>> -> memref<2000xi32, #tpu.memory_space<hbm>>
        tpu.wait_dma2 semaphore(%run_scoped3A : memref<!tpu.dma_semaphore, #tpu.memory_space<semaphore_mem>>) src(%dma_wait3A_569 : memref<2000xi32, #tpu.memory_space<hbm>>) dst(%dma_wait3A_568 : memref<2000xi32, #tpu.memory_space<vmem>>)
        tpu.yield
      }) : () -> ()
      "tpu.region"() ({
        %run_scoped3A = tpu.sem_alloc : memref<!tpu.dma_semaphore, #tpu.memory_space<semaphore_mem>>
        %dma_start3A = arith.constant 2000 : i32
        %dma_start3A_560 = tpu.memref_slice %arg14[%dma_start3A] : memref<10016xi32, #tpu.memory_space<vmem>> -> memref<2000xi32, #tpu.memory_space<vmem>>
        %dma_start3A_561 = tpu.memref_slice %arg3[%add3A_553] : memref<160000xi32, #tpu.memory_space<hbm>> -> memref<2000xi32, #tpu.memory_space<hbm>>
        %dma_start3A_562 = arith.constant 2000 : i32
        %dma_start3A_563 = tpu.memref_slice %arg14[%dma_start3A_562] : memref<10016xi32, #tpu.memory_space<vmem>> -> memref<2000xi32, #tpu.memory_space<vmem>>
        %dma_start3A_564 = tpu.memref_slice %arg3[%add3A_553] : memref<160000xi32, #tpu.memory_space<hbm>> -> memref<2000xi32, #tpu.memory_space<hbm>>
        tpu.enqueue_dma source(%dma_start3A_564 : memref<2000xi32, #tpu.memory_space<hbm>>) target(%dma_start3A_563 : memref<2000xi32, #tpu.memory_space<vmem>>) target_semaphore(%run_scoped3A : memref<!tpu.dma_semaphore, #tpu.memory_space<semaphore_mem>>)
        %dma_wait3A = arith.constant 2000 : i32
        %dma_wait3A_565 = tpu.memref_slice %arg14[%dma_wait3A] : memref<10016xi32, #tpu.memory_space<vmem>> -> memref<2000xi32, #tpu.memory_space<vmem>>
        %dma_wait3A_566 = tpu.memref_slice %arg3[%add3A_553] : memref<160000xi32, #tpu.memory_space<hbm>> -> memref<2000xi32, #tpu.memory_space<hbm>>
        %dma_wait3A_567 = arith.constant 2000 : i32
        %dma_wait3A_568 = tpu.memref_slice %arg14[%dma_wait3A_567] : memref<10016xi32, #tpu.memory_space<vmem>> -> memref<2000xi32, #tpu.memory_space<vmem>>
        %dma_wait3A_569 = tpu.memref_slice %arg3[%add3A_553] : memref<160000xi32, #tpu.memory_space<hbm>> -> memref<2000xi32, #tpu.memory_space<hbm>>
        tpu.wait_dma2 semaphore(%run_scoped3A : memref<!tpu.dma_semaphore, #tpu.memory_space<semaphore_mem>>) src(%dma_wait3A_569 : memref<2000xi32, #tpu.memory_space<hbm>>) dst(%dma_wait3A_568 : memref<2000xi32, #tpu.memory_space<vmem>>)
        tpu.yield
      }) : () -> ()
      %scan3A_554 = arith.constant 0 : i32
      %scan3A_555 = arith.constant 0 : i32
      %scan3A_556 = arith.constant 125 : i32
      %scan3A_557 = arith.addi %scan3A_555, %scan3A_556 : i32
      %scan3A_558 = arith.constant 1 : i32
      scf.for %scan3A_560 = %scan3A_555 to %scan3A_557 step %scan3A_558  : i32 {
        %mul3A_561 = arith.constant 16 : i32
        %mul3A_562 = arith.muli %scan3A_560, %mul3A_561 : i32
        %get3A = arith.index_cast %mul3A_562 : i32 to index
        %get3A_563 = tpu.vector_load %arg14[%get3A] {strides = array<i32>} : memref<10016xi32, #tpu.memory_space<vmem>>, vector<16xi32>,
        %mul3A_564 = arith.constant 16 : i32
        %mul3A_565 = arith.muli %scan3A_560, %mul3A_564 : i32
        %add3A_566 = arith.constant 2000 : i32
        %add3A_567 = arith.addi %add3A_566, %mul3A_565 : i32
        %get3A_568 = arith.index_cast %add3A_567 : i32 to index
        %get3A_569 = tpu.vector_load %arg14[%get3A_568] {strides = array<i32>} : memref<10016xi32, #tpu.memory_space<vmem>>, vector<16xi32>,
        %shift_right_logical3A = arith.constant 2 : i32
        %shift_right_logical3A_570 = vector.broadcast %shift_right_logical3A : i32 to vector<16xi32>
        %shift_right_logical3A_571 = arith.shrui %get3A_563, %shift_right_logical3A_570 : vector<16xi32>
        %gather3A = tpu.vector_load_idx %arg11[%shift_right_logical3A_571] : memref<2516xi32, #tpu.memory_space<vmem>>[vector<16xi32>], vector<16xi32>,
        %and3A_572 = arith.constant 3 : i32
        %and3A_573 = vector.broadcast %and3A_572 : i32 to vector<16xi32>
        %and3A_574 = arith.andi %get3A_563, %and3A_573 : vector<16xi32>
        %mul3A_575 = arith.constant 8 : i32
        %mul3A_576 = vector.broadcast %mul3A_575 : i32 to vector<16xi32>
        %mul3A_577 = arith.muli %and3A_574, %mul3A_576 : vector<16xi32>
        %shift_right_logical3A_578 = arith.shrui %gather3A, %mul3A_577 : vector<16xi32>
        %and3A_579 = arith.constant 255 : i32
        %and3A_580 = vector.broadcast %and3A_579 : i32 to vector<16xi32>
        %and3A_581 = arith.andi %shift_right_logical3A_578, %and3A_580 : vector<16xi32>
        %shift_right_logical3A_582 = arith.constant 2 : i32
        %shift_right_logical3A_583 = vector.broadcast %shift_right_logical3A_582 : i32 to vector<16xi32>
        %shift_right_logical3A_584 = arith.shrui %get3A_569, %shift_right_logical3A_583 : vector<16xi32>
        %gather3A_585 = tpu.vector_load_idx %arg11[%shift_right_logical3A_584] : memref<2516xi32, #tpu.memory_space<vmem>>[vector<16xi32>], vector<16xi32>,
        %and3A_586 = arith.constant 3 : i32
        %and3A_587 = vector.broadcast %and3A_586 : i32 to vector<16xi32>
        %and3A_588 = arith.andi %get3A_569, %and3A_587 : vector<16xi32>
        %mul3A_589 = arith.constant 8 : i32
        %mul3A_590 = vector.broadcast %mul3A_589 : i32 to vector<16xi32>
        %mul3A_591 = arith.muli %and3A_588, %mul3A_590 : vector<16xi32>
        %shift_right_logical3A_592 = arith.shrui %gather3A_585, %mul3A_591 : vector<16xi32>
        %and3A_593 = arith.constant 255 : i32
        %and3A_594 = vector.broadcast %and3A_593 : i32 to vector<16xi32>
        %and3A_595 = arith.andi %shift_right_logical3A_592, %and3A_594 : vector<16xi32>
        %mul3A_596 = arith.constant 16 : i32
        %mul3A_597 = vector.broadcast %mul3A_596 : i32 to vector<16xi32>
        %mul3A_598 = arith.muli %and3A_581, %mul3A_597 : vector<16xi32>
        %add3A_599 = arith.addi %mul3A_598, %and3A_595 : vector<16xi32>
        %gather3A_600 = tpu.vector_load_idx %arg12[%add3A_599] : memref<256xi32, #tpu.memory_space<vmem>>[vector<16xi32>], vector<16xi32>,
        %shift_left3A = arith.constant 14 : i32
        %shift_left3A_601 = vector.broadcast %shift_left3A : i32 to vector<16xi32>
        %shift_left3A_602 = arith.shli %get3A_569, %shift_left3A_601 : vector<16xi32>
        %or3A = arith.ori %get3A_563, %shift_left3A_602 : vector<16xi32>
        %shift_left3A_603 = arith.constant 28 : i32
        %shift_left3A_604 = vector.broadcast %shift_left3A_603 : i32 to vector<16xi32>
        %shift_left3A_605 = arith.shli %gather3A_600, %shift_left3A_604 : vector<16xi32>
        %or3A_606 = arith.ori %or3A, %shift_left3A_605 : vector<16xi32>
        %mul3A_607 = arith.constant 2000 : i32
        %mul3A_608 = arith.muli %scan3A_548, %mul3A_607 : i32
        %mul3A_609 = arith.constant 16 : i32
        %mul3A_610 = arith.muli %scan3A_560, %mul3A_609 : i32
        %add3A_611 = arith.addi %mul3A_608, %mul3A_610 : i32
        %swap3A_612 = arith.index_cast %add3A_611 : i32 to index
        %swap3A_613 = tpu.vector_load %arg13[%swap3A_612] {strides = array<i32>} : memref<10000xi32, #tpu.memory_space<vmem>>, vector<16xi32>,
        tpu.vector_store %arg13[%swap3A_612], %or3A_606 {strides = array<i32>} : memref<10000xi32, #tpu.memory_space<vmem>>, vector<16xi32>,
      }
      %scan3A_559 = arith.constant 125 : i32
    }
    %scan3A_516 = arith.constant 5 : i32
    %mul3A = arith.constant 5120 : i32
    %mul3A_517 = arith.muli %arg0, %mul3A : i32
    %scan3A_518 = arith.constant 0 : i32
    %scan3A_519 = arith.constant 0 : i32
    %scan3A_520 = arith.constant 625 : i32
    %scan3A_521 = arith.addi %scan3A_519, %scan3A_520 : i32
    %scan3A_522 = arith.constant 1 : i32
    %scan3A_523 = scf.for %scan3A_548 = %scan3A_519 to %scan3A_521 step %scan3A_522 iter_args(%scan3A_549 = %scan3A_518) -> (i32)  : i32 {
      %mul3A_550 = arith.constant 16 : i32
      %mul3A_551 = arith.muli %scan3A_548, %mul3A_550 : i32
      %get3A = arith.index_cast %mul3A_551 : i32 to index
      %get3A_552 = tpu.vector_load %arg13[%get3A] {strides = array<i32>} : memref<10000xi32, #tpu.memory_space<vmem>>, vector<16xi32>,
      %shift_right_logical3A = arith.constant 14 : i32
      %shift_right_logical3A_553 = vector.broadcast %shift_right_logical3A : i32 to vector<16xi32>
      %shift_right_logical3A_554 = arith.shrui %get3A_552, %shift_right_logical3A_553 : vector<16xi32>
      %and3A_555 = arith.constant 16383 : i32
      %and3A_556 = vector.broadcast %and3A_555 : i32 to vector<16xi32>
      %and3A_557 = arith.andi %shift_right_logical3A_554, %and3A_556 : vector<16xi32>
      %ge3A = vector.broadcast %mul3A_517 : i32 to vector<16xi32>
      %ge3A_558 = arith.cmpi sge, %and3A_557, %ge3A : vector<16xi32>
      %add3A_559 = arith.constant 5120 : i32
      %add3A_560 = arith.addi %mul3A_517, %add3A_559 : i32
      %lt3A = vector.broadcast %add3A_560 : i32 to vector<16xi32>
      %lt3A_561 = arith.cmpi slt, %and3A_557, %lt3A : vector<16xi32>
      %and3A_562 = arith.andi %ge3A_558, %lt3A_561 : vector<16xi1>
      %swap3A_563 = arith.index_cast %scan3A_549 : i32 to index
      %swap3A_564 = tpu.vector_load %arg13[%swap3A_563] masked %and3A_562 {strides = array<i32>} : memref<10000xi32, #tpu.memory_space<vmem>>, vector<16xi32>, vector<16xi1>
      tpu.vector_store %arg13[%swap3A_563], %get3A_552 masked %and3A_562 {strides = array<i32>} : memref<10000xi32, #tpu.memory_space<vmem>>, vector<16xi32>, vector<16xi1>
      %convert_element_type3A = arith.extui %and3A_562 : vector<16xi1> to vector<16xi32>
      %reduce_sum3A = arith.constant true
      %reduce_sum3A_565 = vector.broadcast %reduce_sum3A : i1 to vector<16xi1>
      %reduce_sum3A_566 = tpu.scan <sum>, %convert_element_type3A masked %reduce_sum3A_565 : vector<16xi32>, vector<16xi1> -> vector<16xi32>
      %reduce_sum3A_567 = vector.extract %reduce_sum3A_566[15] : i32 from vector<16xi32>
      %add3A_568 = arith.addi %scan3A_549, %reduce_sum3A_567 : i32
      scf.yield %add3A_568 : i32
    }
    %scan3A_524 = arith.constant 625 : i32
    %add3A = arith.constant 15 : i32
    %add3A_525 = arith.addi %scan3A_523, %add3A : i32
    %jit3A = arith.constant 16 : i32
    %div3A = arith.divsi %add3A_525, %jit3A : i32
    %sign3A = arith.constant 0 : i32
    %sign3A_526 = arith.cmpi sgt, %add3A_525, %sign3A : i32
    %sign3A_527 = arith.extui %sign3A_526 : i1 to i32
    %sign3A_528 = arith.constant 0 : i32
    %sign3A_529 = arith.cmpi slt, %add3A_525, %sign3A_528 : i32
    %sign3A_530 = arith.extui %sign3A_529 : i1 to i32
    %sign3A_531 = arith.subi %sign3A_527, %sign3A_530 : i32
    %sign3A_532 = arith.constant 0 : i32
    %sign3A_533 = arith.cmpi sgt, %jit3A, %sign3A_532 : i32
    %sign3A_534 = arith.extui %sign3A_533 : i1 to i32
    %sign3A_535 = arith.constant 0 : i32
    %sign3A_536 = arith.cmpi slt, %jit3A, %sign3A_535 : i32
    %sign3A_537 = arith.extui %sign3A_536 : i1 to i32
    %sign3A_538 = arith.subi %sign3A_534, %sign3A_537 : i32
    %ne3A = arith.cmpi ne, %sign3A_531, %sign3A_538 : i32
    %rem3A = arith.remsi %add3A_525, %jit3A : i32
    %ne3A_539 = arith.constant 0 : i32
    %ne3A_540 = arith.cmpi ne, %rem3A, %ne3A_539 : i32
    %and3A = arith.andi %ne3A, %ne3A_540 : i1
    %sub3A = arith.constant 1 : i32
    %sub3A_541 = arith.subi %div3A, %sub3A : i32
    %select_n3A = arith.select %and3A, %sub3A_541, %div3A : i32
    %scan3A_542 = arith.constant 0 : i32
    %scan3A_543 = arith.constant 0 : i32
    %scan3A_544 = arith.constant 10 : i32
    %scan3A_545 = arith.addi %scan3A_543, %scan3A_544 : i32
    %scan3A_546 = arith.constant 1 : i32
    scf.for %scan3A_548 = %scan3A_543 to %scan3A_545 step %scan3A_546  : i32 {
      %mul3A_549 = arith.constant 10 : i32
      %mul3A_550 = arith.muli %arg0, %mul3A_549 : i32
      %add3A_551 = arith.addi %mul3A_550, %scan3A_548 : i32
      %mul3A_552 = arith.constant 512 : i32
      %mul3A_553 = arith.muli %add3A_551, %mul3A_552 : i32
      %scan3A_554 = arith.constant 0 : i32
      %scan3A_555 = arith.constant 0 : i32
      %scan3A_556 = arith.constant 18 : i32
      %scan3A_557 = arith.addi %scan3A_555, %scan3A_556 : i32
      %scan3A_558 = arith.constant 1 : i32
      scf.for %scan3A_700 = %scan3A_555 to %scan3A_557 step %scan3A_558  : i32 {
        %mul3A_701 = arith.constant 288 : i32
        %mul3A_702 = arith.muli %arg1, %mul3A_701 : i32
        %mul3A_703 = arith.constant 16 : i32
        %mul3A_704 = arith.muli %scan3A_700, %mul3A_703 : i32
        %add3A_705 = arith.addi %mul3A_702, %mul3A_704 : i32
        "tpu.region"() ({
          %run_scoped3A = tpu.sem_alloc : memref<!tpu.dma_semaphore, #tpu.memory_space<semaphore_mem>>
          %dma_start3A = arith.constant 0 : i32
          %dma_start3A_706 = tpu.memref_slice %arg34[%add3A_705, %dma_start3A] : memref<4608x128xf32, #tpu.memory_space<vmem_shared>> -> memref<16x128xf32, #tpu.memory_space<vmem_shared>>
          %dma_start3A_707 = arith.constant 0 : i32
          %dma_start3A_708 = tpu.memref_slice %arg34[%add3A_705, %dma_start3A_707] : memref<4608x128xf32, #tpu.memory_space<vmem_shared>> -> memref<16x128xf32, #tpu.memory_space<vmem_shared>>
          tpu.enqueue_dma source(%arg15 : memref<16x128xf32, #tpu.memory_space<vmem>>) target(%dma_start3A_708 : memref<16x128xf32, #tpu.memory_space<vmem_shared>>) target_semaphore(%run_scoped3A : memref<!tpu.dma_semaphore, #tpu.memory_space<semaphore_mem>>)
          %dma_wait3A = arith.constant 0 : i32
          %dma_wait3A_709 = tpu.memref_slice %arg34[%add3A_705, %dma_wait3A] : memref<4608x128xf32, #tpu.memory_space<vmem_shared>> -> memref<16x128xf32, #tpu.memory_space<vmem_shared>>
          %dma_wait3A_710 = arith.constant 0 : i32
          %dma_wait3A_711 = tpu.memref_slice %arg34[%add3A_705, %dma_wait3A_710] : memref<4608x128xf32, #tpu.memory_space<vmem_shared>> -> memref<16x128xf32, #tpu.memory_space<vmem_shared>>
          tpu.wait_dma2 semaphore(%run_scoped3A : memref<!tpu.dma_semaphore, #tpu.memory_space<semaphore_mem>>) src(%arg15 : memref<16x128xf32, #tpu.memory_space<vmem>>) dst(%dma_wait3A_711 : memref<16x128xf32, #tpu.memory_space<vmem_shared>>)
          tpu.yield
        }) : () -> ()
      }
      %scan3A_559 = arith.constant 18 : i32
      %barrier3A = arith.constant 0 : index
      tpu.barrier barrier_id(%barrier3A)
      %while3A = arith.constant 0 : i32
      %while3A_560 = arith.constant 0 : i32
      %while3A_561 = arith.subi %select_n3A, %while3A : i32
      %while3A_562 = arith.addi %while3A, %while3A_561 : i32
      %while3A_563 = arith.constant 1 : i32
      %while3A_564 = arith.divsi %while3A_561, %while3A_563 : i32
      %while3A_565 = arith.muli %while3A_564, %while3A_563 : i32
      %while3A_566 = arith.addi %while3A, %while3A_565 : i32
      %while3A_567 = arith.constant 1 : i32
      %while3A_568 = scf.for %while3A_700 = %while3A to %while3A_566 step %while3A_567 iter_args(%while3A_701 = %while3A_560) -> (i32)  : i32 {
        %mul3A_702 = arith.constant 16 : i32
        %mul3A_703 = arith.muli %while3A_700, %mul3A_702 : i32
        %get3A = arith.index_cast %mul3A_703 : i32 to index
        %get3A_704 = tpu.vector_load %arg13[%get3A] {strides = array<i32>} : memref<10000xi32, #tpu.memory_space<vmem>>, vector<16xi32>,
        %shift_right_logical3A = arith.constant 14 : i32
        %shift_right_logical3A_705 = vector.broadcast %shift_right_logical3A : i32 to vector<16xi32>
        %shift_right_logical3A_706 = arith.shrui %get3A_704, %shift_right_logical3A_705 : vector<16xi32>
        %and3A_707 = arith.constant 16383 : i32
        %and3A_708 = vector.broadcast %and3A_707 : i32 to vector<16xi32>
        %and3A_709 = arith.andi %shift_right_logical3A_706, %and3A_708 : vector<16xi32>
        %ge3A = vector.broadcast %mul3A_553 : i32 to vector<16xi32>
        %ge3A_710 = arith.cmpi sge, %and3A_709, %ge3A : vector<16xi32>
        %add3A_711 = arith.constant 512 : i32
        %add3A_712 = arith.addi %mul3A_553, %add3A_711 : i32
        %lt3A_713 = vector.broadcast %add3A_712 : i32 to vector<16xi32>
        %lt3A_714 = arith.cmpi slt, %and3A_709, %lt3A_713 : vector<16xi32>
        %and3A_715 = arith.andi %ge3A_710, %lt3A_714 : vector<16xi1>
        %mul3A_716 = arith.constant 16 : i32
        %mul3A_717 = arith.muli %while3A_700, %mul3A_716 : i32
        %add3A_718 = vector.broadcast %mul3A_717 : i32 to vector<16xi32>
        %add3A_719 = arith.addi %add3A_718, %iota3A : vector<16xi32>
        %lt3A_720 = vector.broadcast %scan3A_523 : i32 to vector<16xi32>
        %lt3A_721 = arith.cmpi slt, %add3A_719, %lt3A_720 : vector<16xi32>
        %and3A_722 = arith.andi %and3A_715, %lt3A_721 : vector<16xi1>
        %swap3A_723 = arith.index_cast %while3A_701 : i32 to index
        %swap3A_724 = tpu.vector_load %arg14[%swap3A_723] masked %and3A_722 {strides = array<i32>} : memref<10016xi32, #tpu.memory_space<vmem>>, vector<16xi32>, vector<16xi1>
        tpu.vector_store %arg14[%swap3A_723], %get3A_704 masked %and3A_722 {strides = array<i32>} : memref<10016xi32, #tpu.memory_space<vmem>>, vector<16xi32>, vector<16xi1>
        %convert_element_type3A_725 = arith.extui %and3A_722 : vector<16xi1> to vector<16xi32>
        %reduce_sum3A = arith.constant true
        %reduce_sum3A_726 = vector.broadcast %reduce_sum3A : i1 to vector<16xi1>
        %reduce_sum3A_727 = tpu.scan <sum>, %convert_element_type3A_725 masked %reduce_sum3A_726 : vector<16xi32>, vector<16xi1> -> vector<16xi32>
        %reduce_sum3A_728 = vector.extract %reduce_sum3A_727[15] : i32 from vector<16xi32>
        %add3A_729 = arith.addi %while3A_701, %reduce_sum3A_728 : i32
        scf.yield %add3A_729 : i32
      }
      %while3A_569 = arith.constant 1 : i32
      %while3A_570 = scf.for %while3A_700 = %while3A_566 to %while3A_562 step %while3A_569 iter_args(%while3A_701 = %while3A_568) -> (i32)  : i32 {
        %mul3A_702 = arith.constant 16 : i32
        %mul3A_703 = arith.muli %while3A_700, %mul3A_702 : i32
        %get3A = arith.index_cast %mul3A_703 : i32 to index
        %get3A_704 = tpu.vector_load %arg13[%get3A] {strides = array<i32>} : memref<10000xi32, #tpu.memory_space<vmem>>, vector<16xi32>,
        %shift_right_logical3A = arith.constant 14 : i32
        %shift_right_logical3A_705 = vector.broadcast %shift_right_logical3A : i32 to vector<16xi32>
        %shift_right_logical3A_706 = arith.shrui %get3A_704, %shift_right_logical3A_705 : vector<16xi32>
        %and3A_707 = arith.constant 16383 : i32
        %and3A_708 = vector.broadcast %and3A_707 : i32 to vector<16xi32>
        %and3A_709 = arith.andi %shift_right_logical3A_706, %and3A_708 : vector<16xi32>
        %ge3A = vector.broadcast %mul3A_553 : i32 to vector<16xi32>
        %ge3A_710 = arith.cmpi sge, %and3A_709, %ge3A : vector<16xi32>
        %add3A_711 = arith.constant 512 : i32
        %add3A_712 = arith.addi %mul3A_553, %add3A_711 : i32
        %lt3A_713 = vector.broadcast %add3A_712 : i32 to vector<16xi32>
        %lt3A_714 = arith.cmpi slt, %and3A_709, %lt3A_713 : vector<16xi32>
        %and3A_715 = arith.andi %ge3A_710, %lt3A_714 : vector<16xi1>
        %mul3A_716 = arith.constant 16 : i32
        %mul3A_717 = arith.muli %while3A_700, %mul3A_716 : i32
        %add3A_718 = vector.broadcast %mul3A_717 : i32 to vector<16xi32>
        %add3A_719 = arith.addi %add3A_718, %iota3A : vector<16xi32>
        %lt3A_720 = vector.broadcast %scan3A_523 : i32 to vector<16xi32>
        %lt3A_721 = arith.cmpi slt, %add3A_719, %lt3A_720 : vector<16xi32>
        %and3A_722 = arith.andi %and3A_715, %lt3A_721 : vector<16xi1>
        %swap3A_723 = arith.index_cast %while3A_701 : i32 to index
        %swap3A_724 = tpu.vector_load %arg14[%swap3A_723] masked %and3A_722 {strides = array<i32>} : memref<10016xi32, #tpu.memory_space<vmem>>, vector<16xi32>, vector<16xi1>
        tpu.vector_store %arg14[%swap3A_723], %get3A_704 masked %and3A_722 {strides = array<i32>} : memref<10016xi32, #tpu.memory_space<vmem>>, vector<16xi32>, vector<16xi1>
        %convert_element_type3A_725 = arith.extui %and3A_722 : vector<16xi1> to vector<16xi32>
        %reduce_sum3A = arith.constant true
        %reduce_sum3A_726 = vector.broadcast %reduce_sum3A : i1 to vector<16xi1>
        %reduce_sum3A_727 = tpu.scan <sum>, %convert_element_type3A_725 masked %reduce_sum3A_726 : vector<16xi32>, vector<16xi1> -> vector<16xi32>
        %reduce_sum3A_728 = vector.extract %reduce_sum3A_727[15] : i32 from vector<16xi32>
        %add3A_729 = arith.addi %while3A_701, %reduce_sum3A_728 : i32
        scf.yield %add3A_729 : i32
      }
      %add3A_571 = arith.constant 64 : i32
      %add3A_572 = arith.addi %while3A_570, %add3A_571 : i32
      %sub3A_573 = arith.constant 1 : i32
      %sub3A_574 = arith.subi %add3A_572, %sub3A_573 : i32
      %jit3A_575 = arith.constant 64 : i32
      %div3A_576 = arith.divsi %sub3A_574, %jit3A_575 : i32
      %sign3A_577 = arith.constant 0 : i32
      %sign3A_578 = arith.cmpi sgt, %sub3A_574, %sign3A_577 : i32
      %sign3A_579 = arith.extui %sign3A_578 : i1 to i32
      %sign3A_580 = arith.constant 0 : i32
      %sign3A_581 = arith.cmpi slt, %sub3A_574, %sign3A_580 : i32
      %sign3A_582 = arith.extui %sign3A_581 : i1 to i32
      %sign3A_583 = arith.subi %sign3A_579, %sign3A_582 : i32
      %sign3A_584 = arith.constant 0 : i32
      %sign3A_585 = arith.cmpi sgt, %jit3A_575, %sign3A_584 : i32
      %sign3A_586 = arith.extui %sign3A_585 : i1 to i32
      %sign3A_587 = arith.constant 0 : i32
      %sign3A_588 = arith.cmpi slt, %jit3A_575, %sign3A_587 : i32
      %sign3A_589 = arith.extui %sign3A_588 : i1 to i32
      %sign3A_590 = arith.subi %sign3A_586, %sign3A_589 : i32
      %ne3A_591 = arith.cmpi ne, %sign3A_583, %sign3A_590 : i32
      %rem3A_592 = arith.remsi %sub3A_574, %jit3A_575 : i32
      %ne3A_593 = arith.constant 0 : i32
      %ne3A_594 = arith.cmpi ne, %rem3A_592, %ne3A_593 : i32
      %and3A_595 = arith.andi %ne3A_591, %ne3A_594 : i1
      %sub3A_596 = arith.constant 1 : i32
      %sub3A_597 = arith.subi %div3A_576, %sub3A_596 : i32
      %select_n3A_598 = arith.select %and3A_595, %sub3A_597, %div3A_576 : i32
      %add3A_599 = arith.constant 4096 : i32
      %add3A_600 = arith.addi %add3A_599, %arg1 : i32
      %gt3A = arith.constant 0 : i32
      %gt3A_601 = arith.cmpi sgt, %select_n3A_598, %gt3A : i32
      %convert_element_type3A = arith.extui %gt3A_601 : i1 to i32
      %cond3A = arith.constant 0 : i32
      %cond3A_602 = arith.cmpi ne, %convert_element_type3A, %cond3A : i32
      scf.if %cond3A_602 {
        %scan3A_700 = arith.constant 0 : i32
        %scan3A_701 = arith.constant 0 : i32
        %scan3A_702 = arith.constant 4 : i32
        %scan3A_703 = arith.addi %scan3A_701, %scan3A_702 : i32
        %scan3A_704 = arith.constant 1 : i32
        scf.for %scan3A_717 = %scan3A_701 to %scan3A_703 step %scan3A_704  : i32 {
          %mul3A_718 = arith.constant 16 : i32
          %mul3A_719 = arith.muli %scan3A_717, %mul3A_718 : i32
          %add3A_720 = arith.constant 0 : i32
          %add3A_721 = arith.addi %add3A_720, %mul3A_719 : i32
          %add3A_722 = vector.broadcast %add3A_721 : i32 to vector<16xi32>
          %add3A_723 = arith.addi %add3A_722, %iota3A : vector<16xi32>
          %lt3A_724 = vector.broadcast %while3A_570 : i32 to vector<16xi32>
          %lt3A_725 = arith.cmpi slt, %add3A_723, %lt3A_724 : vector<16xi32>
          %get3A = arith.index_cast %add3A_721 : i32 to index
          %get3A_726 = tpu.vector_load %arg14[%get3A] {strides = array<i32>} : memref<10016xi32, #tpu.memory_space<vmem>>, vector<16xi32>,
          %and3A_727 = arith.constant 16383 : i32
          %and3A_728 = vector.broadcast %and3A_727 : i32 to vector<16xi32>
          %and3A_729 = arith.andi %get3A_726, %and3A_728 : vector<16xi32>
          %shift_right_logical3A = arith.constant 14 : i32
          %shift_right_logical3A_730 = vector.broadcast %shift_right_logical3A : i32 to vector<16xi32>
          %shift_right_logical3A_731 = arith.shrui %get3A_726, %shift_right_logical3A_730 : vector<16xi32>
          %and3A_732 = arith.constant 16383 : i32
          %and3A_733 = vector.broadcast %and3A_732 : i32 to vector<16xi32>
          %and3A_734 = arith.andi %shift_right_logical3A_731, %and3A_733 : vector<16xi32>
          %shift_right_logical3A_735 = arith.constant 28 : i32
          %shift_right_logical3A_736 = vector.broadcast %shift_right_logical3A_735 : i32 to vector<16xi32>
          %shift_right_logical3A_737 = arith.shrui %get3A_726, %shift_right_logical3A_736 : vector<16xi32>
          %jit3A_738 = arith.constant 0 : i32
          %broadcast_in_dim3A_739 = vector.broadcast %jit3A_738 : i32 to vector<16xi32>
          %select_n3A_740 = arith.select %lt3A_725, %and3A_729, %broadcast_in_dim3A_739 : vector<16xi1>, vector<16xi32>
          %mul3A_741 = arith.constant 16 : i32
          %mul3A_742 = arith.muli %scan3A_717, %mul3A_741 : i32
          %swap3A_743 = arith.index_cast %mul3A_742 : i32 to index
          %swap3A_744 = tpu.vector_load %arg24[%swap3A_743] {strides = array<i32>} : memref<64xi32, #tpu.memory_space<vmem>>, vector<16xi32>,
          tpu.vector_store %arg24[%swap3A_743], %select_n3A_740 {strides = array<i32>} : memref<64xi32, #tpu.memory_space<vmem>>, vector<16xi32>,
          %mul3A_745 = arith.constant 10000 : i32
          %mul3A_746 = vector.broadcast %mul3A_745 : i32 to vector<16xi32>
          %mul3A_747 = arith.muli %shift_right_logical3A_737, %mul3A_746 : vector<16xi32>
          %add3A_748 = arith.addi %mul3A_747, %and3A_729 : vector<16xi32>
          %jit3A_749 = arith.constant 0 : i32
          %broadcast_in_dim3A_750 = vector.broadcast %jit3A_749 : i32 to vector<16xi32>
          %select_n3A_751 = arith.select %lt3A_725, %add3A_748, %broadcast_in_dim3A_750 : vector<16xi1>, vector<16xi32>
          %mul3A_752 = arith.constant 16 : i32
          %mul3A_753 = arith.muli %scan3A_717, %mul3A_752 : i32
          %swap3A_754 = arith.index_cast %mul3A_753 : i32 to index
          %swap3A_755 = tpu.vector_load %arg25[%swap3A_754] {strides = array<i32>} : memref<64xi32, #tpu.memory_space<vmem>>, vector<16xi32>,
          tpu.vector_store %arg25[%swap3A_754], %select_n3A_751 {strides = array<i32>} : memref<64xi32, #tpu.memory_space<vmem>>, vector<16xi32>,
          %jit3A_756 = arith.constant 0 : i32
          %broadcast_in_dim3A_757 = vector.broadcast %jit3A_756 : i32 to vector<16xi32>
          %select_n3A_758 = arith.select %lt3A_725, %and3A_734, %broadcast_in_dim3A_757 : vector<16xi1>, vector<16xi32>
          %mul3A_759 = arith.constant 16 : i32
          %mul3A_760 = arith.muli %scan3A_717, %mul3A_759 : i32
          %swap3A_761 = arith.index_cast %mul3A_760 : i32 to index
          %swap3A_762 = tpu.vector_load %arg26[%swap3A_761] {strides = array<i32>} : memref<64xi32, #tpu.memory_space<vmem>>, vector<16xi32>,
          tpu.vector_store %arg26[%swap3A_761], %select_n3A_758 {strides = array<i32>} : memref<64xi32, #tpu.memory_space<vmem>>, vector<16xi32>,
          %sub3A_763 = vector.broadcast %mul3A_553 : i32 to vector<16xi32>
          %sub3A_764 = arith.subi %and3A_734, %sub3A_763 : vector<16xi32>
          %add3A_765 = arith.constant 1 : i32
          %add3A_766 = vector.broadcast %add3A_765 : i32 to vector<16xi32>
          %add3A_767 = arith.addi %shift_right_logical3A_737, %add3A_766 : vector<16xi32>
          %mul3A_768 = arith.constant 512 : i32
          %mul3A_769 = vector.broadcast %mul3A_768 : i32 to vector<16xi32>
          %mul3A_770 = arith.muli %add3A_767, %mul3A_769 : vector<16xi32>
          %add3A_771 = arith.addi %mul3A_770, %sub3A_764 : vector<16xi32>
          %broadcast_in_dim3A_772 = vector.broadcast %add3A_600 : i32 to vector<16xi32>
          %select_n3A_773 = arith.select %lt3A_725, %add3A_771, %broadcast_in_dim3A_772 : vector<16xi1>, vector<16xi32>
          %mul3A_774 = arith.constant 16 : i32
          %mul3A_775 = arith.muli %scan3A_717, %mul3A_774 : i32
          %swap3A_776 = arith.index_cast %mul3A_775 : i32 to index
          %swap3A_777 = tpu.vector_load %arg27[%swap3A_776] {strides = array<i32>} : memref<64xi32, #tpu.memory_space<vmem>>, vector<16xi32>,
          tpu.vector_store %arg27[%swap3A_776], %select_n3A_773 {strides = array<i32>} : memref<64xi32, #tpu.memory_space<vmem>>, vector<16xi32>,
          %broadcast_in_dim3A_778 = vector.broadcast %add3A_600 : i32 to vector<16xi32>
          %select_n3A_779 = arith.select %lt3A_725, %sub3A_764, %broadcast_in_dim3A_778 : vector<16xi1>, vector<16xi32>
          %mul3A_780 = arith.constant 16 : i32
          %mul3A_781 = arith.muli %scan3A_717, %mul3A_780 : i32
          %swap3A_782 = arith.index_cast %mul3A_781 : i32 to index
          %swap3A_783 = tpu.vector_load %arg28[%swap3A_782] {strides = array<i32>} : memref<64xi32, #tpu.memory_space<vmem>>, vector<16xi32>,
          tpu.vector_store %arg28[%swap3A_782], %select_n3A_779 {strides = array<i32>} : memref<64xi32, #tpu.memory_space<vmem>>, vector<16xi32>,
        }
        %scan3A_705 = arith.constant 4 : i32
        %dma_start3A = arith.constant 0 : i32
        %dma_start3A_706 = arith.constant 0 : i32
        %dma_start3A_707 = tpu.memref_slice %arg6[%dma_start3A, %dma_start3A_706] : memref<10000x128xf32, #tpu.memory_space<hbm>> -> memref<10000x128xf32, #tpu.memory_space<hbm>>
        tpu.enqueue_indirect_dma source(%dma_start3A_707 : memref<10000x128xf32, #tpu.memory_space<hbm>>) target(%arg16 : memref<64x128xf32, #tpu.memory_space<vmem>>) offsets(%arg24 : memref<64xi32, #tpu.memory_space<vmem>>) semaphore(%arg35 : memref<!tpu.dma_semaphore, #tpu.memory_space<semaphore_mem>>)
        %dma_start3A_708 = arith.constant 0 : i32
        %dma_start3A_709 = arith.constant 0 : i32
        %dma_start3A_710 = tpu.memref_slice %arg7[%dma_start3A_708, %dma_start3A_709] : memref<10000x128xf32, #tpu.memory_space<hbm>> -> memref<10000x128xf32, #tpu.memory_space<hbm>>
        tpu.enqueue_indirect_dma source(%dma_start3A_710 : memref<10000x128xf32, #tpu.memory_space<hbm>>) target(%arg17 : memref<64x128xf32, #tpu.memory_space<vmem>>) offsets(%arg24 : memref<64xi32, #tpu.memory_space<vmem>>) semaphore(%arg36 : memref<!tpu.dma_semaphore, #tpu.memory_space<semaphore_mem>>)
        %dma_start3A_711 = arith.constant 0 : i32
        %dma_start3A_712 = arith.constant 0 : i32
        %dma_start3A_713 = tpu.memref_slice %arg8[%dma_start3A_711, %dma_start3A_712] : memref<70000x128xf32, #tpu.memory_space<hbm>> -> memref<70000x128xf32, #tpu.memory_space<hbm>>
        tpu.enqueue_indirect_dma source(%dma_start3A_713 : memref<70000x128xf32, #tpu.memory_space<hbm>>) target(%arg18 : memref<64x128xf32, #tpu.memory_space<vmem>>) offsets(%arg25 : memref<64xi32, #tpu.memory_space<vmem>>) semaphore(%arg37 : memref<!tpu.dma_semaphore, #tpu.memory_space<semaphore_mem>>)
        %dma_start3A_714 = arith.constant 0 : i32
        %dma_start3A_715 = arith.constant 0 : i32
        %dma_start3A_716 = tpu.memref_slice %arg9[%dma_start3A_714, %dma_start3A_715] : memref<10000x128xf32, #tpu.memory_space<hbm>> -> memref<10000x128xf32, #tpu.memory_space<hbm>>
        tpu.enqueue_indirect_dma source(%dma_start3A_716 : memref<10000x128xf32, #tpu.memory_space<hbm>>) target(%arg19 : memref<64x128xf32, #tpu.memory_space<vmem>>) offsets(%arg26 : memref<64xi32, #tpu.memory_space<vmem>>) semaphore(%arg38 : memref<!tpu.dma_semaphore, #tpu.memory_space<semaphore_mem>>)
      } else {
      }
      %add3A_603 = arith.constant 1 : i32
      %add3A_604 = arith.addi %select_n3A_598, %add3A_603 : i32
      %jit3A_605 = arith.constant 2 : i32
      %div3A_606 = arith.divsi %add3A_604, %jit3A_605 : i32
      %sign3A_607 = arith.constant 0 : i32
      %sign3A_608 = arith.cmpi sgt, %add3A_604, %sign3A_607 : i32
      %sign3A_609 = arith.extui %sign3A_608 : i1 to i32
      %sign3A_610 = arith.constant 0 : i32
      %sign3A_611 = arith.cmpi slt, %add3A_604, %sign3A_610 : i32
      %sign3A_612 = arith.extui %sign3A_611 : i1 to i32
      %sign3A_613 = arith.subi %sign3A_609, %sign3A_612 : i32
      %sign3A_614 = arith.constant 0 : i32
      %sign3A_615 = arith.cmpi sgt, %jit3A_605, %sign3A_614 : i32
      %sign3A_616 = arith.extui %sign3A_615 : i1 to i32
      %sign3A_617 = arith.constant 0 : i32
      %sign3A_618 = arith.cmpi slt, %jit3A_605, %sign3A_617 : i32
      %sign3A_619 = arith.extui %sign3A_618 : i1 to i32
      %sign3A_620 = arith.subi %sign3A_616, %sign3A_619 : i32
      %ne3A_621 = arith.cmpi ne, %sign3A_613, %sign3A_620 : i32
      %rem3A_622 = arith.remsi %add3A_604, %jit3A_605 : i32
      %ne3A_623 = arith.constant 0 : i32
      %ne3A_624 = arith.cmpi ne, %rem3A_622, %ne3A_623 : i32
      %and3A_625 = arith.andi %ne3A_621, %ne3A_624 : i1
      %sub3A_626 = arith.constant 1 : i32
      %sub3A_627 = arith.subi %div3A_606, %sub3A_626 : i32
      %select_n3A_628 = arith.select %and3A_625, %sub3A_627, %div3A_606 : i32
      %while3A_629 = arith.constant 0 : i32
      %while3A_630 = arith.constant 0 : i32
      %while3A_631 = arith.subi %select_n3A_628, %while3A_630 : i32
      %while3A_632 = arith.addi %while3A_630, %while3A_631 : i32
      %while3A_633 = arith.constant 1 : i32
      %while3A_634 = arith.divsi %while3A_631, %while3A_633 : i32
      %while3A_635 = arith.muli %while3A_634, %while3A_633 : i32
      %while3A_636 = arith.addi %while3A_630, %while3A_635 : i32
      %while3A_637 = arith.constant 1 : i32
      scf.for %while3A_700 = %while3A_630 to %while3A_636 step %while3A_637  : i32 {
        %mul3A_701 = arith.constant 2 : i32
        %mul3A_702 = arith.muli %mul3A_701, %while3A_700 : i32
        %add3A_703 = arith.constant 0 : i32
        %add3A_704 = arith.addi %mul3A_702, %add3A_703 : i32
        %add3A_705 = arith.constant 1 : i32
        %add3A_706 = arith.addi %add3A_704, %add3A_705 : i32
        %lt3A_707 = arith.cmpi slt, %add3A_706, %select_n3A_598 : i32
        %convert_element_type3A_708 = arith.extui %lt3A_707 : i1 to i32
        %cond3A_709 = arith.constant 0 : i32
        %cond3A_710 = arith.cmpi ne, %convert_element_type3A_708, %cond3A_709 : i32
        scf.if %cond3A_710 {
          %add3A_729 = arith.constant 1 : i32
          %add3A_730 = arith.addi %add3A_704, %add3A_729 : i32
          %mul3A_731 = arith.constant 64 : i32
          %mul3A_732 = arith.muli %add3A_730, %mul3A_731 : i32
          %ge3A = arith.constant 2 : i32
          %ge3A_733 = arith.cmpi sge, %add3A_730, %ge3A : i32
          %convert_element_type3A_734 = arith.extui %ge3A_733 : i1 to i32
          %cond3A_735 = arith.constant 0 : i32
          %cond3A_736 = arith.cmpi ne, %convert_element_type3A_734, %cond3A_735 : i32
          scf.if %cond3A_736 {
            %dma_wait3A = arith.constant 0 : i32
            %dma_wait3A_754 = arith.constant 0 : i32
            %dma_wait3A_755 = tpu.memref_slice %arg34[%dma_wait3A, %dma_wait3A_754] : memref<4608x128xf32, #tpu.memory_space<vmem_shared>> -> memref<4608x128xf32, #tpu.memory_space<vmem_shared>>
            tpu.wait_indirect_dma semaphore(%arg45 : memref<!tpu.dma_semaphore, #tpu.memory_space<semaphore_mem>>) src(%arg20 : memref<64x128xf32, #tpu.memory_space<vmem>>) dst(%dma_wait3A_755 : memref<4608x128xf32, #tpu.memory_space<vmem_shared>>)
            %dma_wait3A_756 = arith.constant 0 : i32
            %dma_wait3A_757 = arith.constant 0 : i32
            %dma_wait3A_758 = tpu.memref_slice %arg34[%dma_wait3A_756, %dma_wait3A_757] : memref<4608x128xf32, #tpu.memory_space<vmem_shared>> -> memref<4608x128xf32, #tpu.memory_space<vmem_shared>>
            tpu.wait_indirect_dma semaphore(%arg46 : memref<!tpu.dma_semaphore, #tpu.memory_space<semaphore_mem>>) src(%arg23 : memref<64x128xf32, #tpu.memory_space<vmem>>) dst(%dma_wait3A_758 : memref<4608x128xf32, #tpu.memory_space<vmem_shared>>)
          } else {
          }
          %scan3A_737 = arith.constant 0 : i32
          %scan3A_738 = arith.constant 0 : i32
          %scan3A_739 = arith.constant 4 : i32
          %scan3A_740 = arith.addi %scan3A_738, %scan3A_739 : i32
          %scan3A_741 = arith.constant 1 : i32
          scf.for %scan3A_754 = %scan3A_738 to %scan3A_740 step %scan3A_741  : i32 {
            %mul3A_755 = arith.constant 16 : i32
            %mul3A_756 = arith.muli %scan3A_754, %mul3A_755 : i32
            %add3A_757 = arith.addi %mul3A_732, %mul3A_756 : i32
            %add3A_758 = vector.broadcast %add3A_757 : i32 to vector<16xi32>
            %add3A_759 = arith.addi %add3A_758, %iota3A : vector<16xi32>
            %lt3A_760 = vector.broadcast %while3A_570 : i32 to vector<16xi32>
            %lt3A_761 = arith.cmpi slt, %add3A_759, %lt3A_760 : vector<16xi32>
            %get3A = arith.index_cast %add3A_757 : i32 to index
            %get3A_762 = tpu.vector_load %arg14[%get3A] {strides = array<i32>} : memref<10016xi32, #tpu.memory_space<vmem>>, vector<16xi32>,
            %and3A_763 = arith.constant 16383 : i32
            %and3A_764 = vector.broadcast %and3A_763 : i32 to vector<16xi32>
            %and3A_765 = arith.andi %get3A_762, %and3A_764 : vector<16xi32>
            %shift_right_logical3A = arith.constant 14 : i32
            %shift_right_logical3A_766 = vector.broadcast %shift_right_logical3A : i32 to vector<16xi32>
            %shift_right_logical3A_767 = arith.shrui %get3A_762, %shift_right_logical3A_766 : vector<16xi32>
            %and3A_768 = arith.constant 16383 : i32
            %and3A_769 = vector.broadcast %and3A_768 : i32 to vector<16xi32>
            %and3A_770 = arith.andi %shift_right_logical3A_767, %and3A_769 : vector<16xi32>
            %shift_right_logical3A_771 = arith.constant 28 : i32
            %shift_right_logical3A_772 = vector.broadcast %shift_right_logical3A_771 : i32 to vector<16xi32>
            %shift_right_logical3A_773 = arith.shrui %get3A_762, %shift_right_logical3A_772 : vector<16xi32>
            %jit3A_774 = arith.constant 0 : i32
            %broadcast_in_dim3A_775 = vector.broadcast %jit3A_774 : i32 to vector<16xi32>
            %select_n3A_776 = arith.select %lt3A_761, %and3A_765, %broadcast_in_dim3A_775 : vector<16xi1>, vector<16xi32>
            %mul3A_777 = arith.constant 16 : i32
            %mul3A_778 = arith.muli %scan3A_754, %mul3A_777 : i32
            %swap3A_779 = arith.index_cast %mul3A_778 : i32 to index
            %swap3A_780 = tpu.vector_load %arg29[%swap3A_779] {strides = array<i32>} : memref<64xi32, #tpu.memory_space<vmem>>, vector<16xi32>,
            tpu.vector_store %arg29[%swap3A_779], %select_n3A_776 {strides = array<i32>} : memref<64xi32, #tpu.memory_space<vmem>>, vector<16xi32>,
            %mul3A_781 = arith.constant 10000 : i32
            %mul3A_782 = vector.broadcast %mul3A_781 : i32 to vector<16xi32>
            %mul3A_783 = arith.muli %shift_right_logical3A_773, %mul3A_782 : vector<16xi32>
            %add3A_784 = arith.addi %mul3A_783, %and3A_765 : vector<16xi32>
            %jit3A_785 = arith.constant 0 : i32
            %broadcast_in_dim3A_786 = vector.broadcast %jit3A_785 : i32 to vector<16xi32>
            %select_n3A_787 = arith.select %lt3A_761, %add3A_784, %broadcast_in_dim3A_786 : vector<16xi1>, vector<16xi32>
            %mul3A_788 = arith.constant 16 : i32
            %mul3A_789 = arith.muli %scan3A_754, %mul3A_788 : i32
            %swap3A_790 = arith.index_cast %mul3A_789 : i32 to index
            %swap3A_791 = tpu.vector_load %arg30[%swap3A_790] {strides = array<i32>} : memref<64xi32, #tpu.memory_space<vmem>>, vector<16xi32>,
            tpu.vector_store %arg30[%swap3A_790], %select_n3A_787 {strides = array<i32>} : memref<64xi32, #tpu.memory_space<vmem>>, vector<16xi32>,
            %jit3A_792 = arith.constant 0 : i32
            %broadcast_in_dim3A_793 = vector.broadcast %jit3A_792 : i32 to vector<16xi32>
            %select_n3A_794 = arith.select %lt3A_761, %and3A_770, %broadcast_in_dim3A_793 : vector<16xi1>, vector<16xi32>
            %mul3A_795 = arith.constant 16 : i32
            %mul3A_796 = arith.muli %scan3A_754, %mul3A_795 : i32
            %swap3A_797 = arith.index_cast %mul3A_796 : i32 to index
            %swap3A_798 = tpu.vector_load %arg31[%swap3A_797] {strides = array<i32>} : memref<64xi32, #tpu.memory_space<vmem>>, vector<16xi32>,
            tpu.vector_store %arg31[%swap3A_797], %select_n3A_794 {strides = array<i32>} : memref<64xi32, #tpu.memory_space<vmem>>, vector<16xi32>,
            %sub3A_799 = vector.broadcast %mul3A_553 : i32 to vector<16xi32>
            %sub3A_800 = arith.subi %and3A_770, %sub3A_799 : vector<16xi32>
            %add3A_801 = arith.constant 1 : i32
            %add3A_802 = vector.broadcast %add3A_801 : i32 to vector<16xi32>
            %add3A_803 = arith.addi %shift_right_logical3A_773, %add3A_802 : vector<16xi32>
            %mul3A_804 = arith.constant 512 : i32
            %mul3A_805 = vector.broadcast %mul3A_804 : i32 to vector<16xi32>
            %mul3A_806 = arith.muli %add3A_803, %mul3A_805 : vector<16xi32>
            %add3A_807 = arith.addi %mul3A_806, %sub3A_800 : vector<16xi32>
            %broadcast_in_dim3A_808 = vector.broadcast %add3A_600 : i32 to vector<16xi32>
            %select_n3A_809 = arith.select %lt3A_761, %add3A_807, %broadcast_in_dim3A_808 : vector<16xi1>, vector<16xi32>
            %mul3A_810 = arith.constant 16 : i32
            %mul3A_811 = arith.muli %scan3A_754, %mul3A_810 : i32
            %swap3A_812 = arith.index_cast %mul3A_811 : i32 to index
            %swap3A_813 = tpu.vector_load %arg32[%swap3A_812] {strides = array<i32>} : memref<64xi32, #tpu.memory_space<vmem>>, vector<16xi32>,
            tpu.vector_store %arg32[%swap3A_812], %select_n3A_809 {strides = array<i32>} : memref<64xi32, #tpu.memory_space<vmem>>, vector<16xi32>,
            %broadcast_in_dim3A_814 = vector.broadcast %add3A_600 : i32 to vector<16xi32>
            %select_n3A_815 = arith.select %lt3A_761, %sub3A_800, %broadcast_in_dim3A_814 : vector<16xi1>, vector<16xi32>
            %mul3A_816 = arith.constant 16 : i32
            %mul3A_817 = arith.muli %scan3A_754, %mul3A_816 : i32
            %swap3A_818 = arith.index_cast %mul3A_817 : i32 to index
            %swap3A_819 = tpu.vector_load %arg33[%swap3A_818] {strides = array<i32>} : memref<64xi32, #tpu.memory_space<vmem>>, vector<16xi32>,
            tpu.vector_store %arg33[%swap3A_818], %select_n3A_815 {strides = array<i32>} : memref<64xi32, #tpu.memory_space<vmem>>, vector<16xi32>,
          }
          %scan3A_742 = arith.constant 4 : i32
          %dma_start3A = arith.constant 0 : i32
          %dma_start3A_743 = arith.constant 0 : i32
          %dma_start3A_744 = tpu.memref_slice %arg6[%dma_start3A, %dma_start3A_743] : memref<10000x128xf32, #tpu.memory_space<hbm>> -> memref<10000x128xf32, #tpu.memory_space<hbm>>
          tpu.enqueue_indirect_dma source(%dma_start3A_744 : memref<10000x128xf32, #tpu.memory_space<hbm>>) target(%arg20 : memref<64x128xf32, #tpu.memory_space<vmem>>) offsets(%arg29 : memref<64xi32, #tpu.memory_space<vmem>>) semaphore(%arg41 : memref<!tpu.dma_semaphore, #tpu.memory_space<semaphore_mem>>)
          %dma_start3A_745 = arith.constant 0 : i32
          %dma_start3A_746 = arith.constant 0 : i32
          %dma_start3A_747 = tpu.memref_slice %arg7[%dma_start3A_745, %dma_start3A_746] : memref<10000x128xf32, #tpu.memory_space<hbm>> -> memref<10000x128xf32, #tpu.memory_space<hbm>>
          tpu.enqueue_indirect_dma source(%dma_start3A_747 : memref<10000x128xf32, #tpu.memory_space<hbm>>) target(%arg21 : memref<64x128xf32, #tpu.memory_space<vmem>>) offsets(%arg29 : memref<64xi32, #tpu.memory_space<vmem>>) semaphore(%arg42 : memref<!tpu.dma_semaphore, #tpu.memory_space<semaphore_mem>>)
          %dma_start3A_748 = arith.constant 0 : i32
          %dma_start3A_749 = arith.constant 0 : i32
          %dma_start3A_750 = tpu.memref_slice %arg8[%dma_start3A_748, %dma_start3A_749] : memref<70000x128xf32, #tpu.memory_space<hbm>> -> memref<70000x128xf32, #tpu.memory_space<hbm>>
          tpu.enqueue_indirect_dma source(%dma_start3A_750 : memref<70000x128xf32, #tpu.memory_space<hbm>>) target(%arg22 : memref<64x128xf32, #tpu.memory_space<vmem>>) offsets(%arg30 : memref<64xi32, #tpu.memory_space<vmem>>) semaphore(%arg43 : memref<!tpu.dma_semaphore, #tpu.memory_space<semaphore_mem>>)
          %dma_start3A_751 = arith.constant 0 : i32
          %dma_start3A_752 = arith.constant 0 : i32
          %dma_start3A_753 = tpu.memref_slice %arg9[%dma_start3A_751, %dma_start3A_752] : memref<10000x128xf32, #tpu.memory_space<hbm>> -> memref<10000x128xf32, #tpu.memory_space<hbm>>
          tpu.enqueue_indirect_dma source(%dma_start3A_753 : memref<10000x128xf32, #tpu.memory_space<hbm>>) target(%arg23 : memref<64x128xf32, #tpu.memory_space<vmem>>) offsets(%arg31 : memref<64xi32, #tpu.memory_space<vmem>>) semaphore(%arg44 : memref<!tpu.dma_semaphore, #tpu.memory_space<semaphore_mem>>)
        } else {
        }
        %lt3A_711 = arith.cmpi slt, %add3A_704, %select_n3A_598 : i32
        %convert_element_type3A_712 = arith.extui %lt3A_711 : i1 to i32
        %cond3A_713 = arith.constant 0 : i32
        %cond3A_714 = arith.cmpi ne, %convert_element_type3A_712, %cond3A_713 : i32
        scf.if %cond3A_714 {
          %dma_wait3A = arith.constant 0 : i32
          %dma_wait3A_729 = arith.constant 0 : i32
          %dma_wait3A_730 = tpu.memref_slice %arg6[%dma_wait3A, %dma_wait3A_729] : memref<10000x128xf32, #tpu.memory_space<hbm>> -> memref<10000x128xf32, #tpu.memory_space<hbm>>
          tpu.wait_indirect_dma semaphore(%arg35 : memref<!tpu.dma_semaphore, #tpu.memory_space<semaphore_mem>>) src(%dma_wait3A_730 : memref<10000x128xf32, #tpu.memory_space<hbm>>) dst(%arg16 : memref<64x128xf32, #tpu.memory_space<vmem>>)
          %dma_wait3A_731 = arith.constant 0 : i32
          %dma_wait3A_732 = arith.constant 0 : i32
          %dma_wait3A_733 = tpu.memref_slice %arg7[%dma_wait3A_731, %dma_wait3A_732] : memref<10000x128xf32, #tpu.memory_space<hbm>> -> memref<10000x128xf32, #tpu.memory_space<hbm>>
          tpu.wait_indirect_dma semaphore(%arg36 : memref<!tpu.dma_semaphore, #tpu.memory_space<semaphore_mem>>) src(%dma_wait3A_733 : memref<10000x128xf32, #tpu.memory_space<hbm>>) dst(%arg17 : memref<64x128xf32, #tpu.memory_space<vmem>>)
          %dma_wait3A_734 = arith.constant 0 : i32
          %dma_wait3A_735 = arith.constant 0 : i32
          %dma_wait3A_736 = tpu.memref_slice %arg8[%dma_wait3A_734, %dma_wait3A_735] : memref<70000x128xf32, #tpu.memory_space<hbm>> -> memref<70000x128xf32, #tpu.memory_space<hbm>>
          tpu.wait_indirect_dma semaphore(%arg37 : memref<!tpu.dma_semaphore, #tpu.memory_space<semaphore_mem>>) src(%dma_wait3A_736 : memref<70000x128xf32, #tpu.memory_space<hbm>>) dst(%arg18 : memref<64x128xf32, #tpu.memory_space<vmem>>)
          %dma_wait3A_737 = arith.constant 0 : i32
          %dma_wait3A_738 = arith.constant 0 : i32
          %dma_wait3A_739 = tpu.memref_slice %arg9[%dma_wait3A_737, %dma_wait3A_738] : memref<10000x128xf32, #tpu.memory_space<hbm>> -> memref<10000x128xf32, #tpu.memory_space<hbm>>
          tpu.wait_indirect_dma semaphore(%arg38 : memref<!tpu.dma_semaphore, #tpu.memory_space<semaphore_mem>>) src(%dma_wait3A_739 : memref<10000x128xf32, #tpu.memory_space<hbm>>) dst(%arg19 : memref<64x128xf32, #tpu.memory_space<vmem>>)
          %dma_start3A = arith.constant 0 : i32
          %dma_start3A_740 = arith.constant 0 : i32
          %dma_start3A_741 = tpu.memref_slice %arg34[%dma_start3A, %dma_start3A_740] : memref<4608x128xf32, #tpu.memory_space<vmem_shared>> -> memref<4608x128xf32, #tpu.memory_space<vmem_shared>>
          tpu.enqueue_indirect_dma source(%arg16 : memref<64x128xf32, #tpu.memory_space<vmem>>) target(%dma_start3A_741 : memref<4608x128xf32, #tpu.memory_space<vmem_shared>>) offsets(%arg27 : memref<64xi32, #tpu.memory_space<vmem>>) semaphore(%arg39 : memref<!tpu.dma_semaphore, #tpu.memory_space<semaphore_mem>>) {add = true}
          %parallel_loop3A = arith.constant 0 : i32
          %parallel_loop3A_742 = arith.constant 64 : i32
          %parallel_loop3A_743 = arith.constant 1 : i32
          scf.for %parallel_loop3A_747 = %parallel_loop3A to %parallel_loop3A_742 step %parallel_loop3A_743  : i32 {
            %parallel_loop3A_748 = arith.index_cast %parallel_loop3A_747 : i32 to index
            %parallel_loop3A_749 = arith.constant 0 : index
            %parallel_loop3A_750 = tpu.vector_load %arg19[%parallel_loop3A_748, %parallel_loop3A_749] {strides = array<i32>} : memref<64x128xf32, #tpu.memory_space<vmem>>, vector<16xf32>,
            %parallel_loop3A_751 = arith.index_cast %parallel_loop3A_747 : i32 to index
            %parallel_loop3A_752 = arith.constant 0 : index
            %parallel_loop3A_753 = tpu.vector_load %arg18[%parallel_loop3A_751, %parallel_loop3A_752] {strides = array<i32>} : memref<64x128xf32, #tpu.memory_space<vmem>>, vector<16xf32>,
            %parallel_loop3A_754 = arith.addf %parallel_loop3A_750, %parallel_loop3A_753 : vector<16xf32>
            %parallel_loop3A_755 = arith.constant 0.000000e+00 : f32
            %parallel_loop3A_756 = vector.broadcast %parallel_loop3A_755 : f32 to vector<16xf32>
            %parallel_loop3A_757 = arith.subf %parallel_loop3A_756, %parallel_loop3A_754 : vector<16xf32>
            %parallel_loop3A_758 = math.exp %parallel_loop3A_757 : vector<16xf32>
            %parallel_loop3A_759 = arith.constant 1.000000e+00 : f32
            %parallel_loop3A_760 = vector.broadcast %parallel_loop3A_759 : f32 to vector<16xf32>
            %parallel_loop3A_761 = arith.addf %parallel_loop3A_760, %parallel_loop3A_758 : vector<16xf32>
            %parallel_loop3A_762 = arith.constant 1.000000e+00 : f32
            %parallel_loop3A_763 = vector.broadcast %parallel_loop3A_762 : f32 to vector<16xf32>
            %parallel_loop3A_764 = arith.divf %parallel_loop3A_763, %parallel_loop3A_761 : vector<16xf32>
            %parallel_loop3A_765 = arith.index_cast %parallel_loop3A_747 : i32 to index
            %parallel_loop3A_766 = arith.constant 0 : index
            %parallel_loop3A_767 = tpu.vector_load %arg17[%parallel_loop3A_765, %parallel_loop3A_766] {strides = array<i32>} : memref<64x128xf32, #tpu.memory_space<vmem>>, vector<16xf32>,
            %parallel_loop3A_768 = arith.mulf %parallel_loop3A_767, %parallel_loop3A_764 : vector<16xf32>
            %parallel_loop3A_769 = arith.index_cast %parallel_loop3A_747 : i32 to index
            %parallel_loop3A_770 = arith.constant 0 : index
            %parallel_loop3A_771 = tpu.vector_load %arg19[%parallel_loop3A_769, %parallel_loop3A_770] {strides = array<i32>} : memref<64x128xf32, #tpu.memory_space<vmem>>, vector<16xf32>,
            tpu.vector_store %arg19[%parallel_loop3A_769, %parallel_loop3A_770], %parallel_loop3A_768 {strides = array<i32>} : memref<64x128xf32, #tpu.memory_space<vmem>>, vector<16xf32>,
            %parallel_loop3A_772 = arith.index_cast %parallel_loop3A_747 : i32 to index
            %parallel_loop3A_773 = arith.constant 16 : index
            %parallel_loop3A_774 = tpu.vector_load %arg19[%parallel_loop3A_772, %parallel_loop3A_773] {strides = array<i32>} : memref<64x128xf32, #tpu.memory_space<vmem>>, vector<16xf32>,
            %parallel_loop3A_775 = arith.index_cast %parallel_loop3A_747 : i32 to index
            %parallel_loop3A_776 = arith.constant 16 : index
            %parallel_loop3A_777 = tpu.vector_load %arg18[%parallel_loop3A_775, %parallel_loop3A_776] {strides = array<i32>} : memref<64x128xf32, #tpu.memory_space<vmem>>, vector<16xf32>,
            %parallel_loop3A_778 = arith.addf %parallel_loop3A_774, %parallel_loop3A_777 : vector<16xf32>
            %parallel_loop3A_779 = arith.constant 0.000000e+00 : f32
            %parallel_loop3A_780 = vector.broadcast %parallel_loop3A_779 : f32 to vector<16xf32>
            %parallel_loop3A_781 = arith.subf %parallel_loop3A_780, %parallel_loop3A_778 : vector<16xf32>
            %parallel_loop3A_782 = math.exp %parallel_loop3A_781 : vector<16xf32>
            %parallel_loop3A_783 = arith.constant 1.000000e+00 : f32
            %parallel_loop3A_784 = vector.broadcast %parallel_loop3A_783 : f32 to vector<16xf32>
            %parallel_loop3A_785 = arith.addf %parallel_loop3A_784, %parallel_loop3A_782 : vector<16xf32>
            %parallel_loop3A_786 = arith.constant 1.000000e+00 : f32
            %parallel_loop3A_787 = vector.broadcast %parallel_loop3A_786 : f32 to vector<16xf32>
            %parallel_loop3A_788 = arith.divf %parallel_loop3A_787, %parallel_loop3A_785 : vector<16xf32>
            %parallel_loop3A_789 = arith.index_cast %parallel_loop3A_747 : i32 to index
            %parallel_loop3A_790 = arith.constant 16 : index
            %parallel_loop3A_791 = tpu.vector_load %arg17[%parallel_loop3A_789, %parallel_loop3A_790] {strides = array<i32>} : memref<64x128xf32, #tpu.memory_space<vmem>>, vector<16xf32>,
            %parallel_loop3A_792 = arith.mulf %parallel_loop3A_791, %parallel_loop3A_788 : vector<16xf32>
            %parallel_loop3A_793 = arith.index_cast %parallel_loop3A_747 : i32 to index
            %parallel_loop3A_794 = arith.constant 16 : index
            %parallel_loop3A_795 = tpu.vector_load %arg19[%parallel_loop3A_793, %parallel_loop3A_794] {strides = array<i32>} : memref<64x128xf32, #tpu.memory_space<vmem>>, vector<16xf32>,
            tpu.vector_store %arg19[%parallel_loop3A_793, %parallel_loop3A_794], %parallel_loop3A_792 {strides = array<i32>} : memref<64x128xf32, #tpu.memory_space<vmem>>, vector<16xf32>,
            %parallel_loop3A_796 = arith.index_cast %parallel_loop3A_747 : i32 to index
            %parallel_loop3A_797 = arith.constant 32 : index
            %parallel_loop3A_798 = tpu.vector_load %arg19[%parallel_loop3A_796, %parallel_loop3A_797] {strides = array<i32>} : memref<64x128xf32, #tpu.memory_space<vmem>>, vector<16xf32>,
            %parallel_loop3A_799 = arith.index_cast %parallel_loop3A_747 : i32 to index
            %parallel_loop3A_800 = arith.constant 32 : index
            %parallel_loop3A_801 = tpu.vector_load %arg18[%parallel_loop3A_799, %parallel_loop3A_800] {strides = array<i32>} : memref<64x128xf32, #tpu.memory_space<vmem>>, vector<16xf32>,
            %parallel_loop3A_802 = arith.addf %parallel_loop3A_798, %parallel_loop3A_801 : vector<16xf32>
            %parallel_loop3A_803 = arith.constant 0.000000e+00 : f32
            %parallel_loop3A_804 = vector.broadcast %parallel_loop3A_803 : f32 to vector<16xf32>
            %parallel_loop3A_805 = arith.subf %parallel_loop3A_804, %parallel_loop3A_802 : vector<16xf32>
            %parallel_loop3A_806 = math.exp %parallel_loop3A_805 : vector<16xf32>
            %parallel_loop3A_807 = arith.constant 1.000000e+00 : f32
            %parallel_loop3A_808 = vector.broadcast %parallel_loop3A_807 : f32 to vector<16xf32>
            %parallel_loop3A_809 = arith.addf %parallel_loop3A_808, %parallel_loop3A_806 : vector<16xf32>
            %parallel_loop3A_810 = arith.constant 1.000000e+00 : f32
            %parallel_loop3A_811 = vector.broadcast %parallel_loop3A_810 : f32 to vector<16xf32>
            %parallel_loop3A_812 = arith.divf %parallel_loop3A_811, %parallel_loop3A_809 : vector<16xf32>
            %parallel_loop3A_813 = arith.index_cast %parallel_loop3A_747 : i32 to index
            %parallel_loop3A_814 = arith.constant 32 : index
            %parallel_loop3A_815 = tpu.vector_load %arg17[%parallel_loop3A_813, %parallel_loop3A_814] {strides = array<i32>} : memref<64x128xf32, #tpu.memory_space<vmem>>, vector<16xf32>,
            %parallel_loop3A_816 = arith.mulf %parallel_loop3A_815, %parallel_loop3A_812 : vector<16xf32>
            %parallel_loop3A_817 = arith.index_cast %parallel_loop3A_747 : i32 to index
            %parallel_loop3A_818 = arith.constant 32 : index
            %parallel_loop3A_819 = tpu.vector_load %arg19[%parallel_loop3A_817, %parallel_loop3A_818] {strides = array<i32>} : memref<64x128xf32, #tpu.memory_space<vmem>>, vector<16xf32>,
            tpu.vector_store %arg19[%parallel_loop3A_817, %parallel_loop3A_818], %parallel_loop3A_816 {strides = array<i32>} : memref<64x128xf32, #tpu.memory_space<vmem>>, vector<16xf32>,
            %parallel_loop3A_820 = arith.index_cast %parallel_loop3A_747 : i32 to index
            %parallel_loop3A_821 = arith.constant 48 : index
            %parallel_loop3A_822 = tpu.vector_load %arg19[%parallel_loop3A_820, %parallel_loop3A_821] {strides = array<i32>} : memref<64x128xf32, #tpu.memory_space<vmem>>, vector<16xf32>,
            %parallel_loop3A_823 = arith.index_cast %parallel_loop3A_747 : i32 to index
            %parallel_loop3A_824 = arith.constant 48 : index
            %parallel_loop3A_825 = tpu.vector_load %arg18[%parallel_loop3A_823, %parallel_loop3A_824] {strides = array<i32>} : memref<64x128xf32, #tpu.memory_space<vmem>>, vector<16xf32>,
            %parallel_loop3A_826 = arith.addf %parallel_loop3A_822, %parallel_loop3A_825 : vector<16xf32>
            %parallel_loop3A_827 = arith.constant 0.000000e+00 : f32
            %parallel_loop3A_828 = vector.broadcast %parallel_loop3A_827 : f32 to vector<16xf32>
            %parallel_loop3A_829 = arith.subf %parallel_loop3A_828, %parallel_loop3A_826 : vector<16xf32>
            %parallel_loop3A_830 = math.exp %parallel_loop3A_829 : vector<16xf32>
            %parallel_loop3A_831 = arith.constant 1.000000e+00 : f32
            %parallel_loop3A_832 = vector.broadcast %parallel_loop3A_831 : f32 to vector<16xf32>
            %parallel_loop3A_833 = arith.addf %parallel_loop3A_832, %parallel_loop3A_830 : vector<16xf32>
            %parallel_loop3A_834 = arith.constant 1.000000e+00 : f32
            %parallel_loop3A_835 = vector.broadcast %parallel_loop3A_834 : f32 to vector<16xf32>
            %parallel_loop3A_836 = arith.divf %parallel_loop3A_835, %parallel_loop3A_833 : vector<16xf32>
            %parallel_loop3A_837 = arith.index_cast %parallel_loop3A_747 : i32 to index
            %parallel_loop3A_838 = arith.constant 48 : index
            %parallel_loop3A_839 = tpu.vector_load %arg17[%parallel_loop3A_837, %parallel_loop3A_838] {strides = array<i32>} : memref<64x128xf32, #tpu.memory_space<vmem>>, vector<16xf32>,
            %parallel_loop3A_840 = arith.mulf %parallel_loop3A_839, %parallel_loop3A_836 : vector<16xf32>
            %parallel_loop3A_841 = arith.index_cast %parallel_loop3A_747 : i32 to index
            %parallel_loop3A_842 = arith.constant 48 : index
            %parallel_loop3A_843 = tpu.vector_load %arg19[%parallel_loop3A_841, %parallel_loop3A_842] {strides = array<i32>} : memref<64x128xf32, #tpu.memory_space<vmem>>, vector<16xf32>,
            tpu.vector_store %arg19[%parallel_loop3A_841, %parallel_loop3A_842], %parallel_loop3A_840 {strides = array<i32>} : memref<64x128xf32, #tpu.memory_space<vmem>>, vector<16xf32>,
            %parallel_loop3A_844 = arith.index_cast %parallel_loop3A_747 : i32 to index
            %parallel_loop3A_845 = arith.constant 64 : index
            %parallel_loop3A_846 = tpu.vector_load %arg19[%parallel_loop3A_844, %parallel_loop3A_845] {strides = array<i32>} : memref<64x128xf32, #tpu.memory_space<vmem>>, vector<16xf32>,
            %parallel_loop3A_847 = arith.index_cast %parallel_loop3A_747 : i32 to index
            %parallel_loop3A_848 = arith.constant 64 : index
            %parallel_loop3A_849 = tpu.vector_load %arg18[%parallel_loop3A_847, %parallel_loop3A_848] {strides = array<i32>} : memref<64x128xf32, #tpu.memory_space<vmem>>, vector<16xf32>,
            %parallel_loop3A_850 = arith.addf %parallel_loop3A_846, %parallel_loop3A_849 : vector<16xf32>
            %parallel_loop3A_851 = arith.constant 0.000000e+00 : f32
            %parallel_loop3A_852 = vector.broadcast %parallel_loop3A_851 : f32 to vector<16xf32>
            %parallel_loop3A_853 = arith.subf %parallel_loop3A_852, %parallel_loop3A_850 : vector<16xf32>
            %parallel_loop3A_854 = math.exp %parallel_loop3A_853 : vector<16xf32>
            %parallel_loop3A_855 = arith.constant 1.000000e+00 : f32
            %parallel_loop3A_856 = vector.broadcast %parallel_loop3A_855 : f32 to vector<16xf32>
            %parallel_loop3A_857 = arith.addf %parallel_loop3A_856, %parallel_loop3A_854 : vector<16xf32>
            %parallel_loop3A_858 = arith.constant 1.000000e+00 : f32
            %parallel_loop3A_859 = vector.broadcast %parallel_loop3A_858 : f32 to vector<16xf32>
            %parallel_loop3A_860 = arith.divf %parallel_loop3A_859, %parallel_loop3A_857 : vector<16xf32>
            %parallel_loop3A_861 = arith.index_cast %parallel_loop3A_747 : i32 to index
            %parallel_loop3A_862 = arith.constant 64 : index
            %parallel_loop3A_863 = tpu.vector_load %arg17[%parallel_loop3A_861, %parallel_loop3A_862] {strides = array<i32>} : memref<64x128xf32, #tpu.memory_space<vmem>>, vector<16xf32>,
            %parallel_loop3A_864 = arith.mulf %parallel_loop3A_863, %parallel_loop3A_860 : vector<16xf32>
            %parallel_loop3A_865 = arith.index_cast %parallel_loop3A_747 : i32 to index
            %parallel_loop3A_866 = arith.constant 64 : index
            %parallel_loop3A_867 = tpu.vector_load %arg19[%parallel_loop3A_865, %parallel_loop3A_866] {strides = array<i32>} : memref<64x128xf32, #tpu.memory_space<vmem>>, vector<16xf32>,
            tpu.vector_store %arg19[%parallel_loop3A_865, %parallel_loop3A_866], %parallel_loop3A_864 {strides = array<i32>} : memref<64x128xf32, #tpu.memory_space<vmem>>, vector<16xf32>,
            %parallel_loop3A_868 = arith.index_cast %parallel_loop3A_747 : i32 to index
            %parallel_loop3A_869 = arith.constant 80 : index
            %parallel_loop3A_870 = tpu.vector_load %arg19[%parallel_loop3A_868, %parallel_loop3A_869] {strides = array<i32>} : memref<64x128xf32, #tpu.memory_space<vmem>>, vector<16xf32>,
            %parallel_loop3A_871 = arith.index_cast %parallel_loop3A_747 : i32 to index
            %parallel_loop3A_872 = arith.constant 80 : index
            %parallel_loop3A_873 = tpu.vector_load %arg18[%parallel_loop3A_871, %parallel_loop3A_872] {strides = array<i32>} : memref<64x128xf32, #tpu.memory_space<vmem>>, vector<16xf32>,
            %parallel_loop3A_874 = arith.addf %parallel_loop3A_870, %parallel_loop3A_873 : vector<16xf32>
            %parallel_loop3A_875 = arith.constant 0.000000e+00 : f32
            %parallel_loop3A_876 = vector.broadcast %parallel_loop3A_875 : f32 to vector<16xf32>
            %parallel_loop3A_877 = arith.subf %parallel_loop3A_876, %parallel_loop3A_874 : vector<16xf32>
            %parallel_loop3A_878 = math.exp %parallel_loop3A_877 : vector<16xf32>
            %parallel_loop3A_879 = arith.constant 1.000000e+00 : f32
            %parallel_loop3A_880 = vector.broadcast %parallel_loop3A_879 : f32 to vector<16xf32>
            %parallel_loop3A_881 = arith.addf %parallel_loop3A_880, %parallel_loop3A_878 : vector<16xf32>
            %parallel_loop3A_882 = arith.constant 1.000000e+00 : f32
            %parallel_loop3A_883 = vector.broadcast %parallel_loop3A_882 : f32 to vector<16xf32>
            %parallel_loop3A_884 = arith.divf %parallel_loop3A_883, %parallel_loop3A_881 : vector<16xf32>
            %parallel_loop3A_885 = arith.index_cast %parallel_loop3A_747 : i32 to index
            %parallel_loop3A_886 = arith.constant 80 : index
            %parallel_loop3A_887 = tpu.vector_load %arg17[%parallel_loop3A_885, %parallel_loop3A_886] {strides = array<i32>} : memref<64x128xf32, #tpu.memory_space<vmem>>, vector<16xf32>,
            %parallel_loop3A_888 = arith.mulf %parallel_loop3A_887, %parallel_loop3A_884 : vector<16xf32>
            %parallel_loop3A_889 = arith.index_cast %parallel_loop3A_747 : i32 to index
            %parallel_loop3A_890 = arith.constant 80 : index
            %parallel_loop3A_891 = tpu.vector_load %arg19[%parallel_loop3A_889, %parallel_loop3A_890] {strides = array<i32>} : memref<64x128xf32, #tpu.memory_space<vmem>>, vector<16xf32>,
            tpu.vector_store %arg19[%parallel_loop3A_889, %parallel_loop3A_890], %parallel_loop3A_888 {strides = array<i32>} : memref<64x128xf32, #tpu.memory_space<vmem>>, vector<16xf32>,
            %parallel_loop3A_892 = arith.index_cast %parallel_loop3A_747 : i32 to index
            %parallel_loop3A_893 = arith.constant 96 : index
            %parallel_loop3A_894 = tpu.vector_load %arg19[%parallel_loop3A_892, %parallel_loop3A_893] {strides = array<i32>} : memref<64x128xf32, #tpu.memory_space<vmem>>, vector<16xf32>,
            %parallel_loop3A_895 = arith.index_cast %parallel_loop3A_747 : i32 to index
            %parallel_loop3A_896 = arith.constant 96 : index
            %parallel_loop3A_897 = tpu.vector_load %arg18[%parallel_loop3A_895, %parallel_loop3A_896] {strides = array<i32>} : memref<64x128xf32, #tpu.memory_space<vmem>>, vector<16xf32>,
            %parallel_loop3A_898 = arith.addf %parallel_loop3A_894, %parallel_loop3A_897 : vector<16xf32>
            %parallel_loop3A_899 = arith.constant 0.000000e+00 : f32
            %parallel_loop3A_900 = vector.broadcast %parallel_loop3A_899 : f32 to vector<16xf32>
            %parallel_loop3A_901 = arith.subf %parallel_loop3A_900, %parallel_loop3A_898 : vector<16xf32>
            %parallel_loop3A_902 = math.exp %parallel_loop3A_901 : vector<16xf32>
            %parallel_loop3A_903 = arith.constant 1.000000e+00 : f32
            %parallel_loop3A_904 = vector.broadcast %parallel_loop3A_903 : f32 to vector<16xf32>
            %parallel_loop3A_905 = arith.addf %parallel_loop3A_904, %parallel_loop3A_902 : vector<16xf32>
            %parallel_loop3A_906 = arith.constant 1.000000e+00 : f32
            %parallel_loop3A_907 = vector.broadcast %parallel_loop3A_906 : f32 to vector<16xf32>
            %parallel_loop3A_908 = arith.divf %parallel_loop3A_907, %parallel_loop3A_905 : vector<16xf32>
            %parallel_loop3A_909 = arith.index_cast %parallel_loop3A_747 : i32 to index
            %parallel_loop3A_910 = arith.constant 96 : index
            %parallel_loop3A_911 = tpu.vector_load %arg17[%parallel_loop3A_909, %parallel_loop3A_910] {strides = array<i32>} : memref<64x128xf32, #tpu.memory_space<vmem>>, vector<16xf32>,
            %parallel_loop3A_912 = arith.mulf %parallel_loop3A_911, %parallel_loop3A_908 : vector<16xf32>
            %parallel_loop3A_913 = arith.index_cast %parallel_loop3A_747 : i32 to index
            %parallel_loop3A_914 = arith.constant 96 : index
            %parallel_loop3A_915 = tpu.vector_load %arg19[%parallel_loop3A_913, %parallel_loop3A_914] {strides = array<i32>} : memref<64x128xf32, #tpu.memory_space<vmem>>, vector<16xf32>,
            tpu.vector_store %arg19[%parallel_loop3A_913, %parallel_loop3A_914], %parallel_loop3A_912 {strides = array<i32>} : memref<64x128xf32, #tpu.memory_space<vmem>>, vector<16xf32>,
            %parallel_loop3A_916 = arith.index_cast %parallel_loop3A_747 : i32 to index
            %parallel_loop3A_917 = arith.constant 112 : index
            %parallel_loop3A_918 = tpu.vector_load %arg19[%parallel_loop3A_916, %parallel_loop3A_917] {strides = array<i32>} : memref<64x128xf32, #tpu.memory_space<vmem>>, vector<16xf32>,
            %parallel_loop3A_919 = arith.index_cast %parallel_loop3A_747 : i32 to index
            %parallel_loop3A_920 = arith.constant 112 : index
            %parallel_loop3A_921 = tpu.vector_load %arg18[%parallel_loop3A_919, %parallel_loop3A_920] {strides = array<i32>} : memref<64x128xf32, #tpu.memory_space<vmem>>, vector<16xf32>,
            %parallel_loop3A_922 = arith.addf %parallel_loop3A_918, %parallel_loop3A_921 : vector<16xf32>
            %parallel_loop3A_923 = arith.constant 0.000000e+00 : f32
            %parallel_loop3A_924 = vector.broadcast %parallel_loop3A_923 : f32 to vector<16xf32>
            %parallel_loop3A_925 = arith.subf %parallel_loop3A_924, %parallel_loop3A_922 : vector<16xf32>
            %parallel_loop3A_926 = math.exp %parallel_loop3A_925 : vector<16xf32>
            %parallel_loop3A_927 = arith.constant 1.000000e+00 : f32
            %parallel_loop3A_928 = vector.broadcast %parallel_loop3A_927 : f32 to vector<16xf32>
            %parallel_loop3A_929 = arith.addf %parallel_loop3A_928, %parallel_loop3A_926 : vector<16xf32>
            %parallel_loop3A_930 = arith.constant 1.000000e+00 : f32
            %parallel_loop3A_931 = vector.broadcast %parallel_loop3A_930 : f32 to vector<16xf32>
            %parallel_loop3A_932 = arith.divf %parallel_loop3A_931, %parallel_loop3A_929 : vector<16xf32>
            %parallel_loop3A_933 = arith.index_cast %parallel_loop3A_747 : i32 to index
            %parallel_loop3A_934 = arith.constant 112 : index
            %parallel_loop3A_935 = tpu.vector_load %arg17[%parallel_loop3A_933, %parallel_loop3A_934] {strides = array<i32>} : memref<64x128xf32, #tpu.memory_space<vmem>>, vector<16xf32>,
            %parallel_loop3A_936 = arith.mulf %parallel_loop3A_935, %parallel_loop3A_932 : vector<16xf32>
            %parallel_loop3A_937 = arith.index_cast %parallel_loop3A_747 : i32 to index
            %parallel_loop3A_938 = arith.constant 112 : index
            %parallel_loop3A_939 = tpu.vector_load %arg19[%parallel_loop3A_937, %parallel_loop3A_938] {strides = array<i32>} : memref<64x128xf32, #tpu.memory_space<vmem>>, vector<16xf32>,
            tpu.vector_store %arg19[%parallel_loop3A_937, %parallel_loop3A_938], %parallel_loop3A_936 {strides = array<i32>} : memref<64x128xf32, #tpu.memory_space<vmem>>, vector<16xf32>,
          } {sc.loop_unroll_factor = 2 : i64, sc.parallel_access}
          %dma_start3A_744 = arith.constant 0 : i32
          %dma_start3A_745 = arith.constant 0 : i32
          %dma_start3A_746 = tpu.memref_slice %arg34[%dma_start3A_744, %dma_start3A_745] : memref<4608x128xf32, #tpu.memory_space<vmem_shared>> -> memref<4608x128xf32, #tpu.memory_space<vmem_shared>>
          tpu.enqueue_indirect_dma source(%arg19 : memref<64x128xf32, #tpu.memory_space<vmem>>) target(%dma_start3A_746 : memref<4608x128xf32, #tpu.memory_space<vmem_shared>>) offsets(%arg28 : memref<64xi32, #tpu.memory_space<vmem>>) semaphore(%arg40 : memref<!tpu.dma_semaphore, #tpu.memory_space<semaphore_mem>>) {add = true}
        } else {
        }
        %mul3A_715 = arith.constant 2 : i32
        %mul3A_716 = arith.muli %mul3A_715, %while3A_700 : i32
        %add3A_717 = arith.constant 1 : i32
        %add3A_718 = arith.addi %mul3A_716, %add3A_717 : i32
        %add3A_719 = arith.constant 1 : i32
        %add3A_720 = arith.addi %add3A_718, %add3A_719 : i32
        %lt3A_721 = arith.cmpi slt, %add3A_720, %select_n3A_598 : i32
        %convert_element_type3A_722 = arith.extui %lt3A_721 : i1 to i32
        %cond3A_723 = arith.constant 0 : i32
        %cond3A_724 = arith.cmpi ne, %convert_element_type3A_722, %cond3A_723 : i32
        scf.if %cond3A_724 {
          %add3A_729 = arith.constant 1 : i32
          %add3A_730 = arith.addi %add3A_718, %add3A_729 : i32
          %mul3A_731 = arith.constant 64 : i32
          %mul3A_732 = arith.muli %add3A_730, %mul3A_731 : i32
          %ge3A = arith.constant 2 : i32
          %ge3A_733 = arith.cmpi sge, %add3A_730, %ge3A : i32
          %convert_element_type3A_734 = arith.extui %ge3A_733 : i1 to i32
          %cond3A_735 = arith.constant 0 : i32
          %cond3A_736 = arith.cmpi ne, %convert_element_type3A_734, %cond3A_735 : i32
          scf.if %cond3A_736 {
            %dma_wait3A = arith.constant 0 : i32
            %dma_wait3A_754 = arith.constant 0 : i32
            %dma_wait3A_755 = tpu.memref_slice %arg34[%dma_wait3A, %dma_wait3A_754] : memref<4608x128xf32, #tpu.memory_space<vmem_shared>> -> memref<4608x128xf32, #tpu.memory_space<vmem_shared>>
            tpu.wait_indirect_dma semaphore(%arg39 : memref<!tpu.dma_semaphore, #tpu.memory_space<semaphore_mem>>) src(%arg16 : memref<64x128xf32, #tpu.memory_space<vmem>>) dst(%dma_wait3A_755 : memref<4608x128xf32, #tpu.memory_space<vmem_shared>>)
            %dma_wait3A_756 = arith.constant 0 : i32
            %dma_wait3A_757 = arith.constant 0 : i32
            %dma_wait3A_758 = tpu.memref_slice %arg34[%dma_wait3A_756, %dma_wait3A_757] : memref<4608x128xf32, #tpu.memory_space<vmem_shared>> -> memref<4608x128xf32, #tpu.memory_space<vmem_shared>>
            tpu.wait_indirect_dma semaphore(%arg40 : memref<!tpu.dma_semaphore, #tpu.memory_space<semaphore_mem>>) src(%arg19 : memref<64x128xf32, #tpu.memory_space<vmem>>) dst(%dma_wait3A_758 : memref<4608x128xf32, #tpu.memory_space<vmem_shared>>)
          } else {
          }
          %scan3A_737 = arith.constant 0 : i32
          %scan3A_738 = arith.constant 0 : i32
          %scan3A_739 = arith.constant 4 : i32
          %scan3A_740 = arith.addi %scan3A_738, %scan3A_739 : i32
          %scan3A_741 = arith.constant 1 : i32
          scf.for %scan3A_754 = %scan3A_738 to %scan3A_740 step %scan3A_741  : i32 {
            %mul3A_755 = arith.constant 16 : i32
            %mul3A_756 = arith.muli %scan3A_754, %mul3A_755 : i32
            %add3A_757 = arith.addi %mul3A_732, %mul3A_756 : i32
            %add3A_758 = vector.broadcast %add3A_757 : i32 to vector<16xi32>
            %add3A_759 = arith.addi %add3A_758, %iota3A : vector<16xi32>
            %lt3A_760 = vector.broadcast %while3A_570 : i32 to vector<16xi32>
            %lt3A_761 = arith.cmpi slt, %add3A_759, %lt3A_760 : vector<16xi32>
            %get3A = arith.index_cast %add3A_757 : i32 to index
            %get3A_762 = tpu.vector_load %arg14[%get3A] {strides = array<i32>} : memref<10016xi32, #tpu.memory_space<vmem>>, vector<16xi32>,
            %and3A_763 = arith.constant 16383 : i32
            %and3A_764 = vector.broadcast %and3A_763 : i32 to vector<16xi32>
            %and3A_765 = arith.andi %get3A_762, %and3A_764 : vector<16xi32>
            %shift_right_logical3A = arith.constant 14 : i32
            %shift_right_logical3A_766 = vector.broadcast %shift_right_logical3A : i32 to vector<16xi32>
            %shift_right_logical3A_767 = arith.shrui %get3A_762, %shift_right_logical3A_766 : vector<16xi32>
            %and3A_768 = arith.constant 16383 : i32
            %and3A_769 = vector.broadcast %and3A_768 : i32 to vector<16xi32>
            %and3A_770 = arith.andi %shift_right_logical3A_767, %and3A_769 : vector<16xi32>
            %shift_right_logical3A_771 = arith.constant 28 : i32
            %shift_right_logical3A_772 = vector.broadcast %shift_right_logical3A_771 : i32 to vector<16xi32>
            %shift_right_logical3A_773 = arith.shrui %get3A_762, %shift_right_logical3A_772 : vector<16xi32>
            %jit3A_774 = arith.constant 0 : i32
            %broadcast_in_dim3A_775 = vector.broadcast %jit3A_774 : i32 to vector<16xi32>
            %select_n3A_776 = arith.select %lt3A_761, %and3A_765, %broadcast_in_dim3A_775 : vector<16xi1>, vector<16xi32>
            %mul3A_777 = arith.constant 16 : i32
            %mul3A_778 = arith.muli %scan3A_754, %mul3A_777 : i32
            %swap3A_779 = arith.index_cast %mul3A_778 : i32 to index
            %swap3A_780 = tpu.vector_load %arg24[%swap3A_779] {strides = array<i32>} : memref<64xi32, #tpu.memory_space<vmem>>, vector<16xi32>,
            tpu.vector_store %arg24[%swap3A_779], %select_n3A_776 {strides = array<i32>} : memref<64xi32, #tpu.memory_space<vmem>>, vector<16xi32>,
            %mul3A_781 = arith.constant 10000 : i32
            %mul3A_782 = vector.broadcast %mul3A_781 : i32 to vector<16xi32>
            %mul3A_783 = arith.muli %shift_right_logical3A_773, %mul3A_782 : vector<16xi32>
            %add3A_784 = arith.addi %mul3A_783, %and3A_765 : vector<16xi32>
            %jit3A_785 = arith.constant 0 : i32
            %broadcast_in_dim3A_786 = vector.broadcast %jit3A_785 : i32 to vector<16xi32>
            %select_n3A_787 = arith.select %lt3A_761, %add3A_784, %broadcast_in_dim3A_786 : vector<16xi1>, vector<16xi32>
            %mul3A_788 = arith.constant 16 : i32
            %mul3A_789 = arith.muli %scan3A_754, %mul3A_788 : i32
            %swap3A_790 = arith.index_cast %mul3A_789 : i32 to index
            %swap3A_791 = tpu.vector_load %arg25[%swap3A_790] {strides = array<i32>} : memref<64xi32, #tpu.memory_space<vmem>>, vector<16xi32>,
            tpu.vector_store %arg25[%swap3A_790], %select_n3A_787 {strides = array<i32>} : memref<64xi32, #tpu.memory_space<vmem>>, vector<16xi32>,
            %jit3A_792 = arith.constant 0 : i32
            %broadcast_in_dim3A_793 = vector.broadcast %jit3A_792 : i32 to vector<16xi32>
            %select_n3A_794 = arith.select %lt3A_761, %and3A_770, %broadcast_in_dim3A_793 : vector<16xi1>, vector<16xi32>
            %mul3A_795 = arith.constant 16 : i32
            %mul3A_796 = arith.muli %scan3A_754, %mul3A_795 : i32
            %swap3A_797 = arith.index_cast %mul3A_796 : i32 to index
            %swap3A_798 = tpu.vector_load %arg26[%swap3A_797] {strides = array<i32>} : memref<64xi32, #tpu.memory_space<vmem>>, vector<16xi32>,
            tpu.vector_store %arg26[%swap3A_797], %select_n3A_794 {strides = array<i32>} : memref<64xi32, #tpu.memory_space<vmem>>, vector<16xi32>,
            %sub3A_799 = vector.broadcast %mul3A_553 : i32 to vector<16xi32>
            %sub3A_800 = arith.subi %and3A_770, %sub3A_799 : vector<16xi32>
            %add3A_801 = arith.constant 1 : i32
            %add3A_802 = vector.broadcast %add3A_801 : i32 to vector<16xi32>
            %add3A_803 = arith.addi %shift_right_logical3A_773, %add3A_802 : vector<16xi32>
            %mul3A_804 = arith.constant 512 : i32
            %mul3A_805 = vector.broadcast %mul3A_804 : i32 to vector<16xi32>
            %mul3A_806 = arith.muli %add3A_803, %mul3A_805 : vector<16xi32>
            %add3A_807 = arith.addi %mul3A_806, %sub3A_800 : vector<16xi32>
            %broadcast_in_dim3A_808 = vector.broadcast %add3A_600 : i32 to vector<16xi32>
            %select_n3A_809 = arith.select %lt3A_761, %add3A_807, %broadcast_in_dim3A_808 : vector<16xi1>, vector<16xi32>
            %mul3A_810 = arith.constant 16 : i32
            %mul3A_811 = arith.muli %scan3A_754, %mul3A_810 : i32
            %swap3A_812 = arith.index_cast %mul3A_811 : i32 to index
            %swap3A_813 = tpu.vector_load %arg27[%swap3A_812] {strides = array<i32>} : memref<64xi32, #tpu.memory_space<vmem>>, vector<16xi32>,
            tpu.vector_store %arg27[%swap3A_812], %select_n3A_809 {strides = array<i32>} : memref<64xi32, #tpu.memory_space<vmem>>, vector<16xi32>,
            %broadcast_in_dim3A_814 = vector.broadcast %add3A_600 : i32 to vector<16xi32>
            %select_n3A_815 = arith.select %lt3A_761, %sub3A_800, %broadcast_in_dim3A_814 : vector<16xi1>, vector<16xi32>
            %mul3A_816 = arith.constant 16 : i32
            %mul3A_817 = arith.muli %scan3A_754, %mul3A_816 : i32
            %swap3A_818 = arith.index_cast %mul3A_817 : i32 to index
            %swap3A_819 = tpu.vector_load %arg28[%swap3A_818] {strides = array<i32>} : memref<64xi32, #tpu.memory_space<vmem>>, vector<16xi32>,
            tpu.vector_store %arg28[%swap3A_818], %select_n3A_815 {strides = array<i32>} : memref<64xi32, #tpu.memory_space<vmem>>, vector<16xi32>,
          }
          %scan3A_742 = arith.constant 4 : i32
          %dma_start3A = arith.constant 0 : i32
          %dma_start3A_743 = arith.constant 0 : i32
          %dma_start3A_744 = tpu.memref_slice %arg6[%dma_start3A, %dma_start3A_743] : memref<10000x128xf32, #tpu.memory_space<hbm>> -> memref<10000x128xf32, #tpu.memory_space<hbm>>
          tpu.enqueue_indirect_dma source(%dma_start3A_744 : memref<10000x128xf32, #tpu.memory_space<hbm>>) target(%arg16 : memref<64x128xf32, #tpu.memory_space<vmem>>) offsets(%arg24 : memref<64xi32, #tpu.memory_space<vmem>>) semaphore(%arg35 : memref<!tpu.dma_semaphore, #tpu.memory_space<semaphore_mem>>)
          %dma_start3A_745 = arith.constant 0 : i32
          %dma_start3A_746 = arith.constant 0 : i32
          %dma_start3A_747 = tpu.memref_slice %arg7[%dma_start3A_745, %dma_start3A_746] : memref<10000x128xf32, #tpu.memory_space<hbm>> -> memref<10000x128xf32, #tpu.memory_space<hbm>>
          tpu.enqueue_indirect_dma source(%dma_start3A_747 : memref<10000x128xf32, #tpu.memory_space<hbm>>) target(%arg17 : memref<64x128xf32, #tpu.memory_space<vmem>>) offsets(%arg24 : memref<64xi32, #tpu.memory_space<vmem>>) semaphore(%arg36 : memref<!tpu.dma_semaphore, #tpu.memory_space<semaphore_mem>>)
          %dma_start3A_748 = arith.constant 0 : i32
          %dma_start3A_749 = arith.constant 0 : i32
          %dma_start3A_750 = tpu.memref_slice %arg8[%dma_start3A_748, %dma_start3A_749] : memref<70000x128xf32, #tpu.memory_space<hbm>> -> memref<70000x128xf32, #tpu.memory_space<hbm>>
          tpu.enqueue_indirect_dma source(%dma_start3A_750 : memref<70000x128xf32, #tpu.memory_space<hbm>>) target(%arg18 : memref<64x128xf32, #tpu.memory_space<vmem>>) offsets(%arg25 : memref<64xi32, #tpu.memory_space<vmem>>) semaphore(%arg37 : memref<!tpu.dma_semaphore, #tpu.memory_space<semaphore_mem>>)
          %dma_start3A_751 = arith.constant 0 : i32
          %dma_start3A_752 = arith.constant 0 : i32
          %dma_start3A_753 = tpu.memref_slice %arg9[%dma_start3A_751, %dma_start3A_752] : memref<10000x128xf32, #tpu.memory_space<hbm>> -> memref<10000x128xf32, #tpu.memory_space<hbm>>
          tpu.enqueue_indirect_dma source(%dma_start3A_753 : memref<10000x128xf32, #tpu.memory_space<hbm>>) target(%arg19 : memref<64x128xf32, #tpu.memory_space<vmem>>) offsets(%arg26 : memref<64xi32, #tpu.memory_space<vmem>>) semaphore(%arg38 : memref<!tpu.dma_semaphore, #tpu.memory_space<semaphore_mem>>)
        } else {
        }
        %lt3A_725 = arith.cmpi slt, %add3A_718, %select_n3A_598 : i32
        %convert_element_type3A_726 = arith.extui %lt3A_725 : i1 to i32
        %cond3A_727 = arith.constant 0 : i32
        %cond3A_728 = arith.cmpi ne, %convert_element_type3A_726, %cond3A_727 : i32
        scf.if %cond3A_728 {
          %dma_wait3A = arith.constant 0 : i32
          %dma_wait3A_729 = arith.constant 0 : i32
          %dma_wait3A_730 = tpu.memref_slice %arg6[%dma_wait3A, %dma_wait3A_729] : memref<10000x128xf32, #tpu.memory_space<hbm>> -> memref<10000x128xf32, #tpu.memory_space<hbm>>
          tpu.wait_indirect_dma semaphore(%arg41 : memref<!tpu.dma_semaphore, #tpu.memory_space<semaphore_mem>>) src(%dma_wait3A_730 : memref<10000x128xf32, #tpu.memory_space<hbm>>) dst(%arg20 : memref<64x128xf32, #tpu.memory_space<vmem>>)
          %dma_wait3A_731 = arith.constant 0 : i32
          %dma_wait3A_732 = arith.constant 0 : i32
          %dma_wait3A_733 = tpu.memref_slice %arg7[%dma_wait3A_731, %dma_wait3A_732] : memref<10000x128xf32, #tpu.memory_space<hbm>> -> memref<10000x128xf32, #tpu.memory_space<hbm>>
          tpu.wait_indirect_dma semaphore(%arg42 : memref<!tpu.dma_semaphore, #tpu.memory_space<semaphore_mem>>) src(%dma_wait3A_733 : memref<10000x128xf32, #tpu.memory_space<hbm>>) dst(%arg21 : memref<64x128xf32, #tpu.memory_space<vmem>>)
          %dma_wait3A_734 = arith.constant 0 : i32
          %dma_wait3A_735 = arith.constant 0 : i32
          %dma_wait3A_736 = tpu.memref_slice %arg8[%dma_wait3A_734, %dma_wait3A_735] : memref<70000x128xf32, #tpu.memory_space<hbm>> -> memref<70000x128xf32, #tpu.memory_space<hbm>>
          tpu.wait_indirect_dma semaphore(%arg43 : memref<!tpu.dma_semaphore, #tpu.memory_space<semaphore_mem>>) src(%dma_wait3A_736 : memref<70000x128xf32, #tpu.memory_space<hbm>>) dst(%arg22 : memref<64x128xf32, #tpu.memory_space<vmem>>)
          %dma_wait3A_737 = arith.constant 0 : i32
          %dma_wait3A_738 = arith.constant 0 : i32
          %dma_wait3A_739 = tpu.memref_slice %arg9[%dma_wait3A_737, %dma_wait3A_738] : memref<10000x128xf32, #tpu.memory_space<hbm>> -> memref<10000x128xf32, #tpu.memory_space<hbm>>
          tpu.wait_indirect_dma semaphore(%arg44 : memref<!tpu.dma_semaphore, #tpu.memory_space<semaphore_mem>>) src(%dma_wait3A_739 : memref<10000x128xf32, #tpu.memory_space<hbm>>) dst(%arg23 : memref<64x128xf32, #tpu.memory_space<vmem>>)
          %dma_start3A = arith.constant 0 : i32
          %dma_start3A_740 = arith.constant 0 : i32
          %dma_start3A_741 = tpu.memref_slice %arg34[%dma_start3A, %dma_start3A_740] : memref<4608x128xf32, #tpu.memory_space<vmem_shared>> -> memref<4608x128xf32, #tpu.memory_space<vmem_shared>>
          tpu.enqueue_indirect_dma source(%arg20 : memref<64x128xf32, #tpu.memory_space<vmem>>) target(%dma_start3A_741 : memref<4608x128xf32, #tpu.memory_space<vmem_shared>>) offsets(%arg32 : memref<64xi32, #tpu.memory_space<vmem>>) semaphore(%arg45 : memref<!tpu.dma_semaphore, #tpu.memory_space<semaphore_mem>>) {add = true}
          %parallel_loop3A = arith.constant 0 : i32
          %parallel_loop3A_742 = arith.constant 64 : i32
          %parallel_loop3A_743 = arith.constant 1 : i32
          scf.for %parallel_loop3A_747 = %parallel_loop3A to %parallel_loop3A_742 step %parallel_loop3A_743  : i32 {
            %parallel_loop3A_748 = arith.index_cast %parallel_loop3A_747 : i32 to index
            %parallel_loop3A_749 = arith.constant 0 : index
            %parallel_loop3A_750 = tpu.vector_load %arg23[%parallel_loop3A_748, %parallel_loop3A_749] {strides = array<i32>} : memref<64x128xf32, #tpu.memory_space<vmem>>, vector<16xf32>,
            %parallel_loop3A_751 = arith.index_cast %parallel_loop3A_747 : i32 to index
            %parallel_loop3A_752 = arith.constant 0 : index
            %parallel_loop3A_753 = tpu.vector_load %arg22[%parallel_loop3A_751, %parallel_loop3A_752] {strides = array<i32>} : memref<64x128xf32, #tpu.memory_space<vmem>>, vector<16xf32>,
            %parallel_loop3A_754 = arith.addf %parallel_loop3A_750, %parallel_loop3A_753 : vector<16xf32>
            %parallel_loop3A_755 = arith.constant 0.000000e+00 : f32
            %parallel_loop3A_756 = vector.broadcast %parallel_loop3A_755 : f32 to vector<16xf32>
            %parallel_loop3A_757 = arith.subf %parallel_loop3A_756, %parallel_loop3A_754 : vector<16xf32>
            %parallel_loop3A_758 = math.exp %parallel_loop3A_757 : vector<16xf32>
            %parallel_loop3A_759 = arith.constant 1.000000e+00 : f32
            %parallel_loop3A_760 = vector.broadcast %parallel_loop3A_759 : f32 to vector<16xf32>
            %parallel_loop3A_761 = arith.addf %parallel_loop3A_760, %parallel_loop3A_758 : vector<16xf32>
            %parallel_loop3A_762 = arith.constant 1.000000e+00 : f32
            %parallel_loop3A_763 = vector.broadcast %parallel_loop3A_762 : f32 to vector<16xf32>
            %parallel_loop3A_764 = arith.divf %parallel_loop3A_763, %parallel_loop3A_761 : vector<16xf32>
            %parallel_loop3A_765 = arith.index_cast %parallel_loop3A_747 : i32 to index
            %parallel_loop3A_766 = arith.constant 0 : index
            %parallel_loop3A_767 = tpu.vector_load %arg21[%parallel_loop3A_765, %parallel_loop3A_766] {strides = array<i32>} : memref<64x128xf32, #tpu.memory_space<vmem>>, vector<16xf32>,
            %parallel_loop3A_768 = arith.mulf %parallel_loop3A_767, %parallel_loop3A_764 : vector<16xf32>
            %parallel_loop3A_769 = arith.index_cast %parallel_loop3A_747 : i32 to index
            %parallel_loop3A_770 = arith.constant 0 : index
            %parallel_loop3A_771 = tpu.vector_load %arg23[%parallel_loop3A_769, %parallel_loop3A_770] {strides = array<i32>} : memref<64x128xf32, #tpu.memory_space<vmem>>, vector<16xf32>,
            tpu.vector_store %arg23[%parallel_loop3A_769, %parallel_loop3A_770], %parallel_loop3A_768 {strides = array<i32>} : memref<64x128xf32, #tpu.memory_space<vmem>>, vector<16xf32>,
            %parallel_loop3A_772 = arith.index_cast %parallel_loop3A_747 : i32 to index
            %parallel_loop3A_773 = arith.constant 16 : index
            %parallel_loop3A_774 = tpu.vector_load %arg23[%parallel_loop3A_772, %parallel_loop3A_773] {strides = array<i32>} : memref<64x128xf32, #tpu.memory_space<vmem>>, vector<16xf32>,
            %parallel_loop3A_775 = arith.index_cast %parallel_loop3A_747 : i32 to index
            %parallel_loop3A_776 = arith.constant 16 : index
            %parallel_loop3A_777 = tpu.vector_load %arg22[%parallel_loop3A_775, %parallel_loop3A_776] {strides = array<i32>} : memref<64x128xf32, #tpu.memory_space<vmem>>, vector<16xf32>,
            %parallel_loop3A_778 = arith.addf %parallel_loop3A_774, %parallel_loop3A_777 : vector<16xf32>
            %parallel_loop3A_779 = arith.constant 0.000000e+00 : f32
            %parallel_loop3A_780 = vector.broadcast %parallel_loop3A_779 : f32 to vector<16xf32>
            %parallel_loop3A_781 = arith.subf %parallel_loop3A_780, %parallel_loop3A_778 : vector<16xf32>
            %parallel_loop3A_782 = math.exp %parallel_loop3A_781 : vector<16xf32>
            %parallel_loop3A_783 = arith.constant 1.000000e+00 : f32
            %parallel_loop3A_784 = vector.broadcast %parallel_loop3A_783 : f32 to vector<16xf32>
            %parallel_loop3A_785 = arith.addf %parallel_loop3A_784, %parallel_loop3A_782 : vector<16xf32>
            %parallel_loop3A_786 = arith.constant 1.000000e+00 : f32
            %parallel_loop3A_787 = vector.broadcast %parallel_loop3A_786 : f32 to vector<16xf32>
            %parallel_loop3A_788 = arith.divf %parallel_loop3A_787, %parallel_loop3A_785 : vector<16xf32>
            %parallel_loop3A_789 = arith.index_cast %parallel_loop3A_747 : i32 to index
            %parallel_loop3A_790 = arith.constant 16 : index
            %parallel_loop3A_791 = tpu.vector_load %arg21[%parallel_loop3A_789, %parallel_loop3A_790] {strides = array<i32>} : memref<64x128xf32, #tpu.memory_space<vmem>>, vector<16xf32>,
            %parallel_loop3A_792 = arith.mulf %parallel_loop3A_791, %parallel_loop3A_788 : vector<16xf32>
            %parallel_loop3A_793 = arith.index_cast %parallel_loop3A_747 : i32 to index
            %parallel_loop3A_794 = arith.constant 16 : index
            %parallel_loop3A_795 = tpu.vector_load %arg23[%parallel_loop3A_793, %parallel_loop3A_794] {strides = array<i32>} : memref<64x128xf32, #tpu.memory_space<vmem>>, vector<16xf32>,
            tpu.vector_store %arg23[%parallel_loop3A_793, %parallel_loop3A_794], %parallel_loop3A_792 {strides = array<i32>} : memref<64x128xf32, #tpu.memory_space<vmem>>, vector<16xf32>,
            %parallel_loop3A_796 = arith.index_cast %parallel_loop3A_747 : i32 to index
            %parallel_loop3A_797 = arith.constant 32 : index
            %parallel_loop3A_798 = tpu.vector_load %arg23[%parallel_loop3A_796, %parallel_loop3A_797] {strides = array<i32>} : memref<64x128xf32, #tpu.memory_space<vmem>>, vector<16xf32>,
            %parallel_loop3A_799 = arith.index_cast %parallel_loop3A_747 : i32 to index
            %parallel_loop3A_800 = arith.constant 32 : index
            %parallel_loop3A_801 = tpu.vector_load %arg22[%parallel_loop3A_799, %parallel_loop3A_800] {strides = array<i32>} : memref<64x128xf32, #tpu.memory_space<vmem>>, vector<16xf32>,
            %parallel_loop3A_802 = arith.addf %parallel_loop3A_798, %parallel_loop3A_801 : vector<16xf32>
            %parallel_loop3A_803 = arith.constant 0.000000e+00 : f32
            %parallel_loop3A_804 = vector.broadcast %parallel_loop3A_803 : f32 to vector<16xf32>
            %parallel_loop3A_805 = arith.subf %parallel_loop3A_804, %parallel_loop3A_802 : vector<16xf32>
            %parallel_loop3A_806 = math.exp %parallel_loop3A_805 : vector<16xf32>
            %parallel_loop3A_807 = arith.constant 1.000000e+00 : f32
            %parallel_loop3A_808 = vector.broadcast %parallel_loop3A_807 : f32 to vector<16xf32>
            %parallel_loop3A_809 = arith.addf %parallel_loop3A_808, %parallel_loop3A_806 : vector<16xf32>
            %parallel_loop3A_810 = arith.constant 1.000000e+00 : f32
            %parallel_loop3A_811 = vector.broadcast %parallel_loop3A_810 : f32 to vector<16xf32>
            %parallel_loop3A_812 = arith.divf %parallel_loop3A_811, %parallel_loop3A_809 : vector<16xf32>
            %parallel_loop3A_813 = arith.index_cast %parallel_loop3A_747 : i32 to index
            %parallel_loop3A_814 = arith.constant 32 : index
            %parallel_loop3A_815 = tpu.vector_load %arg21[%parallel_loop3A_813, %parallel_loop3A_814] {strides = array<i32>} : memref<64x128xf32, #tpu.memory_space<vmem>>, vector<16xf32>,
            %parallel_loop3A_816 = arith.mulf %parallel_loop3A_815, %parallel_loop3A_812 : vector<16xf32>
            %parallel_loop3A_817 = arith.index_cast %parallel_loop3A_747 : i32 to index
            %parallel_loop3A_818 = arith.constant 32 : index
            %parallel_loop3A_819 = tpu.vector_load %arg23[%parallel_loop3A_817, %parallel_loop3A_818] {strides = array<i32>} : memref<64x128xf32, #tpu.memory_space<vmem>>, vector<16xf32>,
            tpu.vector_store %arg23[%parallel_loop3A_817, %parallel_loop3A_818], %parallel_loop3A_816 {strides = array<i32>} : memref<64x128xf32, #tpu.memory_space<vmem>>, vector<16xf32>,
            %parallel_loop3A_820 = arith.index_cast %parallel_loop3A_747 : i32 to index
            %parallel_loop3A_821 = arith.constant 48 : index
            %parallel_loop3A_822 = tpu.vector_load %arg23[%parallel_loop3A_820, %parallel_loop3A_821] {strides = array<i32>} : memref<64x128xf32, #tpu.memory_space<vmem>>, vector<16xf32>,
            %parallel_loop3A_823 = arith.index_cast %parallel_loop3A_747 : i32 to index
            %parallel_loop3A_824 = arith.constant 48 : index
            %parallel_loop3A_825 = tpu.vector_load %arg22[%parallel_loop3A_823, %parallel_loop3A_824] {strides = array<i32>} : memref<64x128xf32, #tpu.memory_space<vmem>>, vector<16xf32>,
            %parallel_loop3A_826 = arith.addf %parallel_loop3A_822, %parallel_loop3A_825 : vector<16xf32>
            %parallel_loop3A_827 = arith.constant 0.000000e+00 : f32
            %parallel_loop3A_828 = vector.broadcast %parallel_loop3A_827 : f32 to vector<16xf32>
            %parallel_loop3A_829 = arith.subf %parallel_loop3A_828, %parallel_loop3A_826 : vector<16xf32>
            %parallel_loop3A_830 = math.exp %parallel_loop3A_829 : vector<16xf32>
            %parallel_loop3A_831 = arith.constant 1.000000e+00 : f32
            %parallel_loop3A_832 = vector.broadcast %parallel_loop3A_831 : f32 to vector<16xf32>
            %parallel_loop3A_833 = arith.addf %parallel_loop3A_832, %parallel_loop3A_830 : vector<16xf32>
            %parallel_loop3A_834 = arith.constant 1.000000e+00 : f32
            %parallel_loop3A_835 = vector.broadcast %parallel_loop3A_834 : f32 to vector<16xf32>
            %parallel_loop3A_836 = arith.divf %parallel_loop3A_835, %parallel_loop3A_833 : vector<16xf32>
            %parallel_loop3A_837 = arith.index_cast %parallel_loop3A_747 : i32 to index
            %parallel_loop3A_838 = arith.constant 48 : index
            %parallel_loop3A_839 = tpu.vector_load %arg21[%parallel_loop3A_837, %parallel_loop3A_838] {strides = array<i32>} : memref<64x128xf32, #tpu.memory_space<vmem>>, vector<16xf32>,
            %parallel_loop3A_840 = arith.mulf %parallel_loop3A_839, %parallel_loop3A_836 : vector<16xf32>
            %parallel_loop3A_841 = arith.index_cast %parallel_loop3A_747 : i32 to index
            %parallel_loop3A_842 = arith.constant 48 : index
            %parallel_loop3A_843 = tpu.vector_load %arg23[%parallel_loop3A_841, %parallel_loop3A_842] {strides = array<i32>} : memref<64x128xf32, #tpu.memory_space<vmem>>, vector<16xf32>,
            tpu.vector_store %arg23[%parallel_loop3A_841, %parallel_loop3A_842], %parallel_loop3A_840 {strides = array<i32>} : memref<64x128xf32, #tpu.memory_space<vmem>>, vector<16xf32>,
            %parallel_loop3A_844 = arith.index_cast %parallel_loop3A_747 : i32 to index
            %parallel_loop3A_845 = arith.constant 64 : index
            %parallel_loop3A_846 = tpu.vector_load %arg23[%parallel_loop3A_844, %parallel_loop3A_845] {strides = array<i32>} : memref<64x128xf32, #tpu.memory_space<vmem>>, vector<16xf32>,
            %parallel_loop3A_847 = arith.index_cast %parallel_loop3A_747 : i32 to index
            %parallel_loop3A_848 = arith.constant 64 : index
            %parallel_loop3A_849 = tpu.vector_load %arg22[%parallel_loop3A_847, %parallel_loop3A_848] {strides = array<i32>} : memref<64x128xf32, #tpu.memory_space<vmem>>, vector<16xf32>,
            %parallel_loop3A_850 = arith.addf %parallel_loop3A_846, %parallel_loop3A_849 : vector<16xf32>
            %parallel_loop3A_851 = arith.constant 0.000000e+00 : f32
            %parallel_loop3A_852 = vector.broadcast %parallel_loop3A_851 : f32 to vector<16xf32>
            %parallel_loop3A_853 = arith.subf %parallel_loop3A_852, %parallel_loop3A_850 : vector<16xf32>
            %parallel_loop3A_854 = math.exp %parallel_loop3A_853 : vector<16xf32>
            %parallel_loop3A_855 = arith.constant 1.000000e+00 : f32
            %parallel_loop3A_856 = vector.broadcast %parallel_loop3A_855 : f32 to vector<16xf32>
            %parallel_loop3A_857 = arith.addf %parallel_loop3A_856, %parallel_loop3A_854 : vector<16xf32>
            %parallel_loop3A_858 = arith.constant 1.000000e+00 : f32
            %parallel_loop3A_859 = vector.broadcast %parallel_loop3A_858 : f32 to vector<16xf32>
            %parallel_loop3A_860 = arith.divf %parallel_loop3A_859, %parallel_loop3A_857 : vector<16xf32>
            %parallel_loop3A_861 = arith.index_cast %parallel_loop3A_747 : i32 to index
            %parallel_loop3A_862 = arith.constant 64 : index
            %parallel_loop3A_863 = tpu.vector_load %arg21[%parallel_loop3A_861, %parallel_loop3A_862] {strides = array<i32>} : memref<64x128xf32, #tpu.memory_space<vmem>>, vector<16xf32>,
            %parallel_loop3A_864 = arith.mulf %parallel_loop3A_863, %parallel_loop3A_860 : vector<16xf32>
            %parallel_loop3A_865 = arith.index_cast %parallel_loop3A_747 : i32 to index
            %parallel_loop3A_866 = arith.constant 64 : index
            %parallel_loop3A_867 = tpu.vector_load %arg23[%parallel_loop3A_865, %parallel_loop3A_866] {strides = array<i32>} : memref<64x128xf32, #tpu.memory_space<vmem>>, vector<16xf32>,
            tpu.vector_store %arg23[%parallel_loop3A_865, %parallel_loop3A_866], %parallel_loop3A_864 {strides = array<i32>} : memref<64x128xf32, #tpu.memory_space<vmem>>, vector<16xf32>,
            %parallel_loop3A_868 = arith.index_cast %parallel_loop3A_747 : i32 to index
            %parallel_loop3A_869 = arith.constant 80 : index
            %parallel_loop3A_870 = tpu.vector_load %arg23[%parallel_loop3A_868, %parallel_loop3A_869] {strides = array<i32>} : memref<64x128xf32, #tpu.memory_space<vmem>>, vector<16xf32>,
            %parallel_loop3A_871 = arith.index_cast %parallel_loop3A_747 : i32 to index
            %parallel_loop3A_872 = arith.constant 80 : index
            %parallel_loop3A_873 = tpu.vector_load %arg22[%parallel_loop3A_871, %parallel_loop3A_872] {strides = array<i32>} : memref<64x128xf32, #tpu.memory_space<vmem>>, vector<16xf32>,
            %parallel_loop3A_874 = arith.addf %parallel_loop3A_870, %parallel_loop3A_873 : vector<16xf32>
            %parallel_loop3A_875 = arith.constant 0.000000e+00 : f32
            %parallel_loop3A_876 = vector.broadcast %parallel_loop3A_875 : f32 to vector<16xf32>
            %parallel_loop3A_877 = arith.subf %parallel_loop3A_876, %parallel_loop3A_874 : vector<16xf32>
            %parallel_loop3A_878 = math.exp %parallel_loop3A_877 : vector<16xf32>
            %parallel_loop3A_879 = arith.constant 1.000000e+00 : f32
            %parallel_loop3A_880 = vector.broadcast %parallel_loop3A_879 : f32 to vector<16xf32>
            %parallel_loop3A_881 = arith.addf %parallel_loop3A_880, %parallel_loop3A_878 : vector<16xf32>
            %parallel_loop3A_882 = arith.constant 1.000000e+00 : f32
            %parallel_loop3A_883 = vector.broadcast %parallel_loop3A_882 : f32 to vector<16xf32>
            %parallel_loop3A_884 = arith.divf %parallel_loop3A_883, %parallel_loop3A_881 : vector<16xf32>
            %parallel_loop3A_885 = arith.index_cast %parallel_loop3A_747 : i32 to index
            %parallel_loop3A_886 = arith.constant 80 : index
            %parallel_loop3A_887 = tpu.vector_load %arg21[%parallel_loop3A_885, %parallel_loop3A_886] {strides = array<i32>} : memref<64x128xf32, #tpu.memory_space<vmem>>, vector<16xf32>,
            %parallel_loop3A_888 = arith.mulf %parallel_loop3A_887, %parallel_loop3A_884 : vector<16xf32>
            %parallel_loop3A_889 = arith.index_cast %parallel_loop3A_747 : i32 to index
            %parallel_loop3A_890 = arith.constant 80 : index
            %parallel_loop3A_891 = tpu.vector_load %arg23[%parallel_loop3A_889, %parallel_loop3A_890] {strides = array<i32>} : memref<64x128xf32, #tpu.memory_space<vmem>>, vector<16xf32>,
            tpu.vector_store %arg23[%parallel_loop3A_889, %parallel_loop3A_890], %parallel_loop3A_888 {strides = array<i32>} : memref<64x128xf32, #tpu.memory_space<vmem>>, vector<16xf32>,
            %parallel_loop3A_892 = arith.index_cast %parallel_loop3A_747 : i32 to index
            %parallel_loop3A_893 = arith.constant 96 : index
            %parallel_loop3A_894 = tpu.vector_load %arg23[%parallel_loop3A_892, %parallel_loop3A_893] {strides = array<i32>} : memref<64x128xf32, #tpu.memory_space<vmem>>, vector<16xf32>,
            %parallel_loop3A_895 = arith.index_cast %parallel_loop3A_747 : i32 to index
            %parallel_loop3A_896 = arith.constant 96 : index
            %parallel_loop3A_897 = tpu.vector_load %arg22[%parallel_loop3A_895, %parallel_loop3A_896] {strides = array<i32>} : memref<64x128xf32, #tpu.memory_space<vmem>>, vector<16xf32>,
            %parallel_loop3A_898 = arith.addf %parallel_loop3A_894, %parallel_loop3A_897 : vector<16xf32>
            %parallel_loop3A_899 = arith.constant 0.000000e+00 : f32
            %parallel_loop3A_900 = vector.broadcast %parallel_loop3A_899 : f32 to vector<16xf32>
            %parallel_loop3A_901 = arith.subf %parallel_loop3A_900, %parallel_loop3A_898 : vector<16xf32>
            %parallel_loop3A_902 = math.exp %parallel_loop3A_901 : vector<16xf32>
            %parallel_loop3A_903 = arith.constant 1.000000e+00 : f32
            %parallel_loop3A_904 = vector.broadcast %parallel_loop3A_903 : f32 to vector<16xf32>
            %parallel_loop3A_905 = arith.addf %parallel_loop3A_904, %parallel_loop3A_902 : vector<16xf32>
            %parallel_loop3A_906 = arith.constant 1.000000e+00 : f32
            %parallel_loop3A_907 = vector.broadcast %parallel_loop3A_906 : f32 to vector<16xf32>
            %parallel_loop3A_908 = arith.divf %parallel_loop3A_907, %parallel_loop3A_905 : vector<16xf32>
            %parallel_loop3A_909 = arith.index_cast %parallel_loop3A_747 : i32 to index
            %parallel_loop3A_910 = arith.constant 96 : index
            %parallel_loop3A_911 = tpu.vector_load %arg21[%parallel_loop3A_909, %parallel_loop3A_910] {strides = array<i32>} : memref<64x128xf32, #tpu.memory_space<vmem>>, vector<16xf32>,
            %parallel_loop3A_912 = arith.mulf %parallel_loop3A_911, %parallel_loop3A_908 : vector<16xf32>
            %parallel_loop3A_913 = arith.index_cast %parallel_loop3A_747 : i32 to index
            %parallel_loop3A_914 = arith.constant 96 : index
            %parallel_loop3A_915 = tpu.vector_load %arg23[%parallel_loop3A_913, %parallel_loop3A_914] {strides = array<i32>} : memref<64x128xf32, #tpu.memory_space<vmem>>, vector<16xf32>,
            tpu.vector_store %arg23[%parallel_loop3A_913, %parallel_loop3A_914], %parallel_loop3A_912 {strides = array<i32>} : memref<64x128xf32, #tpu.memory_space<vmem>>, vector<16xf32>,
            %parallel_loop3A_916 = arith.index_cast %parallel_loop3A_747 : i32 to index
            %parallel_loop3A_917 = arith.constant 112 : index
            %parallel_loop3A_918 = tpu.vector_load %arg23[%parallel_loop3A_916, %parallel_loop3A_917] {strides = array<i32>} : memref<64x128xf32, #tpu.memory_space<vmem>>, vector<16xf32>,
            %parallel_loop3A_919 = arith.index_cast %parallel_loop3A_747 : i32 to index
            %parallel_loop3A_920 = arith.constant 112 : index
            %parallel_loop3A_921 = tpu.vector_load %arg22[%parallel_loop3A_919, %parallel_loop3A_920] {strides = array<i32>} : memref<64x128xf32, #tpu.memory_space<vmem>>, vector<16xf32>,
            %parallel_loop3A_922 = arith.addf %parallel_loop3A_918, %parallel_loop3A_921 : vector<16xf32>
            %parallel_loop3A_923 = arith.constant 0.000000e+00 : f32
            %parallel_loop3A_924 = vector.broadcast %parallel_loop3A_923 : f32 to vector<16xf32>
            %parallel_loop3A_925 = arith.subf %parallel_loop3A_924, %parallel_loop3A_922 : vector<16xf32>
            %parallel_loop3A_926 = math.exp %parallel_loop3A_925 : vector<16xf32>
            %parallel_loop3A_927 = arith.constant 1.000000e+00 : f32
            %parallel_loop3A_928 = vector.broadcast %parallel_loop3A_927 : f32 to vector<16xf32>
            %parallel_loop3A_929 = arith.addf %parallel_loop3A_928, %parallel_loop3A_926 : vector<16xf32>
            %parallel_loop3A_930 = arith.constant 1.000000e+00 : f32
            %parallel_loop3A_931 = vector.broadcast %parallel_loop3A_930 : f32 to vector<16xf32>
            %parallel_loop3A_932 = arith.divf %parallel_loop3A_931, %parallel_loop3A_929 : vector<16xf32>
            %parallel_loop3A_933 = arith.index_cast %parallel_loop3A_747 : i32 to index
            %parallel_loop3A_934 = arith.constant 112 : index
            %parallel_loop3A_935 = tpu.vector_load %arg21[%parallel_loop3A_933, %parallel_loop3A_934] {strides = array<i32>} : memref<64x128xf32, #tpu.memory_space<vmem>>, vector<16xf32>,
            %parallel_loop3A_936 = arith.mulf %parallel_loop3A_935, %parallel_loop3A_932 : vector<16xf32>
            %parallel_loop3A_937 = arith.index_cast %parallel_loop3A_747 : i32 to index
            %parallel_loop3A_938 = arith.constant 112 : index
            %parallel_loop3A_939 = tpu.vector_load %arg23[%parallel_loop3A_937, %parallel_loop3A_938] {strides = array<i32>} : memref<64x128xf32, #tpu.memory_space<vmem>>, vector<16xf32>,
            tpu.vector_store %arg23[%parallel_loop3A_937, %parallel_loop3A_938], %parallel_loop3A_936 {strides = array<i32>} : memref<64x128xf32, #tpu.memory_space<vmem>>, vector<16xf32>,
          } {sc.loop_unroll_factor = 2 : i64, sc.parallel_access}
          %dma_start3A_744 = arith.constant 0 : i32
          %dma_start3A_745 = arith.constant 0 : i32
          %dma_start3A_746 = tpu.memref_slice %arg34[%dma_start3A_744, %dma_start3A_745] : memref<4608x128xf32, #tpu.memory_space<vmem_shared>> -> memref<4608x128xf32, #tpu.memory_space<vmem_shared>>
          tpu.enqueue_indirect_dma source(%arg23 : memref<64x128xf32, #tpu.memory_space<vmem>>) target(%dma_start3A_746 : memref<4608x128xf32, #tpu.memory_space<vmem_shared>>) offsets(%arg33 : memref<64xi32, #tpu.memory_space<vmem>>) semaphore(%arg46 : memref<!tpu.dma_semaphore, #tpu.memory_space<semaphore_mem>>) {add = true}
        } else {
        }
      }
      %while3A_638 = arith.constant 1 : i32
      scf.for %while3A_700 = %while3A_636 to %while3A_632 step %while3A_638  : i32 {
        %mul3A_701 = arith.constant 2 : i32
        %mul3A_702 = arith.muli %mul3A_701, %while3A_700 : i32
        %add3A_703 = arith.constant 0 : i32
        %add3A_704 = arith.addi %mul3A_702, %add3A_703 : i32
        %add3A_705 = arith.constant 1 : i32
        %add3A_706 = arith.addi %add3A_704, %add3A_705 : i32
        %lt3A_707 = arith.cmpi slt, %add3A_706, %select_n3A_598 : i32
        %convert_element_type3A_708 = arith.extui %lt3A_707 : i1 to i32
        %cond3A_709 = arith.constant 0 : i32
        %cond3A_710 = arith.cmpi ne, %convert_element_type3A_708, %cond3A_709 : i32
        scf.if %cond3A_710 {
          %add3A_729 = arith.constant 1 : i32
          %add3A_730 = arith.addi %add3A_704, %add3A_729 : i32
          %mul3A_731 = arith.constant 64 : i32
          %mul3A_732 = arith.muli %add3A_730, %mul3A_731 : i32
          %ge3A = arith.constant 2 : i32
          %ge3A_733 = arith.cmpi sge, %add3A_730, %ge3A : i32
          %convert_element_type3A_734 = arith.extui %ge3A_733 : i1 to i32
          %cond3A_735 = arith.constant 0 : i32
          %cond3A_736 = arith.cmpi ne, %convert_element_type3A_734, %cond3A_735 : i32
          scf.if %cond3A_736 {
            %dma_wait3A = arith.constant 0 : i32
            %dma_wait3A_754 = arith.constant 0 : i32
            %dma_wait3A_755 = tpu.memref_slice %arg34[%dma_wait3A, %dma_wait3A_754] : memref<4608x128xf32, #tpu.memory_space<vmem_shared>> -> memref<4608x128xf32, #tpu.memory_space<vmem_shared>>
            tpu.wait_indirect_dma semaphore(%arg45 : memref<!tpu.dma_semaphore, #tpu.memory_space<semaphore_mem>>) src(%arg20 : memref<64x128xf32, #tpu.memory_space<vmem>>) dst(%dma_wait3A_755 : memref<4608x128xf32, #tpu.memory_space<vmem_shared>>)
            %dma_wait3A_756 = arith.constant 0 : i32
            %dma_wait3A_757 = arith.constant 0 : i32
            %dma_wait3A_758 = tpu.memref_slice %arg34[%dma_wait3A_756, %dma_wait3A_757] : memref<4608x128xf32, #tpu.memory_space<vmem_shared>> -> memref<4608x128xf32, #tpu.memory_space<vmem_shared>>
            tpu.wait_indirect_dma semaphore(%arg46 : memref<!tpu.dma_semaphore, #tpu.memory_space<semaphore_mem>>) src(%arg23 : memref<64x128xf32, #tpu.memory_space<vmem>>) dst(%dma_wait3A_758 : memref<4608x128xf32, #tpu.memory_space<vmem_shared>>)
          } else {
          }
          %scan3A_737 = arith.constant 0 : i32
          %scan3A_738 = arith.constant 0 : i32
          %scan3A_739 = arith.constant 4 : i32
          %scan3A_740 = arith.addi %scan3A_738, %scan3A_739 : i32
          %scan3A_741 = arith.constant 1 : i32
          scf.for %scan3A_754 = %scan3A_738 to %scan3A_740 step %scan3A_741  : i32 {
            %mul3A_755 = arith.constant 16 : i32
            %mul3A_756 = arith.muli %scan3A_754, %mul3A_755 : i32
            %add3A_757 = arith.addi %mul3A_732, %mul3A_756 : i32
            %add3A_758 = vector.broadcast %add3A_757 : i32 to vector<16xi32>
            %add3A_759 = arith.addi %add3A_758, %iota3A : vector<16xi32>
            %lt3A_760 = vector.broadcast %while3A_570 : i32 to vector<16xi32>
            %lt3A_761 = arith.cmpi slt, %add3A_759, %lt3A_760 : vector<16xi32>
            %get3A = arith.index_cast %add3A_757 : i32 to index
            %get3A_762 = tpu.vector_load %arg14[%get3A] {strides = array<i32>} : memref<10016xi32, #tpu.memory_space<vmem>>, vector<16xi32>,
            %and3A_763 = arith.constant 16383 : i32
            %and3A_764 = vector.broadcast %and3A_763 : i32 to vector<16xi32>
            %and3A_765 = arith.andi %get3A_762, %and3A_764 : vector<16xi32>
            %shift_right_logical3A = arith.constant 14 : i32
            %shift_right_logical3A_766 = vector.broadcast %shift_right_logical3A : i32 to vector<16xi32>
            %shift_right_logical3A_767 = arith.shrui %get3A_762, %shift_right_logical3A_766 : vector<16xi32>
            %and3A_768 = arith.constant 16383 : i32
            %and3A_769 = vector.broadcast %and3A_768 : i32 to vector<16xi32>
            %and3A_770 = arith.andi %shift_right_logical3A_767, %and3A_769 : vector<16xi32>
            %shift_right_logical3A_771 = arith.constant 28 : i32
            %shift_right_logical3A_772 = vector.broadcast %shift_right_logical3A_771 : i32 to vector<16xi32>
            %shift_right_logical3A_773 = arith.shrui %get3A_762, %shift_right_logical3A_772 : vector<16xi32>
            %jit3A_774 = arith.constant 0 : i32
            %broadcast_in_dim3A_775 = vector.broadcast %jit3A_774 : i32 to vector<16xi32>
            %select_n3A_776 = arith.select %lt3A_761, %and3A_765, %broadcast_in_dim3A_775 : vector<16xi1>, vector<16xi32>
            %mul3A_777 = arith.constant 16 : i32
            %mul3A_778 = arith.muli %scan3A_754, %mul3A_777 : i32
            %swap3A_779 = arith.index_cast %mul3A_778 : i32 to index
            %swap3A_780 = tpu.vector_load %arg29[%swap3A_779] {strides = array<i32>} : memref<64xi32, #tpu.memory_space<vmem>>, vector<16xi32>,
            tpu.vector_store %arg29[%swap3A_779], %select_n3A_776 {strides = array<i32>} : memref<64xi32, #tpu.memory_space<vmem>>, vector<16xi32>,
            %mul3A_781 = arith.constant 10000 : i32
            %mul3A_782 = vector.broadcast %mul3A_781 : i32 to vector<16xi32>
            %mul3A_783 = arith.muli %shift_right_logical3A_773, %mul3A_782 : vector<16xi32>
            %add3A_784 = arith.addi %mul3A_783, %and3A_765 : vector<16xi32>
            %jit3A_785 = arith.constant 0 : i32
            %broadcast_in_dim3A_786 = vector.broadcast %jit3A_785 : i32 to vector<16xi32>
            %select_n3A_787 = arith.select %lt3A_761, %add3A_784, %broadcast_in_dim3A_786 : vector<16xi1>, vector<16xi32>
            %mul3A_788 = arith.constant 16 : i32
            %mul3A_789 = arith.muli %scan3A_754, %mul3A_788 : i32
            %swap3A_790 = arith.index_cast %mul3A_789 : i32 to index
            %swap3A_791 = tpu.vector_load %arg30[%swap3A_790] {strides = array<i32>} : memref<64xi32, #tpu.memory_space<vmem>>, vector<16xi32>,
            tpu.vector_store %arg30[%swap3A_790], %select_n3A_787 {strides = array<i32>} : memref<64xi32, #tpu.memory_space<vmem>>, vector<16xi32>,
            %jit3A_792 = arith.constant 0 : i32
            %broadcast_in_dim3A_793 = vector.broadcast %jit3A_792 : i32 to vector<16xi32>
            %select_n3A_794 = arith.select %lt3A_761, %and3A_770, %broadcast_in_dim3A_793 : vector<16xi1>, vector<16xi32>
            %mul3A_795 = arith.constant 16 : i32
            %mul3A_796 = arith.muli %scan3A_754, %mul3A_795 : i32
            %swap3A_797 = arith.index_cast %mul3A_796 : i32 to index
            %swap3A_798 = tpu.vector_load %arg31[%swap3A_797] {strides = array<i32>} : memref<64xi32, #tpu.memory_space<vmem>>, vector<16xi32>,
            tpu.vector_store %arg31[%swap3A_797], %select_n3A_794 {strides = array<i32>} : memref<64xi32, #tpu.memory_space<vmem>>, vector<16xi32>,
            %sub3A_799 = vector.broadcast %mul3A_553 : i32 to vector<16xi32>
            %sub3A_800 = arith.subi %and3A_770, %sub3A_799 : vector<16xi32>
            %add3A_801 = arith.constant 1 : i32
            %add3A_802 = vector.broadcast %add3A_801 : i32 to vector<16xi32>
            %add3A_803 = arith.addi %shift_right_logical3A_773, %add3A_802 : vector<16xi32>
            %mul3A_804 = arith.constant 512 : i32
            %mul3A_805 = vector.broadcast %mul3A_804 : i32 to vector<16xi32>
            %mul3A_806 = arith.muli %add3A_803, %mul3A_805 : vector<16xi32>
            %add3A_807 = arith.addi %mul3A_806, %sub3A_800 : vector<16xi32>
            %broadcast_in_dim3A_808 = vector.broadcast %add3A_600 : i32 to vector<16xi32>
            %select_n3A_809 = arith.select %lt3A_761, %add3A_807, %broadcast_in_dim3A_808 : vector<16xi1>, vector<16xi32>
            %mul3A_810 = arith.constant 16 : i32
            %mul3A_811 = arith.muli %scan3A_754, %mul3A_810 : i32
            %swap3A_812 = arith.index_cast %mul3A_811 : i32 to index
            %swap3A_813 = tpu.vector_load %arg32[%swap3A_812] {strides = array<i32>} : memref<64xi32, #tpu.memory_space<vmem>>, vector<16xi32>,
            tpu.vector_store %arg32[%swap3A_812], %select_n3A_809 {strides = array<i32>} : memref<64xi32, #tpu.memory_space<vmem>>, vector<16xi32>,
            %broadcast_in_dim3A_814 = vector.broadcast %add3A_600 : i32 to vector<16xi32>
            %select_n3A_815 = arith.select %lt3A_761, %sub3A_800, %broadcast_in_dim3A_814 : vector<16xi1>, vector<16xi32>
            %mul3A_816 = arith.constant 16 : i32
            %mul3A_817 = arith.muli %scan3A_754, %mul3A_816 : i32
            %swap3A_818 = arith.index_cast %mul3A_817 : i32 to index
            %swap3A_819 = tpu.vector_load %arg33[%swap3A_818] {strides = array<i32>} : memref<64xi32, #tpu.memory_space<vmem>>, vector<16xi32>,
            tpu.vector_store %arg33[%swap3A_818], %select_n3A_815 {strides = array<i32>} : memref<64xi32, #tpu.memory_space<vmem>>, vector<16xi32>,
          }
          %scan3A_742 = arith.constant 4 : i32
          %dma_start3A = arith.constant 0 : i32
          %dma_start3A_743 = arith.constant 0 : i32
          %dma_start3A_744 = tpu.memref_slice %arg6[%dma_start3A, %dma_start3A_743] : memref<10000x128xf32, #tpu.memory_space<hbm>> -> memref<10000x128xf32, #tpu.memory_space<hbm>>
          tpu.enqueue_indirect_dma source(%dma_start3A_744 : memref<10000x128xf32, #tpu.memory_space<hbm>>) target(%arg20 : memref<64x128xf32, #tpu.memory_space<vmem>>) offsets(%arg29 : memref<64xi32, #tpu.memory_space<vmem>>) semaphore(%arg41 : memref<!tpu.dma_semaphore, #tpu.memory_space<semaphore_mem>>)
          %dma_start3A_745 = arith.constant 0 : i32
          %dma_start3A_746 = arith.constant 0 : i32
          %dma_start3A_747 = tpu.memref_slice %arg7[%dma_start3A_745, %dma_start3A_746] : memref<10000x128xf32, #tpu.memory_space<hbm>> -> memref<10000x128xf32, #tpu.memory_space<hbm>>
          tpu.enqueue_indirect_dma source(%dma_start3A_747 : memref<10000x128xf32, #tpu.memory_space<hbm>>) target(%arg21 : memref<64x128xf32, #tpu.memory_space<vmem>>) offsets(%arg29 : memref<64xi32, #tpu.memory_space<vmem>>) semaphore(%arg42 : memref<!tpu.dma_semaphore, #tpu.memory_space<semaphore_mem>>)
          %dma_start3A_748 = arith.constant 0 : i32
          %dma_start3A_749 = arith.constant 0 : i32
          %dma_start3A_750 = tpu.memref_slice %arg8[%dma_start3A_748, %dma_start3A_749] : memref<70000x128xf32, #tpu.memory_space<hbm>> -> memref<70000x128xf32, #tpu.memory_space<hbm>>
          tpu.enqueue_indirect_dma source(%dma_start3A_750 : memref<70000x128xf32, #tpu.memory_space<hbm>>) target(%arg22 : memref<64x128xf32, #tpu.memory_space<vmem>>) offsets(%arg30 : memref<64xi32, #tpu.memory_space<vmem>>) semaphore(%arg43 : memref<!tpu.dma_semaphore, #tpu.memory_space<semaphore_mem>>)
          %dma_start3A_751 = arith.constant 0 : i32
          %dma_start3A_752 = arith.constant 0 : i32
          %dma_start3A_753 = tpu.memref_slice %arg9[%dma_start3A_751, %dma_start3A_752] : memref<10000x128xf32, #tpu.memory_space<hbm>> -> memref<10000x128xf32, #tpu.memory_space<hbm>>
          tpu.enqueue_indirect_dma source(%dma_start3A_753 : memref<10000x128xf32, #tpu.memory_space<hbm>>) target(%arg23 : memref<64x128xf32, #tpu.memory_space<vmem>>) offsets(%arg31 : memref<64xi32, #tpu.memory_space<vmem>>) semaphore(%arg44 : memref<!tpu.dma_semaphore, #tpu.memory_space<semaphore_mem>>)
        } else {
        }
        %lt3A_711 = arith.cmpi slt, %add3A_704, %select_n3A_598 : i32
        %convert_element_type3A_712 = arith.extui %lt3A_711 : i1 to i32
        %cond3A_713 = arith.constant 0 : i32
        %cond3A_714 = arith.cmpi ne, %convert_element_type3A_712, %cond3A_713 : i32
        scf.if %cond3A_714 {
          %dma_wait3A = arith.constant 0 : i32
          %dma_wait3A_729 = arith.constant 0 : i32
          %dma_wait3A_730 = tpu.memref_slice %arg6[%dma_wait3A, %dma_wait3A_729] : memref<10000x128xf32, #tpu.memory_space<hbm>> -> memref<10000x128xf32, #tpu.memory_space<hbm>>
          tpu.wait_indirect_dma semaphore(%arg35 : memref<!tpu.dma_semaphore, #tpu.memory_space<semaphore_mem>>) src(%dma_wait3A_730 : memref<10000x128xf32, #tpu.memory_space<hbm>>) dst(%arg16 : memref<64x128xf32, #tpu.memory_space<vmem>>)
          %dma_wait3A_731 = arith.constant 0 : i32
          %dma_wait3A_732 = arith.constant 0 : i32
          %dma_wait3A_733 = tpu.memref_slice %arg7[%dma_wait3A_731, %dma_wait3A_732] : memref<10000x128xf32, #tpu.memory_space<hbm>> -> memref<10000x128xf32, #tpu.memory_space<hbm>>
          tpu.wait_indirect_dma semaphore(%arg36 : memref<!tpu.dma_semaphore, #tpu.memory_space<semaphore_mem>>) src(%dma_wait3A_733 : memref<10000x128xf32, #tpu.memory_space<hbm>>) dst(%arg17 : memref<64x128xf32, #tpu.memory_space<vmem>>)
          %dma_wait3A_734 = arith.constant 0 : i32
          %dma_wait3A_735 = arith.constant 0 : i32
          %dma_wait3A_736 = tpu.memref_slice %arg8[%dma_wait3A_734, %dma_wait3A_735] : memref<70000x128xf32, #tpu.memory_space<hbm>> -> memref<70000x128xf32, #tpu.memory_space<hbm>>
          tpu.wait_indirect_dma semaphore(%arg37 : memref<!tpu.dma_semaphore, #tpu.memory_space<semaphore_mem>>) src(%dma_wait3A_736 : memref<70000x128xf32, #tpu.memory_space<hbm>>) dst(%arg18 : memref<64x128xf32, #tpu.memory_space<vmem>>)
          %dma_wait3A_737 = arith.constant 0 : i32
          %dma_wait3A_738 = arith.constant 0 : i32
          %dma_wait3A_739 = tpu.memref_slice %arg9[%dma_wait3A_737, %dma_wait3A_738] : memref<10000x128xf32, #tpu.memory_space<hbm>> -> memref<10000x128xf32, #tpu.memory_space<hbm>>
          tpu.wait_indirect_dma semaphore(%arg38 : memref<!tpu.dma_semaphore, #tpu.memory_space<semaphore_mem>>) src(%dma_wait3A_739 : memref<10000x128xf32, #tpu.memory_space<hbm>>) dst(%arg19 : memref<64x128xf32, #tpu.memory_space<vmem>>)
          %dma_start3A = arith.constant 0 : i32
          %dma_start3A_740 = arith.constant 0 : i32
          %dma_start3A_741 = tpu.memref_slice %arg34[%dma_start3A, %dma_start3A_740] : memref<4608x128xf32, #tpu.memory_space<vmem_shared>> -> memref<4608x128xf32, #tpu.memory_space<vmem_shared>>
          tpu.enqueue_indirect_dma source(%arg16 : memref<64x128xf32, #tpu.memory_space<vmem>>) target(%dma_start3A_741 : memref<4608x128xf32, #tpu.memory_space<vmem_shared>>) offsets(%arg27 : memref<64xi32, #tpu.memory_space<vmem>>) semaphore(%arg39 : memref<!tpu.dma_semaphore, #tpu.memory_space<semaphore_mem>>) {add = true}
          %parallel_loop3A = arith.constant 0 : i32
          %parallel_loop3A_742 = arith.constant 64 : i32
          %parallel_loop3A_743 = arith.constant 1 : i32
          scf.for %parallel_loop3A_747 = %parallel_loop3A to %parallel_loop3A_742 step %parallel_loop3A_743  : i32 {
            %parallel_loop3A_748 = arith.index_cast %parallel_loop3A_747 : i32 to index
            %parallel_loop3A_749 = arith.constant 0 : index
            %parallel_loop3A_750 = tpu.vector_load %arg19[%parallel_loop3A_748, %parallel_loop3A_749] {strides = array<i32>} : memref<64x128xf32, #tpu.memory_space<vmem>>, vector<16xf32>,
            %parallel_loop3A_751 = arith.index_cast %parallel_loop3A_747 : i32 to index
            %parallel_loop3A_752 = arith.constant 0 : index
            %parallel_loop3A_753 = tpu.vector_load %arg18[%parallel_loop3A_751, %parallel_loop3A_752] {strides = array<i32>} : memref<64x128xf32, #tpu.memory_space<vmem>>, vector<16xf32>,
            %parallel_loop3A_754 = arith.addf %parallel_loop3A_750, %parallel_loop3A_753 : vector<16xf32>
            %parallel_loop3A_755 = arith.constant 0.000000e+00 : f32
            %parallel_loop3A_756 = vector.broadcast %parallel_loop3A_755 : f32 to vector<16xf32>
            %parallel_loop3A_757 = arith.subf %parallel_loop3A_756, %parallel_loop3A_754 : vector<16xf32>
            %parallel_loop3A_758 = math.exp %parallel_loop3A_757 : vector<16xf32>
            %parallel_loop3A_759 = arith.constant 1.000000e+00 : f32
            %parallel_loop3A_760 = vector.broadcast %parallel_loop3A_759 : f32 to vector<16xf32>
            %parallel_loop3A_761 = arith.addf %parallel_loop3A_760, %parallel_loop3A_758 : vector<16xf32>
            %parallel_loop3A_762 = arith.constant 1.000000e+00 : f32
            %parallel_loop3A_763 = vector.broadcast %parallel_loop3A_762 : f32 to vector<16xf32>
            %parallel_loop3A_764 = arith.divf %parallel_loop3A_763, %parallel_loop3A_761 : vector<16xf32>
            %parallel_loop3A_765 = arith.index_cast %parallel_loop3A_747 : i32 to index
            %parallel_loop3A_766 = arith.constant 0 : index
            %parallel_loop3A_767 = tpu.vector_load %arg17[%parallel_loop3A_765, %parallel_loop3A_766] {strides = array<i32>} : memref<64x128xf32, #tpu.memory_space<vmem>>, vector<16xf32>,
            %parallel_loop3A_768 = arith.mulf %parallel_loop3A_767, %parallel_loop3A_764 : vector<16xf32>
            %parallel_loop3A_769 = arith.index_cast %parallel_loop3A_747 : i32 to index
            %parallel_loop3A_770 = arith.constant 0 : index
            %parallel_loop3A_771 = tpu.vector_load %arg19[%parallel_loop3A_769, %parallel_loop3A_770] {strides = array<i32>} : memref<64x128xf32, #tpu.memory_space<vmem>>, vector<16xf32>,
            tpu.vector_store %arg19[%parallel_loop3A_769, %parallel_loop3A_770], %parallel_loop3A_768 {strides = array<i32>} : memref<64x128xf32, #tpu.memory_space<vmem>>, vector<16xf32>,
            %parallel_loop3A_772 = arith.index_cast %parallel_loop3A_747 : i32 to index
            %parallel_loop3A_773 = arith.constant 16 : index
            %parallel_loop3A_774 = tpu.vector_load %arg19[%parallel_loop3A_772, %parallel_loop3A_773] {strides = array<i32>} : memref<64x128xf32, #tpu.memory_space<vmem>>, vector<16xf32>,
            %parallel_loop3A_775 = arith.index_cast %parallel_loop3A_747 : i32 to index
            %parallel_loop3A_776 = arith.constant 16 : index
            %parallel_loop3A_777 = tpu.vector_load %arg18[%parallel_loop3A_775, %parallel_loop3A_776] {strides = array<i32>} : memref<64x128xf32, #tpu.memory_space<vmem>>, vector<16xf32>,
            %parallel_loop3A_778 = arith.addf %parallel_loop3A_774, %parallel_loop3A_777 : vector<16xf32>
            %parallel_loop3A_779 = arith.constant 0.000000e+00 : f32
            %parallel_loop3A_780 = vector.broadcast %parallel_loop3A_779 : f32 to vector<16xf32>
            %parallel_loop3A_781 = arith.subf %parallel_loop3A_780, %parallel_loop3A_778 : vector<16xf32>
            %parallel_loop3A_782 = math.exp %parallel_loop3A_781 : vector<16xf32>
            %parallel_loop3A_783 = arith.constant 1.000000e+00 : f32
            %parallel_loop3A_784 = vector.broadcast %parallel_loop3A_783 : f32 to vector<16xf32>
            %parallel_loop3A_785 = arith.addf %parallel_loop3A_784, %parallel_loop3A_782 : vector<16xf32>
            %parallel_loop3A_786 = arith.constant 1.000000e+00 : f32
            %parallel_loop3A_787 = vector.broadcast %parallel_loop3A_786 : f32 to vector<16xf32>
            %parallel_loop3A_788 = arith.divf %parallel_loop3A_787, %parallel_loop3A_785 : vector<16xf32>
            %parallel_loop3A_789 = arith.index_cast %parallel_loop3A_747 : i32 to index
            %parallel_loop3A_790 = arith.constant 16 : index
            %parallel_loop3A_791 = tpu.vector_load %arg17[%parallel_loop3A_789, %parallel_loop3A_790] {strides = array<i32>} : memref<64x128xf32, #tpu.memory_space<vmem>>, vector<16xf32>,
            %parallel_loop3A_792 = arith.mulf %parallel_loop3A_791, %parallel_loop3A_788 : vector<16xf32>
            %parallel_loop3A_793 = arith.index_cast %parallel_loop3A_747 : i32 to index
            %parallel_loop3A_794 = arith.constant 16 : index
            %parallel_loop3A_795 = tpu.vector_load %arg19[%parallel_loop3A_793, %parallel_loop3A_794] {strides = array<i32>} : memref<64x128xf32, #tpu.memory_space<vmem>>, vector<16xf32>,
            tpu.vector_store %arg19[%parallel_loop3A_793, %parallel_loop3A_794], %parallel_loop3A_792 {strides = array<i32>} : memref<64x128xf32, #tpu.memory_space<vmem>>, vector<16xf32>,
            %parallel_loop3A_796 = arith.index_cast %parallel_loop3A_747 : i32 to index
            %parallel_loop3A_797 = arith.constant 32 : index
            %parallel_loop3A_798 = tpu.vector_load %arg19[%parallel_loop3A_796, %parallel_loop3A_797] {strides = array<i32>} : memref<64x128xf32, #tpu.memory_space<vmem>>, vector<16xf32>,
            %parallel_loop3A_799 = arith.index_cast %parallel_loop3A_747 : i32 to index
            %parallel_loop3A_800 = arith.constant 32 : index
            %parallel_loop3A_801 = tpu.vector_load %arg18[%parallel_loop3A_799, %parallel_loop3A_800] {strides = array<i32>} : memref<64x128xf32, #tpu.memory_space<vmem>>, vector<16xf32>,
            %parallel_loop3A_802 = arith.addf %parallel_loop3A_798, %parallel_loop3A_801 : vector<16xf32>
            %parallel_loop3A_803 = arith.constant 0.000000e+00 : f32
            %parallel_loop3A_804 = vector.broadcast %parallel_loop3A_803 : f32 to vector<16xf32>
            %parallel_loop3A_805 = arith.subf %parallel_loop3A_804, %parallel_loop3A_802 : vector<16xf32>
            %parallel_loop3A_806 = math.exp %parallel_loop3A_805 : vector<16xf32>
            %parallel_loop3A_807 = arith.constant 1.000000e+00 : f32
            %parallel_loop3A_808 = vector.broadcast %parallel_loop3A_807 : f32 to vector<16xf32>
            %parallel_loop3A_809 = arith.addf %parallel_loop3A_808, %parallel_loop3A_806 : vector<16xf32>
            %parallel_loop3A_810 = arith.constant 1.000000e+00 : f32
            %parallel_loop3A_811 = vector.broadcast %parallel_loop3A_810 : f32 to vector<16xf32>
            %parallel_loop3A_812 = arith.divf %parallel_loop3A_811, %parallel_loop3A_809 : vector<16xf32>
            %parallel_loop3A_813 = arith.index_cast %parallel_loop3A_747 : i32 to index
            %parallel_loop3A_814 = arith.constant 32 : index
            %parallel_loop3A_815 = tpu.vector_load %arg17[%parallel_loop3A_813, %parallel_loop3A_814] {strides = array<i32>} : memref<64x128xf32, #tpu.memory_space<vmem>>, vector<16xf32>,
            %parallel_loop3A_816 = arith.mulf %parallel_loop3A_815, %parallel_loop3A_812 : vector<16xf32>
            %parallel_loop3A_817 = arith.index_cast %parallel_loop3A_747 : i32 to index
            %parallel_loop3A_818 = arith.constant 32 : index
            %parallel_loop3A_819 = tpu.vector_load %arg19[%parallel_loop3A_817, %parallel_loop3A_818] {strides = array<i32>} : memref<64x128xf32, #tpu.memory_space<vmem>>, vector<16xf32>,
            tpu.vector_store %arg19[%parallel_loop3A_817, %parallel_loop3A_818], %parallel_loop3A_816 {strides = array<i32>} : memref<64x128xf32, #tpu.memory_space<vmem>>, vector<16xf32>,
            %parallel_loop3A_820 = arith.index_cast %parallel_loop3A_747 : i32 to index
            %parallel_loop3A_821 = arith.constant 48 : index
            %parallel_loop3A_822 = tpu.vector_load %arg19[%parallel_loop3A_820, %parallel_loop3A_821] {strides = array<i32>} : memref<64x128xf32, #tpu.memory_space<vmem>>, vector<16xf32>,
            %parallel_loop3A_823 = arith.index_cast %parallel_loop3A_747 : i32 to index
            %parallel_loop3A_824 = arith.constant 48 : index
            %parallel_loop3A_825 = tpu.vector_load %arg18[%parallel_loop3A_823, %parallel_loop3A_824] {strides = array<i32>} : memref<64x128xf32, #tpu.memory_space<vmem>>, vector<16xf32>,
            %parallel_loop3A_826 = arith.addf %parallel_loop3A_822, %parallel_loop3A_825 : vector<16xf32>
            %parallel_loop3A_827 = arith.constant 0.000000e+00 : f32
            %parallel_loop3A_828 = vector.broadcast %parallel_loop3A_827 : f32 to vector<16xf32>
            %parallel_loop3A_829 = arith.subf %parallel_loop3A_828, %parallel_loop3A_826 : vector<16xf32>
            %parallel_loop3A_830 = math.exp %parallel_loop3A_829 : vector<16xf32>
            %parallel_loop3A_831 = arith.constant 1.000000e+00 : f32
            %parallel_loop3A_832 = vector.broadcast %parallel_loop3A_831 : f32 to vector<16xf32>
            %parallel_loop3A_833 = arith.addf %parallel_loop3A_832, %parallel_loop3A_830 : vector<16xf32>
            %parallel_loop3A_834 = arith.constant 1.000000e+00 : f32
            %parallel_loop3A_835 = vector.broadcast %parallel_loop3A_834 : f32 to vector<16xf32>
            %parallel_loop3A_836 = arith.divf %parallel_loop3A_835, %parallel_loop3A_833 : vector<16xf32>
            %parallel_loop3A_837 = arith.index_cast %parallel_loop3A_747 : i32 to index
            %parallel_loop3A_838 = arith.constant 48 : index
            %parallel_loop3A_839 = tpu.vector_load %arg17[%parallel_loop3A_837, %parallel_loop3A_838] {strides = array<i32>} : memref<64x128xf32, #tpu.memory_space<vmem>>, vector<16xf32>,
            %parallel_loop3A_840 = arith.mulf %parallel_loop3A_839, %parallel_loop3A_836 : vector<16xf32>
            %parallel_loop3A_841 = arith.index_cast %parallel_loop3A_747 : i32 to index
            %parallel_loop3A_842 = arith.constant 48 : index
            %parallel_loop3A_843 = tpu.vector_load %arg19[%parallel_loop3A_841, %parallel_loop3A_842] {strides = array<i32>} : memref<64x128xf32, #tpu.memory_space<vmem>>, vector<16xf32>,
            tpu.vector_store %arg19[%parallel_loop3A_841, %parallel_loop3A_842], %parallel_loop3A_840 {strides = array<i32>} : memref<64x128xf32, #tpu.memory_space<vmem>>, vector<16xf32>,
            %parallel_loop3A_844 = arith.index_cast %parallel_loop3A_747 : i32 to index
            %parallel_loop3A_845 = arith.constant 64 : index
            %parallel_loop3A_846 = tpu.vector_load %arg19[%parallel_loop3A_844, %parallel_loop3A_845] {strides = array<i32>} : memref<64x128xf32, #tpu.memory_space<vmem>>, vector<16xf32>,
            %parallel_loop3A_847 = arith.index_cast %parallel_loop3A_747 : i32 to index
            %parallel_loop3A_848 = arith.constant 64 : index
            %parallel_loop3A_849 = tpu.vector_load %arg18[%parallel_loop3A_847, %parallel_loop3A_848] {strides = array<i32>} : memref<64x128xf32, #tpu.memory_space<vmem>>, vector<16xf32>,
            %parallel_loop3A_850 = arith.addf %parallel_loop3A_846, %parallel_loop3A_849 : vector<16xf32>
            %parallel_loop3A_851 = arith.constant 0.000000e+00 : f32
            %parallel_loop3A_852 = vector.broadcast %parallel_loop3A_851 : f32 to vector<16xf32>
            %parallel_loop3A_853 = arith.subf %parallel_loop3A_852, %parallel_loop3A_850 : vector<16xf32>
            %parallel_loop3A_854 = math.exp %parallel_loop3A_853 : vector<16xf32>
            %parallel_loop3A_855 = arith.constant 1.000000e+00 : f32
            %parallel_loop3A_856 = vector.broadcast %parallel_loop3A_855 : f32 to vector<16xf32>
            %parallel_loop3A_857 = arith.addf %parallel_loop3A_856, %parallel_loop3A_854 : vector<16xf32>
            %parallel_loop3A_858 = arith.constant 1.000000e+00 : f32
            %parallel_loop3A_859 = vector.broadcast %parallel_loop3A_858 : f32 to vector<16xf32>
            %parallel_loop3A_860 = arith.divf %parallel_loop3A_859, %parallel_loop3A_857 : vector<16xf32>
            %parallel_loop3A_861 = arith.index_cast %parallel_loop3A_747 : i32 to index
            %parallel_loop3A_862 = arith.constant 64 : index
            %parallel_loop3A_863 = tpu.vector_load %arg17[%parallel_loop3A_861, %parallel_loop3A_862] {strides = array<i32>} : memref<64x128xf32, #tpu.memory_space<vmem>>, vector<16xf32>,
            %parallel_loop3A_864 = arith.mulf %parallel_loop3A_863, %parallel_loop3A_860 : vector<16xf32>
            %parallel_loop3A_865 = arith.index_cast %parallel_loop3A_747 : i32 to index
            %parallel_loop3A_866 = arith.constant 64 : index
            %parallel_loop3A_867 = tpu.vector_load %arg19[%parallel_loop3A_865, %parallel_loop3A_866] {strides = array<i32>} : memref<64x128xf32, #tpu.memory_space<vmem>>, vector<16xf32>,
            tpu.vector_store %arg19[%parallel_loop3A_865, %parallel_loop3A_866], %parallel_loop3A_864 {strides = array<i32>} : memref<64x128xf32, #tpu.memory_space<vmem>>, vector<16xf32>,
            %parallel_loop3A_868 = arith.index_cast %parallel_loop3A_747 : i32 to index
            %parallel_loop3A_869 = arith.constant 80 : index
            %parallel_loop3A_870 = tpu.vector_load %arg19[%parallel_loop3A_868, %parallel_loop3A_869] {strides = array<i32>} : memref<64x128xf32, #tpu.memory_space<vmem>>, vector<16xf32>,
            %parallel_loop3A_871 = arith.index_cast %parallel_loop3A_747 : i32 to index
            %parallel_loop3A_872 = arith.constant 80 : index
            %parallel_loop3A_873 = tpu.vector_load %arg18[%parallel_loop3A_871, %parallel_loop3A_872] {strides = array<i32>} : memref<64x128xf32, #tpu.memory_space<vmem>>, vector<16xf32>,
            %parallel_loop3A_874 = arith.addf %parallel_loop3A_870, %parallel_loop3A_873 : vector<16xf32>
            %parallel_loop3A_875 = arith.constant 0.000000e+00 : f32
            %parallel_loop3A_876 = vector.broadcast %parallel_loop3A_875 : f32 to vector<16xf32>
            %parallel_loop3A_877 = arith.subf %parallel_loop3A_876, %parallel_loop3A_874 : vector<16xf32>
            %parallel_loop3A_878 = math.exp %parallel_loop3A_877 : vector<16xf32>
            %parallel_loop3A_879 = arith.constant 1.000000e+00 : f32
            %parallel_loop3A_880 = vector.broadcast %parallel_loop3A_879 : f32 to vector<16xf32>
            %parallel_loop3A_881 = arith.addf %parallel_loop3A_880, %parallel_loop3A_878 : vector<16xf32>
            %parallel_loop3A_882 = arith.constant 1.000000e+00 : f32
            %parallel_loop3A_883 = vector.broadcast %parallel_loop3A_882 : f32 to vector<16xf32>
            %parallel_loop3A_884 = arith.divf %parallel_loop3A_883, %parallel_loop3A_881 : vector<16xf32>
            %parallel_loop3A_885 = arith.index_cast %parallel_loop3A_747 : i32 to index
            %parallel_loop3A_886 = arith.constant 80 : index
            %parallel_loop3A_887 = tpu.vector_load %arg17[%parallel_loop3A_885, %parallel_loop3A_886] {strides = array<i32>} : memref<64x128xf32, #tpu.memory_space<vmem>>, vector<16xf32>,
            %parallel_loop3A_888 = arith.mulf %parallel_loop3A_887, %parallel_loop3A_884 : vector<16xf32>
            %parallel_loop3A_889 = arith.index_cast %parallel_loop3A_747 : i32 to index
            %parallel_loop3A_890 = arith.constant 80 : index
            %parallel_loop3A_891 = tpu.vector_load %arg19[%parallel_loop3A_889, %parallel_loop3A_890] {strides = array<i32>} : memref<64x128xf32, #tpu.memory_space<vmem>>, vector<16xf32>,
            tpu.vector_store %arg19[%parallel_loop3A_889, %parallel_loop3A_890], %parallel_loop3A_888 {strides = array<i32>} : memref<64x128xf32, #tpu.memory_space<vmem>>, vector<16xf32>,
            %parallel_loop3A_892 = arith.index_cast %parallel_loop3A_747 : i32 to index
            %parallel_loop3A_893 = arith.constant 96 : index
            %parallel_loop3A_894 = tpu.vector_load %arg19[%parallel_loop3A_892, %parallel_loop3A_893] {strides = array<i32>} : memref<64x128xf32, #tpu.memory_space<vmem>>, vector<16xf32>,
            %parallel_loop3A_895 = arith.index_cast %parallel_loop3A_747 : i32 to index
            %parallel_loop3A_896 = arith.constant 96 : index
            %parallel_loop3A_897 = tpu.vector_load %arg18[%parallel_loop3A_895, %parallel_loop3A_896] {strides = array<i32>} : memref<64x128xf32, #tpu.memory_space<vmem>>, vector<16xf32>,
            %parallel_loop3A_898 = arith.addf %parallel_loop3A_894, %parallel_loop3A_897 : vector<16xf32>
            %parallel_loop3A_899 = arith.constant 0.000000e+00 : f32
            %parallel_loop3A_900 = vector.broadcast %parallel_loop3A_899 : f32 to vector<16xf32>
            %parallel_loop3A_901 = arith.subf %parallel_loop3A_900, %parallel_loop3A_898 : vector<16xf32>
            %parallel_loop3A_902 = math.exp %parallel_loop3A_901 : vector<16xf32>
            %parallel_loop3A_903 = arith.constant 1.000000e+00 : f32
            %parallel_loop3A_904 = vector.broadcast %parallel_loop3A_903 : f32 to vector<16xf32>
            %parallel_loop3A_905 = arith.addf %parallel_loop3A_904, %parallel_loop3A_902 : vector<16xf32>
            %parallel_loop3A_906 = arith.constant 1.000000e+00 : f32
            %parallel_loop3A_907 = vector.broadcast %parallel_loop3A_906 : f32 to vector<16xf32>
            %parallel_loop3A_908 = arith.divf %parallel_loop3A_907, %parallel_loop3A_905 : vector<16xf32>
            %parallel_loop3A_909 = arith.index_cast %parallel_loop3A_747 : i32 to index
            %parallel_loop3A_910 = arith.constant 96 : index
            %parallel_loop3A_911 = tpu.vector_load %arg17[%parallel_loop3A_909, %parallel_loop3A_910] {strides = array<i32>} : memref<64x128xf32, #tpu.memory_space<vmem>>, vector<16xf32>,
            %parallel_loop3A_912 = arith.mulf %parallel_loop3A_911, %parallel_loop3A_908 : vector<16xf32>
            %parallel_loop3A_913 = arith.index_cast %parallel_loop3A_747 : i32 to index
            %parallel_loop3A_914 = arith.constant 96 : index
            %parallel_loop3A_915 = tpu.vector_load %arg19[%parallel_loop3A_913, %parallel_loop3A_914] {strides = array<i32>} : memref<64x128xf32, #tpu.memory_space<vmem>>, vector<16xf32>,
            tpu.vector_store %arg19[%parallel_loop3A_913, %parallel_loop3A_914], %parallel_loop3A_912 {strides = array<i32>} : memref<64x128xf32, #tpu.memory_space<vmem>>, vector<16xf32>,
            %parallel_loop3A_916 = arith.index_cast %parallel_loop3A_747 : i32 to index
            %parallel_loop3A_917 = arith.constant 112 : index
            %parallel_loop3A_918 = tpu.vector_load %arg19[%parallel_loop3A_916, %parallel_loop3A_917] {strides = array<i32>} : memref<64x128xf32, #tpu.memory_space<vmem>>, vector<16xf32>,
            %parallel_loop3A_919 = arith.index_cast %parallel_loop3A_747 : i32 to index
            %parallel_loop3A_920 = arith.constant 112 : index
            %parallel_loop3A_921 = tpu.vector_load %arg18[%parallel_loop3A_919, %parallel_loop3A_920] {strides = array<i32>} : memref<64x128xf32, #tpu.memory_space<vmem>>, vector<16xf32>,
            %parallel_loop3A_922 = arith.addf %parallel_loop3A_918, %parallel_loop3A_921 : vector<16xf32>
            %parallel_loop3A_923 = arith.constant 0.000000e+00 : f32
            %parallel_loop3A_924 = vector.broadcast %parallel_loop3A_923 : f32 to vector<16xf32>
            %parallel_loop3A_925 = arith.subf %parallel_loop3A_924, %parallel_loop3A_922 : vector<16xf32>
            %parallel_loop3A_926 = math.exp %parallel_loop3A_925 : vector<16xf32>
            %parallel_loop3A_927 = arith.constant 1.000000e+00 : f32
            %parallel_loop3A_928 = vector.broadcast %parallel_loop3A_927 : f32 to vector<16xf32>
            %parallel_loop3A_929 = arith.addf %parallel_loop3A_928, %parallel_loop3A_926 : vector<16xf32>
            %parallel_loop3A_930 = arith.constant 1.000000e+00 : f32
            %parallel_loop3A_931 = vector.broadcast %parallel_loop3A_930 : f32 to vector<16xf32>
            %parallel_loop3A_932 = arith.divf %parallel_loop3A_931, %parallel_loop3A_929 : vector<16xf32>
            %parallel_loop3A_933 = arith.index_cast %parallel_loop3A_747 : i32 to index
            %parallel_loop3A_934 = arith.constant 112 : index
            %parallel_loop3A_935 = tpu.vector_load %arg17[%parallel_loop3A_933, %parallel_loop3A_934] {strides = array<i32>} : memref<64x128xf32, #tpu.memory_space<vmem>>, vector<16xf32>,
            %parallel_loop3A_936 = arith.mulf %parallel_loop3A_935, %parallel_loop3A_932 : vector<16xf32>
            %parallel_loop3A_937 = arith.index_cast %parallel_loop3A_747 : i32 to index
            %parallel_loop3A_938 = arith.constant 112 : index
            %parallel_loop3A_939 = tpu.vector_load %arg19[%parallel_loop3A_937, %parallel_loop3A_938] {strides = array<i32>} : memref<64x128xf32, #tpu.memory_space<vmem>>, vector<16xf32>,
            tpu.vector_store %arg19[%parallel_loop3A_937, %parallel_loop3A_938], %parallel_loop3A_936 {strides = array<i32>} : memref<64x128xf32, #tpu.memory_space<vmem>>, vector<16xf32>,
          } {sc.loop_unroll_factor = 2 : i64, sc.parallel_access}
          %dma_start3A_744 = arith.constant 0 : i32
          %dma_start3A_745 = arith.constant 0 : i32
          %dma_start3A_746 = tpu.memref_slice %arg34[%dma_start3A_744, %dma_start3A_745] : memref<4608x128xf32, #tpu.memory_space<vmem_shared>> -> memref<4608x128xf32, #tpu.memory_space<vmem_shared>>
          tpu.enqueue_indirect_dma source(%arg19 : memref<64x128xf32, #tpu.memory_space<vmem>>) target(%dma_start3A_746 : memref<4608x128xf32, #tpu.memory_space<vmem_shared>>) offsets(%arg28 : memref<64xi32, #tpu.memory_space<vmem>>) semaphore(%arg40 : memref<!tpu.dma_semaphore, #tpu.memory_space<semaphore_mem>>) {add = true}
        } else {
        }
        %mul3A_715 = arith.constant 2 : i32
        %mul3A_716 = arith.muli %mul3A_715, %while3A_700 : i32
        %add3A_717 = arith.constant 1 : i32
        %add3A_718 = arith.addi %mul3A_716, %add3A_717 : i32
        %add3A_719 = arith.constant 1 : i32
        %add3A_720 = arith.addi %add3A_718, %add3A_719 : i32
        %lt3A_721 = arith.cmpi slt, %add3A_720, %select_n3A_598 : i32
        %convert_element_type3A_722 = arith.extui %lt3A_721 : i1 to i32
        %cond3A_723 = arith.constant 0 : i32
        %cond3A_724 = arith.cmpi ne, %convert_element_type3A_722, %cond3A_723 : i32
        scf.if %cond3A_724 {
          %add3A_729 = arith.constant 1 : i32
          %add3A_730 = arith.addi %add3A_718, %add3A_729 : i32
          %mul3A_731 = arith.constant 64 : i32
          %mul3A_732 = arith.muli %add3A_730, %mul3A_731 : i32
          %ge3A = arith.constant 2 : i32
          %ge3A_733 = arith.cmpi sge, %add3A_730, %ge3A : i32
          %convert_element_type3A_734 = arith.extui %ge3A_733 : i1 to i32
          %cond3A_735 = arith.constant 0 : i32
          %cond3A_736 = arith.cmpi ne, %convert_element_type3A_734, %cond3A_735 : i32
          scf.if %cond3A_736 {
            %dma_wait3A = arith.constant 0 : i32
            %dma_wait3A_754 = arith.constant 0 : i32
            %dma_wait3A_755 = tpu.memref_slice %arg34[%dma_wait3A, %dma_wait3A_754] : memref<4608x128xf32, #tpu.memory_space<vmem_shared>> -> memref<4608x128xf32, #tpu.memory_space<vmem_shared>>
            tpu.wait_indirect_dma semaphore(%arg39 : memref<!tpu.dma_semaphore, #tpu.memory_space<semaphore_mem>>) src(%arg16 : memref<64x128xf32, #tpu.memory_space<vmem>>) dst(%dma_wait3A_755 : memref<4608x128xf32, #tpu.memory_space<vmem_shared>>)
            %dma_wait3A_756 = arith.constant 0 : i32
            %dma_wait3A_757 = arith.constant 0 : i32
            %dma_wait3A_758 = tpu.memref_slice %arg34[%dma_wait3A_756, %dma_wait3A_757] : memref<4608x128xf32, #tpu.memory_space<vmem_shared>> -> memref<4608x128xf32, #tpu.memory_space<vmem_shared>>
            tpu.wait_indirect_dma semaphore(%arg40 : memref<!tpu.dma_semaphore, #tpu.memory_space<semaphore_mem>>) src(%arg19 : memref<64x128xf32, #tpu.memory_space<vmem>>) dst(%dma_wait3A_758 : memref<4608x128xf32, #tpu.memory_space<vmem_shared>>)
          } else {
          }
          %scan3A_737 = arith.constant 0 : i32
          %scan3A_738 = arith.constant 0 : i32
          %scan3A_739 = arith.constant 4 : i32
          %scan3A_740 = arith.addi %scan3A_738, %scan3A_739 : i32
          %scan3A_741 = arith.constant 1 : i32
          scf.for %scan3A_754 = %scan3A_738 to %scan3A_740 step %scan3A_741  : i32 {
            %mul3A_755 = arith.constant 16 : i32
            %mul3A_756 = arith.muli %scan3A_754, %mul3A_755 : i32
            %add3A_757 = arith.addi %mul3A_732, %mul3A_756 : i32
            %add3A_758 = vector.broadcast %add3A_757 : i32 to vector<16xi32>
            %add3A_759 = arith.addi %add3A_758, %iota3A : vector<16xi32>
            %lt3A_760 = vector.broadcast %while3A_570 : i32 to vector<16xi32>
            %lt3A_761 = arith.cmpi slt, %add3A_759, %lt3A_760 : vector<16xi32>
            %get3A = arith.index_cast %add3A_757 : i32 to index
            %get3A_762 = tpu.vector_load %arg14[%get3A] {strides = array<i32>} : memref<10016xi32, #tpu.memory_space<vmem>>, vector<16xi32>,
            %and3A_763 = arith.constant 16383 : i32
            %and3A_764 = vector.broadcast %and3A_763 : i32 to vector<16xi32>
            %and3A_765 = arith.andi %get3A_762, %and3A_764 : vector<16xi32>
            %shift_right_logical3A = arith.constant 14 : i32
            %shift_right_logical3A_766 = vector.broadcast %shift_right_logical3A : i32 to vector<16xi32>
            %shift_right_logical3A_767 = arith.shrui %get3A_762, %shift_right_logical3A_766 : vector<16xi32>
            %and3A_768 = arith.constant 16383 : i32
            %and3A_769 = vector.broadcast %and3A_768 : i32 to vector<16xi32>
            %and3A_770 = arith.andi %shift_right_logical3A_767, %and3A_769 : vector<16xi32>
            %shift_right_logical3A_771 = arith.constant 28 : i32
            %shift_right_logical3A_772 = vector.broadcast %shift_right_logical3A_771 : i32 to vector<16xi32>
            %shift_right_logical3A_773 = arith.shrui %get3A_762, %shift_right_logical3A_772 : vector<16xi32>
            %jit3A_774 = arith.constant 0 : i32
            %broadcast_in_dim3A_775 = vector.broadcast %jit3A_774 : i32 to vector<16xi32>
            %select_n3A_776 = arith.select %lt3A_761, %and3A_765, %broadcast_in_dim3A_775 : vector<16xi1>, vector<16xi32>
            %mul3A_777 = arith.constant 16 : i32
            %mul3A_778 = arith.muli %scan3A_754, %mul3A_777 : i32
            %swap3A_779 = arith.index_cast %mul3A_778 : i32 to index
            %swap3A_780 = tpu.vector_load %arg24[%swap3A_779] {strides = array<i32>} : memref<64xi32, #tpu.memory_space<vmem>>, vector<16xi32>,
            tpu.vector_store %arg24[%swap3A_779], %select_n3A_776 {strides = array<i32>} : memref<64xi32, #tpu.memory_space<vmem>>, vector<16xi32>,
            %mul3A_781 = arith.constant 10000 : i32
            %mul3A_782 = vector.broadcast %mul3A_781 : i32 to vector<16xi32>
            %mul3A_783 = arith.muli %shift_right_logical3A_773, %mul3A_782 : vector<16xi32>
            %add3A_784 = arith.addi %mul3A_783, %and3A_765 : vector<16xi32>
            %jit3A_785 = arith.constant 0 : i32
            %broadcast_in_dim3A_786 = vector.broadcast %jit3A_785 : i32 to vector<16xi32>
            %select_n3A_787 = arith.select %lt3A_761, %add3A_784, %broadcast_in_dim3A_786 : vector<16xi1>, vector<16xi32>
            %mul3A_788 = arith.constant 16 : i32
            %mul3A_789 = arith.muli %scan3A_754, %mul3A_788 : i32
            %swap3A_790 = arith.index_cast %mul3A_789 : i32 to index
            %swap3A_791 = tpu.vector_load %arg25[%swap3A_790] {strides = array<i32>} : memref<64xi32, #tpu.memory_space<vmem>>, vector<16xi32>,
            tpu.vector_store %arg25[%swap3A_790], %select_n3A_787 {strides = array<i32>} : memref<64xi32, #tpu.memory_space<vmem>>, vector<16xi32>,
            %jit3A_792 = arith.constant 0 : i32
            %broadcast_in_dim3A_793 = vector.broadcast %jit3A_792 : i32 to vector<16xi32>
            %select_n3A_794 = arith.select %lt3A_761, %and3A_770, %broadcast_in_dim3A_793 : vector<16xi1>, vector<16xi32>
            %mul3A_795 = arith.constant 16 : i32
            %mul3A_796 = arith.muli %scan3A_754, %mul3A_795 : i32
            %swap3A_797 = arith.index_cast %mul3A_796 : i32 to index
            %swap3A_798 = tpu.vector_load %arg26[%swap3A_797] {strides = array<i32>} : memref<64xi32, #tpu.memory_space<vmem>>, vector<16xi32>,
            tpu.vector_store %arg26[%swap3A_797], %select_n3A_794 {strides = array<i32>} : memref<64xi32, #tpu.memory_space<vmem>>, vector<16xi32>,
            %sub3A_799 = vector.broadcast %mul3A_553 : i32 to vector<16xi32>
            %sub3A_800 = arith.subi %and3A_770, %sub3A_799 : vector<16xi32>
            %add3A_801 = arith.constant 1 : i32
            %add3A_802 = vector.broadcast %add3A_801 : i32 to vector<16xi32>
            %add3A_803 = arith.addi %shift_right_logical3A_773, %add3A_802 : vector<16xi32>
            %mul3A_804 = arith.constant 512 : i32
            %mul3A_805 = vector.broadcast %mul3A_804 : i32 to vector<16xi32>
            %mul3A_806 = arith.muli %add3A_803, %mul3A_805 : vector<16xi32>
            %add3A_807 = arith.addi %mul3A_806, %sub3A_800 : vector<16xi32>
            %broadcast_in_dim3A_808 = vector.broadcast %add3A_600 : i32 to vector<16xi32>
            %select_n3A_809 = arith.select %lt3A_761, %add3A_807, %broadcast_in_dim3A_808 : vector<16xi1>, vector<16xi32>
            %mul3A_810 = arith.constant 16 : i32
            %mul3A_811 = arith.muli %scan3A_754, %mul3A_810 : i32
            %swap3A_812 = arith.index_cast %mul3A_811 : i32 to index
            %swap3A_813 = tpu.vector_load %arg27[%swap3A_812] {strides = array<i32>} : memref<64xi32, #tpu.memory_space<vmem>>, vector<16xi32>,
            tpu.vector_store %arg27[%swap3A_812], %select_n3A_809 {strides = array<i32>} : memref<64xi32, #tpu.memory_space<vmem>>, vector<16xi32>,
            %broadcast_in_dim3A_814 = vector.broadcast %add3A_600 : i32 to vector<16xi32>
            %select_n3A_815 = arith.select %lt3A_761, %sub3A_800, %broadcast_in_dim3A_814 : vector<16xi1>, vector<16xi32>
            %mul3A_816 = arith.constant 16 : i32
            %mul3A_817 = arith.muli %scan3A_754, %mul3A_816 : i32
            %swap3A_818 = arith.index_cast %mul3A_817 : i32 to index
            %swap3A_819 = tpu.vector_load %arg28[%swap3A_818] {strides = array<i32>} : memref<64xi32, #tpu.memory_space<vmem>>, vector<16xi32>,
            tpu.vector_store %arg28[%swap3A_818], %select_n3A_815 {strides = array<i32>} : memref<64xi32, #tpu.memory_space<vmem>>, vector<16xi32>,
          }
          %scan3A_742 = arith.constant 4 : i32
          %dma_start3A = arith.constant 0 : i32
          %dma_start3A_743 = arith.constant 0 : i32
          %dma_start3A_744 = tpu.memref_slice %arg6[%dma_start3A, %dma_start3A_743] : memref<10000x128xf32, #tpu.memory_space<hbm>> -> memref<10000x128xf32, #tpu.memory_space<hbm>>
          tpu.enqueue_indirect_dma source(%dma_start3A_744 : memref<10000x128xf32, #tpu.memory_space<hbm>>) target(%arg16 : memref<64x128xf32, #tpu.memory_space<vmem>>) offsets(%arg24 : memref<64xi32, #tpu.memory_space<vmem>>) semaphore(%arg35 : memref<!tpu.dma_semaphore, #tpu.memory_space<semaphore_mem>>)
          %dma_start3A_745 = arith.constant 0 : i32
          %dma_start3A_746 = arith.constant 0 : i32
          %dma_start3A_747 = tpu.memref_slice %arg7[%dma_start3A_745, %dma_start3A_746] : memref<10000x128xf32, #tpu.memory_space<hbm>> -> memref<10000x128xf32, #tpu.memory_space<hbm>>
          tpu.enqueue_indirect_dma source(%dma_start3A_747 : memref<10000x128xf32, #tpu.memory_space<hbm>>) target(%arg17 : memref<64x128xf32, #tpu.memory_space<vmem>>) offsets(%arg24 : memref<64xi32, #tpu.memory_space<vmem>>) semaphore(%arg36 : memref<!tpu.dma_semaphore, #tpu.memory_space<semaphore_mem>>)
          %dma_start3A_748 = arith.constant 0 : i32
          %dma_start3A_749 = arith.constant 0 : i32
          %dma_start3A_750 = tpu.memref_slice %arg8[%dma_start3A_748, %dma_start3A_749] : memref<70000x128xf32, #tpu.memory_space<hbm>> -> memref<70000x128xf32, #tpu.memory_space<hbm>>
          tpu.enqueue_indirect_dma source(%dma_start3A_750 : memref<70000x128xf32, #tpu.memory_space<hbm>>) target(%arg18 : memref<64x128xf32, #tpu.memory_space<vmem>>) offsets(%arg25 : memref<64xi32, #tpu.memory_space<vmem>>) semaphore(%arg37 : memref<!tpu.dma_semaphore, #tpu.memory_space<semaphore_mem>>)
          %dma_start3A_751 = arith.constant 0 : i32
          %dma_start3A_752 = arith.constant 0 : i32
          %dma_start3A_753 = tpu.memref_slice %arg9[%dma_start3A_751, %dma_start3A_752] : memref<10000x128xf32, #tpu.memory_space<hbm>> -> memref<10000x128xf32, #tpu.memory_space<hbm>>
          tpu.enqueue_indirect_dma source(%dma_start3A_753 : memref<10000x128xf32, #tpu.memory_space<hbm>>) target(%arg19 : memref<64x128xf32, #tpu.memory_space<vmem>>) offsets(%arg26 : memref<64xi32, #tpu.memory_space<vmem>>) semaphore(%arg38 : memref<!tpu.dma_semaphore, #tpu.memory_space<semaphore_mem>>)
        } else {
        }
        %lt3A_725 = arith.cmpi slt, %add3A_718, %select_n3A_598 : i32
        %convert_element_type3A_726 = arith.extui %lt3A_725 : i1 to i32
        %cond3A_727 = arith.constant 0 : i32
        %cond3A_728 = arith.cmpi ne, %convert_element_type3A_726, %cond3A_727 : i32
        scf.if %cond3A_728 {
          %dma_wait3A = arith.constant 0 : i32
          %dma_wait3A_729 = arith.constant 0 : i32
          %dma_wait3A_730 = tpu.memref_slice %arg6[%dma_wait3A, %dma_wait3A_729] : memref<10000x128xf32, #tpu.memory_space<hbm>> -> memref<10000x128xf32, #tpu.memory_space<hbm>>
          tpu.wait_indirect_dma semaphore(%arg41 : memref<!tpu.dma_semaphore, #tpu.memory_space<semaphore_mem>>) src(%dma_wait3A_730 : memref<10000x128xf32, #tpu.memory_space<hbm>>) dst(%arg20 : memref<64x128xf32, #tpu.memory_space<vmem>>)
          %dma_wait3A_731 = arith.constant 0 : i32
          %dma_wait3A_732 = arith.constant 0 : i32
          %dma_wait3A_733 = tpu.memref_slice %arg7[%dma_wait3A_731, %dma_wait3A_732] : memref<10000x128xf32, #tpu.memory_space<hbm>> -> memref<10000x128xf32, #tpu.memory_space<hbm>>
          tpu.wait_indirect_dma semaphore(%arg42 : memref<!tpu.dma_semaphore, #tpu.memory_space<semaphore_mem>>) src(%dma_wait3A_733 : memref<10000x128xf32, #tpu.memory_space<hbm>>) dst(%arg21 : memref<64x128xf32, #tpu.memory_space<vmem>>)
          %dma_wait3A_734 = arith.constant 0 : i32
          %dma_wait3A_735 = arith.constant 0 : i32
          %dma_wait3A_736 = tpu.memref_slice %arg8[%dma_wait3A_734, %dma_wait3A_735] : memref<70000x128xf32, #tpu.memory_space<hbm>> -> memref<70000x128xf32, #tpu.memory_space<hbm>>
          tpu.wait_indirect_dma semaphore(%arg43 : memref<!tpu.dma_semaphore, #tpu.memory_space<semaphore_mem>>) src(%dma_wait3A_736 : memref<70000x128xf32, #tpu.memory_space<hbm>>) dst(%arg22 : memref<64x128xf32, #tpu.memory_space<vmem>>)
          %dma_wait3A_737 = arith.constant 0 : i32
          %dma_wait3A_738 = arith.constant 0 : i32
          %dma_wait3A_739 = tpu.memref_slice %arg9[%dma_wait3A_737, %dma_wait3A_738] : memref<10000x128xf32, #tpu.memory_space<hbm>> -> memref<10000x128xf32, #tpu.memory_space<hbm>>
          tpu.wait_indirect_dma semaphore(%arg44 : memref<!tpu.dma_semaphore, #tpu.memory_space<semaphore_mem>>) src(%dma_wait3A_739 : memref<10000x128xf32, #tpu.memory_space<hbm>>) dst(%arg23 : memref<64x128xf32, #tpu.memory_space<vmem>>)
          %dma_start3A = arith.constant 0 : i32
          %dma_start3A_740 = arith.constant 0 : i32
          %dma_start3A_741 = tpu.memref_slice %arg34[%dma_start3A, %dma_start3A_740] : memref<4608x128xf32, #tpu.memory_space<vmem_shared>> -> memref<4608x128xf32, #tpu.memory_space<vmem_shared>>
          tpu.enqueue_indirect_dma source(%arg20 : memref<64x128xf32, #tpu.memory_space<vmem>>) target(%dma_start3A_741 : memref<4608x128xf32, #tpu.memory_space<vmem_shared>>) offsets(%arg32 : memref<64xi32, #tpu.memory_space<vmem>>) semaphore(%arg45 : memref<!tpu.dma_semaphore, #tpu.memory_space<semaphore_mem>>) {add = true}
          %parallel_loop3A = arith.constant 0 : i32
          %parallel_loop3A_742 = arith.constant 64 : i32
          %parallel_loop3A_743 = arith.constant 1 : i32
          scf.for %parallel_loop3A_747 = %parallel_loop3A to %parallel_loop3A_742 step %parallel_loop3A_743  : i32 {
            %parallel_loop3A_748 = arith.index_cast %parallel_loop3A_747 : i32 to index
            %parallel_loop3A_749 = arith.constant 0 : index
            %parallel_loop3A_750 = tpu.vector_load %arg23[%parallel_loop3A_748, %parallel_loop3A_749] {strides = array<i32>} : memref<64x128xf32, #tpu.memory_space<vmem>>, vector<16xf32>,
            %parallel_loop3A_751 = arith.index_cast %parallel_loop3A_747 : i32 to index
            %parallel_loop3A_752 = arith.constant 0 : index
            %parallel_loop3A_753 = tpu.vector_load %arg22[%parallel_loop3A_751, %parallel_loop3A_752] {strides = array<i32>} : memref<64x128xf32, #tpu.memory_space<vmem>>, vector<16xf32>,
            %parallel_loop3A_754 = arith.addf %parallel_loop3A_750, %parallel_loop3A_753 : vector<16xf32>
            %parallel_loop3A_755 = arith.constant 0.000000e+00 : f32
            %parallel_loop3A_756 = vector.broadcast %parallel_loop3A_755 : f32 to vector<16xf32>
            %parallel_loop3A_757 = arith.subf %parallel_loop3A_756, %parallel_loop3A_754 : vector<16xf32>
            %parallel_loop3A_758 = math.exp %parallel_loop3A_757 : vector<16xf32>
            %parallel_loop3A_759 = arith.constant 1.000000e+00 : f32
            %parallel_loop3A_760 = vector.broadcast %parallel_loop3A_759 : f32 to vector<16xf32>
            %parallel_loop3A_761 = arith.addf %parallel_loop3A_760, %parallel_loop3A_758 : vector<16xf32>
            %parallel_loop3A_762 = arith.constant 1.000000e+00 : f32
            %parallel_loop3A_763 = vector.broadcast %parallel_loop3A_762 : f32 to vector<16xf32>
            %parallel_loop3A_764 = arith.divf %parallel_loop3A_763, %parallel_loop3A_761 : vector<16xf32>
            %parallel_loop3A_765 = arith.index_cast %parallel_loop3A_747 : i32 to index
            %parallel_loop3A_766 = arith.constant 0 : index
            %parallel_loop3A_767 = tpu.vector_load %arg21[%parallel_loop3A_765, %parallel_loop3A_766] {strides = array<i32>} : memref<64x128xf32, #tpu.memory_space<vmem>>, vector<16xf32>,
            %parallel_loop3A_768 = arith.mulf %parallel_loop3A_767, %parallel_loop3A_764 : vector<16xf32>
            %parallel_loop3A_769 = arith.index_cast %parallel_loop3A_747 : i32 to index
            %parallel_loop3A_770 = arith.constant 0 : index
            %parallel_loop3A_771 = tpu.vector_load %arg23[%parallel_loop3A_769, %parallel_loop3A_770] {strides = array<i32>} : memref<64x128xf32, #tpu.memory_space<vmem>>, vector<16xf32>,
            tpu.vector_store %arg23[%parallel_loop3A_769, %parallel_loop3A_770], %parallel_loop3A_768 {strides = array<i32>} : memref<64x128xf32, #tpu.memory_space<vmem>>, vector<16xf32>,
            %parallel_loop3A_772 = arith.index_cast %parallel_loop3A_747 : i32 to index
            %parallel_loop3A_773 = arith.constant 16 : index
            %parallel_loop3A_774 = tpu.vector_load %arg23[%parallel_loop3A_772, %parallel_loop3A_773] {strides = array<i32>} : memref<64x128xf32, #tpu.memory_space<vmem>>, vector<16xf32>,
            %parallel_loop3A_775 = arith.index_cast %parallel_loop3A_747 : i32 to index
            %parallel_loop3A_776 = arith.constant 16 : index
            %parallel_loop3A_777 = tpu.vector_load %arg22[%parallel_loop3A_775, %parallel_loop3A_776] {strides = array<i32>} : memref<64x128xf32, #tpu.memory_space<vmem>>, vector<16xf32>,
            %parallel_loop3A_778 = arith.addf %parallel_loop3A_774, %parallel_loop3A_777 : vector<16xf32>
            %parallel_loop3A_779 = arith.constant 0.000000e+00 : f32
            %parallel_loop3A_780 = vector.broadcast %parallel_loop3A_779 : f32 to vector<16xf32>
            %parallel_loop3A_781 = arith.subf %parallel_loop3A_780, %parallel_loop3A_778 : vector<16xf32>
            %parallel_loop3A_782 = math.exp %parallel_loop3A_781 : vector<16xf32>
            %parallel_loop3A_783 = arith.constant 1.000000e+00 : f32
            %parallel_loop3A_784 = vector.broadcast %parallel_loop3A_783 : f32 to vector<16xf32>
            %parallel_loop3A_785 = arith.addf %parallel_loop3A_784, %parallel_loop3A_782 : vector<16xf32>
            %parallel_loop3A_786 = arith.constant 1.000000e+00 : f32
            %parallel_loop3A_787 = vector.broadcast %parallel_loop3A_786 : f32 to vector<16xf32>
            %parallel_loop3A_788 = arith.divf %parallel_loop3A_787, %parallel_loop3A_785 : vector<16xf32>
            %parallel_loop3A_789 = arith.index_cast %parallel_loop3A_747 : i32 to index
            %parallel_loop3A_790 = arith.constant 16 : index
            %parallel_loop3A_791 = tpu.vector_load %arg21[%parallel_loop3A_789, %parallel_loop3A_790] {strides = array<i32>} : memref<64x128xf32, #tpu.memory_space<vmem>>, vector<16xf32>,
            %parallel_loop3A_792 = arith.mulf %parallel_loop3A_791, %parallel_loop3A_788 : vector<16xf32>
            %parallel_loop3A_793 = arith.index_cast %parallel_loop3A_747 : i32 to index
            %parallel_loop3A_794 = arith.constant 16 : index
            %parallel_loop3A_795 = tpu.vector_load %arg23[%parallel_loop3A_793, %parallel_loop3A_794] {strides = array<i32>} : memref<64x128xf32, #tpu.memory_space<vmem>>, vector<16xf32>,
            tpu.vector_store %arg23[%parallel_loop3A_793, %parallel_loop3A_794], %parallel_loop3A_792 {strides = array<i32>} : memref<64x128xf32, #tpu.memory_space<vmem>>, vector<16xf32>,
            %parallel_loop3A_796 = arith.index_cast %parallel_loop3A_747 : i32 to index
            %parallel_loop3A_797 = arith.constant 32 : index
            %parallel_loop3A_798 = tpu.vector_load %arg23[%parallel_loop3A_796, %parallel_loop3A_797] {strides = array<i32>} : memref<64x128xf32, #tpu.memory_space<vmem>>, vector<16xf32>,
            %parallel_loop3A_799 = arith.index_cast %parallel_loop3A_747 : i32 to index
            %parallel_loop3A_800 = arith.constant 32 : index
            %parallel_loop3A_801 = tpu.vector_load %arg22[%parallel_loop3A_799, %parallel_loop3A_800] {strides = array<i32>} : memref<64x128xf32, #tpu.memory_space<vmem>>, vector<16xf32>,
            %parallel_loop3A_802 = arith.addf %parallel_loop3A_798, %parallel_loop3A_801 : vector<16xf32>
            %parallel_loop3A_803 = arith.constant 0.000000e+00 : f32
            %parallel_loop3A_804 = vector.broadcast %parallel_loop3A_803 : f32 to vector<16xf32>
            %parallel_loop3A_805 = arith.subf %parallel_loop3A_804, %parallel_loop3A_802 : vector<16xf32>
            %parallel_loop3A_806 = math.exp %parallel_loop3A_805 : vector<16xf32>
            %parallel_loop3A_807 = arith.constant 1.000000e+00 : f32
            %parallel_loop3A_808 = vector.broadcast %parallel_loop3A_807 : f32 to vector<16xf32>
            %parallel_loop3A_809 = arith.addf %parallel_loop3A_808, %parallel_loop3A_806 : vector<16xf32>
            %parallel_loop3A_810 = arith.constant 1.000000e+00 : f32
            %parallel_loop3A_811 = vector.broadcast %parallel_loop3A_810 : f32 to vector<16xf32>
            %parallel_loop3A_812 = arith.divf %parallel_loop3A_811, %parallel_loop3A_809 : vector<16xf32>
            %parallel_loop3A_813 = arith.index_cast %parallel_loop3A_747 : i32 to index
            %parallel_loop3A_814 = arith.constant 32 : index
            %parallel_loop3A_815 = tpu.vector_load %arg21[%parallel_loop3A_813, %parallel_loop3A_814] {strides = array<i32>} : memref<64x128xf32, #tpu.memory_space<vmem>>, vector<16xf32>,
            %parallel_loop3A_816 = arith.mulf %parallel_loop3A_815, %parallel_loop3A_812 : vector<16xf32>
            %parallel_loop3A_817 = arith.index_cast %parallel_loop3A_747 : i32 to index
            %parallel_loop3A_818 = arith.constant 32 : index
            %parallel_loop3A_819 = tpu.vector_load %arg23[%parallel_loop3A_817, %parallel_loop3A_818] {strides = array<i32>} : memref<64x128xf32, #tpu.memory_space<vmem>>, vector<16xf32>,
            tpu.vector_store %arg23[%parallel_loop3A_817, %parallel_loop3A_818], %parallel_loop3A_816 {strides = array<i32>} : memref<64x128xf32, #tpu.memory_space<vmem>>, vector<16xf32>,
            %parallel_loop3A_820 = arith.index_cast %parallel_loop3A_747 : i32 to index
            %parallel_loop3A_821 = arith.constant 48 : index
            %parallel_loop3A_822 = tpu.vector_load %arg23[%parallel_loop3A_820, %parallel_loop3A_821] {strides = array<i32>} : memref<64x128xf32, #tpu.memory_space<vmem>>, vector<16xf32>,
            %parallel_loop3A_823 = arith.index_cast %parallel_loop3A_747 : i32 to index
            %parallel_loop3A_824 = arith.constant 48 : index
            %parallel_loop3A_825 = tpu.vector_load %arg22[%parallel_loop3A_823, %parallel_loop3A_824] {strides = array<i32>} : memref<64x128xf32, #tpu.memory_space<vmem>>, vector<16xf32>,
            %parallel_loop3A_826 = arith.addf %parallel_loop3A_822, %parallel_loop3A_825 : vector<16xf32>
            %parallel_loop3A_827 = arith.constant 0.000000e+00 : f32
            %parallel_loop3A_828 = vector.broadcast %parallel_loop3A_827 : f32 to vector<16xf32>
            %parallel_loop3A_829 = arith.subf %parallel_loop3A_828, %parallel_loop3A_826 : vector<16xf32>
            %parallel_loop3A_830 = math.exp %parallel_loop3A_829 : vector<16xf32>
            %parallel_loop3A_831 = arith.constant 1.000000e+00 : f32
            %parallel_loop3A_832 = vector.broadcast %parallel_loop3A_831 : f32 to vector<16xf32>
            %parallel_loop3A_833 = arith.addf %parallel_loop3A_832, %parallel_loop3A_830 : vector<16xf32>
            %parallel_loop3A_834 = arith.constant 1.000000e+00 : f32
            %parallel_loop3A_835 = vector.broadcast %parallel_loop3A_834 : f32 to vector<16xf32>
            %parallel_loop3A_836 = arith.divf %parallel_loop3A_835, %parallel_loop3A_833 : vector<16xf32>
            %parallel_loop3A_837 = arith.index_cast %parallel_loop3A_747 : i32 to index
            %parallel_loop3A_838 = arith.constant 48 : index
            %parallel_loop3A_839 = tpu.vector_load %arg21[%parallel_loop3A_837, %parallel_loop3A_838] {strides = array<i32>} : memref<64x128xf32, #tpu.memory_space<vmem>>, vector<16xf32>,
            %parallel_loop3A_840 = arith.mulf %parallel_loop3A_839, %parallel_loop3A_836 : vector<16xf32>
            %parallel_loop3A_841 = arith.index_cast %parallel_loop3A_747 : i32 to index
            %parallel_loop3A_842 = arith.constant 48 : index
            %parallel_loop3A_843 = tpu.vector_load %arg23[%parallel_loop3A_841, %parallel_loop3A_842] {strides = array<i32>} : memref<64x128xf32, #tpu.memory_space<vmem>>, vector<16xf32>,
            tpu.vector_store %arg23[%parallel_loop3A_841, %parallel_loop3A_842], %parallel_loop3A_840 {strides = array<i32>} : memref<64x128xf32, #tpu.memory_space<vmem>>, vector<16xf32>,
            %parallel_loop3A_844 = arith.index_cast %parallel_loop3A_747 : i32 to index
            %parallel_loop3A_845 = arith.constant 64 : index
            %parallel_loop3A_846 = tpu.vector_load %arg23[%parallel_loop3A_844, %parallel_loop3A_845] {strides = array<i32>} : memref<64x128xf32, #tpu.memory_space<vmem>>, vector<16xf32>,
            %parallel_loop3A_847 = arith.index_cast %parallel_loop3A_747 : i32 to index
            %parallel_loop3A_848 = arith.constant 64 : index
            %parallel_loop3A_849 = tpu.vector_load %arg22[%parallel_loop3A_847, %parallel_loop3A_848] {strides = array<i32>} : memref<64x128xf32, #tpu.memory_space<vmem>>, vector<16xf32>,
            %parallel_loop3A_850 = arith.addf %parallel_loop3A_846, %parallel_loop3A_849 : vector<16xf32>
            %parallel_loop3A_851 = arith.constant 0.000000e+00 : f32
            %parallel_loop3A_852 = vector.broadcast %parallel_loop3A_851 : f32 to vector<16xf32>
            %parallel_loop3A_853 = arith.subf %parallel_loop3A_852, %parallel_loop3A_850 : vector<16xf32>
            %parallel_loop3A_854 = math.exp %parallel_loop3A_853 : vector<16xf32>
            %parallel_loop3A_855 = arith.constant 1.000000e+00 : f32
            %parallel_loop3A_856 = vector.broadcast %parallel_loop3A_855 : f32 to vector<16xf32>
            %parallel_loop3A_857 = arith.addf %parallel_loop3A_856, %parallel_loop3A_854 : vector<16xf32>
            %parallel_loop3A_858 = arith.constant 1.000000e+00 : f32
            %parallel_loop3A_859 = vector.broadcast %parallel_loop3A_858 : f32 to vector<16xf32>
            %parallel_loop3A_860 = arith.divf %parallel_loop3A_859, %parallel_loop3A_857 : vector<16xf32>
            %parallel_loop3A_861 = arith.index_cast %parallel_loop3A_747 : i32 to index
            %parallel_loop3A_862 = arith.constant 64 : index
            %parallel_loop3A_863 = tpu.vector_load %arg21[%parallel_loop3A_861, %parallel_loop3A_862] {strides = array<i32>} : memref<64x128xf32, #tpu.memory_space<vmem>>, vector<16xf32>,
            %parallel_loop3A_864 = arith.mulf %parallel_loop3A_863, %parallel_loop3A_860 : vector<16xf32>
            %parallel_loop3A_865 = arith.index_cast %parallel_loop3A_747 : i32 to index
            %parallel_loop3A_866 = arith.constant 64 : index
            %parallel_loop3A_867 = tpu.vector_load %arg23[%parallel_loop3A_865, %parallel_loop3A_866] {strides = array<i32>} : memref<64x128xf32, #tpu.memory_space<vmem>>, vector<16xf32>,
            tpu.vector_store %arg23[%parallel_loop3A_865, %parallel_loop3A_866], %parallel_loop3A_864 {strides = array<i32>} : memref<64x128xf32, #tpu.memory_space<vmem>>, vector<16xf32>,
            %parallel_loop3A_868 = arith.index_cast %parallel_loop3A_747 : i32 to index
            %parallel_loop3A_869 = arith.constant 80 : index
            %parallel_loop3A_870 = tpu.vector_load %arg23[%parallel_loop3A_868, %parallel_loop3A_869] {strides = array<i32>} : memref<64x128xf32, #tpu.memory_space<vmem>>, vector<16xf32>,
            %parallel_loop3A_871 = arith.index_cast %parallel_loop3A_747 : i32 to index
            %parallel_loop3A_872 = arith.constant 80 : index
            %parallel_loop3A_873 = tpu.vector_load %arg22[%parallel_loop3A_871, %parallel_loop3A_872] {strides = array<i32>} : memref<64x128xf32, #tpu.memory_space<vmem>>, vector<16xf32>,
            %parallel_loop3A_874 = arith.addf %parallel_loop3A_870, %parallel_loop3A_873 : vector<16xf32>
            %parallel_loop3A_875 = arith.constant 0.000000e+00 : f32
            %parallel_loop3A_876 = vector.broadcast %parallel_loop3A_875 : f32 to vector<16xf32>
            %parallel_loop3A_877 = arith.subf %parallel_loop3A_876, %parallel_loop3A_874 : vector<16xf32>
            %parallel_loop3A_878 = math.exp %parallel_loop3A_877 : vector<16xf32>
            %parallel_loop3A_879 = arith.constant 1.000000e+00 : f32
            %parallel_loop3A_880 = vector.broadcast %parallel_loop3A_879 : f32 to vector<16xf32>
            %parallel_loop3A_881 = arith.addf %parallel_loop3A_880, %parallel_loop3A_878 : vector<16xf32>
            %parallel_loop3A_882 = arith.constant 1.000000e+00 : f32
            %parallel_loop3A_883 = vector.broadcast %parallel_loop3A_882 : f32 to vector<16xf32>
            %parallel_loop3A_884 = arith.divf %parallel_loop3A_883, %parallel_loop3A_881 : vector<16xf32>
            %parallel_loop3A_885 = arith.index_cast %parallel_loop3A_747 : i32 to index
            %parallel_loop3A_886 = arith.constant 80 : index
            %parallel_loop3A_887 = tpu.vector_load %arg21[%parallel_loop3A_885, %parallel_loop3A_886] {strides = array<i32>} : memref<64x128xf32, #tpu.memory_space<vmem>>, vector<16xf32>,
            %parallel_loop3A_888 = arith.mulf %parallel_loop3A_887, %parallel_loop3A_884 : vector<16xf32>
            %parallel_loop3A_889 = arith.index_cast %parallel_loop3A_747 : i32 to index
            %parallel_loop3A_890 = arith.constant 80 : index
            %parallel_loop3A_891 = tpu.vector_load %arg23[%parallel_loop3A_889, %parallel_loop3A_890] {strides = array<i32>} : memref<64x128xf32, #tpu.memory_space<vmem>>, vector<16xf32>,
            tpu.vector_store %arg23[%parallel_loop3A_889, %parallel_loop3A_890], %parallel_loop3A_888 {strides = array<i32>} : memref<64x128xf32, #tpu.memory_space<vmem>>, vector<16xf32>,
            %parallel_loop3A_892 = arith.index_cast %parallel_loop3A_747 : i32 to index
            %parallel_loop3A_893 = arith.constant 96 : index
            %parallel_loop3A_894 = tpu.vector_load %arg23[%parallel_loop3A_892, %parallel_loop3A_893] {strides = array<i32>} : memref<64x128xf32, #tpu.memory_space<vmem>>, vector<16xf32>,
            %parallel_loop3A_895 = arith.index_cast %parallel_loop3A_747 : i32 to index
            %parallel_loop3A_896 = arith.constant 96 : index
            %parallel_loop3A_897 = tpu.vector_load %arg22[%parallel_loop3A_895, %parallel_loop3A_896] {strides = array<i32>} : memref<64x128xf32, #tpu.memory_space<vmem>>, vector<16xf32>,
            %parallel_loop3A_898 = arith.addf %parallel_loop3A_894, %parallel_loop3A_897 : vector<16xf32>
            %parallel_loop3A_899 = arith.constant 0.000000e+00 : f32
            %parallel_loop3A_900 = vector.broadcast %parallel_loop3A_899 : f32 to vector<16xf32>
            %parallel_loop3A_901 = arith.subf %parallel_loop3A_900, %parallel_loop3A_898 : vector<16xf32>
            %parallel_loop3A_902 = math.exp %parallel_loop3A_901 : vector<16xf32>
            %parallel_loop3A_903 = arith.constant 1.000000e+00 : f32
            %parallel_loop3A_904 = vector.broadcast %parallel_loop3A_903 : f32 to vector<16xf32>
            %parallel_loop3A_905 = arith.addf %parallel_loop3A_904, %parallel_loop3A_902 : vector<16xf32>
            %parallel_loop3A_906 = arith.constant 1.000000e+00 : f32
            %parallel_loop3A_907 = vector.broadcast %parallel_loop3A_906 : f32 to vector<16xf32>
            %parallel_loop3A_908 = arith.divf %parallel_loop3A_907, %parallel_loop3A_905 : vector<16xf32>
            %parallel_loop3A_909 = arith.index_cast %parallel_loop3A_747 : i32 to index
            %parallel_loop3A_910 = arith.constant 96 : index
            %parallel_loop3A_911 = tpu.vector_load %arg21[%parallel_loop3A_909, %parallel_loop3A_910] {strides = array<i32>} : memref<64x128xf32, #tpu.memory_space<vmem>>, vector<16xf32>,
            %parallel_loop3A_912 = arith.mulf %parallel_loop3A_911, %parallel_loop3A_908 : vector<16xf32>
            %parallel_loop3A_913 = arith.index_cast %parallel_loop3A_747 : i32 to index
            %parallel_loop3A_914 = arith.constant 96 : index
            %parallel_loop3A_915 = tpu.vector_load %arg23[%parallel_loop3A_913, %parallel_loop3A_914] {strides = array<i32>} : memref<64x128xf32, #tpu.memory_space<vmem>>, vector<16xf32>,
            tpu.vector_store %arg23[%parallel_loop3A_913, %parallel_loop3A_914], %parallel_loop3A_912 {strides = array<i32>} : memref<64x128xf32, #tpu.memory_space<vmem>>, vector<16xf32>,
            %parallel_loop3A_916 = arith.index_cast %parallel_loop3A_747 : i32 to index
            %parallel_loop3A_917 = arith.constant 112 : index
            %parallel_loop3A_918 = tpu.vector_load %arg23[%parallel_loop3A_916, %parallel_loop3A_917] {strides = array<i32>} : memref<64x128xf32, #tpu.memory_space<vmem>>, vector<16xf32>,
            %parallel_loop3A_919 = arith.index_cast %parallel_loop3A_747 : i32 to index
            %parallel_loop3A_920 = arith.constant 112 : index
            %parallel_loop3A_921 = tpu.vector_load %arg22[%parallel_loop3A_919, %parallel_loop3A_920] {strides = array<i32>} : memref<64x128xf32, #tpu.memory_space<vmem>>, vector<16xf32>,
            %parallel_loop3A_922 = arith.addf %parallel_loop3A_918, %parallel_loop3A_921 : vector<16xf32>
            %parallel_loop3A_923 = arith.constant 0.000000e+00 : f32
            %parallel_loop3A_924 = vector.broadcast %parallel_loop3A_923 : f32 to vector<16xf32>
            %parallel_loop3A_925 = arith.subf %parallel_loop3A_924, %parallel_loop3A_922 : vector<16xf32>
            %parallel_loop3A_926 = math.exp %parallel_loop3A_925 : vector<16xf32>
            %parallel_loop3A_927 = arith.constant 1.000000e+00 : f32
            %parallel_loop3A_928 = vector.broadcast %parallel_loop3A_927 : f32 to vector<16xf32>
            %parallel_loop3A_929 = arith.addf %parallel_loop3A_928, %parallel_loop3A_926 : vector<16xf32>
            %parallel_loop3A_930 = arith.constant 1.000000e+00 : f32
            %parallel_loop3A_931 = vector.broadcast %parallel_loop3A_930 : f32 to vector<16xf32>
            %parallel_loop3A_932 = arith.divf %parallel_loop3A_931, %parallel_loop3A_929 : vector<16xf32>
            %parallel_loop3A_933 = arith.index_cast %parallel_loop3A_747 : i32 to index
            %parallel_loop3A_934 = arith.constant 112 : index
            %parallel_loop3A_935 = tpu.vector_load %arg21[%parallel_loop3A_933, %parallel_loop3A_934] {strides = array<i32>} : memref<64x128xf32, #tpu.memory_space<vmem>>, vector<16xf32>,
            %parallel_loop3A_936 = arith.mulf %parallel_loop3A_935, %parallel_loop3A_932 : vector<16xf32>
            %parallel_loop3A_937 = arith.index_cast %parallel_loop3A_747 : i32 to index
            %parallel_loop3A_938 = arith.constant 112 : index
            %parallel_loop3A_939 = tpu.vector_load %arg23[%parallel_loop3A_937, %parallel_loop3A_938] {strides = array<i32>} : memref<64x128xf32, #tpu.memory_space<vmem>>, vector<16xf32>,
            tpu.vector_store %arg23[%parallel_loop3A_937, %parallel_loop3A_938], %parallel_loop3A_936 {strides = array<i32>} : memref<64x128xf32, #tpu.memory_space<vmem>>, vector<16xf32>,
          } {sc.loop_unroll_factor = 2 : i64, sc.parallel_access}
          %dma_start3A_744 = arith.constant 0 : i32
          %dma_start3A_745 = arith.constant 0 : i32
          %dma_start3A_746 = tpu.memref_slice %arg34[%dma_start3A_744, %dma_start3A_745] : memref<4608x128xf32, #tpu.memory_space<vmem_shared>> -> memref<4608x128xf32, #tpu.memory_space<vmem_shared>>
          tpu.enqueue_indirect_dma source(%arg23 : memref<64x128xf32, #tpu.memory_space<vmem>>) target(%dma_start3A_746 : memref<4608x128xf32, #tpu.memory_space<vmem_shared>>) offsets(%arg33 : memref<64xi32, #tpu.memory_space<vmem>>) semaphore(%arg46 : memref<!tpu.dma_semaphore, #tpu.memory_space<semaphore_mem>>) {add = true}
        } else {
        }
      }
      %gt3A_639 = arith.constant 0 : i32
      %gt3A_640 = arith.cmpi sgt, %select_n3A_598, %gt3A_639 : i32
      %convert_element_type3A_641 = arith.extui %gt3A_640 : i1 to i32
      %cond3A_642 = arith.constant 0 : i32
      %cond3A_643 = arith.cmpi ne, %convert_element_type3A_641, %cond3A_642 : i32
      scf.if %cond3A_643 {
        %dma_wait3A = arith.constant 0 : i32
        %dma_wait3A_700 = arith.constant 0 : i32
        %dma_wait3A_701 = tpu.memref_slice %arg34[%dma_wait3A, %dma_wait3A_700] : memref<4608x128xf32, #tpu.memory_space<vmem_shared>> -> memref<4608x128xf32, #tpu.memory_space<vmem_shared>>
        tpu.wait_indirect_dma semaphore(%arg39 : memref<!tpu.dma_semaphore, #tpu.memory_space<semaphore_mem>>) src(%arg16 : memref<64x128xf32, #tpu.memory_space<vmem>>) dst(%dma_wait3A_701 : memref<4608x128xf32, #tpu.memory_space<vmem_shared>>)
        %dma_wait3A_702 = arith.constant 0 : i32
        %dma_wait3A_703 = arith.constant 0 : i32
        %dma_wait3A_704 = tpu.memref_slice %arg34[%dma_wait3A_702, %dma_wait3A_703] : memref<4608x128xf32, #tpu.memory_space<vmem_shared>> -> memref<4608x128xf32, #tpu.memory_space<vmem_shared>>
        tpu.wait_indirect_dma semaphore(%arg40 : memref<!tpu.dma_semaphore, #tpu.memory_space<semaphore_mem>>) src(%arg19 : memref<64x128xf32, #tpu.memory_space<vmem>>) dst(%dma_wait3A_704 : memref<4608x128xf32, #tpu.memory_space<vmem_shared>>)
      } else {
      }
      %gt3A_644 = arith.constant 1 : i32
      %gt3A_645 = arith.cmpi sgt, %select_n3A_598, %gt3A_644 : i32
      %convert_element_type3A_646 = arith.extui %gt3A_645 : i1 to i32
      %cond3A_647 = arith.constant 0 : i32
      %cond3A_648 = arith.cmpi ne, %convert_element_type3A_646, %cond3A_647 : i32
      scf.if %cond3A_648 {
        %dma_wait3A = arith.constant 0 : i32
        %dma_wait3A_700 = arith.constant 0 : i32
        %dma_wait3A_701 = tpu.memref_slice %arg34[%dma_wait3A, %dma_wait3A_700] : memref<4608x128xf32, #tpu.memory_space<vmem_shared>> -> memref<4608x128xf32, #tpu.memory_space<vmem_shared>>
        tpu.wait_indirect_dma semaphore(%arg45 : memref<!tpu.dma_semaphore, #tpu.memory_space<semaphore_mem>>) src(%arg20 : memref<64x128xf32, #tpu.memory_space<vmem>>) dst(%dma_wait3A_701 : memref<4608x128xf32, #tpu.memory_space<vmem_shared>>)
        %dma_wait3A_702 = arith.constant 0 : i32
        %dma_wait3A_703 = arith.constant 0 : i32
        %dma_wait3A_704 = tpu.memref_slice %arg34[%dma_wait3A_702, %dma_wait3A_703] : memref<4608x128xf32, #tpu.memory_space<vmem_shared>> -> memref<4608x128xf32, #tpu.memory_space<vmem_shared>>
        tpu.wait_indirect_dma semaphore(%arg46 : memref<!tpu.dma_semaphore, #tpu.memory_space<semaphore_mem>>) src(%arg23 : memref<64x128xf32, #tpu.memory_space<vmem>>) dst(%dma_wait3A_704 : memref<4608x128xf32, #tpu.memory_space<vmem_shared>>)
      } else {
      }
      %barrier3A_649 = arith.constant 0 : index
      tpu.barrier barrier_id(%barrier3A_649)
      %jit3A_650 = arith.constant 2 : i32
      %div3A_651 = arith.divsi %arg1, %jit3A_650 : i32
      %sign3A_652 = arith.constant 0 : i32
      %sign3A_653 = arith.cmpi sgt, %arg1, %sign3A_652 : i32
      %sign3A_654 = arith.extui %sign3A_653 : i1 to i32
      %sign3A_655 = arith.constant 0 : i32
      %sign3A_656 = arith.cmpi slt, %arg1, %sign3A_655 : i32
      %sign3A_657 = arith.extui %sign3A_656 : i1 to i32
      %sign3A_658 = arith.subi %sign3A_654, %sign3A_657 : i32
      %sign3A_659 = arith.constant 0 : i32
      %sign3A_660 = arith.cmpi sgt, %jit3A_650, %sign3A_659 : i32
      %sign3A_661 = arith.extui %sign3A_660 : i1 to i32
      %sign3A_662 = arith.constant 0 : i32
      %sign3A_663 = arith.cmpi slt, %jit3A_650, %sign3A_662 : i32
      %sign3A_664 = arith.extui %sign3A_663 : i1 to i32
      %sign3A_665 = arith.subi %sign3A_661, %sign3A_664 : i32
      %ne3A_666 = arith.cmpi ne, %sign3A_658, %sign3A_665 : i32
      %rem3A_667 = arith.remsi %arg1, %jit3A_650 : i32
      %ne3A_668 = arith.constant 0 : i32
      %ne3A_669 = arith.cmpi ne, %rem3A_667, %ne3A_668 : i32
      %and3A_670 = arith.andi %ne3A_666, %ne3A_669 : i1
      %sub3A_671 = arith.constant 1 : i32
      %sub3A_672 = arith.subi %div3A_651, %sub3A_671 : i32
      %select_n3A_673 = arith.select %and3A_670, %sub3A_672, %div3A_651 : i32
      %jit3A_674 = arith.constant 2 : i32
      %eq3A = arith.constant 0 : i32
      %eq3A_675 = arith.cmpi eq, %jit3A_674, %eq3A : i32
      %jit3A_676 = arith.constant 1 : i32
      %select_n3A_677 = arith.select %eq3A_675, %jit3A_676, %jit3A_674 : i32
      %rem3A_678 = arith.remsi %arg1, %select_n3A_677 : i32
      %ne3A_679 = arith.constant 0 : i32
      %ne3A_680 = arith.cmpi ne, %rem3A_678, %ne3A_679 : i32
      %lt3A = arith.constant 0 : i32
      %lt3A_681 = arith.cmpi slt, %rem3A_678, %lt3A : i32
      %lt3A_682 = arith.constant 0 : i32
      %lt3A_683 = arith.cmpi slt, %select_n3A_677, %lt3A_682 : i32
      %ne3A_684 = arith.xori %lt3A_681, %lt3A_683 : i1
      %and3A_685 = arith.andi %ne3A_684, %ne3A_680 : i1
      %add3A_686 = arith.addi %rem3A_678, %select_n3A_677 : i32
      %select_n3A_687 = arith.select %and3A_685, %add3A_686, %rem3A_678 : i32
      %mul3A_688 = arith.constant 512 : i32
      %mul3A_689 = arith.muli %select_n3A_673, %mul3A_688 : i32
      %mul3A_690 = arith.constant 256 : i32
      %mul3A_691 = arith.muli %select_n3A_687, %mul3A_690 : i32
      %add3A_692 = arith.addi %mul3A_689, %mul3A_691 : i32
      %mul3A_693 = arith.constant 10240 : i32
      %mul3A_694 = arith.muli %select_n3A_673, %mul3A_693 : i32
      %add3A_695 = arith.addi %mul3A_694, %mul3A_553 : i32
      %mul3A_696 = arith.constant 256 : i32
      %mul3A_697 = arith.muli %select_n3A_687, %mul3A_696 : i32
      %add3A_698 = arith.addi %add3A_695, %mul3A_697 : i32
      "tpu.region"() ({
        %run_scoped3A = tpu.sem_alloc : memref<!tpu.dma_semaphore, #tpu.memory_space<semaphore_mem>>
        %dma_start3A = arith.constant 0 : i32
        %dma_start3A_700 = tpu.memref_slice %arg10[%add3A_698, %dma_start3A] : memref<81920x128xf32, #tpu.memory_space<hbm>> -> memref<256x128xf32, #tpu.memory_space<hbm>>
        %dma_start3A_701 = arith.constant 0 : i32
        %dma_start3A_702 = tpu.memref_slice %arg34[%add3A_692, %dma_start3A_701] : memref<4608x128xf32, #tpu.memory_space<vmem_shared>> -> memref<256x128xf32, #tpu.memory_space<vmem_shared>>
        tpu.enqueue_dma source(%dma_start3A_702 : memref<256x128xf32, #tpu.memory_space<vmem_shared>>) target(%dma_start3A_700 : memref<256x128xf32, #tpu.memory_space<hbm>>) target_semaphore(%run_scoped3A : memref<!tpu.dma_semaphore, #tpu.memory_space<semaphore_mem>>)
        %dma_wait3A = arith.constant 0 : i32
        %dma_wait3A_703 = tpu.memref_slice %arg10[%add3A_698, %dma_wait3A] : memref<81920x128xf32, #tpu.memory_space<hbm>> -> memref<256x128xf32, #tpu.memory_space<hbm>>
        %dma_wait3A_704 = arith.constant 0 : i32
        %dma_wait3A_705 = tpu.memref_slice %arg34[%add3A_692, %dma_wait3A_704] : memref<4608x128xf32, #tpu.memory_space<vmem_shared>> -> memref<256x128xf32, #tpu.memory_space<vmem_shared>>
        tpu.wait_dma2 semaphore(%run_scoped3A : memref<!tpu.dma_semaphore, #tpu.memory_space<semaphore_mem>>) src(%dma_wait3A_705 : memref<256x128xf32, #tpu.memory_space<vmem_shared>>) dst(%dma_wait3A_703 : memref<256x128xf32, #tpu.memory_space<hbm>>)
        tpu.yield
      }) : () -> ()
      %barrier3A_699 = arith.constant 0 : index
      tpu.barrier barrier_id(%barrier3A_699)
    }
    %scan3A_547 = arith.constant 10 : i32
    return
  }
}

module attributes {stable_mosaic.version = 14 : i64} {
  func.func @_tc_pre_body(%arg0: i32, %arg1: memref<400x128xf32, #tpu.memory_space<vmem>>, %arg2: memref<128x384xf32, #tpu.memory_space<vmem>>, %arg3: memref<1x384xf32, #tpu.memory_space<vmem>>, %arg4: memref<128x128xf32, #tpu.memory_space<vmem>>, %arg5: memref<1x128xf32, #tpu.memory_space<vmem>>, %arg6: memref<7x128x128xf32, #tpu.memory_space<vmem>>, %arg7: memref<400x384xf32, #tpu.memory_space<vmem>>, %arg8: memref<400x128xf32, #tpu.memory_space<vmem>>, %arg9: memref<400x128xf32, #tpu.memory_space<vmem>>, %arg10: memref<400x128xf32, #tpu.memory_space<vmem>>, %arg11: memref<7x400x128xf32, #tpu.memory_space<vmem>>) attributes {dimension_semantics = [#tpu.dimension_semantics<arbitrary>], iteration_bounds = array<i64: 25>, scalar_prefetch = 0 : i64, scratch_operands = 0 : i64, tpu.core_type = #tpu.core_type<tc>, window_params = [{transform_indices = @transform_0, window_bounds = array<i64: 400, 128>}, {pipeline_mode = #tpu.pipeline_mode<synchronous>, transform_indices = @transform_1, window_bounds = array<i64: 128, 384>}, {pipeline_mode = #tpu.pipeline_mode<synchronous>, transform_indices = @transform_2, window_bounds = array<i64: 1, 384>}, {pipeline_mode = #tpu.pipeline_mode<synchronous>, transform_indices = @transform_3, window_bounds = array<i64: 128, 128>}, {pipeline_mode = #tpu.pipeline_mode<synchronous>, transform_indices = @transform_4, window_bounds = array<i64: 1, 128>}, {pipeline_mode = #tpu.pipeline_mode<synchronous>, transform_indices = @transform_5, window_bounds = array<i64: 7, 128, 128>}, {transform_indices = @transform_6, window_bounds = array<i64: 400, 384>}, {transform_indices = @transform_7, window_bounds = array<i64: 400, 128>}, {transform_indices = @transform_8, window_bounds = array<i64: 400, 128>}, {transform_indices = @transform_9, window_bounds = array<i64: 400, 128>}, {transform_indices = @transform_10, window_bounds = array<i64: 7, 400, 128>}]} {
    %get3A = arith.constant 0 : index
    %get3A_0 = arith.constant 0 : index
    %get3A_1 = vector.load %arg1[%get3A, %get3A_0] : memref<400x128xf32, #tpu.memory_space<vmem>>, vector<400x128xf32>
    %get3A_2 = arith.constant 0 : index
    %get3A_3 = arith.constant 0 : index
    %get3A_4 = vector.load %arg2[%get3A_2, %get3A_3] : memref<128x384xf32, #tpu.memory_space<vmem>>, vector<128x384xf32>
    %dot_general3A = arith.constant dense<0.000000e+00> : vector<400x384xf32>
    %dot_general3A_5 = tpu.matmul %get3A_1, %get3A_4, %dot_general3A {dimension_numbers = #tpu.dot_dimension_numbers<[1], [0], [0], [1], [0, 0, 1, 1], [], []>, transpose_lhs_hint = false} : vector<400x128xf32>, vector<128x384xf32>, vector<400x384xf32> -> vector<400x384xf32>
    %get3A_6 = arith.constant 0 : index
    %get3A_7 = arith.constant 0 : index
    %get3A_8 = vector.load %arg3[%get3A_6, %get3A_7] : memref<1x384xf32, #tpu.memory_space<vmem>>, vector<1x384xf32>
    %add3A = vector.broadcast %get3A_8 : vector<1x384xf32> to vector<400x384xf32>
    %add3A_9 = arith.addf %dot_general3A_5, %add3A : vector<400x384xf32>
    %get3A_10 = arith.constant 0 : index
    %get3A_11 = arith.constant 0 : index
    %get3A_12 = vector.load %arg4[%get3A_10, %get3A_11] : memref<128x128xf32, #tpu.memory_space<vmem>>, vector<128x128xf32>
    %dot_general3A_13 = arith.constant dense<0.000000e+00> : vector<400x128xf32>
    %dot_general3A_14 = tpu.matmul %get3A_1, %get3A_12, %dot_general3A_13 {dimension_numbers = #tpu.dot_dimension_numbers<[1], [0], [0], [1], [0, 0, 1, 1], [], []>, transpose_lhs_hint = false} : vector<400x128xf32>, vector<128x128xf32>, vector<400x128xf32> -> vector<400x128xf32>
    %get3A_15 = arith.constant 0 : index
    %get3A_16 = arith.constant 0 : index
    %get3A_17 = vector.load %arg5[%get3A_15, %get3A_16] : memref<1x128xf32, #tpu.memory_space<vmem>>, vector<1x128xf32>
    %add3A_18 = vector.broadcast %get3A_17 : vector<1x128xf32> to vector<400x128xf32>
    %add3A_19 = arith.addf %dot_general3A_14, %add3A_18 : vector<400x128xf32>
    %slice3A = vector.extract_strided_slice %add3A_9 {offsets = [0, 0], sizes = [400, 128], strides = [1, 1]} : vector<400x384xf32> to vector<400x128xf32>
    %logistic3A = arith.negf %slice3A : vector<400x128xf32>
    %logistic3A_20 = math.exp %logistic3A : vector<400x128xf32>
    %logistic3A_21 = arith.constant 1.000000e+00 : f32
    %logistic3A_22 = vector.broadcast %logistic3A_21 : f32 to vector<400x128xf32>
    %logistic3A_23 = arith.addf %logistic3A_22, %logistic3A_20 : vector<400x128xf32>
    %logistic3A_24 = arith.divf %logistic3A_22, %logistic3A_23 : vector<400x128xf32>
    %slice3A_25 = vector.extract_strided_slice %add3A_9 {offsets = [0, 128], sizes = [400, 128], strides = [1, 1]} : vector<400x384xf32> to vector<400x128xf32>
    %logistic3A_26 = arith.negf %slice3A_25 : vector<400x128xf32>
    %logistic3A_27 = math.exp %logistic3A_26 : vector<400x128xf32>
    %logistic3A_28 = arith.constant 1.000000e+00 : f32
    %logistic3A_29 = vector.broadcast %logistic3A_28 : f32 to vector<400x128xf32>
    %logistic3A_30 = arith.addf %logistic3A_29, %logistic3A_27 : vector<400x128xf32>
    %logistic3A_31 = arith.divf %logistic3A_29, %logistic3A_30 : vector<400x128xf32>
    %slice3A_32 = vector.extract_strided_slice %add3A_9 {offsets = [0, 256], sizes = [400, 128], strides = [1, 1]} : vector<400x384xf32> to vector<400x128xf32>
    %tanh3A = math.tanh %slice3A_32 : vector<400x128xf32>
    %mul3A = arith.mulf %logistic3A_24, %tanh3A : vector<400x128xf32>
    %tanh3A_33 = math.tanh %mul3A : vector<400x128xf32>
    %mul3A_34 = arith.mulf %logistic3A_31, %tanh3A_33 : vector<400x128xf32>
    %swap3A = arith.constant 0 : index
    %swap3A_35 = arith.constant 0 : index
    %swap3A_36 = vector.load %arg7[%swap3A, %swap3A_35] : memref<400x384xf32, #tpu.memory_space<vmem>>, vector<400x384xf32>
    tpu.vector_store %arg7[%swap3A, %swap3A_35], %add3A_9 {strides = array<i32>} : memref<400x384xf32, #tpu.memory_space<vmem>>, vector<400x384xf32>,
    %swap3A_37 = arith.constant 0 : index
    %swap3A_38 = arith.constant 0 : index
    %swap3A_39 = vector.load %arg8[%swap3A_37, %swap3A_38] : memref<400x128xf32, #tpu.memory_space<vmem>>, vector<400x128xf32>
    tpu.vector_store %arg8[%swap3A_37, %swap3A_38], %add3A_19 {strides = array<i32>} : memref<400x128xf32, #tpu.memory_space<vmem>>, vector<400x128xf32>,
    %swap3A_40 = arith.constant 0 : index
    %swap3A_41 = arith.constant 0 : index
    %swap3A_42 = vector.load %arg9[%swap3A_40, %swap3A_41] : memref<400x128xf32, #tpu.memory_space<vmem>>, vector<400x128xf32>
    tpu.vector_store %arg9[%swap3A_40, %swap3A_41], %mul3A_34 {strides = array<i32>} : memref<400x128xf32, #tpu.memory_space<vmem>>, vector<400x128xf32>,
    %swap3A_43 = arith.constant 0 : index
    %swap3A_44 = arith.constant 0 : index
    %swap3A_45 = vector.load %arg10[%swap3A_43, %swap3A_44] : memref<400x128xf32, #tpu.memory_space<vmem>>, vector<400x128xf32>
    tpu.vector_store %arg10[%swap3A_43, %swap3A_44], %mul3A {strides = array<i32>} : memref<400x128xf32, #tpu.memory_space<vmem>>, vector<400x128xf32>,
    %get3A_46 = arith.constant 0 : index
    %get3A_47 = arith.constant 0 : index
    %get3A_48 = arith.constant 0 : index
    %get3A_49 = vector.load %arg6[%get3A_46, %get3A_47, %get3A_48] : memref<7x128x128xf32, #tpu.memory_space<vmem>>, vector<1x128x128xf32>
    %get3A_50 = vector.shape_cast %get3A_49 : vector<1x128x128xf32> to vector<128x128xf32>
    %dot_general3A_51 = arith.constant dense<0.000000e+00> : vector<400x128xf32>
    %dot_general3A_52 = tpu.matmul %mul3A_34, %get3A_50, %dot_general3A_51 {dimension_numbers = #tpu.dot_dimension_numbers<[1], [0], [0], [1], [0, 0, 1, 1], [], []>, transpose_lhs_hint = false} : vector<400x128xf32>, vector<128x128xf32>, vector<400x128xf32> -> vector<400x128xf32>
    %swap3A_53 = arith.constant 0 : index
    %swap3A_54 = arith.constant 0 : index
    %swap3A_55 = arith.constant 0 : index
    %swap3A_56 = vector.load %arg11[%swap3A_53, %swap3A_54, %swap3A_55] : memref<7x400x128xf32, #tpu.memory_space<vmem>>, vector<1x400x128xf32>
    %swap3A_57 = vector.shape_cast %swap3A_56 : vector<1x400x128xf32> to vector<400x128xf32>
    %swap3A_58 = vector.shape_cast %dot_general3A_52 : vector<400x128xf32> to vector<1x400x128xf32>
    tpu.vector_store %arg11[%swap3A_53, %swap3A_54, %swap3A_55], %swap3A_58 {strides = array<i32>} : memref<7x400x128xf32, #tpu.memory_space<vmem>>, vector<1x400x128xf32>,
    %get3A_59 = arith.constant 1 : index
    %get3A_60 = arith.constant 0 : index
    %get3A_61 = arith.constant 0 : index
    %get3A_62 = vector.load %arg6[%get3A_59, %get3A_60, %get3A_61] : memref<7x128x128xf32, #tpu.memory_space<vmem>>, vector<1x128x128xf32>
    %get3A_63 = vector.shape_cast %get3A_62 : vector<1x128x128xf32> to vector<128x128xf32>
    %dot_general3A_64 = arith.constant dense<0.000000e+00> : vector<400x128xf32>
    %dot_general3A_65 = tpu.matmul %mul3A_34, %get3A_63, %dot_general3A_64 {dimension_numbers = #tpu.dot_dimension_numbers<[1], [0], [0], [1], [0, 0, 1, 1], [], []>, transpose_lhs_hint = false} : vector<400x128xf32>, vector<128x128xf32>, vector<400x128xf32> -> vector<400x128xf32>
    %swap3A_66 = arith.constant 1 : index
    %swap3A_67 = arith.constant 0 : index
    %swap3A_68 = arith.constant 0 : index
    %swap3A_69 = vector.load %arg11[%swap3A_66, %swap3A_67, %swap3A_68] : memref<7x400x128xf32, #tpu.memory_space<vmem>>, vector<1x400x128xf32>
    %swap3A_70 = vector.shape_cast %swap3A_69 : vector<1x400x128xf32> to vector<400x128xf32>
    %swap3A_71 = vector.shape_cast %dot_general3A_65 : vector<400x128xf32> to vector<1x400x128xf32>
    tpu.vector_store %arg11[%swap3A_66, %swap3A_67, %swap3A_68], %swap3A_71 {strides = array<i32>} : memref<7x400x128xf32, #tpu.memory_space<vmem>>, vector<1x400x128xf32>,
    %get3A_72 = arith.constant 2 : index
    %get3A_73 = arith.constant 0 : index
    %get3A_74 = arith.constant 0 : index
    %get3A_75 = vector.load %arg6[%get3A_72, %get3A_73, %get3A_74] : memref<7x128x128xf32, #tpu.memory_space<vmem>>, vector<1x128x128xf32>
    %get3A_76 = vector.shape_cast %get3A_75 : vector<1x128x128xf32> to vector<128x128xf32>
    %dot_general3A_77 = arith.constant dense<0.000000e+00> : vector<400x128xf32>
    %dot_general3A_78 = tpu.matmul %mul3A_34, %get3A_76, %dot_general3A_77 {dimension_numbers = #tpu.dot_dimension_numbers<[1], [0], [0], [1], [0, 0, 1, 1], [], []>, transpose_lhs_hint = false} : vector<400x128xf32>, vector<128x128xf32>, vector<400x128xf32> -> vector<400x128xf32>
    %swap3A_79 = arith.constant 2 : index
    %swap3A_80 = arith.constant 0 : index
    %swap3A_81 = arith.constant 0 : index
    %swap3A_82 = vector.load %arg11[%swap3A_79, %swap3A_80, %swap3A_81] : memref<7x400x128xf32, #tpu.memory_space<vmem>>, vector<1x400x128xf32>
    %swap3A_83 = vector.shape_cast %swap3A_82 : vector<1x400x128xf32> to vector<400x128xf32>
    %swap3A_84 = vector.shape_cast %dot_general3A_78 : vector<400x128xf32> to vector<1x400x128xf32>
    tpu.vector_store %arg11[%swap3A_79, %swap3A_80, %swap3A_81], %swap3A_84 {strides = array<i32>} : memref<7x400x128xf32, #tpu.memory_space<vmem>>, vector<1x400x128xf32>,
    %get3A_85 = arith.constant 3 : index
    %get3A_86 = arith.constant 0 : index
    %get3A_87 = arith.constant 0 : index
    %get3A_88 = vector.load %arg6[%get3A_85, %get3A_86, %get3A_87] : memref<7x128x128xf32, #tpu.memory_space<vmem>>, vector<1x128x128xf32>
    %get3A_89 = vector.shape_cast %get3A_88 : vector<1x128x128xf32> to vector<128x128xf32>
    %dot_general3A_90 = arith.constant dense<0.000000e+00> : vector<400x128xf32>
    %dot_general3A_91 = tpu.matmul %mul3A_34, %get3A_89, %dot_general3A_90 {dimension_numbers = #tpu.dot_dimension_numbers<[1], [0], [0], [1], [0, 0, 1, 1], [], []>, transpose_lhs_hint = false} : vector<400x128xf32>, vector<128x128xf32>, vector<400x128xf32> -> vector<400x128xf32>
    %swap3A_92 = arith.constant 3 : index
    %swap3A_93 = arith.constant 0 : index
    %swap3A_94 = arith.constant 0 : index
    %swap3A_95 = vector.load %arg11[%swap3A_92, %swap3A_93, %swap3A_94] : memref<7x400x128xf32, #tpu.memory_space<vmem>>, vector<1x400x128xf32>
    %swap3A_96 = vector.shape_cast %swap3A_95 : vector<1x400x128xf32> to vector<400x128xf32>
    %swap3A_97 = vector.shape_cast %dot_general3A_91 : vector<400x128xf32> to vector<1x400x128xf32>
    tpu.vector_store %arg11[%swap3A_92, %swap3A_93, %swap3A_94], %swap3A_97 {strides = array<i32>} : memref<7x400x128xf32, #tpu.memory_space<vmem>>, vector<1x400x128xf32>,
    %get3A_98 = arith.constant 4 : index
    %get3A_99 = arith.constant 0 : index
    %get3A_100 = arith.constant 0 : index
    %get3A_101 = vector.load %arg6[%get3A_98, %get3A_99, %get3A_100] : memref<7x128x128xf32, #tpu.memory_space<vmem>>, vector<1x128x128xf32>
    %get3A_102 = vector.shape_cast %get3A_101 : vector<1x128x128xf32> to vector<128x128xf32>
    %dot_general3A_103 = arith.constant dense<0.000000e+00> : vector<400x128xf32>
    %dot_general3A_104 = tpu.matmul %mul3A_34, %get3A_102, %dot_general3A_103 {dimension_numbers = #tpu.dot_dimension_numbers<[1], [0], [0], [1], [0, 0, 1, 1], [], []>, transpose_lhs_hint = false} : vector<400x128xf32>, vector<128x128xf32>, vector<400x128xf32> -> vector<400x128xf32>
    %swap3A_105 = arith.constant 4 : index
    %swap3A_106 = arith.constant 0 : index
    %swap3A_107 = arith.constant 0 : index
    %swap3A_108 = vector.load %arg11[%swap3A_105, %swap3A_106, %swap3A_107] : memref<7x400x128xf32, #tpu.memory_space<vmem>>, vector<1x400x128xf32>
    %swap3A_109 = vector.shape_cast %swap3A_108 : vector<1x400x128xf32> to vector<400x128xf32>
    %swap3A_110 = vector.shape_cast %dot_general3A_104 : vector<400x128xf32> to vector<1x400x128xf32>
    tpu.vector_store %arg11[%swap3A_105, %swap3A_106, %swap3A_107], %swap3A_110 {strides = array<i32>} : memref<7x400x128xf32, #tpu.memory_space<vmem>>, vector<1x400x128xf32>,
    %get3A_111 = arith.constant 5 : index
    %get3A_112 = arith.constant 0 : index
    %get3A_113 = arith.constant 0 : index
    %get3A_114 = vector.load %arg6[%get3A_111, %get3A_112, %get3A_113] : memref<7x128x128xf32, #tpu.memory_space<vmem>>, vector<1x128x128xf32>
    %get3A_115 = vector.shape_cast %get3A_114 : vector<1x128x128xf32> to vector<128x128xf32>
    %dot_general3A_116 = arith.constant dense<0.000000e+00> : vector<400x128xf32>
    %dot_general3A_117 = tpu.matmul %mul3A_34, %get3A_115, %dot_general3A_116 {dimension_numbers = #tpu.dot_dimension_numbers<[1], [0], [0], [1], [0, 0, 1, 1], [], []>, transpose_lhs_hint = false} : vector<400x128xf32>, vector<128x128xf32>, vector<400x128xf32> -> vector<400x128xf32>
    %swap3A_118 = arith.constant 5 : index
    %swap3A_119 = arith.constant 0 : index
    %swap3A_120 = arith.constant 0 : index
    %swap3A_121 = vector.load %arg11[%swap3A_118, %swap3A_119, %swap3A_120] : memref<7x400x128xf32, #tpu.memory_space<vmem>>, vector<1x400x128xf32>
    %swap3A_122 = vector.shape_cast %swap3A_121 : vector<1x400x128xf32> to vector<400x128xf32>
    %swap3A_123 = vector.shape_cast %dot_general3A_117 : vector<400x128xf32> to vector<1x400x128xf32>
    tpu.vector_store %arg11[%swap3A_118, %swap3A_119, %swap3A_120], %swap3A_123 {strides = array<i32>} : memref<7x400x128xf32, #tpu.memory_space<vmem>>, vector<1x400x128xf32>,
    %get3A_124 = arith.constant 6 : index
    %get3A_125 = arith.constant 0 : index
    %get3A_126 = arith.constant 0 : index
    %get3A_127 = vector.load %arg6[%get3A_124, %get3A_125, %get3A_126] : memref<7x128x128xf32, #tpu.memory_space<vmem>>, vector<1x128x128xf32>
    %get3A_128 = vector.shape_cast %get3A_127 : vector<1x128x128xf32> to vector<128x128xf32>
    %dot_general3A_129 = arith.constant dense<0.000000e+00> : vector<400x128xf32>
    %dot_general3A_130 = tpu.matmul %mul3A_34, %get3A_128, %dot_general3A_129 {dimension_numbers = #tpu.dot_dimension_numbers<[1], [0], [0], [1], [0, 0, 1, 1], [], []>, transpose_lhs_hint = false} : vector<400x128xf32>, vector<128x128xf32>, vector<400x128xf32> -> vector<400x128xf32>
    %swap3A_131 = arith.constant 6 : index
    %swap3A_132 = arith.constant 0 : index
    %swap3A_133 = arith.constant 0 : index
    %swap3A_134 = vector.load %arg11[%swap3A_131, %swap3A_132, %swap3A_133] : memref<7x400x128xf32, #tpu.memory_space<vmem>>, vector<1x400x128xf32>
    %swap3A_135 = vector.shape_cast %swap3A_134 : vector<1x400x128xf32> to vector<400x128xf32>
    %swap3A_136 = vector.shape_cast %dot_general3A_130 : vector<400x128xf32> to vector<1x400x128xf32>
    tpu.vector_store %arg11[%swap3A_131, %swap3A_132, %swap3A_133], %swap3A_136 {strides = array<i32>} : memref<7x400x128xf32, #tpu.memory_space<vmem>>, vector<1x400x128xf32>,
    return
  }
  func.func @transform_0(%arg0: i32) -> (i32, i32) {
    %c0_i32 = arith.constant 0 : i32
    %c0_i32_0 = arith.constant 0 : i32
    return %arg0, %c0_i32 : i32, i32
  }
  func.func @transform_1(%arg0: i32) -> (i32, i32) {
    %c0_i32 = arith.constant 0 : i32
    %c0_i32_0 = arith.constant 0 : i32
    %c0_i32_1 = arith.constant 0 : i32
    return %c0_i32, %c0_i32_0 : i32, i32
  }
  func.func @transform_2(%arg0: i32) -> (i32, i32) {
    %c0_i32 = arith.constant 0 : i32
    %c0_i32_0 = arith.constant 0 : i32
    %c0_i32_1 = arith.constant 0 : i32
    return %c0_i32, %c0_i32_0 : i32, i32
  }
  func.func @transform_3(%arg0: i32) -> (i32, i32) {
    %c0_i32 = arith.constant 0 : i32
    %c0_i32_0 = arith.constant 0 : i32
    %c0_i32_1 = arith.constant 0 : i32
    return %c0_i32, %c0_i32_0 : i32, i32
  }
  func.func @transform_4(%arg0: i32) -> (i32, i32) {
    %c0_i32 = arith.constant 0 : i32
    %c0_i32_0 = arith.constant 0 : i32
    %c0_i32_1 = arith.constant 0 : i32
    return %c0_i32, %c0_i32_0 : i32, i32
  }
  func.func @transform_5(%arg0: i32) -> (i32, i32, i32) {
    %c0_i32 = arith.constant 0 : i32
    %c0_i32_0 = arith.constant 0 : i32
    %c0_i32_1 = arith.constant 0 : i32
    %c0_i32_2 = arith.constant 0 : i32
    return %c0_i32, %c0_i32_0, %c0_i32_1 : i32, i32, i32
  }
  func.func @transform_6(%arg0: i32) -> (i32, i32) {
    %c0_i32 = arith.constant 0 : i32
    %c0_i32_0 = arith.constant 0 : i32
    return %arg0, %c0_i32 : i32, i32
  }
  func.func @transform_7(%arg0: i32) -> (i32, i32) {
    %c0_i32 = arith.constant 0 : i32
    %c0_i32_0 = arith.constant 0 : i32
    return %arg0, %c0_i32 : i32, i32
  }
  func.func @transform_8(%arg0: i32) -> (i32, i32) {
    %c0_i32 = arith.constant 0 : i32
    %c0_i32_0 = arith.constant 0 : i32
    return %arg0, %c0_i32 : i32, i32
  }
  func.func @transform_9(%arg0: i32) -> (i32, i32) {
    %c0_i32 = arith.constant 0 : i32
    %c0_i32_0 = arith.constant 0 : i32
    return %arg0, %c0_i32 : i32, i32
  }
  func.func @transform_10(%arg0: i32) -> (i32, i32, i32) {
    %c0_i32 = arith.constant 0 : i32
    %c0_i32_0 = arith.constant 0 : i32
    %c0_i32_1 = arith.constant 0 : i32
    return %c0_i32, %arg0, %c0_i32_0 : i32, i32, i32
  }
}

module attributes {stable_mosaic.version = 14 : i64} {
  func.func @_tc_post_body(%arg0: i32, %arg1: memref<8x400x128xf32, #tpu.memory_space<vmem>>, %arg2: memref<7x128x384xf32, #tpu.memory_space<vmem>>, %arg3: memref<400x384xf32, #tpu.memory_space<vmem>>, %arg4: memref<400x128xf32, #tpu.memory_space<vmem>>, %arg5: memref<400x128xf32, #tpu.memory_space<vmem>>) attributes {dimension_semantics = [#tpu.dimension_semantics<arbitrary>], iteration_bounds = array<i64: 25>, scalar_prefetch = 0 : i64, scratch_operands = 0 : i64, tpu.core_type = #tpu.core_type<tc>, window_params = [{transform_indices = @transform_0, window_bounds = array<i64: 8, 400, 128>}, {pipeline_mode = #tpu.pipeline_mode<synchronous>, transform_indices = @transform_1, window_bounds = array<i64: 7, 128, 384>}, {transform_indices = @transform_2, window_bounds = array<i64: 400, 384>}, {transform_indices = @transform_3, window_bounds = array<i64: 400, 128>}, {transform_indices = @transform_4, window_bounds = array<i64: 400, 128>}]} {
    %get3A = arith.constant 0 : index
    %get3A_0 = arith.constant 0 : index
    %get3A_1 = vector.load %arg3[%get3A, %get3A_0] : memref<400x384xf32, #tpu.memory_space<vmem>>, vector<400x384xf32>
    %get3A_2 = arith.constant 1 : index
    %get3A_3 = arith.constant 0 : index
    %get3A_4 = arith.constant 0 : index
    %get3A_5 = vector.load %arg1[%get3A_2, %get3A_3, %get3A_4] : memref<8x400x128xf32, #tpu.memory_space<vmem>>, vector<1x400x128xf32>
    %get3A_6 = vector.shape_cast %get3A_5 : vector<1x400x128xf32> to vector<400x128xf32>
    %get3A_7 = arith.constant 0 : index
    %get3A_8 = arith.constant 0 : index
    %get3A_9 = arith.constant 0 : index
    %get3A_10 = vector.load %arg2[%get3A_7, %get3A_8, %get3A_9] : memref<7x128x384xf32, #tpu.memory_space<vmem>>, vector<1x128x384xf32>
    %get3A_11 = vector.shape_cast %get3A_10 : vector<1x128x384xf32> to vector<128x384xf32>
    %dot_general3A = arith.constant dense<0.000000e+00> : vector<400x384xf32>
    %dot_general3A_12 = tpu.matmul %get3A_6, %get3A_11, %dot_general3A {dimension_numbers = #tpu.dot_dimension_numbers<[1], [0], [0], [1], [0, 0, 1, 1], [], []>, transpose_lhs_hint = false} : vector<400x128xf32>, vector<128x384xf32>, vector<400x384xf32> -> vector<400x384xf32>
    %add3A = arith.addf %get3A_1, %dot_general3A_12 : vector<400x384xf32>
    %get3A_13 = arith.constant 2 : index
    %get3A_14 = arith.constant 0 : index
    %get3A_15 = arith.constant 0 : index
    %get3A_16 = vector.load %arg1[%get3A_13, %get3A_14, %get3A_15] : memref<8x400x128xf32, #tpu.memory_space<vmem>>, vector<1x400x128xf32>
    %get3A_17 = vector.shape_cast %get3A_16 : vector<1x400x128xf32> to vector<400x128xf32>
    %get3A_18 = arith.constant 1 : index
    %get3A_19 = arith.constant 0 : index
    %get3A_20 = arith.constant 0 : index
    %get3A_21 = vector.load %arg2[%get3A_18, %get3A_19, %get3A_20] : memref<7x128x384xf32, #tpu.memory_space<vmem>>, vector<1x128x384xf32>
    %get3A_22 = vector.shape_cast %get3A_21 : vector<1x128x384xf32> to vector<128x384xf32>
    %dot_general3A_23 = arith.constant dense<0.000000e+00> : vector<400x384xf32>
    %dot_general3A_24 = tpu.matmul %get3A_17, %get3A_22, %dot_general3A_23 {dimension_numbers = #tpu.dot_dimension_numbers<[1], [0], [0], [1], [0, 0, 1, 1], [], []>, transpose_lhs_hint = false} : vector<400x128xf32>, vector<128x384xf32>, vector<400x384xf32> -> vector<400x384xf32>
    %add3A_25 = arith.addf %add3A, %dot_general3A_24 : vector<400x384xf32>
    %get3A_26 = arith.constant 3 : index
    %get3A_27 = arith.constant 0 : index
    %get3A_28 = arith.constant 0 : index
    %get3A_29 = vector.load %arg1[%get3A_26, %get3A_27, %get3A_28] : memref<8x400x128xf32, #tpu.memory_space<vmem>>, vector<1x400x128xf32>
    %get3A_30 = vector.shape_cast %get3A_29 : vector<1x400x128xf32> to vector<400x128xf32>
    %get3A_31 = arith.constant 2 : index
    %get3A_32 = arith.constant 0 : index
    %get3A_33 = arith.constant 0 : index
    %get3A_34 = vector.load %arg2[%get3A_31, %get3A_32, %get3A_33] : memref<7x128x384xf32, #tpu.memory_space<vmem>>, vector<1x128x384xf32>
    %get3A_35 = vector.shape_cast %get3A_34 : vector<1x128x384xf32> to vector<128x384xf32>
    %dot_general3A_36 = arith.constant dense<0.000000e+00> : vector<400x384xf32>
    %dot_general3A_37 = tpu.matmul %get3A_30, %get3A_35, %dot_general3A_36 {dimension_numbers = #tpu.dot_dimension_numbers<[1], [0], [0], [1], [0, 0, 1, 1], [], []>, transpose_lhs_hint = false} : vector<400x128xf32>, vector<128x384xf32>, vector<400x384xf32> -> vector<400x384xf32>
    %add3A_38 = arith.addf %add3A_25, %dot_general3A_37 : vector<400x384xf32>
    %get3A_39 = arith.constant 4 : index
    %get3A_40 = arith.constant 0 : index
    %get3A_41 = arith.constant 0 : index
    %get3A_42 = vector.load %arg1[%get3A_39, %get3A_40, %get3A_41] : memref<8x400x128xf32, #tpu.memory_space<vmem>>, vector<1x400x128xf32>
    %get3A_43 = vector.shape_cast %get3A_42 : vector<1x400x128xf32> to vector<400x128xf32>
    %get3A_44 = arith.constant 3 : index
    %get3A_45 = arith.constant 0 : index
    %get3A_46 = arith.constant 0 : index
    %get3A_47 = vector.load %arg2[%get3A_44, %get3A_45, %get3A_46] : memref<7x128x384xf32, #tpu.memory_space<vmem>>, vector<1x128x384xf32>
    %get3A_48 = vector.shape_cast %get3A_47 : vector<1x128x384xf32> to vector<128x384xf32>
    %dot_general3A_49 = arith.constant dense<0.000000e+00> : vector<400x384xf32>
    %dot_general3A_50 = tpu.matmul %get3A_43, %get3A_48, %dot_general3A_49 {dimension_numbers = #tpu.dot_dimension_numbers<[1], [0], [0], [1], [0, 0, 1, 1], [], []>, transpose_lhs_hint = false} : vector<400x128xf32>, vector<128x384xf32>, vector<400x384xf32> -> vector<400x384xf32>
    %add3A_51 = arith.addf %add3A_38, %dot_general3A_50 : vector<400x384xf32>
    %get3A_52 = arith.constant 5 : index
    %get3A_53 = arith.constant 0 : index
    %get3A_54 = arith.constant 0 : index
    %get3A_55 = vector.load %arg1[%get3A_52, %get3A_53, %get3A_54] : memref<8x400x128xf32, #tpu.memory_space<vmem>>, vector<1x400x128xf32>
    %get3A_56 = vector.shape_cast %get3A_55 : vector<1x400x128xf32> to vector<400x128xf32>
    %get3A_57 = arith.constant 4 : index
    %get3A_58 = arith.constant 0 : index
    %get3A_59 = arith.constant 0 : index
    %get3A_60 = vector.load %arg2[%get3A_57, %get3A_58, %get3A_59] : memref<7x128x384xf32, #tpu.memory_space<vmem>>, vector<1x128x384xf32>
    %get3A_61 = vector.shape_cast %get3A_60 : vector<1x128x384xf32> to vector<128x384xf32>
    %dot_general3A_62 = arith.constant dense<0.000000e+00> : vector<400x384xf32>
    %dot_general3A_63 = tpu.matmul %get3A_56, %get3A_61, %dot_general3A_62 {dimension_numbers = #tpu.dot_dimension_numbers<[1], [0], [0], [1], [0, 0, 1, 1], [], []>, transpose_lhs_hint = false} : vector<400x128xf32>, vector<128x384xf32>, vector<400x384xf32> -> vector<400x384xf32>
    %add3A_64 = arith.addf %add3A_51, %dot_general3A_63 : vector<400x384xf32>
    %get3A_65 = arith.constant 6 : index
    %get3A_66 = arith.constant 0 : index
    %get3A_67 = arith.constant 0 : index
    %get3A_68 = vector.load %arg1[%get3A_65, %get3A_66, %get3A_67] : memref<8x400x128xf32, #tpu.memory_space<vmem>>, vector<1x400x128xf32>
    %get3A_69 = vector.shape_cast %get3A_68 : vector<1x400x128xf32> to vector<400x128xf32>
    %get3A_70 = arith.constant 5 : index
    %get3A_71 = arith.constant 0 : index
    %get3A_72 = arith.constant 0 : index
    %get3A_73 = vector.load %arg2[%get3A_70, %get3A_71, %get3A_72] : memref<7x128x384xf32, #tpu.memory_space<vmem>>, vector<1x128x384xf32>
    %get3A_74 = vector.shape_cast %get3A_73 : vector<1x128x384xf32> to vector<128x384xf32>
    %dot_general3A_75 = arith.constant dense<0.000000e+00> : vector<400x384xf32>
    %dot_general3A_76 = tpu.matmul %get3A_69, %get3A_74, %dot_general3A_75 {dimension_numbers = #tpu.dot_dimension_numbers<[1], [0], [0], [1], [0, 0, 1, 1], [], []>, transpose_lhs_hint = false} : vector<400x128xf32>, vector<128x384xf32>, vector<400x384xf32> -> vector<400x384xf32>
    %add3A_77 = arith.addf %add3A_64, %dot_general3A_76 : vector<400x384xf32>
    %get3A_78 = arith.constant 7 : index
    %get3A_79 = arith.constant 0 : index
    %get3A_80 = arith.constant 0 : index
    %get3A_81 = vector.load %arg1[%get3A_78, %get3A_79, %get3A_80] : memref<8x400x128xf32, #tpu.memory_space<vmem>>, vector<1x400x128xf32>
    %get3A_82 = vector.shape_cast %get3A_81 : vector<1x400x128xf32> to vector<400x128xf32>
    %get3A_83 = arith.constant 6 : index
    %get3A_84 = arith.constant 0 : index
    %get3A_85 = arith.constant 0 : index
    %get3A_86 = vector.load %arg2[%get3A_83, %get3A_84, %get3A_85] : memref<7x128x384xf32, #tpu.memory_space<vmem>>, vector<1x128x384xf32>
    %get3A_87 = vector.shape_cast %get3A_86 : vector<1x128x384xf32> to vector<128x384xf32>
    %dot_general3A_88 = arith.constant dense<0.000000e+00> : vector<400x384xf32>
    %dot_general3A_89 = tpu.matmul %get3A_82, %get3A_87, %dot_general3A_88 {dimension_numbers = #tpu.dot_dimension_numbers<[1], [0], [0], [1], [0, 0, 1, 1], [], []>, transpose_lhs_hint = false} : vector<400x128xf32>, vector<128x384xf32>, vector<400x384xf32> -> vector<400x384xf32>
    %add3A_90 = arith.addf %add3A_77, %dot_general3A_89 : vector<400x384xf32>
    %slice3A = vector.extract_strided_slice %add3A_90 {offsets = [0, 0], sizes = [400, 128], strides = [1, 1]} : vector<400x384xf32> to vector<400x128xf32>
    %logistic3A = arith.negf %slice3A : vector<400x128xf32>
    %logistic3A_91 = math.exp %logistic3A : vector<400x128xf32>
    %logistic3A_92 = arith.constant 1.000000e+00 : f32
    %logistic3A_93 = vector.broadcast %logistic3A_92 : f32 to vector<400x128xf32>
    %logistic3A_94 = arith.addf %logistic3A_93, %logistic3A_91 : vector<400x128xf32>
    %logistic3A_95 = arith.divf %logistic3A_93, %logistic3A_94 : vector<400x128xf32>
    %slice3A_96 = vector.extract_strided_slice %add3A_90 {offsets = [0, 128], sizes = [400, 128], strides = [1, 1]} : vector<400x384xf32> to vector<400x128xf32>
    %logistic3A_97 = arith.negf %slice3A_96 : vector<400x128xf32>
    %logistic3A_98 = math.exp %logistic3A_97 : vector<400x128xf32>
    %logistic3A_99 = arith.constant 1.000000e+00 : f32
    %logistic3A_100 = vector.broadcast %logistic3A_99 : f32 to vector<400x128xf32>
    %logistic3A_101 = arith.addf %logistic3A_100, %logistic3A_98 : vector<400x128xf32>
    %logistic3A_102 = arith.divf %logistic3A_100, %logistic3A_101 : vector<400x128xf32>
    %slice3A_103 = vector.extract_strided_slice %add3A_90 {offsets = [0, 256], sizes = [400, 128], strides = [1, 1]} : vector<400x384xf32> to vector<400x128xf32>
    %tanh3A = math.tanh %slice3A_103 : vector<400x128xf32>
    %mul3A = arith.mulf %logistic3A_95, %tanh3A : vector<400x128xf32>
    %get3A_104 = arith.constant 0 : index
    %get3A_105 = arith.constant 0 : index
    %get3A_106 = arith.constant 0 : index
    %get3A_107 = vector.load %arg1[%get3A_104, %get3A_105, %get3A_106] : memref<8x400x128xf32, #tpu.memory_space<vmem>>, vector<1x400x128xf32>
    %get3A_108 = vector.shape_cast %get3A_107 : vector<1x400x128xf32> to vector<400x128xf32>
    %add3A_109 = arith.addf %mul3A, %get3A_108 : vector<400x128xf32>
    %tanh3A_110 = math.tanh %add3A_109 : vector<400x128xf32>
    %mul3A_111 = arith.mulf %logistic3A_102, %tanh3A_110 : vector<400x128xf32>
    %swap3A = arith.constant 0 : index
    %swap3A_112 = arith.constant 0 : index
    %swap3A_113 = vector.load %arg4[%swap3A, %swap3A_112] : memref<400x128xf32, #tpu.memory_space<vmem>>, vector<400x128xf32>
    tpu.vector_store %arg4[%swap3A, %swap3A_112], %mul3A_111 {strides = array<i32>} : memref<400x128xf32, #tpu.memory_space<vmem>>, vector<400x128xf32>,
    %swap3A_114 = arith.constant 0 : index
    %swap3A_115 = arith.constant 0 : index
    %swap3A_116 = vector.load %arg5[%swap3A_114, %swap3A_115] : memref<400x128xf32, #tpu.memory_space<vmem>>, vector<400x128xf32>
    tpu.vector_store %arg5[%swap3A_114, %swap3A_115], %add3A_109 {strides = array<i32>} : memref<400x128xf32, #tpu.memory_space<vmem>>, vector<400x128xf32>,
    return
  }
  func.func @transform_0(%arg0: i32) -> (i32, i32, i32) {
    %c0_i32 = arith.constant 0 : i32
    %c0_i32_0 = arith.constant 0 : i32
    %c0_i32_1 = arith.constant 0 : i32
    return %c0_i32, %arg0, %c0_i32_0 : i32, i32, i32
  }
  func.func @transform_1(%arg0: i32) -> (i32, i32, i32) {
    %c0_i32 = arith.constant 0 : i32
    %c0_i32_0 = arith.constant 0 : i32
    %c0_i32_1 = arith.constant 0 : i32
    %c0_i32_2 = arith.constant 0 : i32
    return %c0_i32, %c0_i32_0, %c0_i32_1 : i32, i32, i32
  }
  func.func @transform_2(%arg0: i32) -> (i32, i32) {
    %c0_i32 = arith.constant 0 : i32
    %c0_i32_0 = arith.constant 0 : i32
    return %arg0, %c0_i32 : i32, i32
  }
  func.func @transform_3(%arg0: i32) -> (i32, i32) {
    %c0_i32 = arith.constant 0 : i32
    %c0_i32_0 = arith.constant 0 : i32
    return %arg0, %c0_i32 : i32, i32
  }
  func.func @transform_4(%arg0: i32) -> (i32, i32) {
    %c0_i32 = arith.constant 0 : i32
    %c0_i32_0 = arith.constant 0 : i32
    return %arg0, %c0_i32 : i32, i32
  }
}

</mosaic_0001>

<sc_bundles>
// kernel: kernel.5.cloned.1.call-start
scs
__scs_entry_jumppad:
0x0: {  	(pc) =	sbr.rel $0x88, $3  }
0x1: {  	(tag) =	ssettag $0x0;
	lr =	simm.s32 $0x1  }
0x2: {  	[smem:$0x3F97] =	sst lr;
	_ =	strace $0xD0000000  }
0x3: {  	_ = 	snop  }
0x4: {  	_ = 	snop  }
0x5: {  	_ = 	snop  }
0x6: {  	_ = 	snop  }
0x7: {  	_ = 	snop  }
__scs_overlays_trampoline_lowered:
0x8: {  	[smem:$0x3FA6] =	sst s0  }
0x9: {  	[smem:$0x3FA7] =	sst s1  }
0xa: {  	[smem:$0x3FA8] =	sst s2  }
0xb: {  	[smem:$0x3FA9] =	sst s3  }
0xc: {  	[smem:$0x3FAA] =	sst s4  }
0xd: {  	[smem:$0x3FAB] =	sst s5  }
0xe: {  	[smem:$0x3FAC] =	sst s6  }
0xf: {  	[smem:$0x3FAD] =	sst s7  }
0x10: {  	[smem:$0x3FAE] =	sst s8  }
0x11: {  	[smem:$0x3FAF] =	sst s9;
	s0 =	simm.s32 @!p0 $0x0  }
0x12: {  	s1 =	sld [smem:$0x3F95];
	s0 =	simm.s32 @p0 $0x1  }
0x13: {  	[smem:$0x3FB0] =	sst s0;
	s0 =	simm.s32 @!p1 $0x0  }
0x14: {  	s2 =	sld [smem:$0x3F94];
	s0 =	simm.s32 @p1 $0x1  }
0x15: {  	[smem:$0x3FB1] =	sst s0;
	s0 =	simm.s32 @!p2 $0x0  }
0x16: {  	s3 =	sld [smem:$0x3FDB];
	s0 =	simm.s32 @p2 $0x1  }
0x17: {  	s4 =	simm.s32 $0x1BF5;
	[smem:$0x3FB3] =	sst s0  }
0x18: {  	s0 =	sld [smem:$0x3F96];
	_ =	swait.ge [sflag:s4], $0x0  }
0x19: {  	s7 =	sld [smem:$0x3F97]  }
0x1a: {  	s8 =	sadd.s32 $0xFFFFE003, lr  }
0x1b: {  	s9 =	sadd.s32 $0xFFFFFEF7, lr;
	s5 =	simm.s32 $0xFFFFFFFF;
	p2 =	slt.u32 s8, $0xFFFFF086  }
0x1c: {  	p1 =	slt.u32 s9, $0xF7A;
	s5 =	simm.s32 @!p2 $0x0  }
0x1d: {  	s5 =	simm.s32 @p1 $0x1;
	p0 =	seq.s32 s7, s2  }
0x1e: {  	s7 =	smul.u32 @!p0 $0xF7A, s2;
	p2 =	seq.s32 @!p0 s5, $0x0  }
0x1f: {  	s9 =	smul.u32 $0xF7A, s1;
	s8 =	simm.s32 @!p0 $0x1BF5;
	p2 =	por !p2, p0  }
0x20: {  	[sflag:s8] =	ssyncset.s32 @!p0 $0xFFFFF086;
	s6 =	sadd.s32 @!p0 s3, s7;
	s7 =	simm.s32 @!p0 $0x108  }
0x21: {  	s3 =	sadd.s32 s3, s9;
	s6 =	sadd.s32 @!p0 $0x88, s6;
	s7 =	simm.s32 @p2 $0x1082  }
0x22: {  	[simem:s7], [sflag:s8] =	dma.local @!p0 [hbm:s6], $0xF7A  }
0x23: {  	s9 =	sor.u32 $0xD0000000, s2;
	s6 =	simm.s32 $0x108;
	_ =	swait.ge @!p0 [sflag:s8], $0x0  }
0x24: {  	s3 =	sadd.s32 $0x88, s3;
	s6 =	simm.s32 @!p1 $0x1082;
	[sflag:s4] =	ssyncset.s32 $0xFFFFF086  }
0x25: {  	[simem:s6], [sflag:s4] =	dma.local [hbm:s3], $0xF7A  }
0x26: {  	[smem:$0x3F97] =	sst s1;
	(tag) =	ssettag s2;
	_ =	strace s9  }
0x27: {  	s1 =	sld [smem:$0x3FA7]  }
0x28: {  	s2 =	sld [smem:$0x3FA8]  }
0x29: {  	s4 =	sld [smem:$0x3FAA]  }
0x2a: {  	p0 =	seq.s32 s5, $0x0;
	s5 =	sld [smem:$0x3FAB]  }
0x2b: {  	s6 =	sld [smem:$0x3FAC]  }
0x2c: {  	s7 =	sld [smem:$0x3FAD]  }
0x2d: {  	s3 =	simm.s32 $0x108;
	s8 =	sld [smem:$0x3FAE]  }
0x2e: {  	s3 =	simm.s32 @!p0 $0x1082;
	s9 =	sld [smem:$0x3FAF]  }
0x2f: {  	lr =	sadd.s32 s0, s3;
	s0 =	sld [smem:$0x3FA6]  }
0x30: {  	s3 =	sld [smem:$0x3FA9]  }
0x31: {  	[smem:$0x3FB2] =	sst s10  }
0x32: {  	s10 =	sld [smem:$0x3FB0];
	_ =	sdelay $0x3  }
0x33: {  	p0 =	seq.s32 s10, $0x1;
	s10 =	sld [smem:$0x3FB2];
	_ =	sdelay $0x3  }
0x34: {  	[smem:$0x3FB2] =	sst s10  }
0x35: {  	s10 =	sld [smem:$0x3FB1];
	_ =	sdelay $0x3  }
0x36: {  	p1 =	seq.s32 s10, $0x1;
	s10 =	sld [smem:$0x3FB2];
	_ =	sdelay $0x3  }
0x37: {  	[smem:$0x3FB2] =	sst s10  }
0x38: {  	s10 =	sld [smem:$0x3FB3]  }
0x39: {  	_ = 	snop;
	(pc) =	sbr.ind lr, $3  }
0x3a: {  	_ = 	snop  }
0x3b: {  	_ = 	snop  }
0x3c: {  	p2 =	seq.s32 s10, $0x1;
	s10 =	sld [smem:$0x3FB2]  }
0x3d: {  	_ =	shalt  }
0x3e: {  	_ =	shalt  }
0x3f: {  	_ =	shalt  }
0x40: {  	_ =	shalt  }
0x41: {  	_ =	shalt  }
0x42: {  	_ =	shalt  }
0x43: {  	_ =	shalt  }
0x44: {  	_ =	shalt  }
0x45: {  	_ =	shalt  }
0x46: {  	_ =	shalt  }
0x47: {  	_ =	shalt  }
0x48: {  	_ =	shalt  }
0x49: {  	_ =	shalt  }
0x4a: {  	_ =	shalt  }
0x4b: {  	_ =	shalt  }
0x4c: {  	_ =	shalt  }
0x4d: {  	_ =	shalt  }
0x4e: {  	_ =	shalt  }
0x4f: {  	_ =	shalt  }
0x50: {  	_ =	shalt  }
0x51: {  	_ =	shalt  }
0x52: {  	_ =	shalt  }
0x53: {  	_ =	shalt  }
0x54: {  	_ =	shalt  }
0x55: {  	_ =	shalt  }
0x56: {  	_ =	shalt  }
0x57: {  	_ =	shalt  }
0x58: {  	_ =	shalt  }
0x59: {  	_ =	shalt  }
0x5a: {  	_ =	shalt  }
0x5b: {  	_ =	shalt  }
0x5c: {  	_ =	shalt  }
0x5d: {  	_ =	shalt  }
0x5e: {  	_ =	shalt  }
0x5f: {  	_ =	shalt  }
0x60: {  	_ =	shalt  }
0x61: {  	_ =	shalt  }
0x62: {  	_ =	shalt  }
0x63: {  	_ =	shalt  }
0x64: {  	_ =	shalt  }
0x65: {  	_ =	shalt  }
0x66: {  	_ =	shalt  }
0x67: {  	_ =	shalt  }
0x68: {  	_ =	shalt  }
0x69: {  	_ =	shalt  }
0x6a: {  	_ =	shalt  }
0x6b: {  	_ =	shalt  }
0x6c: {  	_ =	shalt  }
0x6d: {  	_ =	shalt  }
0x6e: {  	_ =	shalt  }
0x6f: {  	_ =	shalt  }
0x70: {  	_ =	shalt  }
0x71: {  	_ =	shalt  }
0x72: {  	_ =	shalt  }
0x73: {  	_ =	shalt  }
0x74: {  	_ =	shalt  }
0x75: {  	_ =	shalt  }
0x76: {  	_ =	shalt  }
0x77: {  	_ =	shalt  }
0x78: {  	_ =	shalt  }
0x79: {  	_ =	shalt  }
0x7a: {  	_ =	shalt  }
0x7b: {  	_ =	shalt  }
0x7c: {  	_ =	shalt  }
0x7d: {  	_ =	shalt  }
0x7e: {  	_ =	shalt  }
0x7f: {  	_ =	shalt  }
0x80: {  	_ =	shalt  }
0x81: {  	_ =	shalt  }
0x82: {  	_ =	shalt  }
0x83: {  	_ =	shalt  }
0x84: {  	_ =	shalt  }
0x85: {  	_ =	shalt  }
0x86: {  	_ =	shalt  }
0x87: {  	_ =	shalt  }
.Lfunc_end0:
.L_simem_size_0:
called_computation_lowered:
.L_overlay_start_0:
0x88: {  	s2 =	sld [smem:$0x3FD9]  }
0x89: {  	s3 =	sld [smem:$0x3FFE];
	_ =	sdelay $0x1  }
0x8a: {  	s1 =	srdreg.scid  }
0x8b: {  	s0 =	sand.u32 $0x1, s1  }
0x8c: {  	s14 =	sshll.u32 s0, $0xA;
	s2 =	sadd.s32 s3, s2  }
0x8d: {  	s2 =	sadd.s32 s2, s14  }
0x8e: {  	[smem:$0x3FBE] =	sst s2  }
0x8f: {  	_ = 	snop  }
0x90: {  	s2 =	sld [smem:$0x3FD0];
	_ =	sdelay $0x2  }
0x91: {  	s15 =	simm.s32 $0xA;
	s4 =	simm.s32 $0x10  }
0x92: {  	[smem:s4], [sflag:s15] =	dma.local [hbm:s2], $0x1  }
0x93: {  	_ =	swait.eq [sflag:s15], $0x1  }
0x94: {  	[sflag:s15] =	ssyncset.done $0x0  }
0x95: {  	s16 =	sld [smem:$0x10];
	[sflag:s15] =	ssyncadd.s32 $0xFFFFFFFF  }
0x96: {  	s17 =	sld [smem:$0x11];
	(tm) =	ssettm $0x1  }
0x97: {  	s18 =	sld [smem:$0x3FFB];
	_ =	sdelay $0x3  }
0x98: {  	_ =	strace s18  }
0x99: {  	s4 =	sld [smem:$0x3FFC];
	_ =	sdelay $0x3  }
0x9a: {  	_ =	strace s4  }
0x9b: {  	s4 =	sld [smem:$0x3FFD];
	_ =	sdelay $0x3  }
0x9c: {  	_ =	strace s4  }
0x9d: {  	_ =	strace $0x8FFFFFFF  }
0x9e: {  	s19 =	sld [smem:$0x3FDB];
	_ =	sdelay $0x1  }
0x9f: {  	s5 =	simm.s32 $_scs_section_size  }
0xa0: {  	s6 =	simm.s32 $_size__tile_overlayer_lowered;
	s7 =	simm.s32 $_tile_overlayer_lowered  }
0xa1: {  	s22 =	simm.s32 $0x1BFF;
	s21 =	sshll.u32 s7, $0x1;
	s4 =	sadd.s32 s5, s19  }
0xa2: {  	s8 =	simm.s32 $0x0;
	s20 =	sshll.u32 s6, $0x1;
	s6 =	sadd.s32 s21, s4  }
0xa3: {  	[timem:s8], [sflag:s22] =	dma.local [hbm:s6], s20  }
0xa4: {  	_ =	swait.ge [sflag:s22], s20  }
0xa5: {  	s5 =	ssub.s32 $0x0, s20;
	[sflag:s22] =	ssyncset.done $0x0  }
0xa6: {  	[sflag:s22] =	ssyncadd.s32 s5;
	_ =	sdelay $0x1  }
0xa7: {  	s23 =	simm.s32 $0x1B8B  }
0xa8: {  	_ =	swait.ge [sflag:s23], $0x1  }
0xa9: {  	[sflag:s23] =	ssyncset.done $0x0  }
0xaa: {  	s25 =	simm.s32 $0x1B8E;
	s24 =	sld [smem:$0x3FFE];
	[sflag:s23] =	ssyncadd.s32 $0xFFFFFFFF  }
0xab: {  	s26 =	simm.s32 $execute0_lowered;
	[smem:$0x3FD2] =	sst s25  }
0xac: {  	s6 =	sshll.u32 s26, $0x1;
	_ =	strace $0x80000046;
	[dreg:$0x1] =	wrdreg $0xFFFFFFFF  }
0xad: {  	s28 =	simm.s32 $_size_execute0_lowered;
	s4 =	sadd.s32 s4, s6;
	[dreg:$0x0] =	wrdreg $0x0  }
0xae: {  	s6 =	sshll.u32 s28, $0x1;
	[dreg:$0x2] =	wrdreg s4  }
0xaf: {  	[dreg:$0x3] =	wrdreg s6  }
0xb0: {  	[dreg:$0x4] =	wrdreg $0xC0  }
0xb1: {  	_ =	task [dreg:s8], $0x5FFFF  }
0xb2: {  	[dreg:$0x1] =	wrdreg $0xFFFFFFFF  }
0xb3: {  	[dreg:$0x0] =	wrdreg $0x60  }
0xb4: {  	[dreg:$0x2] =	wrdreg s24  }
0xb5: {  	[dreg:$0x3] =	wrdreg s17  }
0xb6: {  	[dreg:$0x4] =	wrdreg s16  }
0xb7: {  	[dreg:$0x5] =	wrdreg $0x167000  }
0xb8: {  	[dreg:$0x6] =	wrdreg $0x9  }
0xb9: {  	_ =	task.clear_ibuf [dreg:s8], $0x7FFFF;
	_ =	strace $0x90000046  }
0xba: {  	s29 =	simm.s32 $0x9;
	_ =	strace $0x80000048  }
0xbb: {  	_ =	swait.ge [sflag:s29], $0x1  }
0xbc: {  	[sflag:s29] =	ssyncadd.s32 $0xFFFFFFFF  }
0xbd: {  	_ =	strace $0x90000048  }
0xbe: {  	_ =	sfence  }
0xbf: {  	s30 =	sld [smem:$0x0];
	_ =	sdelay $0x2  }
0xc0: {  	s31 =	sshll.u32 s1, $0xD;
	s1 =	sshrl.u32 s1, $0x2  }
0xc1: {  	s3 =	sand.u32 $0x4000, s31;
	s1 =	sadd.s32 s1, s30  }
0xc2: {  	s0 =	sor.u32 s3, s0;
	s1 =	sshll.u32 s1, $0x11  }
0xc3: {  	s0 =	sor.u32 s1, s0  }
0xc4: {  	s0 =	sadd.s32 $0x8F2B, s0  }
0xc5: {  	[sflag:s0] =	ssyncadd.remote.s32 $0x1  }
0xc6: {  	_ =	sfence.sel $0xFFFF  }
0xc7: {  	[dreg:$0x0] =	wrdreg $0xFFFFFFFF;
	(pc) =	sbr.abs _section_cstart, $3  }
0xc8: {  	[dreg:$0x1] =	wrdreg $0xFFFFFFFF  }
0xc9: {  	_ =	task.clear_ibuf [dreg:s8], $0x2FFFF;
	_ =	strace $0x9FFFFFFF  }
0xca: {  	(tm) =	ssettm $0x7FFFFFFF  }
0xcb: {  	_ =	shalt  }
tec
execute0_lowered:
.L_overlay_start_1:
0x0: {  	(tag) =	ssettag $0x1  }
0x1: {  	s1 =	rddreg [dreg:$0x0]  }
0x2: {  	s31 =	rddreg [dreg:$0x1]  }
0x3: {  	s3 =	rddreg [dreg:$0x2]  }
0x4: {  	s11 =	rddreg [dreg:$0x3];
	s4 =	simm.s32 $0x0;
	s21 =	srdreg.scid  }
0x5: {  	s9 =	stileid.u32;
	[smem:$0x7FF] =	sst s4;
	s0 =	sadd.s32 $0x6A00, s1  }
0x6: {  	s18 =	sadd.s32 $0x1A00, s1;
	s19 =	sadd.s32 $0xBA00, s1;
	s20 =	sadd.s32 $0x1800, s1  }
0x7: {  	s10 =	sadd.s32 $0xBC00, s1;
	_ =	strace $0x80000047;
	[dreg:$0x5] =	wrdreg s0  }
0x8: {  	s2 =	sand.u32 $0x1, s21;
	s22 =	smul.u32 $0x2710, s9;
	[dreg:$0x6] =	wrdreg s18  }
0x9: {  	s12 =	sadd.s32 $0x192800, s1;
	s6 =	smul.u32 $0x24000, s9;
	[dreg:$0x7] =	wrdreg s19  }
0xa: {  	s1 =	sadd.s32 $0x1B9A00, s1;
	[dreg:$0x8] =	wrdreg s20;
	s0 =	smul.u32 $0x1400, s2  }
0xb: {  	s5 =	ssub.s32 $0x2, s2;
	[dreg:$0xa] =	wrdreg s1;
	s2 =	smul.u32 $0xA, s2  }
0xc: {  	[dreg:$0x9] =	wrdreg s22;
	s23 =	sshrl.u32 s5, $0x1;
	s24 =	sshrl.u32 s6, $0x2  }
0xd: {  	s1 =	ssub.s32 s5, s23;
	[dreg:$0xb] =	wrdreg s2;
	s13 =	sadd.s32 s24, s11  }
0xe: {  	s1 =	smax.u32 s1, $0x1;
	[dreg:$0xc] =	wrdreg s13  }
0xf: {  	s14 =	sadd.s32 $0x1800, s13;
	[dreg:$0xe] =	wrdreg s1  }
0x10: {  	s15 =	sadd.s32 $0x2000, s13;
	[dreg:$0x11] =	wrdreg s14  }
0x11: {  	s17 =	sadd.s32 $0x2800, s13;
	[dreg:$0x12] =	wrdreg s15  }
0x12: {  	s18 =	sadd.s32 $0x3000, s13;
	[dreg:$0x14] =	wrdreg s17  }
0x13: {  	s19 =	sadd.s32 $0x3800, s13;
	[dreg:$0x15] =	wrdreg s18  }
0x14: {  	s25 =	sshrl.u32 s9, $0x1;
	s20 =	sadd.s32 $0x4000, s13;
	[dreg:$0x16] =	wrdreg s19  }
0x15: {  	s26 =	sshll.u32 s9, $0x8;
	s21 =	sadd.s32 $0x4800, s13;
	[dreg:$0x17] =	wrdreg s20  }
0x16: {  	s7 =	sshll.u32 s25, $0x10;
	s22 =	sadd.s32 $0x5000, s13;
	[dreg:$0x18] =	wrdreg s21  }
0x17: {  	s6 =	sand.u32 $0x100, s26;
	s23 =	sadd.s32 $0x5800, s13;
	[dreg:$0x19] =	wrdreg s22  }
0x18: {  	s28 =	sadd.s32 s7, s11;
	s24 =	sadd.s32 $0x6000, s13;
	[dreg:$0x1a] =	wrdreg s23  }
0x19: {  	s5 =	smul.u32 $0x2800, s25;
	s25 =	sadd.s32 $0x6800, s13;
	[dreg:$0x1b] =	wrdreg s24  }
0x1a: {  	s29 =	sshll.u32 s6, $0x7;
	s26 =	sadd.s32 $0x7000, s13;
	[dreg:$0x1c] =	wrdreg s25  }
0x1b: {  	s2 =	sadd.s32 s29, s28;
	s28 =	sadd.s32 $0x7800, s13;
	[dreg:$0x1d] =	wrdreg s26  }
0x1c: {  	s9 =	sor.u32 $0x1000, s9;
	s29 =	sadd.s32 $0x8000, s13;
	[dreg:$0x1e] =	wrdreg s28  }
0x1d: {  	s7 =	smov.u32 s3;
	s30 =	sor.u32 s6, s5;
	[dreg:$0x1f] =	wrdreg s29  }
.Ltmp0:
0x1e: {  	s5 =	sadd.s32 $0x800, s13;
	[dreg:$0xd] =	wrdreg s30;
	(pc) =	sbr.rel .LBB2_1-.Ltmp0, $4  }
0x1f: {  	s8 =	sadd.s32 $0x1400, s0;
	s6 =	sadd.s32 $0x1000, s13;
	[dreg:$0xf] =	wrdreg s5  }
0x20: {  	v3 =	vimm.f32 $0.0e+00;
	v4 =	vimm.s32 $0x0;
	v5 =	vlaneseq.u32;
	s16 =	sshrl.u32 s2, $0x3;
	s14 =	simm.s32 $0x40;
	[dreg:$0x10] =	wrdreg s6  }
0x21: {  	v6 =	vor.u32 $0x10, v5;
	v7 =	vor.u32 $0x20, v5;
	v8 =	vor.u32 $0x30, v5;
	s1 =	simm.s32 $0x0;
	[dreg:$0x13] =	wrdreg s16;
	s30 =	sadd.s32 $0x8800, s13  }
0x22: {  	v2 =	vmov s9;
	v0 =	vmov s0;
	v1 =	vmov s8;
	s5 =	simm.s32 $0xD;
	s13 =	simm.s32 $0xA00;
	[smem:$0x7FD] =	sst s30  }
.LBB2_33:
0x23: {  	s1 =	sld [smem:$0x7FC];
	_ =	sdelay $0x2  }
0x24: {  	s0 =	rddreg [dreg:$0xe];
	s1 =	sadd.s32 $0x1, s1  }
0x25: {  	p0 =	sne.s32 s1, s0  }
.Ltmp1:
0x26: {  	_ = 	snop;
	(pc) =	sbr.rel @!p0 .LBB2_34-.Ltmp1, $1  }
0x27: {  	_ =	sdelay $0x3  }
.LBB2_1:
0x28: {  	[smem:$0x7FC] =	sst s1  }
0x29: {  	s0 =	rddreg [dreg:$0x7]  }
0x2a: {  	[tilespmem:s4], [sflag:$0xD] =	stream.linear.gather [hbm4b:s0+s4], $0xA00, $0x38;
	[tilespmem:$0x1F700] =	vst v63  }
0x2b: {  	_ =	swait.ge [sflag:s5], $0xA00  }
0x2c: {  	[sflag:s5] =	ssyncset.done $0x0  }
0x2d: {  	s30 =	rddreg [dreg:$0x8];
	[sflag:s5] =	ssyncadd.s32 $0xFFFFF600  }
0x2e: {  	[tilespmem:s13], [sflag:$0xD] =	stream.linear.gather [hbm4b:s30+s4], $0x100, $0x38;
	[tilespmem:$0x1F700] =	vst v63  }
0x2f: {  	_ =	swait.ge [sflag:s5], $0x100  }
0x30: {  	[sflag:s5] =	ssyncset.done $0x0  }
0x31: {  	[sflag:s5] =	ssyncadd.s32 $0xFFFFFF00  }
0x32: {  	[tilespmem:$0x5A00] =	vst v3  }
0x33: {  	[tilespmem:$0x5A10] =	vst v3  }
0x34: {  	[tilespmem:$0x5A20] =	vst v3  }
0x35: {  	[tilespmem:$0x5A30] =	vst v3  }
0x36: {  	[tilespmem:$0x5A40] =	vst v3  }
0x37: {  	[tilespmem:$0x5A50] =	vst v3  }
0x38: {  	[tilespmem:$0x5A60] =	vst v3  }
0x39: {  	[tilespmem:$0x5A70] =	vst v3  }
0x3a: {  	[tilespmem:$0x5A80] =	vst v3  }
0x3b: {  	[tilespmem:$0x5A90] =	vst v3  }
0x3c: {  	[tilespmem:$0x5AA0] =	vst v3  }
0x3d: {  	[tilespmem:$0x5AB0] =	vst v3  }
0x3e: {  	[tilespmem:$0x5AC0] =	vst v3  }
0x3f: {  	[tilespmem:$0x5AD0] =	vst v3  }
0x40: {  	[tilespmem:$0x5AE0] =	vst v3  }
0x41: {  	[tilespmem:$0x5AF0] =	vst v3  }
0x42: {  	[tilespmem:$0x5B00] =	vst v3  }
0x43: {  	[tilespmem:$0x5B10] =	vst v3  }
0x44: {  	[tilespmem:$0x5B20] =	vst v3  }
0x45: {  	[tilespmem:$0x5B30] =	vst v3  }
0x46: {  	[tilespmem:$0x5B40] =	vst v3  }
0x47: {  	[tilespmem:$0x5B50] =	vst v3  }
0x48: {  	[tilespmem:$0x5B60] =	vst v3  }
0x49: {  	[tilespmem:$0x5B70] =	vst v3  }
0x4a: {  	[tilespmem:$0x5B80] =	vst v3  }
0x4b: {  	[tilespmem:$0x5B90] =	vst v3  }
0x4c: {  	[tilespmem:$0x5BA0] =	vst v3  }
0x4d: {  	[tilespmem:$0x5BB0] =	vst v3  }
0x4e: {  	[tilespmem:$0x5BC0] =	vst v3  }
0x4f: {  	[tilespmem:$0x5BD0] =	vst v3  }
0x50: {  	[tilespmem:$0x5BE0] =	vst v3  }
0x51: {  	[tilespmem:$0x5BF0] =	vst v3  }
0x52: {  	[tilespmem:$0x5C00] =	vst v3  }
0x53: {  	[tilespmem:$0x5C10] =	vst v3  }
0x54: {  	[tilespmem:$0x5C20] =	vst v3  }
0x55: {  	[tilespmem:$0x5C30] =	vst v3  }
0x56: {  	[tilespmem:$0x5C40] =	vst v3  }
0x57: {  	[tilespmem:$0x5C50] =	vst v3  }
0x58: {  	[tilespmem:$0x5C60] =	vst v3  }
0x59: {  	[tilespmem:$0x5C70] =	vst v3  }
0x5a: {  	[tilespmem:$0x5C80] =	vst v3  }
0x5b: {  	[tilespmem:$0x5C90] =	vst v3  }
0x5c: {  	[tilespmem:$0x5CA0] =	vst v3  }
0x5d: {  	[tilespmem:$0x5CB0] =	vst v3  }
0x5e: {  	[tilespmem:$0x5CC0] =	vst v3  }
0x5f: {  	[tilespmem:$0x5CD0] =	vst v3  }
0x60: {  	[tilespmem:$0x5CE0] =	vst v3  }
0x61: {  	[tilespmem:$0x5CF0] =	vst v3  }
0x62: {  	[tilespmem:$0x5D00] =	vst v3  }
0x63: {  	[tilespmem:$0x5D10] =	vst v3  }
0x64: {  	[tilespmem:$0x5D20] =	vst v3  }
0x65: {  	[tilespmem:$0x5D30] =	vst v3  }
0x66: {  	[tilespmem:$0x5D40] =	vst v3  }
0x67: {  	[tilespmem:$0x5D50] =	vst v3  }
0x68: {  	[tilespmem:$0x5D60] =	vst v3  }
0x69: {  	[tilespmem:$0x5D70] =	vst v3  }
0x6a: {  	[tilespmem:$0x5D80] =	vst v3  }
0x6b: {  	[tilespmem:$0x5D90] =	vst v3  }
0x6c: {  	[tilespmem:$0x5DA0] =	vst v3  }
0x6d: {  	[tilespmem:$0x5DB0] =	vst v3  }
0x6e: {  	[tilespmem:$0x5DC0] =	vst v3  }
0x6f: {  	[tilespmem:$0x5DD0] =	vst v3  }
0x70: {  	[tilespmem:$0x5DE0] =	vst v3  }
0x71: {  	[tilespmem:$0x5DF0] =	vst v3  }
0x72: {  	[tilespmem:$0x5E00] =	vst v3  }
0x73: {  	[tilespmem:$0x5E10] =	vst v3  }
0x74: {  	[tilespmem:$0x5E20] =	vst v3  }
0x75: {  	[tilespmem:$0x5E30] =	vst v3  }
0x76: {  	[tilespmem:$0x5E40] =	vst v3  }
0x77: {  	[tilespmem:$0x5E50] =	vst v3  }
0x78: {  	[tilespmem:$0x5E60] =	vst v3  }
0x79: {  	[tilespmem:$0x5E70] =	vst v3  }
0x7a: {  	[tilespmem:$0x5E80] =	vst v3  }
0x7b: {  	[tilespmem:$0x5E90] =	vst v3  }
0x7c: {  	[tilespmem:$0x5EA0] =	vst v3  }
0x7d: {  	[tilespmem:$0x5EB0] =	vst v3  }
0x7e: {  	[tilespmem:$0x5EC0] =	vst v3  }
0x7f: {  	[tilespmem:$0x5ED0] =	vst v3  }
0x80: {  	[tilespmem:$0x5EE0] =	vst v3  }
0x81: {  	[tilespmem:$0x5EF0] =	vst v3  }
0x82: {  	[tilespmem:$0x5F00] =	vst v3  }
0x83: {  	[tilespmem:$0x5F10] =	vst v3  }
0x84: {  	[tilespmem:$0x5F20] =	vst v3  }
0x85: {  	[tilespmem:$0x5F30] =	vst v3  }
0x86: {  	[tilespmem:$0x5F40] =	vst v3  }
0x87: {  	[tilespmem:$0x5F50] =	vst v3  }
0x88: {  	[tilespmem:$0x5F60] =	vst v3  }
0x89: {  	[tilespmem:$0x5F70] =	vst v3  }
0x8a: {  	[tilespmem:$0x5F80] =	vst v3  }
0x8b: {  	[tilespmem:$0x5F90] =	vst v3  }
0x8c: {  	[tilespmem:$0x5FA0] =	vst v3  }
0x8d: {  	[tilespmem:$0x5FB0] =	vst v3  }
0x8e: {  	[tilespmem:$0x5FC0] =	vst v3  }
0x8f: {  	[tilespmem:$0x5FD0] =	vst v3  }
0x90: {  	[tilespmem:$0x5FE0] =	vst v3  }
0x91: {  	[tilespmem:$0x5FF0] =	vst v3  }
0x92: {  	[tilespmem:$0x6000] =	vst v3  }
0x93: {  	[tilespmem:$0x6010] =	vst v3  }
0x94: {  	[tilespmem:$0x6020] =	vst v3  }
0x95: {  	[tilespmem:$0x6030] =	vst v3  }
0x96: {  	[tilespmem:$0x6040] =	vst v3  }
0x97: {  	[tilespmem:$0x6050] =	vst v3  }
0x98: {  	[tilespmem:$0x6060] =	vst v3  }
0x99: {  	[tilespmem:$0x6070] =	vst v3  }
0x9a: {  	[tilespmem:$0x6080] =	vst v3  }
0x9b: {  	[tilespmem:$0x6090] =	vst v3  }
0x9c: {  	[tilespmem:$0x60A0] =	vst v3  }
0x9d: {  	[tilespmem:$0x60B0] =	vst v3  }
0x9e: {  	[tilespmem:$0x60C0] =	vst v3  }
0x9f: {  	[tilespmem:$0x60D0] =	vst v3  }
0xa0: {  	[tilespmem:$0x60E0] =	vst v3  }
0xa1: {  	[tilespmem:$0x60F0] =	vst v3  }
0xa2: {  	[tilespmem:$0x6100] =	vst v3  }
0xa3: {  	[tilespmem:$0x6110] =	vst v3  }
0xa4: {  	[tilespmem:$0x6120] =	vst v3  }
0xa5: {  	[tilespmem:$0x6130] =	vst v3  }
0xa6: {  	[tilespmem:$0x6140] =	vst v3  }
0xa7: {  	[tilespmem:$0x6150] =	vst v3  }
0xa8: {  	[tilespmem:$0x6160] =	vst v3  }
0xa9: {  	[tilespmem:$0x6170] =	vst v3  }
0xaa: {  	[tilespmem:$0x6180] =	vst v3  }
0xab: {  	[tilespmem:$0x6190] =	vst v3  }
0xac: {  	[tilespmem:$0x61A0] =	vst v3  }
0xad: {  	[tilespmem:$0x61B0] =	vst v3  }
0xae: {  	[tilespmem:$0x61C0] =	vst v3  }
0xaf: {  	[tilespmem:$0x61D0] =	vst v3  }
0xb0: {  	[tilespmem:$0x61E0] =	vst v3  }
0xb1: {  	s1 =	simm.s32 $0x0;
	s0 =	simm.s32 $0xB00;
	[tilespmem:$0x61F0] =	vst v3  }
.LBB2_2:
0xb2: {  	s2 =	smul.u32 $0x7D0, s1  }
0xb3: {  	s3 =	rddreg [dreg:$0x9]  }
0xb4: {  	s2 =	sadd.s32 s3, s2  }
0xb5: {  	s26 =	rddreg [dreg:$0x5];
	s6 =	sshrl.u32 s2, $0x3  }
0xb6: {  	s28 =	simm.s32 $0x3280;
	s2 =	simm.s32 $0x0;
	s8 =	sadd.s32 s26, s6  }
0xb7: {  	[tilespmem:s28], [sflag:$0xD] =	stream.linear.gather [hbm4b:s8+s2], $0x7D0, $0x38;
	[tilespmem:$0x1F700] =	vst v63  }
0xb8: {  	_ =	swait.ge [sflag:s5], $0x7D0  }
0xb9: {  	[sflag:s5] =	ssyncset.done $0x0;
	s29 =	rddreg [dreg:$0x6]  }
0xba: {  	s30 =	simm.s32 $0x3A50;
	[sflag:s5] =	ssyncadd.s32 $0xFFFFF830;
	s6 =	sadd.s32 s29, s6  }
0xbb: {  	[tilespmem:s30], [sflag:$0xD] =	stream.linear.gather [hbm4b:s6+s2], $0x7D0, $0x38;
	[tilespmem:$0x1F700] =	vst v63  }
0xbc: {  	_ =	swait.ge [sflag:s5], $0x7D0  }
0xbd: {  	[sflag:s5] =	ssyncset.done $0x0  }
0xbe: {  	v9 =	vmov s0;
	[sflag:s5] =	ssyncadd.s32 $0xFFFFF830  }
.LBB2_3:
0xbf: {  	s6 =	sshra.s32 s2, $0x2  }
0xc0: {  	v10 =	vld [tilespmem:s6+$0x3280]  }
0xc1: {  	v11 =	vld [tilespmem:s6+$0x3A50];
	_ =	sdelay $0x3  }
0xc2: {  	v12 =	vshrl.u32 v10, $0x2  }
0xc3: {  	v13 =	vshrl.u32 v11, $0x2;
	_ =	sdelay $0x3  }
0xc4: {  	v12 =	vld.idx.msk [tilespmem:v12+s4+$0x0], $0xffff  }
0xc5: {  	v13 =	vld.idx.msk [tilespmem:v13+s4+$0x0], $0xffff;
	_ =	sdelay $0x1  }
0xc6: {  	v14 =	vshll.u32 v10, $0x3  }
0xc7: {  	v15 =	vshll.u32 v11, $0x3;
	v14 =	vand.u32 $0x18, v14  }
0xc8: {  	v63 =	vand.u32 $0x18, v15;
	v12 =	vshrl.u32 v12, v14  }
0xc9: {  	v13 =	vshrl.u32 v13, v63;
	v12 =	vshll.u32 v12, $0x4  }
0xca: {  	v13 =	vand.u32 $0xFF, v13;
	v12 =	vand.u32 $0xFF0, v12  }
0xcb: {  	v12 =	vadd.s32 v13, v12;
	_ =	sdelay $0x4  }
0xcc: {  	v12 =	vld.idx.msk [tilespmem:v12+s13+$0x0], $0xffff;
	_ =	sdelay $0x2  }
0xcd: {  	p0 =	sne.s32 s2, $0x1F00  }
.Ltmp2:
0xce: {  	_ = 	snop;
	(pc) =	sbr.rel @p0 .LBB2_3-.Ltmp2, $4  }
0xcf: {  	v11 =	vshll.u32 v11, $0xE;
	v12 =	vshll.u32 v12, $0x1C  }
0xd0: {  	v11 =	vor.u32 v12, v11  }
0xd1: {  	v10 =	vor.u32 v10, v11  }
0xd2: {  	s2 =	sadd.s32 $0x40, s2;
	[tilespmem:v9+s6+$0x0 ss:$0x1] =	vst.idx.msk $0xffff, v10  }
0xd3: {  	s1 =	sadd.s32 $0x1, s1  }
0xd4: {  	p0 =	sne.s32 s1, $0x5  }
.Ltmp3:
0xd5: {  	_ = 	snop;
	(pc) =	sbr.rel @p0 .LBB2_2-.Ltmp3, $2  }
0xd6: {  	_ =	sdelay $0x2  }
0xd7: {  	s0 =	sadd.s32 $0x7D0, s0  }
0xd8: {  	s0 =	simm.s32 $0x0  }
0xd9: {  	v9 =	vld [tilespmem:s0+$0xB00];
	_ =	sdelay $0x4  }
0xda: {  	v10 =	vshrl.u32 v9, $0xE  }
0xdb: {  	v10 =	vand.u32 $0x3FFF, v10  }
0xdc: {  	vm0 =	vge.u32 v10, v0;
	vm1 =	vlt.u32 v10, v1  }
0xdd: {  	vm0 =	vmand vm0, vm1  }
0xde: {  	v10 =	vsel vm0, $0x1, v4  }
0xdf: {  	(xrf0) =	vadd.scan.msk.s32 $0xffff, v10;
	_ =	sdelay $0x5  }
0xe0: {  	s0 =	simm.s32 $0x0;
	v10, _, _ =	vpop (xrf0)  }
0xe1: {  	s2 =	simm.s32 $0x10;
	s1 =	simm.s32 $0x80;
	[tilespmem:s0+$0xB00] =	vst.msk vm0, v9;
	(v2sf) =	vpush v10, $0xF  }
.LBB2_6:
0xe2: {  	p0 =	sne.s32 s1, $0x9C00;
	v9 =	vld [tilespmem:s2+$0xB00];
	_ =	sdelay $0x4  }
0xe3: {  	v10 =	vshrl.u32 v9, $0xE  }
0xe4: {  	v10 =	vand.u32 $0x3FFF, v10  }
0xe5: {  	vm0 =	vge.u32 v10, v0;
	vm1 =	vlt.u32 v10, v1  }
0xe6: {  	vm0 =	vmand vm0, vm1  }
0xe7: {  	v10 =	vsel vm0, $0x1, v4  }
0xe8: {  	(xrf0) =	vadd.scan.msk.s32 $0xffff, v10;
	_ =	sdelay $0x2  }
.Ltmp4:
0xe9: {  	(pc) =	sbr.rel @p0 .LBB2_6-.Ltmp4, $4  }
0xea: {  	s2 =	spop (v2sf)  }
0xeb: {  	s0 =	sadd.s32 s0, s2  }
0xec: {  	[tilespmem:s0+$0xB00] =	vst.msk vm0, v9;
	v9, _, _ =	vpop (xrf0)  }
0xed: {  	s2 =	sshra.s32 s1, $0x2;
	s1 =	sadd.s32 $0x40, s1;
	(v2sf) =	vpush v9, $0xF  }
0xee: {  	v9 =	vld [tilespmem:s2+$0xB00];
	_ =	sdelay $0x4  }
0xef: {  	v10 =	vshrl.u32 v9, $0xE  }
0xf0: {  	v10 =	vand.u32 $0x3FFF, v10  }
0xf1: {  	vm0 =	vge.u32 v10, v0;
	vm1 =	vlt.u32 v10, v1  }
0xf2: {  	vm0 =	vmand vm0, vm1  }
0xf3: {  	v10 =	vsel vm0, $0x1, v4  }
0xf4: {  	(xrf0) =	vadd.scan.msk.s32 $0xffff, v10;
	_ =	sdelay $0x5  }
0xf5: {  	v10, _, _ =	vpop (xrf0)  }
0xf6: {  	(v2sf) =	vpush v10, $0xF;
	_ =	sdelay $0xd  }
0xf7: {  	s1 =	spop (v2sf)  }
0xf8: {  	s0 =	sadd.s32 s0, s1;
	s28 =	spop (v2sf)  }
0xf9: {  	s1 =	sadd.s32 s0, s28  }
0xfa: {  	s29 =	sadd.s32 $0xF, s1  }
0xfb: {  	s6 =	sand.u32 $0xF, s29  }
0xfc: {  	s30 =	sshra.s32 s29, $0x1F;
	p1 =	slt.s32 s29, $0x1;
	p0 =	sne.s32 s6, $0x0  }
.Ltmp5:
0xfd: {  	s6 =	sshrl.u32 s30, $0x1C;
	p0 =	por !p1, !p0;
	(pc) =	sbr.rel .LBB2_8-.Ltmp5, $4  }
0xfe: {  	s2 =	sadd.s32 s6, s29;
	s6 =	simm.s32 $0x1;
	p0 =	por !p0, !p0  }
0xff: {  	s2 =	sshra.s32 s2, $0x4;
	s6 =	simm.s32 @!p0 $0x0  }
0x100: {  	s2 =	ssub.s32 s2, s6  }
0x101: {  	s3 =	simm.s32 $0x0;
	[tilespmem:s0+$0xB00] =	vst.msk vm0, v9;
	v9 =	vmov s1;
	[smem:$0x7FB] =	sst s2;
	p0 =	slt.s32 s2, $0x1  }
.LBB2_32:
0x102: {  	s0 =	simm.s32 @!p1 $0x5  }
0x103: {  	_ =	swait.ge @!p1 [sflag:s0], $0x2000  }
0x104: {  	[sflag:s0] =	ssyncset.done @!p1 $0x0  }
0x105: {  	[sflag:s0] =	ssyncadd.s32 @!p1 $0xFFFFE000;
	s0 =	simm.s32 @!p1 $0x6  }
0x106: {  	p2 =	seq.s32 @!p1 s19, $0x1;
	_ =	swait.ge @!p1 [sflag:s0], $0x2000  }
0x107: {  	p2 =	por p2, p1;
	[sflag:s0] =	ssyncset.done @!p1 $0x0  }
0x108: {  	[sflag:s0] =	ssyncadd.s32 @!p1 $0xFFFFE000;
	s0 =	simm.s32 @!p2 $0xB  }
0x109: {  	_ =	swait.ge @!p2 [sflag:s0], $0x2000  }
0x10a: {  	[sflag:s0] =	ssyncset.done @!p2 $0x0  }
0x10b: {  	[sflag:s0] =	ssyncadd.s32 @!p2 $0xFFFFE000;
	s0 =	simm.s32 @!p2 $0xC  }
0x10c: {  	_ =	swait.ge @!p2 [sflag:s0], $0x2000  }
0x10d: {  	s2 =	sld [smem:$0x7F9]  }
0x10e: {  	[sflag:s0] =	ssyncset.done @!p2 $0x0  }
0x10f: {  	s1 =	rddreg [dreg:$0xd];
	[sflag:s0] =	ssyncadd.s32 @!p2 $0xFFFFE000  }
0x110: {  	s28 =	stileid.u32;
	[bflag:$0x0] =	sbarrier.arrive $0xFFFF;
	s1 =	sadd.s32 s1, s2  }
0x111: {  	s29 =	rddreg [dreg:$0xa];
	s26 =	sshll.u32 s1, $0x4;
	s1 =	sshll.u32 s28, $0x6  }
0x112: {  	s30 =	rddreg [dreg:$0x13];
	s0 =	sadd.s32 s29, s26;
	s1 =	sor.u32 $0x1C0D, s1  }
0x113: {  	[hbm:s0], [sflag:s1] =	dma.local [spmem:s30], $0x1000  }
0x114: {  	_ =	swait.ge [sflag:s5], $0x1000  }
0x115: {  	s3 =	sld [smem:$0x7FA];
	_ =	sdelay $0x2  }
0x116: {  	s3 =	sadd.s32 $0x1, s3  }
0x117: {  	p1 =	sne.s32 s3, $0xA  }
.Ltmp6:
0x118: {  	_ = 	snop;
	(pc) =	sbr.rel @!p1 .LBB2_33-.Ltmp6, $4  }
0x119: {  	[sflag:s5] =	ssyncset.done $0x0  }
0x11a: {  	[sflag:s5] =	ssyncadd.s32 $0xFFFFF000  }
0x11b: {  	[bflag:$0x0] =	sbarrier.arrive $0xFFFF  }
0x11c: {  	s13 =	simm.s32 $0xA00  }
.LBB2_8:
0x11d: {  	s0 =	rddreg [dreg:$0xc];
	s1 =	simm.s32 $0x5A00  }
0x11e: {  	[spmem:s0] =	stream.linear.scatter [tilespmem:s1], [sflag:$0xD], $0x800, $0x38;
	[tilespmem:$0x1F700] =	vst v63  }
0x11f: {  	_ =	swait.ge [sflag:s5], $0x800  }
0x120: {  	[sflag:s5] =	ssyncset.done $0x0  }
0x121: {  	s8 =	rddreg [dreg:$0xf];
	[sflag:s5] =	ssyncadd.s32 $0xFFFFF800  }
0x122: {  	[spmem:s8] =	stream.linear.scatter [tilespmem:s1], [sflag:$0xD], $0x800, $0x38;
	[tilespmem:$0x1F700] =	vst v63  }
0x123: {  	_ =	swait.ge [sflag:s5], $0x800  }
0x124: {  	[sflag:s5] =	ssyncset.done $0x0  }
0x125: {  	s9 =	rddreg [dreg:$0x10];
	[sflag:s5] =	ssyncadd.s32 $0xFFFFF800  }
0x126: {  	[spmem:s9] =	stream.linear.scatter [tilespmem:s1], [sflag:$0xD], $0x800, $0x38;
	[tilespmem:$0x1F700] =	vst v63  }
0x127: {  	_ =	swait.ge [sflag:s5], $0x800  }
0x128: {  	[sflag:s5] =	ssyncset.done $0x0  }
0x129: {  	s13 =	rddreg [dreg:$0x11];
	[sflag:s5] =	ssyncadd.s32 $0xFFFFF800  }
0x12a: {  	[spmem:s13] =	stream.linear.scatter [tilespmem:s1], [sflag:$0xD], $0x800, $0x38;
	[tilespmem:$0x1F700] =	vst v63  }
0x12b: {  	_ =	swait.ge [sflag:s5], $0x800  }
0x12c: {  	[sflag:s5] =	ssyncset.done $0x0  }
0x12d: {  	s15 =	rddreg [dreg:$0x12];
	[sflag:s5] =	ssyncadd.s32 $0xFFFFF800  }
0x12e: {  	[spmem:s15] =	stream.linear.scatter [tilespmem:s1], [sflag:$0xD], $0x800, $0x38;
	[tilespmem:$0x1F700] =	vst v63  }
0x12f: {  	_ =	swait.ge [sflag:s5], $0x800  }
0x130: {  	[sflag:s5] =	ssyncset.done $0x0  }
0x131: {  	s16 =	rddreg [dreg:$0x14];
	[sflag:s5] =	ssyncadd.s32 $0xFFFFF800  }
0x132: {  	[spmem:s16] =	stream.linear.scatter [tilespmem:s1], [sflag:$0xD], $0x800, $0x38;
	[tilespmem:$0x1F700] =	vst v63  }
0x133: {  	_ =	swait.ge [sflag:s5], $0x800  }
0x134: {  	[sflag:s5] =	ssyncset.done $0x0  }
0x135: {  	s17 =	rddreg [dreg:$0x15];
	[sflag:s5] =	ssyncadd.s32 $0xFFFFF800  }
0x136: {  	[spmem:s17] =	stream.linear.scatter [tilespmem:s1], [sflag:$0xD], $0x800, $0x38;
	[tilespmem:$0x1F700] =	vst v63  }
0x137: {  	_ =	swait.ge [sflag:s5], $0x800  }
0x138: {  	[sflag:s5] =	ssyncset.done $0x0  }
0x139: {  	s18 =	rddreg [dreg:$0x16];
	[sflag:s5] =	ssyncadd.s32 $0xFFFFF800  }
0x13a: {  	[spmem:s18] =	stream.linear.scatter [tilespmem:s1], [sflag:$0xD], $0x800, $0x38;
	[tilespmem:$0x1F700] =	vst v63  }
0x13b: {  	_ =	swait.ge [sflag:s5], $0x800  }
0x13c: {  	[sflag:s5] =	ssyncset.done $0x0  }
0x13d: {  	s19 =	rddreg [dreg:$0x17];
	[sflag:s5] =	ssyncadd.s32 $0xFFFFF800  }
0x13e: {  	[spmem:s19] =	stream.linear.scatter [tilespmem:s1], [sflag:$0xD], $0x800, $0x38;
	[tilespmem:$0x1F700] =	vst v63  }
0x13f: {  	_ =	swait.ge [sflag:s5], $0x800  }
0x140: {  	[sflag:s5] =	ssyncset.done $0x0  }
0x141: {  	s20 =	rddreg [dreg:$0x18];
	[sflag:s5] =	ssyncadd.s32 $0xFFFFF800  }
0x142: {  	[spmem:s20] =	stream.linear.scatter [tilespmem:s1], [sflag:$0xD], $0x800, $0x38;
	[tilespmem:$0x1F700] =	vst v63  }
0x143: {  	_ =	swait.ge [sflag:s5], $0x800  }
0x144: {  	[sflag:s5] =	ssyncset.done $0x0  }
0x145: {  	s21 =	rddreg [dreg:$0x19];
	[sflag:s5] =	ssyncadd.s32 $0xFFFFF800  }
0x146: {  	[spmem:s21] =	stream.linear.scatter [tilespmem:s1], [sflag:$0xD], $0x800, $0x38;
	[tilespmem:$0x1F700] =	vst v63  }
0x147: {  	_ =	swait.ge [sflag:s5], $0x800  }
0x148: {  	[sflag:s5] =	ssyncset.done $0x0  }
0x149: {  	s22 =	rddreg [dreg:$0x1a];
	[sflag:s5] =	ssyncadd.s32 $0xFFFFF800  }
0x14a: {  	[spmem:s22] =	stream.linear.scatter [tilespmem:s1], [sflag:$0xD], $0x800, $0x38;
	[tilespmem:$0x1F700] =	vst v63  }
0x14b: {  	_ =	swait.ge [sflag:s5], $0x800  }
0x14c: {  	[sflag:s5] =	ssyncset.done $0x0  }
0x14d: {  	s23 =	rddreg [dreg:$0x1b];
	[sflag:s5] =	ssyncadd.s32 $0xFFFFF800  }
0x14e: {  	[spmem:s23] =	stream.linear.scatter [tilespmem:s1], [sflag:$0xD], $0x800, $0x38;
	[tilespmem:$0x1F700] =	vst v63  }
0x14f: {  	_ =	swait.ge [sflag:s5], $0x800  }
0x150: {  	[sflag:s5] =	ssyncset.done $0x0  }
0x151: {  	s24 =	rddreg [dreg:$0x1c];
	[sflag:s5] =	ssyncadd.s32 $0xFFFFF800  }
0x152: {  	[spmem:s24] =	stream.linear.scatter [tilespmem:s1], [sflag:$0xD], $0x800, $0x38;
	[tilespmem:$0x1F700] =	vst v63  }
0x153: {  	_ =	swait.ge [sflag:s5], $0x800  }
0x154: {  	[sflag:s5] =	ssyncset.done $0x0  }
0x155: {  	s25 =	rddreg [dreg:$0x1d];
	[sflag:s5] =	ssyncadd.s32 $0xFFFFF800  }
0x156: {  	[spmem:s25] =	stream.linear.scatter [tilespmem:s1], [sflag:$0xD], $0x800, $0x38;
	[tilespmem:$0x1F700] =	vst v63  }
0x157: {  	_ =	swait.ge [sflag:s5], $0x800  }
0x158: {  	[sflag:s5] =	ssyncset.done $0x0  }
0x159: {  	s26 =	rddreg [dreg:$0x1e];
	[sflag:s5] =	ssyncadd.s32 $0xFFFFF800  }
0x15a: {  	[spmem:s26] =	stream.linear.scatter [tilespmem:s1], [sflag:$0xD], $0x800, $0x38;
	[tilespmem:$0x1F700] =	vst v63  }
0x15b: {  	_ =	swait.ge [sflag:s5], $0x800  }
0x15c: {  	[sflag:s5] =	ssyncset.done $0x0  }
0x15d: {  	s28 =	rddreg [dreg:$0x1f];
	[sflag:s5] =	ssyncadd.s32 $0xFFFFF800  }
0x15e: {  	[spmem:s28] =	stream.linear.scatter [tilespmem:s1], [sflag:$0xD], $0x800, $0x38;
	[tilespmem:$0x1F700] =	vst v63  }
0x15f: {  	_ =	swait.ge [sflag:s5], $0x800  }
0x160: {  	s29 =	sld [smem:$0x7FD]  }
0x161: {  	[sflag:s5] =	ssyncset.done $0x0  }
0x162: {  	[sflag:s5] =	ssyncadd.s32 $0xFFFFF800  }
0x163: {  	[spmem:s29] =	stream.linear.scatter [tilespmem:s1], [sflag:$0xD], $0x800, $0x38;
	[tilespmem:$0x1F700] =	vst v63  }
.Ltmp7:
0x164: {  	_ =	swait.ge [sflag:s5], $0x800;
	(pc) =	sbr.rel @p0 .LBB2_15-.Ltmp7, $4  }
0x165: {  	[sflag:s5] =	ssyncset.done $0x0;
	s30 =	rddreg [dreg:$0xb]  }
0x166: {  	s0 =	sadd.s32 s30, s3;
	[sflag:s5] =	ssyncadd.s32 $0xFFFFF800  }
0x167: {  	s13 =	sshll.u32 s0, $0x9;
	[bflag:$0x0] =	sbarrier.arrive $0xFFFF  }
0x168: {  	s0 =	simm.s32 $0x0;
	v10 =	vmov s13  }
0x169: {  	s2 =	sld [smem:$0x7FB];
	_ =	sdelay $0x2  }
0x16a: {  	p2 =	sne.s32 s2, $0x1  }
.Ltmp8:
0x16b: {  	_ = 	snop;
	(pc) =	sbr.rel @!p2 .LBB2_10-.Ltmp8, $3  }
0x16c: {  	_ =	sdelay $0x1  }
0x16d: {  	s0 =	sadd.s32 $0x200, s13;
	s1 =	simm.s32 $0xB00  }
0x16e: {  	p1 =	por $0x0, $0x0;
	v12 =	vmov s0;
	s0 =	simm.s32 $0x0;
	v11 =	vld [tilespmem:s1+$0x0];
	s1 =	sadd.s32 $0xFFFFFFFF, s2  }
0x16f: {  	_ =	sdelay $0x3  }
0x170: {  	v13 =	vshrl.u32 v11, $0xE  }
0x171: {  	v13 =	vand.u32 $0x3FFF, v13  }
0x172: {  	vm0 =	vge.u32 v13, v10;
	vm1 =	vlt.u32 v13, v12;
	v13 =	vor.u32 s0, v5  }
0x173: {  	vm0 =	vmand vm0, vm1;
	vm15 =	vlt.s32 v13, v9  }
0x174: {  	vm0 =	vmand vm15, vm0  }
0x175: {  	v13 =	vsel vm0, $0x1, v4  }
0x176: {  	(xrf0) =	vadd.scan.msk.s32 $0xffff, v13;
	_ =	sdelay $0x1  }
0x177: {  	p2 =	sne.s32 s1, $0x1  }
.Ltmp9:
0x178: {  	_ = 	snop;
	(pc) =	sbr.rel @!p2 .LBB2_12-.Ltmp9, $3  }
0x179: {  	_ =	sdelay $0x1  }
0x17a: {  	s6 =	simm.s32 $0xB10;
	s8 =	sadd.s32 $0xFFFFFFFF, s1;
	[tilespmem:s0+$0x3280] =	vst.msk vm0, v11;
	v13, _, _ =	vpop (xrf0)  }
0x17b: {  	p1 =	por $0x1, $0x1;
	s2 =	simm.s32 $0x0;
	s1 =	simm.s32 $0x0;
	v11 =	vld [tilespmem:s6+$0x0];
	(v2sf) =	vpush v13, $0xF  }
.LBB2_13:
0x17c: {  	p2 =	sne.s32 s8, $0x1;
	_ =	sdelay $0x3  }
0x17d: {  	v13 =	vshrl.u32 v11, $0xE  }
0x17e: {  	s2 =	sadd.s32 $0x10, s2;
	v13 =	vand.u32 $0x3FFF, v13  }
0x17f: {  	vm0 =	vge.u32 v13, v10;
	vm1 =	vlt.u32 v13, v12;
	v13 =	vor.u32 s2, v5  }
0x180: {  	vm0 =	vmand vm0, vm1;
	vm1 =	vlt.s32 v13, v9  }
0x181: {  	vm0 =	vmand vm1, vm0  }
0x182: {  	v13 =	vsel vm0, $0x1, v4  }
0x183: {  	(xrf0) =	vadd.scan.msk.s32 $0xffff, v13;
	_ =	sdelay $0x2  }
.Ltmp10:
0x184: {  	(pc) =	sbr.rel @p2 .LBB2_13-.Ltmp10, $4  }
0x185: {  	s9 =	spop (v2sf)  }
0x186: {  	s1 =	sadd.s32 s1, s9  }
0x187: {  	s6 =	sadd.s32 $0x10, s6;
	[tilespmem:s1+$0x3280] =	vst.msk vm0, v11;
	v13, _, _ =	vpop (xrf0)  }
0x188: {  	s8 =	sadd.s32 $0xFFFFFFFF, s8;
	v11 =	vld [tilespmem:s6+$0x0];
	(v2sf) =	vpush v13, $0xF  }
.LBB2_14:
0x189: {  	_ =	sdelay $0x3  }
0x18a: {  	s2 =	sadd.s32 @p1 $0x10, s2;
	s6 =	simm.s32 $0x0;
	v13 =	vshrl.u32 v11, $0xE  }
0x18b: {  	s6 =	smov.u32 @p1 s2;
	v13 =	vand.u32 $0x3FFF, v13  }
0x18c: {  	v62 =	vor.u32 s6, v5;
	vm0 =	vge.u32 v13, v10;
	vm1 =	vlt.u32 v13, v12  }
0x18d: {  	vm15 =	vlt.s32 v62, v9;
	vm0 =	vmand vm0, vm1  }
0x18e: {  	vm0 =	vmand vm15, vm0  }
0x18f: {  	v63 =	vsel vm0, $0x1, v4  }
0x190: {  	(xrf0) =	vadd.scan.msk.s32 $0xffff, v63;
	_ =	sdelay $0x5  }
0x191: {  	v12, _, _ =	vpop (xrf0)  }
0x192: {  	(v2sf) =	vpush v12, $0xF;
	_ =	sdelay $0xc  }
0x193: {  	s2 =	spop @p1 (v2sf)  }
0x194: {  	s1 =	sadd.s32 @p1 s1, s2  }
0x195: {  	s0 =	smov.u32 @p1 s1;
	s30 =	spop (v2sf)  }
0x196: {  	[tilespmem:s0+$0x3280] =	vst.msk vm0, v11;
	s0 =	sadd.s32 s0, s30  }
.LBB2_15:
0x197: {  	s1 =	sadd.s32 $0x3F, s0  }
0x198: {  	s2 =	sand.u32 $0x3F, s1  }
0x199: {  	s6 =	sshra.s32 s1, $0x1F;
	p1 =	slt.s32 s1, $0x1;
	p2 =	sne.s32 s2, $0x0  }
0x19a: {  	s30 =	sshrl.u32 s6, $0x1A;
	p1 =	por !p1, !p2  }
0x19b: {  	s2 =	simm.s32 $0x1;
	s1 =	sadd.s32 s30, s1;
	p1 =	por !p1, !p1  }
0x19c: {  	s1 =	sshra.s32 s1, $0x6;
	s2 =	simm.s32 @!p1 $0x0  }
0x19d: {  	s19 =	ssub.s32 s1, s2  }
0x19e: {  	p1 =	slt.s32 s19, $0x1  }
.Ltmp11:
0x19f: {  	_ = 	snop;
	(pc) =	sbr.rel @p1 .LBB2_17-.Ltmp11, $3  }
0x1a0: {  	_ =	sdelay $0x1  }
0x1a1: {  	[smem:$0x7F9] =	sst s13  }
0x1a2: {  	[smem:$0x7FA] =	sst s3;
	v11 =	vmov s0  }
0x1a3: {  	v12 =	vld [tilespmem:$0x3280]  }
0x1a4: {  	v15 =	vld [tilespmem:$0x3290]  }
0x1a5: {  	v43 =	vld [tilespmem:$0x32B0]  }
0x1a6: {  	v18 =	vld [tilespmem:$0x32A0]  }
0x1a7: {  	vm0 =	vgt.s32 v11, v5;
	vm14 =	vgt.s32 v11, v6  }
0x1a8: {  	vm15 =	vgt.s32 v11, v7;
	vm1 =	vgt.s32 v11, v8;
	v13 =	vshrl.u32 v12, $0xE  }
0x1a9: {  	v14 =	vshrl.u32 v12, $0x1C;
	v12 =	vand.u32 $0x3FFF, v12;
	v36 =	vand.u32 $0x3FFF, v15  }
0x1aa: {  	v32 =	vshrl.u32 v15, $0xE;
	v54 =	vand.u32 $0x3FFF, v43;
	v38 =	vnsel vm14, $0x0, v36  }
0x1ab: {  	v41 =	vshrl.u32 v18, $0xE;
	v13 =	vand.u32 $0x3FFF, v13;
	v59 =	vnsel vm1, $0x0, v54;
	[tilespmem:$0x16210] =	vst v38  }
0x1ac: {  	v16 =	vmul.u32 $0x2710, v14;
	v44 =	vand.u32 $0x3FFF, v41;
	v30 =	vnsel vm0, $0x0, v13;
	[tilespmem:$0x16230] =	vst v59  }
0x1ad: {  	v34 =	vshrl.u32 v15, $0x1C;
	v55 =	vshrl.u32 v43, $0xE;
	v50 =	vnsel vm15, $0x0, v44;
	[tilespmem:$0x16300] =	vst v30  }
0x1ae: {  	v17 =	vsub.s32 v13, v10;
	v16 =	vadd.s32 v12, v16;
	v12 =	vnsel vm0, $0x0, v12;
	[tilespmem:$0x16320] =	vst v50  }
0x1af: {  	v58 =	vand.u32 $0x3FFF, v55;
	v47 =	vsub.s32 v44, v10;
	v33 =	vsel vm0, v17, v2;
	[tilespmem:$0x16200] =	vst v12  }
0x1b0: {  	v14 =	vshll.u32 v14, $0x9;
	v60 =	vsub.s32 v58, v10;
	v57 =	vsel vm15, v47, v2;
	[tilespmem:$0x16400] =	vst v33  }
0x1b1: {  	v35 =	vmul.u32 $0x2710, v34;
	v14 =	vadd.s32 v17, v14;
	v63 =	vsel vm1, v60, v2;
	[tilespmem:$0x16420] =	vst v57  }
0x1b2: {  	v42 =	vshrl.u32 v18, $0x1C;
	v16 =	vnsel vm0, $0x0, v16;
	v14 =	vadd.s32 $0x200, v14;
	[tilespmem:$0x16430] =	vst v63  }
0x1b3: {  	v45 =	vmul.u32 $0x2710, v42;
	v12 =	vadd.s32 v36, v35;
	v31 =	vsel vm0, v14, v2;
	[tilespmem:$0x16280] =	vst v16  }
0x1b4: {  	v46 =	vand.u32 $0x3FFF, v18;
	v14 =	vand.u32 $0x3FFF, v32;
	v12 =	vnsel vm14, $0x0, v12;
	[tilespmem:$0x16380] =	vst v31  }
0x1b5: {  	v48 =	vadd.s32 v46, v45;
	v19 =	vsub.s32 v14, v10;
	v14 =	vnsel vm14, $0x0, v14;
	[tilespmem:$0x16290] =	vst v12  }
0x1b6: {  	v53 =	vshrl.u32 v43, $0x1C;
	v16 =	vshll.u32 v42, $0x9;
	v12 =	vnsel vm15, $0x0, v48;
	[tilespmem:$0x16310] =	vst v14  }
0x1b7: {  	v17 =	vshll.u32 v34, $0x9;
	v49 =	vadd.s32 v47, v16;
	v40 =	vsel vm14, v19, v2;
	[tilespmem:$0x162A0] =	vst v12  }
0x1b8: {  	v37 =	vadd.s32 v19, v17;
	v51 =	vadd.s32 $0x200, v49;
	v12 =	vnsel vm1, $0x0, v58;
	[tilespmem:$0x16410] =	vst v40  }
0x1b9: {  	v14 =	vshll.u32 v53, $0x9;
	v39 =	vadd.s32 $0x200, v37;
	v52 =	vsel vm15, v51, v2;
	[tilespmem:$0x16330] =	vst v12  }
0x1ba: {  	v56 =	vmul.u32 $0x2710, v53;
	v14 =	vadd.s32 v60, v14;
	v13 =	vsel vm14, v39, v2;
	[tilespmem:$0x163A0] =	vst v52  }
0x1bb: {  	v61 =	vadd.s32 $0x200, v14;
	[tilespmem:$0x16390] =	vst v13;
	v13 =	vnsel vm15, $0x0, v46  }
0x1bc: {  	v62 =	vsel vm1, v61, v2;
	[tilespmem:$0x16220] =	vst v13;
	v13 =	vadd.s32 v54, v56  }
0x1bd: {  	[tilespmem:$0x163B0] =	vst v62;
	v13 =	vnsel vm1, $0x0, v13  }
0x1be: {  	s0 =	simm.s32 $0x16200;
	s1 =	simm.s32 $0x6200;
	[tilespmem:$0x162B0] =	vst v13  }
0x1bf: {  	[tilespmem:s1], [sflag:$0x1] =	stream.indirect.gather [hbm4b:s31+s14], $0x80, s0, s14, $0xb8;
	[tilespmem:$0x1F700] =	vst v63  }
0x1c0: {  	s25 =	simm.s32 $0x8200  }
0x1c1: {  	[tilespmem:s25], [sflag:$0x2] =	stream.indirect.gather [hbm4b:s7+s14], $0x80, s0, s14, $0xb8;
	[tilespmem:$0x1F700] =	vst v63  }
0x1c2: {  	s26 =	simm.s32 $0x16280;
	s28 =	simm.s32 $0xA200  }
0x1c3: {  	[tilespmem:s28], [sflag:$0x3] =	stream.indirect.gather [hbm4b:s10+s14], $0x80, s26, s14, $0xb8;
	[tilespmem:$0x1F700] =	vst v63  }
0x1c4: {  	s29 =	simm.s32 $0x16300;
	s30 =	simm.s32 $0xC200  }
0x1c5: {  	[tilespmem:s30], [sflag:$0x4] =	stream.indirect.gather [hbm4b:s12+s14], $0x80, s29, s14, $0xb8;
	[tilespmem:$0x1F700] =	vst v63  }
.LBB2_17:
0x1c6: {  	s0 =	sadd.s32 $0x1, s19  }
0x1c7: {  	s1 =	sand.u32 $0x1, s0  }
0x1c8: {  	p2 =	slt.s32 s19, $0x0;
	p3 =	seq.s32 s1, $0x1  }
0x1c9: {  	s30 =	sshrl.u32 s0, $0x1F;
	p2 =	por !p2, !p3  }
0x1ca: {  	s0 =	sadd.s32 s30, s0;
	s1 =	simm.s32 $0x1;
	p2 =	por !p2, !p2  }
0x1cb: {  	s0 =	sshra.s32 s0, $0x1;
	s1 =	simm.s32 @!p2 $0x0  }
0x1cc: {  	s20 =	ssub.s32 s0, s1  }
0x1cd: {  	p2 =	slt.s32 s20, $0x1  }
.Ltmp12:
0x1ce: {  	_ = 	snop;
	(pc) =	sbr.rel @p2 .LBB2_32-.Ltmp12, $1  }
0x1cf: {  	_ =	sdelay $0x3  }
.Ltmp13:
0x1d0: {  	(pc) =	sbr.rel .LBB2_19-.Ltmp13, $2  }
0x1d1: {  	_ =	sdelay $0x2  }
0x1d2: {  	s21 =	simm.s32 $0x0  }
.LBB2_30:
0x1d3: {  	(erf) = vpow2.f32 v41  }
0x1d4: {  	v40 =	vmul.f32 $1.442695020e+00, v40;
	v56 =	vpop (erf);
	v42 =	vsub.f32 $0.0e+00, v42  }
0x1d5: {  	v39 =	vadd.f32 $1.000000000e+00, v39;
	v37 =	vmul.f32 v56, v37;
	v57 =	vpop (erf)  }
0x1d6: {  	v38 =	vadd.f32 v38, v22;
	(erf) = vpow2.f32 v40;
	v22 =	vpop (erf);
	v58 =	vmul.f32 $1.442695020e+00, v42  }
0x1d7: {  	v60 =	vld [tilespmem:s1+$0x40];
	v61 =	vadd.f32 $1.000000000e+00, v57;
	v59 =	vpop (erf);
	(erf) = vrcp.f32 v39;
	[tilespmem:s1+$0x30] =	vst v37  }
0x1d8: {  	v38 =	vsub.f32 $0.0e+00, v38;
	v62 =	vpop (erf);
	v43 =	vld [tilespmem:s23+$0x40];
	(erf) = vpow2.f32 v58  }
0x1d9: {  	v42 =	vadd.f32 $1.000000000e+00, v59;
	v63 =	vpop (erf);
	(erf) = vrcp.f32 v61  }
0x1da: {  	v38 =	vmul.f32 $1.442695020e+00, v38  }
0x1db: {  	v33 =	vmul.f32 v62, v33;
	v47 =	vpop (erf);
	(erf) = vrcp.f32 v42  }
0x1dc: {  	v49 =	vld [tilespmem:s8+$0x20];
	v39 =	vadd.f32 $1.000000000e+00, v47;
	v48 =	vpop (erf)  }
0x1dd: {  	v51 =	vld [tilespmem:s22+$0x60];
	(erf) = vpow2.f32 v38;
	[tilespmem:s1+$0xFFFFFFB0] =	vst v33;
	v37 =	vadd.f32 v43, v60;
	v50 =	vadd.f32 $1.000000000e+00, v48  }
0x1de: {  	v33 =	vld [tilespmem:s23+$0xFFFFFFC0];
	(erf) = vrcp.f32 v39  }
0x1df: {  	v52 =	vpop (erf);
	v37 =	vsub.f32 $0.0e+00, v37;
	(erf) = vrcp.f32 v50  }
0x1e0: {  	v53 =	vpop (erf)  }
0x1e1: {  	v41 =	vmul.f32 v53, v49;
	v37 =	vmul.f32 $1.442695020e+00, v37;
	v54 =	vpop (erf)  }
0x1e2: {  	v44 =	vld [tilespmem:s18+$0x30];
	v56 =	vadd.f32 $1.000000000e+00, v54;
	v57 =	vpop (erf)  }
0x1e3: {  	v58 =	vld [tilespmem:s15+$0x10];
	v26 =	vadd.f32 v33, v26;
	[tilespmem:s18+$0x20] =	vst v41;
	(erf) = vpow2.f32 v37;
	v38 =	vmul.f32 v57, v51  }
0x1e4: {  	v39 =	vadd.f32 $1.000000000e+00, v52;
	v59 =	vpop (erf);
	v60 =	vld [tilespmem:s11+$0x30];
	(erf) = vrcp.f32 v56  }
0x1e5: {  	v55 =	vld [tilespmem:s13+$0x70];
	v26 =	vsub.f32 $0.0e+00, v26;
	v36 =	vmul.f32 v59, v36;
	[tilespmem:s13+$0x60] =	vst v38  }
0x1e6: {  	v40 =	vadd.f32 $1.000000000e+00, v63;
	v61 =	vpop (erf);
	(erf) = vrcp.f32 v39;
	v38 =	vld [tilespmem:s0+$0x70]  }
0x1e7: {  	v26 =	vmul.f32 $1.442695020e+00, v26;
	v62 =	vpop (erf);
	[tilespmem:s18+$0xFFFFFFA0] =	vst v36  }
0x1e8: {  	v33 =	vadd.f32 $1.000000000e+00, v61;
	(erf) = vrcp.f32 v40;
	v46 =	vld [tilespmem:s11+$0xFFFFFFB0];
	v63 =	vpop (erf)  }
0x1e9: {  	v48 =	vld [tilespmem:s25+$0x50];
	(erf) = vpow2.f32 v26;
	v47 =	vadd.f32 v60, v44;
	v45 =	vmul.f32 v63, v58  }
0x1ea: {  	(erf) = vrcp.f32 v33  }
0x1eb: {  	v49 =	vld [tilespmem:s9+$0x20];
	v26 =	vsub.f32 $0.0e+00, v47;
	v50 =	vadd.f32 v38, v55;
	[tilespmem:s9+$0x10] =	vst v45  }
0x1ec: {  	v52 =	vpop (erf);
	v51 =	vld [tilespmem:s26+$0x20]  }
0x1ed: {  	v29 =	vadd.f32 v46, v29;
	v26 =	vmul.f32 $1.442695020e+00, v26;
	v53 =	vpop (erf);
	v36 =	vsub.f32 $0.0e+00, v50  }
0x1ee: {  	v41 =	vadd.f32 $1.000000000e+00, v52;
	v39 =	vmul.f32 v53, v48  }
0x1ef: {  	v54 =	vld [tilespmem:s25+$0xFFFFFFD0];
	v55 =	vpop (erf);
	v29 =	vsub.f32 $0.0e+00, v29;
	(erf) = vpow2.f32 v26;
	v36 =	vmul.f32 $1.442695020e+00, v36  }
0x1f0: {  	v56 =	vld [tilespmem:s24+$0x60];
	v35 =	vmul.f32 v55, v35;
	(erf) = vrcp.f32 v41;
	[tilespmem:s24+$0x50] =	vst v39  }
0x1f1: {  	v29 =	vmul.f32 $1.442695020e+00, v29;
	v26 =	vpop (erf);
	v39 =	vld [tilespmem:s16+$0x60];
	(erf) = vpow2.f32 v36;
	v33 =	vadd.f32 v51, v49  }
0x1f2: {  	v34 =	vmul.f32 v62, v34;
	[tilespmem:s9+$0xFFFFFF90] =	vst v35;
	v57 =	vpop (erf)  }
0x1f3: {  	v60 =	vld [tilespmem:s26+$0xFFFFFFA0];
	(erf) = vpow2.f32 v29;
	v58 =	vpop (erf);
	v33 =	vsub.f32 $0.0e+00, v33  }
0x1f4: {  	[tilespmem:s13+$0xFFFFFFE0] =	vst v34;
	v59 =	vadd.f32 $1.000000000e+00, v57;
	v61 =	vmul.f32 v58, v54  }
0x1f5: {  	v62 =	vld [tilespmem:s0+$0xFFFFFFF0];
	v33 =	vmul.f32 $1.442695020e+00, v33  }
0x1f6: {  	v63 =	vld [tilespmem:s2+$0x40];
	(erf) = vrcp.f32 v59;
	[tilespmem:s24+$0xFFFFFFD0] =	vst v61;
	v40 =	vadd.f32 v39, v56  }
0x1f7: {  	v29 =	vld [tilespmem:s16+$0xFFFFFFE0];
	(erf) = vpow2.f32 v33  }
0x1f8: {  	v31 =	vadd.f32 v60, v31;
	v41 =	vpop (erf);
	v42 =	vsub.f32 $0.0e+00, v40  }
0x1f9: {  	v33 =	vadd.f32 $1.000000000e+00, v41;
	v43 =	vpop (erf)  }
0x1fa: {  	v14 =	vadd.f32 v62, v14;
	v31 =	vsub.f32 $0.0e+00, v31;
	v44 =	vmul.f32 $1.442695020e+00, v42;
	v45 =	vpop (erf)  }
0x1fb: {  	v46 =	vld [tilespmem:s2+$0xFFFFFFC0];
	v34 =	vmul.f32 v43, v63;
	(erf) = vrcp.f32 v33;
	v47 =	vadd.f32 $1.000000000e+00, v45  }
0x1fc: {  	v31 =	vmul.f32 $1.442695020e+00, v31;
	v48 =	vpop (erf);
	v16 =	vadd.f32 v29, v16;
	(erf) = vpow2.f32 v44  }
0x1fd: {  	v14 =	vsub.f32 $0.0e+00, v14;
	v33 =	vadd.f32 $1.000000000e+00, v48;
	(erf) = vrcp.f32 v47  }
0x1fe: {  	v49 =	vld [tilespmem:s1+$0x50];
	[tilespmem:s1+$0x40] =	vst v34;
	v16 =	vsub.f32 $0.0e+00, v16;
	(erf) = vpow2.f32 v31  }
0x1ff: {  	v14 =	vmul.f32 $1.442695020e+00, v14;
	v50 =	vld [tilespmem:s23+$0x50];
	v51 =	vpop (erf);
	(erf) = vrcp.f32 v33  }
0x200: {  	v53 =	vmul.f32 v51, v46;
	v16 =	vmul.f32 $1.442695020e+00, v16;
	v52 =	vpop (erf)  }
0x201: {  	v54 =	vld [tilespmem:s8+$0x30];
	(erf) = vpow2.f32 v14;
	v55 =	vadd.f32 $1.000000000e+00, v52  }
0x202: {  	[tilespmem:s1+$0xFFFFFFC0] =	vst v53;
	(erf) = vpow2.f32 v16  }
0x203: {  	v56 =	vld [tilespmem:s23+$0xFFFFFFD0];
	(erf) = vrcp.f32 v55  }
0x204: {  	v57 =	vadd.f32 v50, v49  }
0x205: {  	v58 =	vpop (erf)  }
0x206: {  	v59 =	vld [tilespmem:s8+$0xFFFFFFB0];
	v60 =	vsub.f32 $0.0e+00, v57;
	v29 =	vmul.f32 v58, v54;
	v61 =	vpop (erf)  }
0x207: {  	v40 =	vld [tilespmem:s18+$0x40];
	v14 =	vpop (erf)  }
0x208: {  	v63 =	vld [tilespmem:s15+$0x20];
	v33 =	vmul.f32 $1.442695020e+00, v60;
	v62 =	vpop (erf);
	[tilespmem:s18+$0x30] =	vst v29;
	v16 =	vadd.f32 v56, v19  }
0x209: {  	v34 =	vadd.f32 $1.000000000e+00, v61;
	v41 =	vpop (erf);
	v42 =	vld [tilespmem:s11+$0x40]  }
0x20a: {  	v35 =	vadd.f32 $1.000000000e+00, v62;
	(erf) = vpow2.f32 v33;
	v43 =	vpop (erf);
	v16 =	vsub.f32 $0.0e+00, v16  }
0x20b: {  	v31 =	vmul.f32 v41, v59;
	(erf) = vrcp.f32 v34;
	v44 =	vpop (erf)  }
0x20c: {  	(erf) = vrcp.f32 v35;
	v16 =	vmul.f32 $1.442695020e+00, v16;
	v45 =	vpop (erf)  }
0x20d: {  	v48 =	vld [tilespmem:s9+$0x30];
	[tilespmem:s18+$0xFFFFFFB0] =	vst v31;
	v29 =	vmul.f32 v45, v63  }
0x20e: {  	v31 =	vld [tilespmem:s11+$0xFFFFFFC0];
	(erf) = vpow2.f32 v16;
	v46 =	vadd.f32 v42, v40  }
0x20f: {  	v47 =	vld [tilespmem:s25+$0x60];
	[tilespmem:s9+$0x20] =	vst v29  }
0x210: {  	v16 =	vsub.f32 $0.0e+00, v46;
	v49 =	vld [tilespmem:s26+$0x30]  }
0x211: {  	v50 =	vld [tilespmem:s15+$0xFFFFFFA0];
	v34 =	vadd.f32 $1.000000000e+00, v44  }
0x212: {  	v16 =	vmul.f32 $1.442695020e+00, v16  }
0x213: {  	(erf) = vrcp.f32 v34;
	v51 =	vpop (erf);
	v24 =	vadd.f32 v31, v24  }
0x214: {  	v52 =	vadd.f32 $1.000000000e+00, v51;
	v53 =	vpop (erf);
	(erf) = vpow2.f32 v16  }
0x215: {  	v54 =	vpop (erf);
	v19 =	vmul.f32 v53, v47;
	v24 =	vsub.f32 $0.0e+00, v24;
	v29 =	vadd.f32 v49, v48  }
0x216: {  	v33 =	vadd.f32 $1.000000000e+00, v43;
	v16 =	vmul.f32 v54, v50;
	(erf) = vrcp.f32 v52  }
0x217: {  	v55 =	vld [tilespmem:s24+$0x70];
	[tilespmem:s24+$0x60] =	vst v19;
	v57 =	vmul.f32 $1.442695020e+00, v24;
	v56 =	vpop (erf);
	v58 =	vsub.f32 $0.0e+00, v29  }
0x218: {  	(erf) = vrcp.f32 v33;
	[tilespmem:s9+$0xFFFFFFA0] =	vst v16;
	v60 =	vld [tilespmem:s16+$0x70];
	v59 =	vadd.f32 $1.000000000e+00, v56  }
0x219: {  	v61 =	vld [tilespmem:s26+$0xFFFFFFB0];
	(erf) = vpow2.f32 v57;
	v62 =	vmul.f32 $1.442695020e+00, v58  }
0x21a: {  	(erf) = vrcp.f32 v59  }
0x21b: {  	v63 =	vld [tilespmem:s2+$0x50];
	(erf) = vpow2.f32 v62  }
0x21c: {  	v36 =	vld [tilespmem:s25+$0xFFFFFFE0]  }
0x21d: {  	v37 =	vpop (erf);
	v29 =	vadd.f32 v60, v55  }
0x21e: {  	v30 =	vadd.f32 v61, v30;
	v38 =	vpop (erf)  }
0x21f: {  	v40 =	vld [tilespmem:s2+$0xFFFFFFD0];
	v39 =	vpop (erf);
	v29 =	vsub.f32 $0.0e+00, v29  }
0x220: {  	v31 =	vadd.f32 $1.000000000e+00, v38;
	v33 =	vmul.f32 v39, v63;
	v30 =	vsub.f32 $0.0e+00, v30  }
0x221: {  	v19 =	vmul.f32 v37, v36;
	v16 =	vpop (erf);
	v29 =	vmul.f32 $1.442695020e+00, v29  }
0x222: {  	v41 =	vld [tilespmem:s1+$0x60];
	(erf) = vrcp.f32 v31;
	[tilespmem:s1+$0x50] =	vst v33;
	v30 =	vmul.f32 $1.442695020e+00, v30;
	v42 =	vpop (erf)  }
0x223: {  	[tilespmem:s24+$0xFFFFFFE0] =	vst v19;
	v33 =	vld [tilespmem:s23+$0x60];
	(erf) = vpow2.f32 v29;
	v44 =	vadd.f32 $1.000000000e+00, v42;
	v43 =	vpop (erf)  }
0x224: {  	v46 =	vld [tilespmem:s16+$0xFFFFFFF0];
	(erf) = vpow2.f32 v30;
	v29 =	vmul.f32 v43, v40;
	v45 =	vpop (erf)  }
0x225: {  	(erf) = vrcp.f32 v44;
	v30 =	vadd.f32 $1.000000000e+00, v45  }
0x226: {  	v47 =	vld [tilespmem:s8+$0x40];
	[tilespmem:s1+$0xFFFFFFD0] =	vst v29  }
0x227: {  	v29 =	vld [tilespmem:s23+$0xFFFFFFE0];
	(erf) = vrcp.f32 v30  }
0x228: {  	v24 =	vadd.f32 v33, v41  }
0x229: {  	v12 =	vadd.f32 v46, v12  }
0x22a: {  	v48 =	vld [tilespmem:s8+$0xFFFFFFC0];
	v24 =	vsub.f32 $0.0e+00, v24  }
0x22b: {  	v12 =	vsub.f32 $0.0e+00, v12;
	v49 =	vpop (erf)  }
0x22c: {  	v51 =	vld [tilespmem:s15+$0x30];
	v19 =	vmul.f32 v49, v47;
	v24 =	vmul.f32 $1.442695020e+00, v24;
	v50 =	vpop (erf);
	v15 =	vadd.f32 v29, v15  }
0x22d: {  	v12 =	vmul.f32 $1.442695020e+00, v12;
	v52 =	vadd.f32 $1.000000000e+00, v50;
	v53 =	vpop (erf)  }
0x22e: {  	v55 =	vld [tilespmem:s18+$0x50];
	[tilespmem:s18+$0x40] =	vst v19;
	(erf) = vpow2.f32 v24;
	v54 =	vadd.f32 $1.000000000e+00, v53;
	v56 =	vpop (erf);
	v15 =	vsub.f32 $0.0e+00, v15  }
0x22f: {  	v57 =	vld [tilespmem:s11+$0x50];
	(erf) = vrcp.f32 v52;
	v30 =	vmul.f32 v56, v48  }
0x230: {  	(erf) = vrcp.f32 v54;
	v15 =	vmul.f32 $1.442695020e+00, v15;
	v58 =	vpop (erf)  }
0x231: {  	[tilespmem:s18+$0xFFFFFFC0] =	vst v30;
	(erf) = vpow2.f32 v12;
	v19 =	vmul.f32 v58, v51  }
0x232: {  	v59 =	vld [tilespmem:s11+$0xFFFFFFD0];
	(erf) = vpow2.f32 v15  }
0x233: {  	v60 =	vld [tilespmem:s9+$0x40];
	[tilespmem:s9+$0x30] =	vst v19  }
0x234: {  	v61 =	vadd.f32 v57, v55;
	v62 =	vld [tilespmem:s26+$0x40];
	_ =	sdelay $0x1  }
0x235: {  	v63 =	vld [tilespmem:s15+$0xFFFFFFB0];
	v19 =	vsub.f32 $0.0e+00, v61  }
0x236: {  	v33 =	vpop (erf);
	v20 =	vadd.f32 v59, v20  }
0x237: {  	v19 =	vmul.f32 $1.442695020e+00, v19;
	v12 =	vpop (erf)  }
0x238: {  	v34 =	vpop (erf);
	v20 =	vsub.f32 $0.0e+00, v20;
	v15 =	vadd.f32 v62, v60  }
0x239: {  	v35 =	vadd.f32 $1.000000000e+00, v33;
	(erf) = vpow2.f32 v19;
	v36 =	vpop (erf)  }
0x23a: {  	v29 =	vmul.f32 v34, v63;
	v20 =	vmul.f32 $1.442695020e+00, v20;
	v37 =	vpop (erf);
	v15 =	vsub.f32 $0.0e+00, v15  }
0x23b: {  	(erf) = vrcp.f32 v35;
	v38 =	vadd.f32 $1.000000000e+00, v37  }
0x23c: {  	[tilespmem:s9+$0xFFFFFFB0] =	vst v29;
	(erf) = vpow2.f32 v20;
	v15 =	vmul.f32 $1.442695020e+00, v15  }
0x23d: {  	v39 =	vld [tilespmem:s26+$0xFFFFFFC0];
	(erf) = vrcp.f32 v38  }
0x23e: {  	(erf) = vpow2.f32 v15;
	_ =	sdelay $0x1  }
0x23f: {  	v40 =	vld [tilespmem:s2+$0x60];
	_ =	sdelay $0x1  }
0x240: {  	v20 =	vadd.f32 v39, v27  }
0x241: {  	v41 =	vpop (erf)  }
0x242: {  	v24 =	vadd.f32 $1.000000000e+00, v41;
	v42 =	vpop (erf);
	v20 =	vsub.f32 $0.0e+00, v20  }
0x243: {  	v19 =	vadd.f32 $1.000000000e+00, v36;
	v15 =	vmul.f32 v42, v40;
	v43 =	vpop (erf)  }
0x244: {  	(erf) = vrcp.f32 v24;
	v20 =	vmul.f32 $1.442695020e+00, v20;
	v44 =	vpop (erf)  }
0x245: {  	v45 =	vld [tilespmem:s1+$0x70];
	v27 =	vadd.f32 $1.000000000e+00, v43;
	(erf) = vrcp.f32 v19;
	[tilespmem:s1+$0x60] =	vst v15;
	v46 =	vpop (erf)  }
0x246: {  	(erf) = vpow2.f32 v20;
	v48 =	vld [tilespmem:s23+$0x70];
	v47 =	vadd.f32 $1.000000000e+00, v46  }
0x247: {  	(erf) = vrcp.f32 v27  }
0x248: {  	(erf) = vrcp.f32 v47  }
0x249: {  	v49 =	vld [tilespmem:s8+$0x50]  }
0x24a: {  	v50 =	vld [tilespmem:s2+$0xFFFFFFE0]  }
0x24b: {  	v52 =	vadd.f32 v48, v45  }
0x24c: {  	v51 =	vld [tilespmem:s8+$0xFFFFFFD0]  }
0x24d: {  	v54 =	vld [tilespmem:s15+$0x40];
	v53 =	vpop (erf);
	v55 =	vsub.f32 $0.0e+00, v52  }
0x24e: {  	v15 =	vpop (erf);
	v19 =	vmul.f32 v53, v49  }
0x24f: {  	v24 =	vmul.f32 v44, v50;
	v56 =	vpop (erf);
	v31 =	vmul.f32 $1.442695020e+00, v55  }
0x250: {  	v57 =	vld [tilespmem:s18+$0x60];
	v58 =	vpop (erf);
	[tilespmem:s18+$0x50] =	vst v19;
	v59 =	vadd.f32 $1.000000000e+00, v56  }
0x251: {  	[tilespmem:s1+$0xFFFFFFE0] =	vst v24;
	v60 =	vmul.f32 v58, v51;
	v62 =	vld [tilespmem:s11+$0x60];
	(erf) = vpow2.f32 v31;
	v61 =	vpop (erf)  }
0x252: {  	v63 =	vld [tilespmem:s23+$0xFFFFFFF0];
	(erf) = vrcp.f32 v59;
	v29 =	vmul.f32 v61, v54  }
0x253: {  	v34 =	vld [tilespmem:s9+$0x50];
	[tilespmem:s18+$0xFFFFFFD0] =	vst v60  }
0x254: {  	v33 =	vld [tilespmem:s11+$0xFFFFFFE0];
	[tilespmem:s9+$0x40] =	vst v29  }
0x255: {  	v29 =	vld [tilespmem:s26+$0x50]  }
0x256: {  	v24 =	vadd.f32 v62, v57  }
0x257: {  	v35 =	vld [tilespmem:s15+$0xFFFFFFC0];
	v13 =	vadd.f32 v63, v13  }
0x258: {  	v24 =	vsub.f32 $0.0e+00, v24  }
0x259: {  	v13 =	vsub.f32 $0.0e+00, v13;
	v18 =	vadd.f32 v33, v18  }
0x25a: {  	v36 =	vmul.f32 $1.442695020e+00, v24;
	v37 =	vpop (erf);
	v20 =	vadd.f32 v29, v34  }
0x25b: {  	v13 =	vmul.f32 $1.442695020e+00, v13;
	v24 =	vadd.f32 $1.000000000e+00, v37;
	v18 =	vsub.f32 $0.0e+00, v18;
	v38 =	vpop (erf)  }
0x25c: {  	(erf) = vpow2.f32 v36;
	v39 =	vmul.f32 v38, v35;
	v20 =	vsub.f32 $0.0e+00, v20  }
0x25d: {  	(erf) = vrcp.f32 v24;
	v18 =	vmul.f32 $1.442695020e+00, v18  }
0x25e: {  	(erf) = vpow2.f32 v13;
	[tilespmem:s9+$0xFFFFFFC0] =	vst v39;
	v40 =	vmul.f32 $1.442695020e+00, v20  }
0x25f: {  	(erf) = vpow2.f32 v18;
	v19 =	vld [tilespmem:s26+$0xFFFFFFD0]  }
0x260: {  	(erf) = vpow2.f32 v40;
	_ =	sdelay $0x3  }
0x261: {  	v41 =	vadd.f32 v19, v23  }
0x262: {  	v42 =	vpop (erf)  }
0x263: {  	v19 =	vpop (erf);
	v13 =	vsub.f32 $0.0e+00, v41  }
0x264: {  	v18 =	vadd.f32 $1.000000000e+00, v42;
	v43 =	vpop (erf)  }
0x265: {  	v44 =	vpop (erf);
	v13 =	vmul.f32 $1.442695020e+00, v13  }
0x266: {  	(erf) = vrcp.f32 v18;
	v45 =	vadd.f32 $1.000000000e+00, v44;
	v46 =	vpop (erf)  }
0x267: {  	(erf) = vpow2.f32 v13;
	v47 =	vadd.f32 $1.000000000e+00, v46  }
0x268: {  	(erf) = vrcp.f32 v45  }
0x269: {  	(erf) = vrcp.f32 v47;
	_ =	sdelay $0x1  }
0x26a: {  	v48 =	vld [tilespmem:s8+$0x60];
	_ =	sdelay $0x2  }
0x26b: {  	v49 =	vld [tilespmem:s15+$0x50]  }
0x26c: {  	v50 =	vpop (erf)  }
0x26d: {  	v13 =	vmul.f32 v50, v48;
	v51 =	vpop (erf)  }
0x26e: {  	v20 =	vadd.f32 $1.000000000e+00, v43;
	v53 =	vpop (erf)  }
0x26f: {  	v52 =	vld [tilespmem:s18+$0x70];
	[tilespmem:s18+$0x60] =	vst v13;
	v54 =	vadd.f32 $1.000000000e+00, v51;
	v55 =	vpop (erf)  }
0x270: {  	v56 =	vld [tilespmem:s11+$0x70];
	(erf) = vrcp.f32 v20;
	v18 =	vmul.f32 v55, v49  }
0x271: {  	(erf) = vrcp.f32 v54  }
0x272: {  	v57 =	vld [tilespmem:s9+$0x60];
	[tilespmem:s9+$0x50] =	vst v18  }
0x273: {  	v18 =	vld [tilespmem:s26+$0x60];
	_ =	sdelay $0x1  }
0x274: {  	v58 =	vld [tilespmem:s8+$0xFFFFFFE0];
	v59 =	vadd.f32 v56, v52  }
0x275: {  	v60 =	vld [tilespmem:s15+$0xFFFFFFD0]  }
0x276: {  	v23 =	vsub.f32 $0.0e+00, v59  }
0x277: {  	v13 =	vadd.f32 v18, v57  }
0x278: {  	v61 =	vmul.f32 $1.442695020e+00, v23;
	v62 =	vpop (erf)  }
0x279: {  	v20 =	vmul.f32 v53, v58;
	v63 =	vpop (erf);
	v13 =	vsub.f32 $0.0e+00, v13  }
0x27a: {  	(erf) = vpow2.f32 v61;
	v29 =	vmul.f32 v63, v60  }
0x27b: {  	[tilespmem:s18+$0xFFFFFFE0] =	vst v20;
	v13 =	vmul.f32 $1.442695020e+00, v13  }
0x27c: {  	v20 =	vld [tilespmem:s11+$0xFFFFFFF0];
	[tilespmem:s9+$0xFFFFFFD0] =	vst v29  }
0x27d: {  	v18 =	vld [tilespmem:s26+$0xFFFFFFE0];
	(erf) = vpow2.f32 v13;
	_ =	sdelay $0x3  }
0x27e: {  	v30 =	vadd.f32 v20, v17  }
0x27f: {  	v31 =	vadd.f32 v18, v21  }
0x280: {  	v13 =	vsub.f32 $0.0e+00, v30;
	v33 =	vpop (erf)  }
0x281: {  	v18 =	vadd.f32 $1.000000000e+00, v33;
	v17 =	vsub.f32 $0.0e+00, v31  }
0x282: {  	v13 =	vmul.f32 $1.442695020e+00, v13  }
0x283: {  	(erf) = vrcp.f32 v18;
	v17 =	vmul.f32 $1.442695020e+00, v17;
	v34 =	vpop (erf)  }
0x284: {  	(erf) = vpow2.f32 v13;
	v35 =	vadd.f32 $1.000000000e+00, v34  }
0x285: {  	(erf) = vpow2.f32 v17  }
0x286: {  	(erf) = vrcp.f32 v35;
	_ =	sdelay $0x4  }
0x287: {  	v36 =	vld [tilespmem:s15+$0x60]  }
0x288: {  	v37 =	vpop (erf)  }
0x289: {  	v38 =	vpop (erf)  }
0x28a: {  	v39 =	vpop (erf)  }
0x28b: {  	v40 =	vpop (erf)  }
0x28c: {  	v13 =	vmul.f32 v40, v36  }
0x28d: {  	v20 =	vadd.f32 $1.000000000e+00, v39  }
0x28e: {  	v41 =	vld [tilespmem:s9+$0x70];
	[tilespmem:s9+$0x60] =	vst v13  }
0x28f: {  	(erf) = vrcp.f32 v20;
	v13 =	vld [tilespmem:s26+$0x70];
	_ =	sdelay $0x4  }
0x290: {  	v42 =	vld [tilespmem:s15+$0xFFFFFFE0];
	v13 =	vadd.f32 v13, v41;
	_ =	sdelay $0x1  }
0x291: {  	v13 =	vsub.f32 $0.0e+00, v13  }
0x292: {  	v18 =	vadd.f32 $1.000000000e+00, v38  }
0x293: {  	v43 =	vpop (erf);
	v13 =	vmul.f32 $1.442695020e+00, v13  }
0x294: {  	(erf) = vrcp.f32 v18;
	v44 =	vmul.f32 v43, v42  }
0x295: {  	(erf) = vpow2.f32 v13  }
0x296: {  	[tilespmem:s9+$0xFFFFFFE0] =	vst v44  }
0x297: {  	v45 =	vld [tilespmem:s26+$0xFFFFFFF0];
	_ =	sdelay $0x4  }
0x298: {  	v13 =	vadd.f32 v45, v25  }
0x299: {  	v46 =	vpop (erf)  }
0x29a: {  	v13 =	vsub.f32 $0.0e+00, v13;
	v47 =	vpop (erf)  }
0x29b: {  	v20 =	vadd.f32 $1.000000000e+00, v47  }
0x29c: {  	v13 =	vmul.f32 $1.442695020e+00, v13  }
0x29d: {  	(erf) = vrcp.f32 v20  }
0x29e: {  	(erf) = vpow2.f32 v13;
	_ =	sdelay $0x7  }
0x29f: {  	v51 =	vld [tilespmem:s25+$0x70];
	v20 =	vpop (erf)  }
0x2a0: {  	v53 =	vld [tilespmem:s2+$0x70];
	v50 =	vpop (erf)  }
0x2a1: {  	v49 =	vld [tilespmem:s22+$0xFFFFFFF0];
	v24 =	vadd.f32 $1.000000000e+00, v50  }
0x2a2: {  	v22 =	vmul.f32 v22, v32;
	v52 =	vld [tilespmem:s25+$0xFFFFFFF0]  }
0x2a3: {  	v26 =	vmul.f32 v26, v28;
	v55 =	vld [tilespmem:s8+$0x70];
	(erf) = vrcp.f32 v24  }
0x2a4: {  	[tilespmem:s6+$0x70] =	vst v22;
	v48 =	vld [tilespmem:s22+$0x70];
	v12 =	vmul.f32 v12, v51  }
0x2a5: {  	[tilespmem:s6+$0xFFFFFFF0] =	vst v26;
	v54 =	vld [tilespmem:s2+$0xFFFFFFF0];
	v58 =	vmul.f32 v19, v53  }
0x2a6: {  	v56 =	vld [tilespmem:s8+$0xFFFFFFF0];
	[tilespmem:s24+$0x70] =	vst v12;
	v16 =	vmul.f32 v16, v49  }
0x2a7: {  	v15 =	vmul.f32 v15, v52;
	[tilespmem:s1+$0x70] =	vst v58;
	v57 =	vld [tilespmem:s15+$0x70]  }
0x2a8: {  	[tilespmem:s13+$0xFFFFFFF0] =	vst v16;
	v60 =	vmul.f32 v37, v55;
	v59 =	vld [tilespmem:s15+$0xFFFFFFF0]  }
0x2a9: {  	[tilespmem:s24+$0xFFFFFFF0] =	vst v15;
	v13 =	vmul.f32 v14, v48  }
0x2aa: {  	[tilespmem:s18+$0x70] =	vst v60;
	v14 =	vmul.f32 v62, v54  }
0x2ab: {  	[tilespmem:s13+$0x70] =	vst v13;
	v13 =	vmul.f32 v46, v56  }
0x2ac: {  	[tilespmem:s1+$0xFFFFFFF0] =	vst v14;
	v61 =	vmul.f32 v20, v57;
	v62 =	vpop (erf)  }
0x2ad: {  	[tilespmem:s18+$0xFFFFFFF0] =	vst v13;
	v63 =	vmul.f32 v62, v59  }
0x2ae: {  	[tilespmem:s9+$0x70] =	vst v61  }
0x2af: {  	s29 =	simm.s32 $0x14200;
	s30 =	simm.s32 $0x16680;
	s11 =	rddreg [dreg:$0x3];
	[tilespmem:s9+$0xFFFFFFF0] =	vst v63  }
0x2b0: {  	[spmem:s11] =	stream.indirect.scatter.add.f32 [tilespmem:s29], [sflag:$0xC], $0x80, s30, s14, $0xb8;
	[tilespmem:$0x1F700] =	vst v63  }
.LBB2_31:
0x2b1: {  	s21 =	sadd.s32 $0x1, s21  }
0x2b2: {  	p2 =	sne.s32 s21, s20  }
.Ltmp14:
0x2b3: {  	_ = 	snop;
	(pc) =	sbr.rel @!p2 .LBB2_32-.Ltmp14, $1  }
0x2b4: {  	_ =	sdelay $0x3  }
.LBB2_19:
0x2b5: {  	s0 =	sshllo.u32 s21, $0x1  }
0x2b6: {  	p2 =	sge.s32 s0, s19  }
.Ltmp15:
0x2b7: {  	_ = 	snop;
	(pc) =	sbr.rel @p2 .LBB2_21-.Ltmp15, $1  }
0x2b8: {  	_ =	sdelay $0x3  }
0x2b9: {  	p3 =	seq.s32 s21, $0x0  }
0x2ba: {  	s1 =	simm.s32 @!p3 $0xB  }
0x2bb: {  	_ =	swait.ge @!p3 [sflag:s1], $0x2000  }
0x2bc: {  	[sflag:s1] =	ssyncset.done @!p3 $0x0  }
0x2bd: {  	[sflag:s1] =	ssyncadd.s32 @!p3 $0xFFFFE000;
	s1 =	simm.s32 @!p3 $0xC  }
0x2be: {  	_ =	swait.ge @!p3 [sflag:s1], $0x2000  }
0x2bf: {  	[sflag:s1] =	ssyncset.done @!p3 $0x0  }
0x2c0: {  	s0 =	sshll.u32 s0, $0x6;
	[sflag:s1] =	ssyncadd.s32 @!p3 $0xFFFFE000  }
0x2c1: {  	v12 =	vld [tilespmem:s0+$0x3280];
	_ =	sdelay $0x2  }
0x2c2: {  	v13 =	vor.u32 s0, v5  }
0x2c3: {  	vm0 =	vlt.s32 v13, v11  }
0x2c4: {  	v36 =	vshrl.u32 v12, $0x1C;
	v14 =	vand.u32 $0x3FFF, v12;
	v12 =	vshrl.u32 v12, $0xE  }
0x2c5: {  	v15 =	vmul.u32 $0x2710, v36;
	v12 =	vand.u32 $0x3FFF, v12;
	v16 =	vnsel vm0, $0x0, v14  }
0x2c6: {  	v13 =	vshll.u32 v36, $0x9;
	v37 =	vsub.s32 v12, v10;
	[tilespmem:$0x16480] =	vst v16;
	v12 =	vnsel vm0, $0x0, v12  }
0x2c7: {  	v14 =	vadd.s32 v14, v15;
	v13 =	vadd.s32 v37, v13;
	[tilespmem:$0x16580] =	vst v12;
	v39 =	vsel vm0, v37, v2  }
0x2c8: {  	v14 =	vnsel vm0, $0x0, v14;
	v13 =	vadd.s32 $0x200, v13;
	[tilespmem:$0x16680] =	vst v39  }
0x2c9: {  	[tilespmem:$0x16500] =	vst v14;
	v38 =	vsel vm0, v13, v2  }
0x2ca: {  	[tilespmem:$0x16600] =	vst v38  }
0x2cb: {  	v12 =	vld [tilespmem:s0+$0x3290];
	_ =	sdelay $0x1  }
0x2cc: {  	s18 =	sor.u32 $0x10, s0  }
0x2cd: {  	v40 =	vor.u32 s18, v5  }
0x2ce: {  	vm13 =	vlt.s32 v40, v11  }
0x2cf: {  	v41 =	vshrl.u32 v12, $0x1C;
	v42 =	vand.u32 $0x3FFF, v12;
	v12 =	vshrl.u32 v12, $0xE  }
0x2d0: {  	v43 =	vmul.u32 $0x2710, v41;
	v12 =	vand.u32 $0x3FFF, v12;
	v44 =	vnsel vm13, $0x0, v42  }
0x2d1: {  	v13 =	vshll.u32 v41, $0x9;
	v45 =	vsub.s32 v12, v10;
	[tilespmem:$0x16490] =	vst v44;
	v12 =	vnsel vm13, $0x0, v12  }
0x2d2: {  	v14 =	vadd.s32 v42, v43;
	v13 =	vadd.s32 v45, v13;
	[tilespmem:$0x16590] =	vst v12;
	v47 =	vsel vm13, v45, v2  }
0x2d3: {  	v14 =	vnsel vm13, $0x0, v14;
	v13 =	vadd.s32 $0x200, v13;
	[tilespmem:$0x16690] =	vst v47  }
0x2d4: {  	[tilespmem:$0x16510] =	vst v14;
	v46 =	vsel vm13, v13, v2  }
0x2d5: {  	[tilespmem:$0x16610] =	vst v46  }
0x2d6: {  	v12 =	vld [tilespmem:s0+$0x32A0];
	_ =	sdelay $0x1  }
0x2d7: {  	s22 =	sor.u32 $0x20, s0  }
0x2d8: {  	v48 =	vor.u32 s22, v5  }
0x2d9: {  	vm14 =	vlt.s32 v48, v11  }
0x2da: {  	v49 =	vshrl.u32 v12, $0x1C;
	v50 =	vand.u32 $0x3FFF, v12;
	v12 =	vshrl.u32 v12, $0xE  }
0x2db: {  	v51 =	vmul.u32 $0x2710, v49;
	v12 =	vand.u32 $0x3FFF, v12;
	v52 =	vnsel vm14, $0x0, v50  }
0x2dc: {  	v13 =	vshll.u32 v49, $0x9;
	v53 =	vsub.s32 v12, v10;
	[tilespmem:$0x164A0] =	vst v52;
	v12 =	vnsel vm14, $0x0, v12  }
0x2dd: {  	v14 =	vadd.s32 v50, v51;
	v13 =	vadd.s32 v53, v13;
	[tilespmem:$0x165A0] =	vst v12;
	v55 =	vsel vm14, v53, v2  }
0x2de: {  	v14 =	vnsel vm14, $0x0, v14;
	v13 =	vadd.s32 $0x200, v13;
	[tilespmem:$0x166A0] =	vst v55  }
0x2df: {  	[tilespmem:$0x16520] =	vst v14;
	v54 =	vsel vm14, v13, v2  }
0x2e0: {  	[tilespmem:$0x16620] =	vst v54  }
0x2e1: {  	v12 =	vld [tilespmem:s0+$0x32B0];
	_ =	sdelay $0x1  }
0x2e2: {  	s0 =	sor.u32 $0x30, s0  }
0x2e3: {  	v56 =	vor.u32 s0, v5  }
0x2e4: {  	vm15 =	vlt.s32 v56, v11  }
0x2e5: {  	v57 =	vshrl.u32 v12, $0x1C;
	v58 =	vand.u32 $0x3FFF, v12;
	v12 =	vshrl.u32 v12, $0xE  }
0x2e6: {  	v59 =	vmul.u32 $0x2710, v57;
	v12 =	vand.u32 $0x3FFF, v12;
	v60 =	vnsel vm15, $0x0, v58  }
0x2e7: {  	v13 =	vshll.u32 v57, $0x9;
	v61 =	vsub.s32 v12, v10;
	[tilespmem:$0x164B0] =	vst v60;
	v12 =	vnsel vm15, $0x0, v12  }
0x2e8: {  	v14 =	vadd.s32 v58, v59;
	v13 =	vadd.s32 v61, v13;
	[tilespmem:$0x165B0] =	vst v12;
	v63 =	vsel vm15, v61, v2  }
0x2e9: {  	v14 =	vnsel vm15, $0x0, v14;
	v13 =	vadd.s32 $0x200, v13;
	[tilespmem:$0x166B0] =	vst v63  }
0x2ea: {  	[tilespmem:$0x16530] =	vst v14;
	v62 =	vsel vm15, v13, v2  }
0x2eb: {  	s23 =	simm.s32 $0x16480;
	s24 =	simm.s32 $0xE200;
	[tilespmem:$0x16630] =	vst v62  }
0x2ec: {  	[tilespmem:s24], [sflag:$0x7] =	stream.indirect.gather [hbm4b:s31+s14], $0x80, s23, s14, $0xb8;
	[tilespmem:$0x1F700] =	vst v63  }
0x2ed: {  	s25 =	simm.s32 $0x10200  }
0x2ee: {  	[tilespmem:s25], [sflag:$0x8] =	stream.indirect.gather [hbm4b:s7+s14], $0x80, s23, s14, $0xb8;
	[tilespmem:$0x1F700] =	vst v63  }
0x2ef: {  	s26 =	simm.s32 $0x16500;
	s28 =	simm.s32 $0x12200  }
0x2f0: {  	[tilespmem:s28], [sflag:$0x9] =	stream.indirect.gather [hbm4b:s10+s14], $0x80, s26, s14, $0xb8;
	[tilespmem:$0x1F700] =	vst v63  }
0x2f1: {  	s29 =	simm.s32 $0x16580;
	s30 =	simm.s32 $0x14200  }
0x2f2: {  	[tilespmem:s30], [sflag:$0xA] =	stream.indirect.gather [hbm4b:s12+s14], $0x80, s29, s14, $0xb8;
	[tilespmem:$0x1F700] =	vst v63  }
.LBB2_21:
0x2f3: {  	s22 =	sshll.u32 s21, $0x1  }
0x2f4: {  	p3 =	sge.s32 s22, s19  }
.Ltmp16:
0x2f5: {  	_ = 	snop;
	(pc) =	sbr.rel @p3 .LBB2_25-.Ltmp16, $1  }
0x2f6: {  	_ =	sdelay $0x3  }
0x2f7: {  	s0 =	simm.s32 $0x1  }
0x2f8: {  	_ =	swait.ge [sflag:s0], $0x2000  }
0x2f9: {  	[sflag:s0] =	ssyncset.done $0x0  }
0x2fa: {  	s23 =	simm.s32 $0x2;
	[sflag:s0] =	ssyncadd.s32 $0xFFFFE000  }
0x2fb: {  	_ =	swait.ge [sflag:s23], $0x2000  }
0x2fc: {  	[sflag:s23] =	ssyncset.done $0x0  }
0x2fd: {  	s24 =	simm.s32 $0x3;
	[sflag:s23] =	ssyncadd.s32 $0xFFFFE000  }
0x2fe: {  	_ =	swait.ge [sflag:s24], $0x2000  }
0x2ff: {  	[sflag:s24] =	ssyncset.done $0x0  }
0x300: {  	s25 =	simm.s32 $0x4;
	[sflag:s24] =	ssyncadd.s32 $0xFFFFE000  }
0x301: {  	_ =	swait.ge [sflag:s25], $0x2000  }
0x302: {  	s26 =	simm.s32 $0x6200;
	[sflag:s25] =	ssyncset.done $0x0  }
0x303: {  	s1 =	simm.s32 $0x16380;
	s6 =	simm.s32 $0xC280;
	[sflag:s25] =	ssyncadd.s32 $0xFFFFE000  }
0x304: {  	[spmem:s11] =	stream.indirect.scatter.add.f32 [tilespmem:s26], [sflag:$0x5], $0x80, s1, s14, $0xb8;
	[tilespmem:$0x1F700] =	vst v63  }
0x305: {  	s15 =	simm.s32 $0xA280;
	v12 =	vld [tilespmem:s6+$0x0]  }
0x306: {  	v13 =	vld [tilespmem:s15+$0x0];
	_ =	sdelay $0x4  }
0x307: {  	v14 =	vld [tilespmem:s6+$0xFFFFFF80];
	v12 =	vadd.f32 v13, v12  }
0x308: {  	v13 =	vld [tilespmem:s15+$0xFFFFFF80]  }
0x309: {  	v12 =	vsub.f32 $0.0e+00, v12;
	_ =	sdelay $0x1  }
0x30a: {  	v12 =	vmul.f32 $1.442695020e+00, v12;
	_ =	sdelay $0x1  }
0x30b: {  	(erf) = vpow2.f32 v12;
	v12 =	vadd.f32 v13, v14;
	_ =	sdelay $0x1  }
0x30c: {  	v12 =	vsub.f32 $0.0e+00, v12;
	_ =	sdelay $0x1  }
0x30d: {  	v12 =	vmul.f32 $1.442695020e+00, v12;
	_ =	sdelay $0x1  }
0x30e: {  	(erf) = vpow2.f32 v12;
	_ =	sdelay $0x2  }
0x30f: {  	v12 =	vpop (erf)  }
0x310: {  	v12 =	vadd.f32 $1.000000000e+00, v12;
	_ =	sdelay $0x1  }
0x311: {  	(erf) = vrcp.f32 v12;
	_ =	sdelay $0x2  }
0x312: {  	v12 =	vpop (erf)  }
0x313: {  	s26 =	simm.s32 $0x8280;
	v12 =	vadd.f32 $1.000000000e+00, v12  }
0x314: {  	v13 =	vld [tilespmem:s26+$0x0]  }
0x315: {  	(erf) = vrcp.f32 v12;
	_ =	sdelay $0x2  }
0x316: {  	v12 =	vpop (erf)  }
0x317: {  	v12 =	vmul.f32 v12, v13  }
0x318: {  	v15 =	vld [tilespmem:s26+$0xFFFFFF80]  }
0x319: {  	v18 =	vld [tilespmem:s6+$0x10];
	[tilespmem:s6+$0x0] =	vst v12  }
0x31a: {  	v19 =	vld [tilespmem:s15+$0x10];
	_ =	sdelay $0x1  }
0x31b: {  	v17 =	vpop (erf)  }
0x31c: {  	v15 =	vmul.f32 v17, v15;
	_ =	sdelay $0x1  }
0x31d: {  	v14 =	vld [tilespmem:s6+$0xFFFFFF90];
	v18 =	vadd.f32 v19, v18;
	[tilespmem:s6+$0xFFFFFF80] =	vst v15  }
0x31e: {  	v15 =	vld [tilespmem:s15+$0xFFFFFF90]  }
0x31f: {  	v18 =	vsub.f32 $0.0e+00, v18;
	_ =	sdelay $0x1  }
0x320: {  	s0 =	simm.s32 $0xA380;
	v18 =	vmul.f32 $1.442695020e+00, v18  }
0x321: {  	s13 =	simm.s32 $0xC380;
	v21 =	vld [tilespmem:s0+$0x0]  }
0x322: {  	v19 =	vld [tilespmem:s13+$0x0];
	(erf) = vpow2.f32 v18;
	v14 =	vadd.f32 v15, v14  }
0x323: {  	v15 =	vld [tilespmem:s0+$0xFFFFFF80]  }
0x324: {  	v18 =	vld [tilespmem:s13+$0xFFFFFF80];
	v14 =	vsub.f32 $0.0e+00, v14;
	_ =	sdelay $0x1  }
0x325: {  	v14 =	vmul.f32 $1.442695020e+00, v14  }
0x326: {  	v19 =	vadd.f32 v21, v19  }
0x327: {  	(erf) = vpow2.f32 v14  }
0x328: {  	v19 =	vsub.f32 $0.0e+00, v19;
	v14 =	vadd.f32 v15, v18;
	_ =	sdelay $0x1  }
0x329: {  	v15 =	vmul.f32 $1.442695020e+00, v19;
	v14 =	vsub.f32 $0.0e+00, v14;
	v18 =	vpop (erf)  }
0x32a: {  	v18 =	vadd.f32 $1.000000000e+00, v18  }
0x32b: {  	(erf) = vpow2.f32 v15;
	v14 =	vmul.f32 $1.442695020e+00, v14  }
0x32c: {  	(erf) = vrcp.f32 v18  }
0x32d: {  	(erf) = vpow2.f32 v14;
	_ =	sdelay $0x1  }
0x32e: {  	v14 =	vpop (erf)  }
0x32f: {  	v14 =	vadd.f32 $1.000000000e+00, v14;
	_ =	sdelay $0x1  }
0x330: {  	v15 =	vld [tilespmem:s26+$0x10];
	(erf) = vrcp.f32 v14;
	_ =	sdelay $0x1  }
0x331: {  	v14 =	vpop (erf)  }
0x332: {  	v14 =	vadd.f32 $1.000000000e+00, v14;
	v18 =	vpop (erf)  }
0x333: {  	v19 =	vpop (erf)  }
0x334: {  	v15 =	vmul.f32 v18, v15;
	(erf) = vrcp.f32 v14;
	v14 =	vld [tilespmem:s26+$0xFFFFFF90];
	v18 =	vadd.f32 $1.000000000e+00, v19;
	_ =	sdelay $0x1  }
0x335: {  	(erf) = vrcp.f32 v18  }
0x336: {  	s24 =	simm.s32 $0x8380  }
0x337: {  	v23 =	vld [tilespmem:s24+$0x0];
	v18 =	vpop (erf)  }
0x338: {  	v21 =	vld [tilespmem:s6+$0x20];
	[tilespmem:s6+$0x10] =	vst v15;
	v14 =	vmul.f32 v18, v14  }
0x339: {  	v22 =	vld [tilespmem:s15+$0x20]  }
0x33a: {  	v26 =	vld [tilespmem:s24+$0xFFFFFF80];
	_ =	sdelay $0x1  }
0x33b: {  	v20 =	vld [tilespmem:s6+$0xFFFFFFA0];
	[tilespmem:s6+$0xFFFFFF90] =	vst v14;
	v14 =	vpop (erf)  }
0x33c: {  	v27 =	vld [tilespmem:s15+$0xFFFFFFA0];
	v14 =	vmul.f32 v14, v23  }
0x33d: {  	v22 =	vadd.f32 v22, v21;
	v23 =	vpop (erf)  }
0x33e: {  	[tilespmem:s13+$0x0] =	vst v14;
	v14 =	vmul.f32 v23, v26;
	v23 =	vld [tilespmem:s13+$0x10]  }
0x33f: {  	v22 =	vsub.f32 $0.0e+00, v22;
	v26 =	vld [tilespmem:s0+$0x10]  }
0x340: {  	v19 =	vld [tilespmem:s13+$0xFFFFFF90];
	[tilespmem:s13+$0xFFFFFF80] =	vst v14  }
0x341: {  	v22 =	vmul.f32 $1.442695020e+00, v22;
	v20 =	vadd.f32 v27, v20;
	v14 =	vld [tilespmem:s0+$0xFFFFFF90];
	_ =	sdelay $0x1  }
0x342: {  	(erf) = vpow2.f32 v22;
	v20 =	vsub.f32 $0.0e+00, v20  }
0x343: {  	v22 =	vadd.f32 v26, v23  }
0x344: {  	v20 =	vmul.f32 $1.442695020e+00, v20  }
0x345: {  	s16 =	simm.s32 $0xA480;
	v14 =	vadd.f32 v14, v19;
	v19 =	vsub.f32 $0.0e+00, v22  }
0x346: {  	s25 =	simm.s32 $0xC480;
	v23 =	vld [tilespmem:s16+$0x0];
	(erf) = vpow2.f32 v20  }
0x347: {  	v20 =	vld [tilespmem:s25+$0x0];
	v19 =	vmul.f32 $1.442695020e+00, v19;
	_ =	sdelay $0x1  }
0x348: {  	v14 =	vsub.f32 $0.0e+00, v14;
	(erf) = vpow2.f32 v19  }
0x349: {  	v26 =	vld [tilespmem:s25+$0xFFFFFF80]  }
0x34a: {  	v22 =	vpop (erf);
	v14 =	vmul.f32 $1.442695020e+00, v14;
	v19 =	vld [tilespmem:s16+$0xFFFFFF80]  }
0x34b: {  	v22 =	vadd.f32 $1.000000000e+00, v22;
	v20 =	vadd.f32 v23, v20  }
0x34c: {  	(erf) = vpow2.f32 v14  }
0x34d: {  	v20 =	vsub.f32 $0.0e+00, v20;
	(erf) = vrcp.f32 v22  }
0x34e: {  	v14 =	vpop (erf)  }
0x34f: {  	v14 =	vadd.f32 $1.000000000e+00, v14;
	v19 =	vadd.f32 v19, v26;
	_ =	sdelay $0x1  }
0x350: {  	(erf) = vrcp.f32 v14;
	v14 =	vsub.f32 $0.0e+00, v19;
	v19 =	vmul.f32 $1.442695020e+00, v20;
	v20 =	vpop (erf)  }
0x351: {  	v22 =	vld [tilespmem:s26+$0x20];
	v20 =	vadd.f32 $1.000000000e+00, v20;
	_ =	sdelay $0x1  }
0x352: {  	v14 =	vmul.f32 $1.442695020e+00, v14;
	(erf) = vpow2.f32 v19  }
0x353: {  	v19 =	vpop (erf);
	(erf) = vrcp.f32 v20  }
0x354: {  	v20 =	vpop (erf);
	(erf) = vpow2.f32 v14;
	v14 =	vld [tilespmem:s26+$0xFFFFFFA0]  }
0x355: {  	v20 =	vmul.f32 v20, v22;
	_ =	sdelay $0x1  }
0x356: {  	v19 =	vadd.f32 $1.000000000e+00, v19;
	[tilespmem:s6+$0x20] =	vst v20;
	v20 =	vld [tilespmem:s6+$0x30]  }
0x357: {  	v23 =	vpop (erf);
	v22 =	vld [tilespmem:s15+$0x30]  }
0x358: {  	v26 =	vld [tilespmem:s24+$0x10];
	(erf) = vrcp.f32 v19;
	v14 =	vmul.f32 v23, v14;
	_ =	sdelay $0x1  }
0x359: {  	v16 =	vld [tilespmem:s6+$0xFFFFFFB0];
	v19 =	vpop (erf);
	[tilespmem:s6+$0xFFFFFFA0] =	vst v14  }
0x35a: {  	v19 =	vadd.f32 $1.000000000e+00, v19;
	v23 =	vpop (erf);
	v27 =	vld [tilespmem:s15+$0xFFFFFFB0]  }
0x35b: {  	v20 =	vadd.f32 v22, v20;
	v22 =	vpop (erf)  }
0x35c: {  	(erf) = vrcp.f32 v19;
	v19 =	vld [tilespmem:s24+$0xFFFFFF90];
	v23 =	vmul.f32 v23, v26;
	v22 =	vadd.f32 $1.000000000e+00, v22;
	_ =	sdelay $0x1  }
0x35d: {  	[tilespmem:s13+$0x10] =	vst v23;
	v20 =	vsub.f32 $0.0e+00, v20;
	(erf) = vrcp.f32 v22;
	v22 =	vld [tilespmem:s13+$0x20]  }
0x35e: {  	v16 =	vadd.f32 v27, v16;
	v27 =	vld [tilespmem:s0+$0x20]  }
0x35f: {  	v23 =	vpop (erf);
	v20 =	vmul.f32 $1.442695020e+00, v20  }
0x360: {  	s3 =	smov.u32 s7;
	s7 =	smov.u32 s31;
	s31 =	simm.s32 $0x8480;
	v24 =	vld [tilespmem:s13+$0xFFFFFFA0];
	v19 =	vmul.f32 v23, v19  }
0x361: {  	v29 =	vld [tilespmem:s31+$0x0];
	(erf) = vpow2.f32 v20;
	v16 =	vsub.f32 $0.0e+00, v16  }
0x362: {  	v30 =	vld [tilespmem:s31+$0xFFFFFF80];
	[tilespmem:s13+$0xFFFFFF90] =	vst v19  }
0x363: {  	v16 =	vmul.f32 $1.442695020e+00, v16;
	v19 =	vadd.f32 v27, v22;
	v27 =	vld [tilespmem:s0+$0xFFFFFFA0];
	_ =	sdelay $0x1  }
0x364: {  	(erf) = vpow2.f32 v16  }
0x365: {  	v22 =	vpop (erf)  }
0x366: {  	v29 =	vmul.f32 v22, v29;
	v19 =	vsub.f32 $0.0e+00, v19;
	v31 =	vpop (erf)  }
0x367: {  	v26 =	vld [tilespmem:s25+$0xFFFFFF90];
	v30 =	vmul.f32 v31, v30;
	v24 =	vadd.f32 v27, v24  }
0x368: {  	[tilespmem:s25+$0x0] =	vst v29;
	v29 =	vld [tilespmem:s25+$0x10];
	v19 =	vmul.f32 $1.442695020e+00, v19  }
0x369: {  	v33 =	vld [tilespmem:s16+$0x10];
	v31 =	vpop (erf);
	[tilespmem:s25+$0xFFFFFF80] =	vst v30;
	v24 =	vsub.f32 $0.0e+00, v24  }
0x36a: {  	(erf) = vpow2.f32 v19;
	v19 =	vadd.f32 $1.000000000e+00, v31;
	v27 =	vld [tilespmem:s16+$0xFFFFFF90];
	_ =	sdelay $0x1  }
0x36b: {  	(erf) = vrcp.f32 v19  }
0x36c: {  	v19 =	vmul.f32 $1.442695020e+00, v24;
	v24 =	vpop (erf)  }
0x36d: {  	v29 =	vadd.f32 v33, v29;
	v24 =	vadd.f32 $1.000000000e+00, v24  }
0x36e: {  	s23 =	simm.s32 $0xA580;
	(erf) = vpow2.f32 v19;
	v26 =	vadd.f32 v27, v26  }
0x36f: {  	s1 =	simm.s32 $0xC580;
	v59 =	vld [tilespmem:s23+$0xFFFFFF80];
	v19 =	vsub.f32 $0.0e+00, v29;
	(erf) = vrcp.f32 v24  }
0x370: {  	v30 =	vld [tilespmem:s1+$0x0];
	v26 =	vsub.f32 $0.0e+00, v26  }
0x371: {  	v19 =	vmul.f32 $1.442695020e+00, v19;
	v24 =	vld [tilespmem:s26+$0x30]  }
0x372: {  	v31 =	vld [tilespmem:s23+$0x0];
	v29 =	vpop (erf);
	v26 =	vmul.f32 $1.442695020e+00, v26  }
0x373: {  	v27 =	vld [tilespmem:s26+$0xFFFFFFB0];
	(erf) = vpow2.f32 v19;
	v19 =	vadd.f32 $1.000000000e+00, v29  }
0x374: {  	v29 =	vpop (erf);
	(erf) = vpow2.f32 v26;
	v26 =	vld [tilespmem:s1+$0xFFFFFF80];
	_ =	sdelay $0x1  }
0x375: {  	v24 =	vmul.f32 v29, v24;
	(erf) = vrcp.f32 v19  }
0x376: {  	v29 =	vadd.f32 v31, v30;
	v19 =	vpop (erf)  }
0x377: {  	[tilespmem:s6+$0x30] =	vst v24;
	v24 =	vld [tilespmem:s6+$0x40];
	v19 =	vadd.f32 $1.000000000e+00, v19;
	v31 =	vpop (erf)  }
0x378: {  	v29 =	vsub.f32 $0.0e+00, v29;
	v30 =	vld [tilespmem:s15+$0x40];
	v26 =	vadd.f32 v59, v26;
	v27 =	vmul.f32 v31, v27;
	_ =	sdelay $0x1  }
0x379: {  	(erf) = vrcp.f32 v19;
	v31 =	vld [tilespmem:s24+$0x20];
	v19 =	vsub.f32 $0.0e+00, v26;
	v26 =	vmul.f32 $1.442695020e+00, v29  }
0x37a: {  	v12 =	vld [tilespmem:s6+$0xFFFFFFC0];
	[tilespmem:s6+$0xFFFFFFB0] =	vst v27  }
0x37b: {  	v29 =	vld [tilespmem:s15+$0xFFFFFFC0];
	v27 =	vpop (erf)  }
0x37c: {  	v24 =	vadd.f32 v30, v24;
	v27 =	vadd.f32 $1.000000000e+00, v27;
	v60 =	vpop (erf)  }
0x37d: {  	v19 =	vmul.f32 $1.442695020e+00, v19;
	(erf) = vpow2.f32 v26;
	v26 =	vpop (erf)  }
0x37e: {  	v24 =	vsub.f32 $0.0e+00, v24;
	(erf) = vrcp.f32 v27;
	v26 =	vmul.f32 v26, v31;
	v27 =	vld [tilespmem:s24+$0xFFFFFFA0];
	_ =	sdelay $0x1  }
0x37f: {  	(erf) = vpow2.f32 v19;
	v19 =	vmul.f32 $1.442695020e+00, v24;
	v12 =	vadd.f32 v29, v12;
	v24 =	vld [tilespmem:s13+$0x30];
	[tilespmem:s13+$0x20] =	vst v26  }
0x380: {  	v26 =	vld [tilespmem:s0+$0x30]  }
0x381: {  	v29 =	vadd.f32 $1.000000000e+00, v60;
	v30 =	vpop (erf);
	v12 =	vsub.f32 $0.0e+00, v12  }
0x382: {  	(erf) = vpow2.f32 v19;
	v27 =	vmul.f32 v30, v27  }
0x383: {  	v19 =	vld [tilespmem:s31+$0x10];
	(erf) = vrcp.f32 v29;
	v29 =	vmul.f32 $1.442695020e+00, v12  }
0x384: {  	v15 =	vld [tilespmem:s13+$0xFFFFFFB0];
	[tilespmem:s13+$0xFFFFFFA0] =	vst v27  }
0x385: {  	v30 =	vld [tilespmem:s0+$0xFFFFFFB0];
	v24 =	vadd.f32 v26, v24  }
0x386: {  	v27 =	vpop (erf)  }
0x387: {  	(erf) = vpow2.f32 v29;
	v29 =	vpop (erf);
	v26 =	vadd.f32 $1.000000000e+00, v27;
	v24 =	vsub.f32 $0.0e+00, v24  }
0x388: {  	v19 =	vmul.f32 v29, v19  }
0x389: {  	v25 =	vld [tilespmem:s6+$0xFFFFFFF0];
	v27 =	vpop (erf);
	(erf) = vrcp.f32 v26  }
0x38a: {  	v31 =	vld [tilespmem:s31+$0xFFFFFF90];
	v61 =	vadd.f32 $1.000000000e+00, v27;
	[tilespmem:s25+$0x10] =	vst v19;
	v19 =	vmul.f32 $1.442695020e+00, v24;
	v15 =	vadd.f32 v30, v15  }
0x38b: {  	v30 =	vld [tilespmem:s25+$0x20];
	v24 =	vpop (erf)  }
0x38c: {  	(erf) = vrcp.f32 v61;
	v62 =	vld [tilespmem:s16+$0x20];
	v24 =	vadd.f32 $1.000000000e+00, v24;
	v15 =	vsub.f32 $0.0e+00, v15  }
0x38d: {  	s2 =	simm.s32 $0x8580;
	v28 =	vld [tilespmem:s13+$0xFFFFFFE0]  }
0x38e: {  	v35 =	vld [tilespmem:s2+$0x0];
	(erf) = vpow2.f32 v19;
	v19 =	vpop (erf);
	v15 =	vmul.f32 $1.442695020e+00, v15  }
0x38f: {  	v32 =	vld [tilespmem:s25+$0xFFFFFFC0];
	v19 =	vmul.f32 v19, v31  }
0x390: {  	v20 =	vld [tilespmem:s25+$0xFFFFFFA0];
	(erf) = vrcp.f32 v24;
	v24 =	vpop (erf)  }
0x391: {  	v31 =	vld [tilespmem:s2+$0xFFFFFF80];
	v30 =	vadd.f32 v62, v30;
	[tilespmem:s25+$0xFFFFFF90] =	vst v19;
	v24 =	vadd.f32 $1.000000000e+00, v24  }
0x392: {  	(erf) = vpow2.f32 v15;
	v37 =	vld [tilespmem:s16+$0xFFFFFFA0];
	v15 =	vpop (erf)  }
0x393: {  	v34 =	vld [tilespmem:s1+$0xFFFFFFB0];
	v30 =	vsub.f32 $0.0e+00, v30;
	(erf) = vrcp.f32 v24;
	v24 =	vmul.f32 v15, v35  }
0x394: {  	v63 =	vld [tilespmem:s26+$0x40]  }
0x395: {  	v36 =	vld [tilespmem:s26+$0xFFFFFFC0];
	v40 =	vpop (erf);
	[tilespmem:s1+$0x0] =	vst v24;
	v24 =	vmul.f32 $1.442695020e+00, v30  }
0x396: {  	v31 =	vmul.f32 v40, v31;
	v30 =	vld [tilespmem:s1+$0x10]  }
0x397: {  	v42 =	vld [tilespmem:s23+$0x10];
	v20 =	vadd.f32 v37, v20  }
0x398: {  	v29 =	vld [tilespmem:s1+$0xFFFFFF90];
	v41 =	vpop (erf);
	[tilespmem:s1+$0xFFFFFF80] =	vst v31  }
0x399: {  	s18 =	simm.s32 $0xC680;
	v35 =	vadd.f32 $1.000000000e+00, v41;
	(erf) = vpow2.f32 v24;
	v31 =	vld [tilespmem:s23+$0xFFFFFF90];
	v24 =	vpop (erf);
	v20 =	vsub.f32 $0.0e+00, v20  }
0x39a: {  	s11 =	simm.s32 $0xA680;
	v48 =	vld [tilespmem:s18+$0x0];
	v24 =	vmul.f32 v24, v63  }
0x39b: {  	v49 =	vld [tilespmem:s11+$0x0];
	(erf) = vrcp.f32 v35;
	v43 =	vpop (erf);
	v20 =	vmul.f32 $1.442695020e+00, v20  }
0x39c: {  	v33 =	vadd.f32 $1.000000000e+00, v43;
	v30 =	vadd.f32 v42, v30;
	[tilespmem:s6+$0x40] =	vst v24;
	v24 =	vld [tilespmem:s6+$0x50];
	v44 =	vpop (erf)  }
0x39d: {  	v45 =	vld [tilespmem:s15+$0x50];
	(erf) = vpow2.f32 v20;
	v20 =	vmul.f32 v44, v36  }
0x39e: {  	v13 =	vld [tilespmem:s6+$0xFFFFFFD0];
	v29 =	vadd.f32 v31, v29;
	v30 =	vsub.f32 $0.0e+00, v30;
	(erf) = vrcp.f32 v33  }
0x39f: {  	v17 =	vld [tilespmem:s6+$0xFFFFFFE0]  }
0x3a0: {  	v31 =	vld [tilespmem:s24+$0x30];
	[tilespmem:s6+$0xFFFFFFC0] =	vst v20;
	v20 =	vsub.f32 $0.0e+00, v29;
	v30 =	vmul.f32 $1.442695020e+00, v30  }
0x3a1: {  	v29 =	vld [tilespmem:s15+$0xFFFFFFD0]  }
0x3a2: {  	v38 =	vld [tilespmem:s11+$0xFFFFFF80];
	v20 =	vmul.f32 $1.442695020e+00, v20;
	v24 =	vadd.f32 v45, v24  }
0x3a3: {  	v46 =	vld [tilespmem:s24+$0xFFFFFFB0];
	v47 =	vpop (erf);
	(erf) = vpow2.f32 v30  }
0x3a4: {  	v35 =	vadd.f32 $1.000000000e+00, v47;
	v30 =	vpop (erf);
	(erf) = vpow2.f32 v20;
	v20 =	vsub.f32 $0.0e+00, v24;
	v24 =	vld [tilespmem:s18+$0xFFFFFF80]  }
0x3a5: {  	v18 =	vld [tilespmem:s13+$0xFFFFFFC0];
	v30 =	vmul.f32 v30, v31  }
0x3a6: {  	v21 =	vld [tilespmem:s13+$0xFFFFFFD0];
	(erf) = vrcp.f32 v35;
	v13 =	vadd.f32 v29, v13;
	v20 =	vmul.f32 $1.442695020e+00, v20;
	v29 =	vpop (erf)  }
0x3a7: {  	v14 =	vld [tilespmem:s13+$0xFFFFFFF0];
	v36 =	vadd.f32 v49, v48;
	v29 =	vadd.f32 $1.000000000e+00, v29;
	v50 =	vpop (erf)  }
0x3a8: {  	[tilespmem:s13+$0x30] =	vst v30;
	v30 =	vld [tilespmem:s13+$0x40];
	(erf) = vpow2.f32 v20;
	v20 =	vmul.f32 v50, v46  }
0x3a9: {  	v31 =	vld [tilespmem:s0+$0x40];
	(erf) = vrcp.f32 v29;
	v24 =	vadd.f32 v38, v24;
	v29 =	vsub.f32 $0.0e+00, v36  }
0x3aa: {  	v23 =	vld [tilespmem:s25+$0xFFFFFFB0];
	v13 =	vsub.f32 $0.0e+00, v13  }
0x3ab: {  	v51 =	vld [tilespmem:s31+$0x20];
	[tilespmem:s13+$0xFFFFFFB0] =	vst v20;
	v20 =	vsub.f32 $0.0e+00, v24;
	v24 =	vmul.f32 $1.442695020e+00, v29  }
0x3ac: {  	v22 =	vld [tilespmem:s25+$0xFFFFFFD0];
	v13 =	vmul.f32 $1.442695020e+00, v13  }
0x3ad: {  	s8 =	simm.s32 $0x8680;
	v16 =	vld [tilespmem:s25+$0xFFFFFFE0];
	v29 =	vpop (erf)  }
0x3ae: {  	v60 =	vld [tilespmem:s8+$0x0];
	(erf) = vpow2.f32 v13;
	v30 =	vadd.f32 v31, v30;
	v31 =	vpop (erf)  }
0x3af: {  	v52 =	vld [tilespmem:s0+$0xFFFFFFC0];
	(erf) = vpow2.f32 v24;
	v24 =	vpop (erf)  }
0x3b0: {  	v12 =	vld [tilespmem:s25+$0xFFFFFFF0];
	v24 =	vmul.f32 v24, v51  }
0x3b1: {  	v27 =	vld [tilespmem:s1+$0xFFFFFFA0];
	v29 =	vadd.f32 $1.000000000e+00, v29  }
0x3b2: {  	v26 =	vld [tilespmem:s1+$0xFFFFFFC0];
	v20 =	vmul.f32 $1.442695020e+00, v20;
	v30 =	vsub.f32 $0.0e+00, v30  }
0x3b3: {  	v61 =	vld [tilespmem:s6+$0x60];
	(erf) = vrcp.f32 v29  }
0x3b4: {  	v53 =	vld [tilespmem:s31+$0xFFFFFFA0];
	v18 =	vadd.f32 v52, v18;
	(erf) = vpow2.f32 v20;
	v20 =	vmul.f32 $1.442695020e+00, v30;
	[tilespmem:s25+$0x20] =	vst v24;
	v24 =	vpop (erf)  }
0x3b5: {  	v30 =	vld [tilespmem:s25+$0x30];
	v24 =	vadd.f32 $1.000000000e+00, v24  }
0x3b6: {  	v18 =	vsub.f32 $0.0e+00, v18;
	(erf) = vpow2.f32 v20;
	v20 =	vld [tilespmem:s16+$0x30]  }
0x3b7: {  	v19 =	vld [tilespmem:s1+$0xFFFFFFD0]  }
0x3b8: {  	v55 =	vld [tilespmem:s2+$0x10];
	v31 =	vadd.f32 $1.000000000e+00, v31;
	v18 =	vmul.f32 $1.442695020e+00, v18;
	v29 =	vpop (erf)  }
0x3b9: {  	v15 =	vld [tilespmem:s1+$0xFFFFFFE0];
	v36 =	vmul.f32 v29, v53;
	(erf) = vrcp.f32 v24;
	v24 =	vpop (erf)  }
0x3ba: {  	v37 =	vld [tilespmem:s18+$0xFFFFFF90];
	(erf) = vrcp.f32 v31;
	v31 =	vadd.f32 $1.000000000e+00, v24  }
0x3bb: {  	v54 =	vld [tilespmem:s2+$0xFFFFFF90];
	[tilespmem:s25+$0xFFFFFFA0] =	vst v36;
	v20 =	vadd.f32 v20, v30;
	v39 =	vpop (erf);
	(erf) = vpow2.f32 v18  }
0x3bc: {  	v36 =	vld [tilespmem:s16+$0xFFFFFFB0];
	v18 =	vpop (erf);
	(erf) = vrcp.f32 v31  }
0x3bd: {  	v63 =	vld [tilespmem:s8+$0xFFFFFF80];
	v40 =	vsub.f32 $0.0e+00, v20;
	v18 =	vmul.f32 v18, v55  }
0x3be: {  	v57 =	vld [tilespmem:s26+$0x50];
	v30 =	vadd.f32 $1.000000000e+00, v39;
	v31 =	vpop (erf)  }
0x3bf: {  	v48 =	vld [tilespmem:s18+$0x10];
	[tilespmem:s1+$0x10] =	vst v18;
	v18 =	vmul.f32 $1.442695020e+00, v40;
	v31 =	vadd.f32 $1.000000000e+00, v31  }
0x3c0: {  	v35 =	vld [tilespmem:s18+$0xFFFFFFA0];
	(erf) = vrcp.f32 v30  }
0x3c1: {  	v30 =	vld [tilespmem:s26+$0xFFFFFFD0];
	v23 =	vadd.f32 v36, v23;
	v58 =	vpop (erf);
	(erf) = vrcp.f32 v31  }
0x3c2: {  	v41 =	vld [tilespmem:s23+$0x20];
	v36 =	vadd.f32 $1.000000000e+00, v58;
	v59 =	vpop (erf)  }
0x3c3: {  	v23 =	vsub.f32 $0.0e+00, v23;
	v31 =	vld [tilespmem:s1+$0x20];
	v38 =	vmul.f32 v59, v57;
	(erf) = vpow2.f32 v18;
	v18 =	vpop (erf)  }
0x3c4: {  	v45 =	vld [tilespmem:s24+$0x40];
	v18 =	vmul.f32 v18, v54;
	v62 =	vpop (erf)  }
0x3c5: {  	v13 =	vld [tilespmem:s1+$0xFFFFFFF0];
	v23 =	vmul.f32 $1.442695020e+00, v23;
	(erf) = vrcp.f32 v36;
	[tilespmem:s6+$0x50] =	vst v38;
	v43 =	vpop (erf)  }
0x3c6: {  	v42 =	vld [tilespmem:s15+$0x60];
	[tilespmem:s1+$0xFFFFFF90] =	vst v18;
	v30 =	vmul.f32 v43, v30  }
0x3c7: {  	(erf) = vpow2.f32 v23;
	v18 =	vadd.f32 $1.000000000e+00, v62;
	v23 =	vld [tilespmem:s23+$0xFFFFFFA0]  }
0x3c8: {  	v56 =	vld [tilespmem:s24+$0xFFFFFFC0];
	v31 =	vadd.f32 v41, v31  }
0x3c9: {  	v29 =	vld [tilespmem:s18+$0xFFFFFFB0];
	v44 =	vpop (erf);
	(erf) = vrcp.f32 v18  }
0x3ca: {  	v52 =	vld [tilespmem:s31+$0xFFFFFFB0];
	v33 =	vmul.f32 v44, v60;
	v31 =	vsub.f32 $0.0e+00, v31;
	[tilespmem:s6+$0xFFFFFFD0] =	vst v30;
	v30 =	vpop (erf)  }
0x3cb: {  	v24 =	vld [tilespmem:s18+$0xFFFFFFC0];
	v47 =	vadd.f32 v42, v61;
	v30 =	vmul.f32 v30, v63  }
0x3cc: {  	v46 =	vld [tilespmem:s15+$0xFFFFFFE0];
	[tilespmem:s18+$0x0] =	vst v33;
	v31 =	vmul.f32 $1.442695020e+00, v31;
	v23 =	vadd.f32 v23, v27  }
0x3cd: {  	v20 =	vld [tilespmem:s18+$0xFFFFFFD0];
	v49 =	vpop (erf);
	[tilespmem:s18+$0xFFFFFF80] =	vst v30;
	v30 =	vsub.f32 $0.0e+00, v47  }
0x3ce: {  	v27 =	vld [tilespmem:s11+$0x10];
	v38 =	vadd.f32 $1.000000000e+00, v49;
	v50 =	vpop (erf);
	(erf) = vpow2.f32 v31;
	v23 =	vsub.f32 $0.0e+00, v23  }
0x3cf: {  	s28 =	simm.s32 $0xA780;
	v31 =	vmul.f32 v50, v45;
	v51 =	vld [tilespmem:s11+$0xFFFFFF90];
	v30 =	vmul.f32 $1.442695020e+00, v30  }
0x3d0: {  	v59 =	vld [tilespmem:s28+$0x0];
	(erf) = vrcp.f32 v38;
	v23 =	vmul.f32 $1.442695020e+00, v23  }
0x3d1: {  	v53 =	vpop (erf);
	v17 =	vadd.f32 v46, v17;
	[tilespmem:s13+$0x40] =	vst v31;
	v31 =	vld [tilespmem:s13+$0x50];
	(erf) = vpow2.f32 v30  }
0x3d2: {  	v54 =	vpop (erf);
	v30 =	vld [tilespmem:s0+$0x50];
	(erf) = vpow2.f32 v23  }
0x3d3: {  	v18 =	vld [tilespmem:s18+$0xFFFFFFE0];
	v43 =	vsub.f32 $0.0e+00, v17;
	v17 =	vadd.f32 v27, v48;
	v23 =	vmul.f32 v54, v56  }
0x3d4: {  	v42 =	vld [tilespmem:s2+$0xFFFFFFA0];
	v38 =	vadd.f32 $1.000000000e+00, v53;
	v27 =	vadd.f32 v51, v37  }
0x3d5: {  	v55 =	vsub.f32 $0.0e+00, v17;
	v56 =	vld [tilespmem:s31+$0x30];
	v57 =	vmul.f32 $1.442695020e+00, v43;
	[tilespmem:s13+$0xFFFFFFC0] =	vst v23  }
0x3d6: {  	(erf) = vrcp.f32 v38;
	v23 =	vsub.f32 $0.0e+00, v27;
	v27 =	vld [tilespmem:s0+$0xFFFFFFD0]  }
0x3d7: {  	v36 =	vld [tilespmem:s26+$0xFFFFFFE0];
	v33 =	vmul.f32 $1.442695020e+00, v55;
	(erf) = vpow2.f32 v57;
	v30 =	vadd.f32 v30, v31  }
0x3d8: {  	s9 =	simm.s32 $0xC780;
	v61 =	vld [tilespmem:s28+$0xFFFFFF80];
	v58 =	vpop (erf);
	v23 =	vmul.f32 $1.442695020e+00, v23  }
0x3d9: {  	v31 =	vld [tilespmem:s9+$0x0];
	(erf) = vpow2.f32 v33;
	v60 =	vpop (erf);
	v30 =	vsub.f32 $0.0e+00, v30  }
0x3da: {  	v38 =	vadd.f32 $1.000000000e+00, v58;
	v33 =	vmul.f32 v60, v56;
	(erf) = vpow2.f32 v23;
	v23 =	vld [tilespmem:s9+$0xFFFFFF80];
	v62 =	vpop (erf)  }
0x3db: {  	v63 =	vld [tilespmem:s25+$0x40];
	v30 =	vmul.f32 $1.442695020e+00, v30;
	v21 =	vadd.f32 v27, v21;
	v27 =	vpop (erf)  }
0x3dc: {  	v50 =	vld [tilespmem:s2+$0x20];
	(erf) = vrcp.f32 v38;
	[tilespmem:s25+$0x30] =	vst v33;
	v48 =	vadd.f32 $1.000000000e+00, v62;
	v27 =	vadd.f32 $1.000000000e+00, v27  }
0x3dd: {  	v44 =	vld [tilespmem:s16+$0x40];
	(erf) = vpow2.f32 v30  }
0x3de: {  	v17 =	vld [tilespmem:s18+$0xFFFFFFF0];
	v39 =	vadd.f32 v59, v31;
	v21 =	vsub.f32 $0.0e+00, v21;
	(erf) = vrcp.f32 v48  }
0x3df: {  	v43 =	vld [tilespmem:s8+$0xFFFFFF90];
	v30 =	vpop (erf);
	(erf) = vrcp.f32 v27;
	v23 =	vadd.f32 v61, v23  }
0x3e0: {  	v54 =	vld [tilespmem:s26+$0x60];
	v39 =	vsub.f32 $0.0e+00, v39;
	v21 =	vmul.f32 $1.442695020e+00, v21;
	v49 =	vmul.f32 v30, v52;
	v27 =	vpop (erf)  }
0x3e1: {  	v37 =	vld [tilespmem:s9+$0xFFFFFF90];
	v23 =	vsub.f32 $0.0e+00, v23;
	v27 =	vadd.f32 $1.000000000e+00, v27  }
0x3e2: {  	v31 =	vld [tilespmem:s9+$0xFFFFFFA0];
	v33 =	vadd.f32 v44, v63;
	[tilespmem:s25+$0xFFFFFFB0] =	vst v49;
	v51 =	vpop (erf);
	(erf) = vpow2.f32 v21;
	v21 =	vmul.f32 $1.442695020e+00, v39  }
0x3e3: {  	v52 =	vld [tilespmem:s16+$0xFFFFFFC0];
	v53 =	vpop (erf);
	(erf) = vrcp.f32 v27  }
0x3e4: {  	v59 =	vld [tilespmem:s1+$0x30];
	v38 =	vadd.f32 $1.000000000e+00, v51;
	(erf) = vpow2.f32 v21;
	v21 =	vsub.f32 $0.0e+00, v33  }
0x3e5: {  	v62 =	vld [tilespmem:s6+$0x70];
	v45 =	vmul.f32 $1.442695020e+00, v23;
	v23 =	vpop (erf)  }
0x3e6: {  	v30 =	vld [tilespmem:s9+$0xFFFFFFB0];
	(erf) = vrcp.f32 v38;
	v56 =	vpop (erf);
	v21 =	vmul.f32 $1.442695020e+00, v21  }
0x3e7: {  	v63 =	vld [tilespmem:s8+$0x10];
	v55 =	vmul.f32 v23, v50;
	(erf) = vpow2.f32 v45;
	v57 =	vadd.f32 $1.000000000e+00, v56;
	v58 =	vpop (erf)  }
0x3e8: {  	v49 =	vld [tilespmem:s13+$0x60];
	v32 =	vadd.f32 v52, v32;
	(erf) = vpow2.f32 v21;
	v21 =	vmul.f32 v58, v54  }
0x3e9: {  	v27 =	vld [tilespmem:s9+$0xFFFFFFC0];
	[tilespmem:s1+$0x20] =	vst v55  }
0x3ea: {  	v41 =	vadd.f32 $1.000000000e+00, v53;
	v60 =	vpop (erf);
	v61 =	vld [tilespmem:s23+$0x30];
	v32 =	vsub.f32 $0.0e+00, v32;
	(erf) = vrcp.f32 v57  }
0x3eb: {  	v38 =	vld [tilespmem:s31+$0xFFFFFFC0];
	v42 =	vmul.f32 v60, v42;
	[tilespmem:s6+$0x60] =	vst v21  }
0x3ec: {  	(erf) = vrcp.f32 v41;
	v32 =	vmul.f32 $1.442695020e+00, v32;
	v52 =	vld [tilespmem:s15+$0x70];
	v21 =	vpop (erf)  }
0x3ed: {  	v23 =	vld [tilespmem:s9+$0xFFFFFFD0];
	[tilespmem:s1+$0xFFFFFFA0] =	vst v42;
	v21 =	vadd.f32 $1.000000000e+00, v21;
	v46 =	vpop (erf)  }
0x3ee: {  	v42 =	vld [tilespmem:s23+$0xFFFFFFB0];
	(erf) = vpow2.f32 v32;
	v47 =	vpop (erf)  }
0x3ef: {  	v55 =	vld [tilespmem:s24+$0x50];
	v53 =	vadd.f32 v61, v59;
	v54 =	vpop (erf);
	(erf) = vrcp.f32 v21  }
0x3f0: {  	v60 =	vld [tilespmem:s18+$0x20];
	v36 =	vmul.f32 v46, v36;
	v56 =	vadd.f32 $1.000000000e+00, v47  }
0x3f1: {  	v33 =	vld [tilespmem:s2+$0xFFFFFFB0];
	v32 =	vsub.f32 $0.0e+00, v53;
	v48 =	vpop (erf);
	v39 =	vmul.f32 v54, v63;
	v57 =	vadd.f32 v52, v62  }
0x3f2: {  	v47 =	vld [tilespmem:s24+$0xFFFFFFD0];
	[tilespmem:s6+$0xFFFFFFE0] =	vst v36;
	v58 =	vadd.f32 $1.000000000e+00, v48;
	(erf) = vrcp.f32 v56;
	v59 =	vpop (erf)  }
0x3f3: {  	v34 =	vadd.f32 v42, v34;
	v44 =	vld [tilespmem:s15+$0xFFFFFFF0];
	v32 =	vmul.f32 $1.442695020e+00, v32;
	[tilespmem:s18+$0x10] =	vst v39;
	v61 =	vpop (erf);
	v36 =	vsub.f32 $0.0e+00, v57  }
0x3f4: {  	v62 =	vadd.f32 $1.000000000e+00, v59;
	(erf) = vrcp.f32 v58;
	v63 =	vld [tilespmem:s11+$0x20];
	v40 =	vmul.f32 v61, v55  }
0x3f5: {  	v21 =	vld [tilespmem:s9+$0xFFFFFFE0];
	s15 =	simm.s32 $0x8780;
	v34 =	vsub.f32 $0.0e+00, v34;
	v48 =	vpop (erf);
	(erf) = vpow2.f32 v32;
	v36 =	vmul.f32 $1.442695020e+00, v36  }
0x3f6: {  	v50 =	vld [tilespmem:s15+$0x0];
	v32 =	vmul.f32 v48, v43;
	(erf) = vrcp.f32 v62;
	[tilespmem:s13+$0x50] =	vst v40  }
0x3f7: {  	v34 =	vmul.f32 $1.442695020e+00, v34;
	v51 =	vpop (erf);
	v52 =	vld [tilespmem:s0+$0x60];
	(erf) = vpow2.f32 v36  }
0x3f8: {  	v53 =	vld [tilespmem:s15+$0xFFFFFF80];
	[tilespmem:s18+$0xFFFFFF90] =	vst v32;
	v25 =	vadd.f32 v44, v25;
	v54 =	vadd.f32 $1.000000000e+00, v51;
	v55 =	vpop (erf)  }
0x3f9: {  	v56 =	vld [tilespmem:s11+$0xFFFFFFA0];
	(erf) = vpow2.f32 v34;
	v39 =	vadd.f32 v63, v60;
	v57 =	vmul.f32 v55, v47  }
0x3fa: {  	v59 =	vld [tilespmem:s31+$0x40];
	(erf) = vrcp.f32 v54  }
0x3fb: {  	v36 =	vld [tilespmem:s8+$0xFFFFFFA0];
	v25 =	vsub.f32 $0.0e+00, v25;
	v58 =	vpop (erf);
	v39 =	vsub.f32 $0.0e+00, v39;
	[tilespmem:s13+$0xFFFFFFD0] =	vst v57  }
0x3fc: {  	v32 =	vmul.f32 v58, v50;
	v43 =	vadd.f32 v52, v49;
	v60 =	vld [tilespmem:s0+$0xFFFFFFE0]  }
0x3fd: {  	v63 =	vld [tilespmem:s9+$0x10];
	v52 =	vmul.f32 $1.442695020e+00, v25;
	v61 =	vpop (erf);
	v39 =	vmul.f32 $1.442695020e+00, v39  }
0x3fe: {  	v25 =	vld [tilespmem:s9+$0xFFFFFFF0];
	v35 =	vadd.f32 v56, v35;
	v44 =	vmul.f32 v61, v53;
	[tilespmem:s9+$0x0] =	vst v32;
	v62 =	vpop (erf);
	v48 =	vsub.f32 $0.0e+00, v43  }
0x3ff: {  	v49 =	vpop (erf);
	v50 =	vld [tilespmem:s28+$0x10];
	(erf) = vpow2.f32 v39;
	v32 =	vadd.f32 $1.000000000e+00, v62  }
0x400: {  	v57 =	vld [tilespmem:s25+$0x50];
	v35 =	vsub.f32 $0.0e+00, v35;
	[tilespmem:s9+$0xFFFFFF80] =	vst v44;
	v51 =	vmul.f32 v49, v59;
	v40 =	vmul.f32 $1.442695020e+00, v48;
	v53 =	vpop (erf)  }
0x401: {  	v44 =	vld [tilespmem:s28+$0xFFFFFF90];
	(erf) = vrcp.f32 v32;
	v54 =	vadd.f32 $1.000000000e+00, v53;
	v28 =	vadd.f32 v60, v28  }
0x402: {  	v34 =	vld [tilespmem:s24+$0xFFFFFFE0];
	v55 =	vmul.f32 $1.442695020e+00, v35;
	v56 =	vpop (erf);
	[tilespmem:s25+$0x40] =	vst v51;
	(erf) = vpow2.f32 v40  }
0x403: {  	v58 =	vadd.f32 $1.000000000e+00, v56;
	v59 =	vld [tilespmem:s16+$0x50];
	v60 =	vpop (erf);
	(erf) = vrcp.f32 v54;
	v28 =	vsub.f32 $0.0e+00, v28  }
0x404: {  	v35 =	vld [tilespmem:s15+$0xFFFFFF90];
	v61 =	vadd.f32 v50, v63;
	(erf) = vpow2.f32 v55;
	v38 =	vmul.f32 v60, v38  }
0x405: {  	(erf) = vrcp.f32 v58;
	v62 =	vmul.f32 $1.442695020e+00, v28;
	v28 =	vld [tilespmem:s26+$0xFFFFFFF0]  }
0x406: {  	v63 =	vadd.f32 v44, v37;
	v32 =	vsub.f32 $0.0e+00, v61;
	v37 =	vld [tilespmem:s2+$0x30];
	[tilespmem:s25+$0xFFFFFFC0] =	vst v38;
	(erf) = vpow2.f32 v52  }
0x407: {  	s29 =	simm.s32 $0xA;
	v38 =	vld [tilespmem:s16+$0xFFFFFFD0];
	(erf) = vpow2.f32 v62  }
0x408: {  	s30 =	simm.s32 $0xC880;
	v40 =	vsub.f32 $0.0e+00, v63;
	v41 =	vmul.f32 $1.442695020e+00, v32;
	v39 =	vpop (erf);
	v42 =	vadd.f32 v59, v57;
	v32 =	vld [tilespmem:s26+$0x70];
	s26 =	simm.s32 $0xA780  }
.LBB2_23:
0x409: {  	v43 =	vld [tilespmem:s30+$0x0];
	s28 =	sadd.s32 $0x100, s28;
	s17 =	smov.u32 s2;
	s2 =	smov.u32 s8  }
0x40a: {  	s8 =	smov.u32 s15;
	v44 =	vld [tilespmem:s28+$0x0];
	v47 =	vmul.f32 $1.442695020e+00, v40;
	(erf) = vpow2.f32 v41;
	v41 =	vpop (erf);
	v48 =	vsub.f32 $0.0e+00, v42  }
0x40b: {  	v39 =	vadd.f32 $1.000000000e+00, v39;
	v45 =	vld [tilespmem:s28+$0xFFFFFF80];
	v37 =	vmul.f32 v41, v37;
	v41 =	vpop (erf)  }
0x40c: {  	v46 =	vld [tilespmem:s30+$0xFFFFFF80];
	(erf) = vpow2.f32 v47;
	v22 =	vadd.f32 v38, v22;
	v38 =	vmul.f32 $1.442695020e+00, v48;
	v40 =	vpop (erf)  }
0x40d: {  	v42 =	vpop (erf);
	(erf) = vrcp.f32 v39;
	[tilespmem:s1+$0x30] =	vst v37;
	v39 =	vld [tilespmem:s1+$0x40];
	v37 =	vadd.f32 $1.000000000e+00, v41;
	v48 =	vmul.f32 v40, v32  }
0x40e: {  	v41 =	vadd.f32 $1.000000000e+00, v42;
	v42 =	vld [tilespmem:s23+$0x40];
	v47 =	vpop (erf);
	v49 =	vsub.f32 $0.0e+00, v22;
	(erf) = vpow2.f32 v38  }
0x40f: {  	v32 =	vld [tilespmem:s30+$0xFFFFFF90];
	v38 =	vadd.f32 v44, v43;
	v33 =	vmul.f32 v47, v33;
	(erf) = vrcp.f32 v37;
	[tilespmem:s6+$0x70] =	vst v48;
	v40 =	vpop (erf)  }
0x410: {  	s29 =	sadd.s32 $0x2, s29;
	v37 =	vld [tilespmem:s30+$0xFFFFFFA0];
	(erf) = vrcp.f32 v41;
	v41 =	vmul.f32 $1.442695020e+00, v49;
	v43 =	vpop (erf);
	v40 =	vadd.f32 $1.000000000e+00, v40  }
0x411: {  	p3 =	slt.u32 s29, $0x3E;
	v22 =	vmovc v19;
	v19 =	vmovc v20;
	v20 =	vmov v23;
	v44 =	vadd.f32 v45, v46;
	v45 =	vld [tilespmem:s30+$0xFFFFFFB0];
	v38 =	vsub.f32 $0.0e+00, v38;
	[tilespmem:s1+$0xFFFFFFB0] =	vst v33  }
0x412: {  	v47 =	vadd.f32 $1.000000000e+00, v43;
	v33 =	vld [tilespmem:s2+$0x20];
	(erf) = vpow2.f32 v41  }
0x413: {  	v41 =	vsub.f32 $0.0e+00, v44;
	v38 =	vmul.f32 $1.442695020e+00, v38;
	v43 =	vpop (erf);
	v44 =	vld [tilespmem:s23+$0xFFFFFFC0];
	v39 =	vadd.f32 v42, v39  }
0x414: {  	v48 =	vadd.f32 $1.000000000e+00, v43;
	v43 =	vld [tilespmem:s24+$0x60];
	(erf) = vrcp.f32 v47  }
0x415: {  	v41 =	vmul.f32 $1.442695020e+00, v41;
	v46 =	vld [tilespmem:s30+$0xFFFFFFC0];
	(erf) = vpow2.f32 v38;
	v23 =	vpop (erf);
	v39 =	vsub.f32 $0.0e+00, v39  }
0x416: {  	v47 =	vadd.f32 $1.000000000e+00, v23;
	(erf) = vrcp.f32 v48;
	v42 =	vpop (erf);
	v38 =	vld [tilespmem:s17+$0xFFFFFFC0]  }
0x417: {  	v23 =	vld [tilespmem:s30+$0xFFFFFFD0];
	v49 =	vmul.f32 v42, v33;
	v39 =	vmul.f32 $1.442695020e+00, v39;
	v42 =	vpop (erf)  }
0x418: {  	(erf) = vpow2.f32 v41;
	v41 =	vadd.f32 v44, v26;
	v42 =	vadd.f32 $1.000000000e+00, v42;
	v44 =	vld [tilespmem:s13+$0x70];
	v26 =	vpop (erf)  }
0x419: {  	[tilespmem:s18+$0x20] =	vst v49;
	v48 =	vld [tilespmem:s18+$0x30];
	v33 =	vpop (erf);
	(erf) = vpow2.f32 v39;
	v39 =	vmul.f32 v26, v43;
	v26 =	vmov v24  }
0x41a: {  	v24 =	vmovc v27;
	v33 =	vmul.f32 v33, v36;
	v36 =	vld [tilespmem:s11+$0x30];
	v41 =	vsub.f32 $0.0e+00, v41;
	(erf) = vrcp.f32 v42;
	v27 =	vmovc v46  }
0x41b: {  	v42 =	vld [tilespmem:s15+$0x10];
	(erf) = vrcp.f32 v47;
	v43 =	vpop (erf);
	[tilespmem:s13+$0x60] =	vst v39  }
0x41c: {  	[tilespmem:s18+$0xFFFFFFA0] =	vst v33;
	v39 =	vmul.f32 $1.442695020e+00, v41;
	v41 =	vadd.f32 $1.000000000e+00, v43;
	v43 =	vld [tilespmem:s0+$0x70];
	(erf) = vrcp.f32 v40  }
0x41d: {  	v40 =	vld [tilespmem:s11+$0xFFFFFFB0];
	v46 =	vpop (erf)  }
0x41e: {  	v47 =	vpop (erf);
	v33 =	vld [tilespmem:s2+$0xFFFFFFB0];
	(erf) = vpow2.f32 v39;
	v49 =	vmul.f32 v46, v34  }
0x41f: {  	v46 =	vpop (erf);
	v36 =	vadd.f32 v36, v48;
	v48 =	vld [tilespmem:s31+$0x50];
	(erf) = vrcp.f32 v41  }
0x420: {  	v50 =	vadd.f32 $1.000000000e+00, v47;
	v47 =	vld [tilespmem:s31+$0xFFFFFFD0];
	[tilespmem:s13+$0xFFFFFFE0] =	vst v49  }
0x421: {  	v42 =	vmul.f32 v46, v42;
	v39 =	vld [tilespmem:s30+$0xFFFFFFE0];
	v34 =	vpop (erf);
	v36 =	vsub.f32 $0.0e+00, v36;
	v43 =	vadd.f32 v43, v44  }
0x422: {  	v34 =	vadd.f32 $1.000000000e+00, v34;
	(erf) = vrcp.f32 v50;
	v40 =	vadd.f32 v40, v29;
	v41 =	vpop (erf);
	v44 =	vld [tilespmem:s0+$0xFFFFFFF0];
	s0 =	smov.u32 s16;
	s16 =	smov.u32 s23;
	s23 =	smov.u32 s11  }
0x423: {  	v29 =	vmov v30;
	s11 =	smov.u32 s26;
	s26 =	smov.u32 s28;
	[tilespmem:s9+$0x10] =	vst v42;
	v42 =	vld [tilespmem:s9+$0x20];
	v36 =	vmul.f32 $1.442695020e+00, v36;
	v46 =	vpop (erf);
	v49 =	vsub.f32 $0.0e+00, v43  }
0x424: {  	v50 =	vadd.f32 $1.000000000e+00, v41;
	(erf) = vrcp.f32 v34;
	v34 =	vld [tilespmem:s11+$0x20];
	v30 =	vpop (erf);
	v46 =	vmul.f32 v46, v48  }
0x425: {  	s15 =	sadd.s32 $0x100, s15;
	v40 =	vsub.f32 $0.0e+00, v40;
	(erf) = vpow2.f32 v36;
	v48 =	vld [tilespmem:s25+$0x60];
	v51 =	vmul.f32 $1.442695020e+00, v49;
	v43 =	vpop (erf)  }
0x426: {  	v35 =	vmul.f32 v30, v35;
	v30 =	vmov v45;
	v49 =	vld [tilespmem:s15+$0x0];
	(erf) = vrcp.f32 v50;
	[tilespmem:s25+$0x50] =	vst v46  }
0x427: {  	v40 =	vmul.f32 $1.442695020e+00, v40;
	v41 =	vpop (erf);
	v45 =	vld [tilespmem:s0+$0x60];
	v44 =	vadd.f32 v44, v14;
	(erf) = vpow2.f32 v51  }
0x428: {  	v28 =	vmul.f32 v43, v28;
	v14 =	vmov v12;
	v46 =	vld [tilespmem:s15+$0xFFFFFF80];
	[tilespmem:s9+$0xFFFFFF90] =	vst v35;
	v35 =	vadd.f32 $1.000000000e+00, v41;
	v36 =	vpop (erf)  }
0x429: {  	v12 =	vmovc v13;
	v13 =	vmovc v17;
	v41 =	vld [tilespmem:s11+$0xFFFFFFA0];
	v34 =	vadd.f32 v34, v42;
	(erf) = vpow2.f32 v40;
	v40 =	vmul.f32 v36, v47  }
0x42a: {  	v17 =	vmov v25;
	v47 =	vsub.f32 $0.0e+00, v44;
	v36 =	vld [tilespmem:s8+$0xFFFFFFA0];
	(erf) = vrcp.f32 v35;
	[tilespmem:s6+$0xFFFFFFF0] =	vst v28;
	s6 =	smov.u32 s13;
	s13 =	smov.u32 s25;
	s25 =	smov.u32 s1  }
0x42b: {  	s1 =	smov.u32 s18;
	s18 =	smov.u32 s9;
	s9 =	smov.u32 s30;
	v25 =	vpop (erf);
	v28 =	vsub.f32 $0.0e+00, v34;
	v42 =	vld [tilespmem:s17+$0x40];
	[tilespmem:s13+$0xFFFFFFD0] =	vst v40  }
0x42c: {  	v44 =	vmul.f32 $1.442695020e+00, v47;
	v49 =	vmul.f32 v25, v49;
	v40 =	vld [tilespmem:s0+$0xFFFFFFE0];
	v43 =	vadd.f32 v45, v48  }
0x42d: {  	v35 =	vpop (erf);
	v28 =	vmul.f32 $1.442695020e+00, v28;
	v34 =	vld [tilespmem:s31+$0xFFFFFFE0]  }
0x42e: {  	v35 =	vmul.f32 v35, v46;
	[tilespmem:s30+$0x0] =	vst v49;
	v45 =	vld [tilespmem:s30+$0x10];
	v41 =	vadd.f32 v41, v31;
	v25 =	vpop (erf);
	v43 =	vsub.f32 $0.0e+00, v43  }
0x42f: {  	v31 =	vmov v37;
	v46 =	vld [tilespmem:s28+$0x10];
	(erf) = vpow2.f32 v28;
	v28 =	vadd.f32 $1.000000000e+00, v25;
	v47 =	vpop (erf)  }
0x430: {  	[tilespmem:s30+$0xFFFFFF80] =	vst v35;
	v25 =	vld [tilespmem:s30+$0xFFFFFFF0];
	v48 =	vsub.f32 $0.0e+00, v41;
	v37 =	vmul.f32 v47, v42;
	v41 =	vmul.f32 $1.442695020e+00, v43;
	v42 =	vpop (erf)  }
0x431: {  	v43 =	vld [tilespmem:s28+$0xFFFFFF90];
	(erf) = vrcp.f32 v28;
	v28 =	vadd.f32 v40, v16;
	v40 =	vadd.f32 $1.000000000e+00, v42;
	v16 =	vmovc v15;
	v15 =	vmovc v18  }
0x432: {  	v18 =	vmov v21;
	v42 =	vmul.f32 $1.442695020e+00, v48;
	v35 =	vpop (erf);
	[tilespmem:s25+$0x40] =	vst v37;
	v47 =	vld [tilespmem:s25+$0x50];
	(erf) = vpow2.f32 v41  }
0x433: {  	v37 =	vadd.f32 $1.000000000e+00, v35;
	v48 =	vld [tilespmem:s16+$0x50];
	v21 =	vpop (erf);
	v28 =	vsub.f32 $0.0e+00, v28;
	(erf) = vrcp.f32 v40  }
.Ltmp17:
0x434: {  	v35 =	vld [tilespmem:s15+$0xFFFFFF90];
	v40 =	vadd.f32 v46, v45;
	(erf) = vpow2.f32 v42;
	v38 =	vmul.f32 v21, v38;
	v21 =	vmovc v39;
	(pc) =	sbr.rel @p3 .LBB2_23-.Ltmp17, $4  }
0x435: {  	(erf) = vrcp.f32 v37;
	v42 =	vmul.f32 $1.442695020e+00, v28;
	v28 =	vld [tilespmem:s24+$0xFFFFFFF0]  }
0x436: {  	v32 =	vadd.f32 v43, v32;
	v41 =	vsub.f32 $0.0e+00, v40;
	v37 =	vld [tilespmem:s2+$0x30];
	[tilespmem:s25+$0xFFFFFFC0] =	vst v38;
	(erf) = vpow2.f32 v44  }
0x437: {  	v38 =	vld [tilespmem:s16+$0xFFFFFFD0];
	(erf) = vpow2.f32 v42  }
0x438: {  	s30 =	sadd.s32 $0x100, s30;
	v40 =	vsub.f32 $0.0e+00, v32;
	v41 =	vmul.f32 $1.442695020e+00, v41;
	v39 =	vpop (erf);
	v42 =	vadd.f32 v48, v47;
	v32 =	vld [tilespmem:s24+$0x70];
	s24 =	smov.u32 s31;
	s31 =	smov.u32 s17  }
0x439: {  	_ = 	snop  }
0x43a: {  	(erf) = vpow2.f32 v41  }
0x43b: {  	v40 =	vmul.f32 $1.442695020e+00, v40;
	v56 =	vpop (erf);
	v42 =	vsub.f32 $0.0e+00, v42  }
0x43c: {  	v39 =	vadd.f32 $1.000000000e+00, v39;
	v37 =	vmul.f32 v56, v37;
	v57 =	vpop (erf)  }
0x43d: {  	(erf) = vpow2.f32 v40;
	v38 =	vadd.f32 v38, v22;
	v22 =	vpop (erf);
	v58 =	vmul.f32 $1.442695020e+00, v42  }
0x43e: {  	v60 =	vld [tilespmem:s1+$0x40];
	v61 =	vadd.f32 $1.000000000e+00, v57;
	v59 =	vpop (erf);
	(erf) = vrcp.f32 v39;
	[tilespmem:s1+$0x30] =	vst v37  }
0x43f: {  	v62 =	vpop (erf);
	v43 =	vld [tilespmem:s23+$0x40];
	(erf) = vpow2.f32 v58  }
0x440: {  	v38 =	vsub.f32 $0.0e+00, v38;
	v42 =	vadd.f32 $1.000000000e+00, v59;
	v63 =	vpop (erf);
	(erf) = vrcp.f32 v61  }
0x441: {  	v33 =	vmul.f32 v62, v33  }
0x442: {  	v38 =	vmul.f32 $1.442695020e+00, v38;
	v47 =	vpop (erf);
	(erf) = vrcp.f32 v42  }
0x443: {  	v49 =	vld [tilespmem:s8+$0x20];
	v39 =	vadd.f32 $1.000000000e+00, v47;
	v48 =	vpop (erf)  }
0x444: {  	v51 =	vld [tilespmem:s24+$0x60];
	[tilespmem:s1+$0xFFFFFFB0] =	vst v33;
	(erf) = vpow2.f32 v38;
	v37 =	vadd.f32 v43, v60;
	v50 =	vadd.f32 $1.000000000e+00, v48  }
0x445: {  	v33 =	vld [tilespmem:s23+$0xFFFFFFC0];
	(erf) = vrcp.f32 v39  }
0x446: {  	v52 =	vpop (erf);
	v37 =	vsub.f32 $0.0e+00, v37;
	(erf) = vrcp.f32 v50  }
0x447: {  	v53 =	vpop (erf)  }
0x448: {  	v41 =	vmul.f32 v53, v49;
	v37 =	vmul.f32 $1.442695020e+00, v37;
	v54 =	vpop (erf)  }
0x449: {  	v44 =	vld [tilespmem:s18+$0x30];
	v56 =	vadd.f32 $1.000000000e+00, v54;
	v57 =	vpop (erf)  }
0x44a: {  	v58 =	vld [tilespmem:s15+$0x10];
	v26 =	vadd.f32 v33, v26;
	[tilespmem:s18+$0x20] =	vst v41;
	(erf) = vpow2.f32 v37;
	v38 =	vmul.f32 v57, v51  }
0x44b: {  	v39 =	vadd.f32 $1.000000000e+00, v52;
	v59 =	vpop (erf);
	v60 =	vld [tilespmem:s11+$0x30];
	(erf) = vrcp.f32 v56  }
0x44c: {  	v55 =	vld [tilespmem:s13+$0x70];
	v26 =	vsub.f32 $0.0e+00, v26;
	v36 =	vmul.f32 v59, v36;
	[tilespmem:s13+$0x60] =	vst v38  }
0x44d: {  	v40 =	vadd.f32 $1.000000000e+00, v63;
	v61 =	vpop (erf);
	(erf) = vrcp.f32 v39;
	v38 =	vld [tilespmem:s0+$0x70]  }
0x44e: {  	v26 =	vmul.f32 $1.442695020e+00, v26;
	v62 =	vpop (erf);
	[tilespmem:s18+$0xFFFFFFA0] =	vst v36  }
0x44f: {  	v33 =	vadd.f32 $1.000000000e+00, v61;
	(erf) = vrcp.f32 v40;
	v46 =	vld [tilespmem:s11+$0xFFFFFFB0];
	v63 =	vpop (erf)  }
0x450: {  	v48 =	vld [tilespmem:s31+$0x50];
	(erf) = vpow2.f32 v26;
	v47 =	vadd.f32 v60, v44;
	v45 =	vmul.f32 v63, v58  }
0x451: {  	(erf) = vrcp.f32 v33  }
0x452: {  	v49 =	vld [tilespmem:s9+$0x20];
	v26 =	vsub.f32 $0.0e+00, v47;
	v50 =	vadd.f32 v38, v55;
	[tilespmem:s9+$0x10] =	vst v45  }
0x453: {  	v52 =	vpop (erf);
	v51 =	vld [tilespmem:s26+$0x20]  }
0x454: {  	v29 =	vadd.f32 v46, v29;
	v26 =	vmul.f32 $1.442695020e+00, v26;
	v53 =	vpop (erf);
	v36 =	vsub.f32 $0.0e+00, v50  }
0x455: {  	v41 =	vadd.f32 $1.000000000e+00, v52;
	v39 =	vmul.f32 v53, v48  }
0x456: {  	v54 =	vld [tilespmem:s31+$0xFFFFFFD0];
	v55 =	vpop (erf);
	v29 =	vsub.f32 $0.0e+00, v29;
	(erf) = vpow2.f32 v26;
	v36 =	vmul.f32 $1.442695020e+00, v36  }
0x457: {  	v56 =	vld [tilespmem:s25+$0x60];
	v35 =	vmul.f32 v55, v35;
	(erf) = vrcp.f32 v41;
	[tilespmem:s25+$0x50] =	vst v39  }
0x458: {  	v29 =	vmul.f32 $1.442695020e+00, v29;
	v26 =	vpop (erf);
	v39 =	vld [tilespmem:s16+$0x60];
	(erf) = vpow2.f32 v36;
	v33 =	vadd.f32 v51, v49  }
0x459: {  	v34 =	vmul.f32 v62, v34;
	[tilespmem:s9+$0xFFFFFF90] =	vst v35;
	v57 =	vpop (erf)  }
0x45a: {  	v60 =	vld [tilespmem:s26+$0xFFFFFFA0];
	(erf) = vpow2.f32 v29;
	v58 =	vpop (erf);
	v33 =	vsub.f32 $0.0e+00, v33  }
0x45b: {  	[tilespmem:s13+$0xFFFFFFE0] =	vst v34;
	v59 =	vadd.f32 $1.000000000e+00, v57;
	v61 =	vmul.f32 v58, v54  }
0x45c: {  	v62 =	vld [tilespmem:s0+$0xFFFFFFF0];
	v33 =	vmul.f32 $1.442695020e+00, v33  }
0x45d: {  	v63 =	vld [tilespmem:s2+$0x40];
	(erf) = vrcp.f32 v59;
	[tilespmem:s25+$0xFFFFFFD0] =	vst v61;
	v40 =	vadd.f32 v39, v56  }
0x45e: {  	v29 =	vld [tilespmem:s16+$0xFFFFFFE0];
	(erf) = vpow2.f32 v33  }
0x45f: {  	v31 =	vadd.f32 v60, v31;
	v41 =	vpop (erf);
	v42 =	vsub.f32 $0.0e+00, v40  }
0x460: {  	v33 =	vadd.f32 $1.000000000e+00, v41;
	v43 =	vpop (erf)  }
0x461: {  	v14 =	vadd.f32 v62, v14;
	v31 =	vsub.f32 $0.0e+00, v31;
	v44 =	vmul.f32 $1.442695020e+00, v42;
	v45 =	vpop (erf)  }
0x462: {  	v46 =	vld [tilespmem:s2+$0xFFFFFFC0];
	v34 =	vmul.f32 v43, v63;
	(erf) = vrcp.f32 v33;
	v47 =	vadd.f32 $1.000000000e+00, v45  }
0x463: {  	v31 =	vmul.f32 $1.442695020e+00, v31;
	v48 =	vpop (erf);
	v16 =	vadd.f32 v29, v16;
	(erf) = vpow2.f32 v44  }
0x464: {  	v14 =	vsub.f32 $0.0e+00, v14;
	v33 =	vadd.f32 $1.000000000e+00, v48;
	(erf) = vrcp.f32 v47  }
0x465: {  	v49 =	vld [tilespmem:s1+$0x50];
	[tilespmem:s1+$0x40] =	vst v34;
	v16 =	vsub.f32 $0.0e+00, v16;
	(erf) = vpow2.f32 v31  }
0x466: {  	v14 =	vmul.f32 $1.442695020e+00, v14;
	v50 =	vld [tilespmem:s23+$0x50];
	v51 =	vpop (erf);
	(erf) = vrcp.f32 v33  }
0x467: {  	v53 =	vmul.f32 v51, v46;
	v16 =	vmul.f32 $1.442695020e+00, v16;
	v52 =	vpop (erf)  }
0x468: {  	v54 =	vld [tilespmem:s8+$0x30];
	(erf) = vpow2.f32 v14;
	v55 =	vadd.f32 $1.000000000e+00, v52  }
0x469: {  	[tilespmem:s1+$0xFFFFFFC0] =	vst v53;
	(erf) = vpow2.f32 v16  }
0x46a: {  	v56 =	vld [tilespmem:s23+$0xFFFFFFD0];
	(erf) = vrcp.f32 v55  }
0x46b: {  	v57 =	vadd.f32 v50, v49  }
0x46c: {  	v58 =	vpop (erf)  }
0x46d: {  	v59 =	vld [tilespmem:s8+$0xFFFFFFB0];
	v60 =	vsub.f32 $0.0e+00, v57;
	v29 =	vmul.f32 v58, v54;
	v61 =	vpop (erf)  }
0x46e: {  	v40 =	vld [tilespmem:s18+$0x40];
	v14 =	vpop (erf)  }
0x46f: {  	v63 =	vld [tilespmem:s15+$0x20];
	v33 =	vmul.f32 $1.442695020e+00, v60;
	v62 =	vpop (erf);
	[tilespmem:s18+$0x30] =	vst v29;
	v16 =	vadd.f32 v56, v19  }
0x470: {  	v34 =	vadd.f32 $1.000000000e+00, v61;
	v41 =	vpop (erf);
	v42 =	vld [tilespmem:s11+$0x40]  }
0x471: {  	v35 =	vadd.f32 $1.000000000e+00, v62;
	(erf) = vpow2.f32 v33;
	v43 =	vpop (erf);
	v16 =	vsub.f32 $0.0e+00, v16  }
0x472: {  	v31 =	vmul.f32 v41, v59;
	(erf) = vrcp.f32 v34;
	v44 =	vpop (erf)  }
0x473: {  	(erf) = vrcp.f32 v35;
	v16 =	vmul.f32 $1.442695020e+00, v16;
	v45 =	vpop (erf)  }
0x474: {  	v48 =	vld [tilespmem:s9+$0x30];
	[tilespmem:s18+$0xFFFFFFB0] =	vst v31;
	v29 =	vmul.f32 v45, v63  }
0x475: {  	v31 =	vld [tilespmem:s11+$0xFFFFFFC0];
	(erf) = vpow2.f32 v16;
	v46 =	vadd.f32 v42, v40  }
0x476: {  	v47 =	vld [tilespmem:s31+$0x60];
	[tilespmem:s9+$0x20] =	vst v29  }
0x477: {  	v16 =	vsub.f32 $0.0e+00, v46;
	v49 =	vld [tilespmem:s26+$0x30]  }
0x478: {  	v50 =	vld [tilespmem:s15+$0xFFFFFFA0];
	v34 =	vadd.f32 $1.000000000e+00, v44  }
0x479: {  	v16 =	vmul.f32 $1.442695020e+00, v16  }
0x47a: {  	(erf) = vrcp.f32 v34;
	v51 =	vpop (erf);
	v24 =	vadd.f32 v31, v24  }
0x47b: {  	v52 =	vadd.f32 $1.000000000e+00, v51;
	v53 =	vpop (erf);
	(erf) = vpow2.f32 v16  }
0x47c: {  	v54 =	vpop (erf);
	v19 =	vmul.f32 v53, v47;
	v24 =	vsub.f32 $0.0e+00, v24;
	v29 =	vadd.f32 v49, v48  }
0x47d: {  	v33 =	vadd.f32 $1.000000000e+00, v43;
	v16 =	vmul.f32 v54, v50;
	(erf) = vrcp.f32 v52  }
0x47e: {  	v55 =	vld [tilespmem:s25+$0x70];
	[tilespmem:s25+$0x60] =	vst v19;
	v57 =	vmul.f32 $1.442695020e+00, v24;
	v56 =	vpop (erf);
	v58 =	vsub.f32 $0.0e+00, v29  }
0x47f: {  	(erf) = vrcp.f32 v33;
	[tilespmem:s9+$0xFFFFFFA0] =	vst v16;
	v60 =	vld [tilespmem:s16+$0x70];
	v59 =	vadd.f32 $1.000000000e+00, v56  }
0x480: {  	v61 =	vld [tilespmem:s26+$0xFFFFFFB0];
	(erf) = vpow2.f32 v57;
	v62 =	vmul.f32 $1.442695020e+00, v58  }
0x481: {  	(erf) = vrcp.f32 v59  }
0x482: {  	v63 =	vld [tilespmem:s2+$0x50];
	(erf) = vpow2.f32 v62  }
0x483: {  	v36 =	vld [tilespmem:s31+$0xFFFFFFE0]  }
0x484: {  	v37 =	vpop (erf);
	v29 =	vadd.f32 v60, v55  }
0x485: {  	v30 =	vadd.f32 v61, v30;
	v38 =	vpop (erf)  }
0x486: {  	v40 =	vld [tilespmem:s2+$0xFFFFFFD0];
	v39 =	vpop (erf);
	v29 =	vsub.f32 $0.0e+00, v29  }
0x487: {  	v31 =	vadd.f32 $1.000000000e+00, v38;
	v33 =	vmul.f32 v39, v63;
	v30 =	vsub.f32 $0.0e+00, v30  }
0x488: {  	v19 =	vmul.f32 v37, v36;
	v16 =	vpop (erf);
	v29 =	vmul.f32 $1.442695020e+00, v29  }
0x489: {  	v41 =	vld [tilespmem:s1+$0x60];
	(erf) = vrcp.f32 v31;
	[tilespmem:s1+$0x50] =	vst v33;
	v30 =	vmul.f32 $1.442695020e+00, v30;
	v42 =	vpop (erf)  }
0x48a: {  	[tilespmem:s25+$0xFFFFFFE0] =	vst v19;
	v33 =	vld [tilespmem:s23+$0x60];
	(erf) = vpow2.f32 v29;
	v44 =	vadd.f32 $1.000000000e+00, v42;
	v43 =	vpop (erf)  }
0x48b: {  	v46 =	vld [tilespmem:s16+$0xFFFFFFF0];
	(erf) = vpow2.f32 v30;
	v29 =	vmul.f32 v43, v40;
	v45 =	vpop (erf)  }
0x48c: {  	(erf) = vrcp.f32 v44;
	v30 =	vadd.f32 $1.000000000e+00, v45  }
0x48d: {  	v47 =	vld [tilespmem:s8+$0x40];
	[tilespmem:s1+$0xFFFFFFD0] =	vst v29  }
0x48e: {  	v29 =	vld [tilespmem:s23+$0xFFFFFFE0];
	(erf) = vrcp.f32 v30  }
0x48f: {  	v24 =	vadd.f32 v33, v41  }
0x490: {  	v12 =	vadd.f32 v46, v12  }
0x491: {  	v48 =	vld [tilespmem:s8+$0xFFFFFFC0];
	v24 =	vsub.f32 $0.0e+00, v24  }
0x492: {  	v12 =	vsub.f32 $0.0e+00, v12;
	v49 =	vpop (erf)  }
0x493: {  	v51 =	vld [tilespmem:s15+$0x30];
	v19 =	vmul.f32 v49, v47;
	v24 =	vmul.f32 $1.442695020e+00, v24;
	v50 =	vpop (erf);
	v15 =	vadd.f32 v29, v15  }
0x494: {  	v12 =	vmul.f32 $1.442695020e+00, v12;
	v52 =	vadd.f32 $1.000000000e+00, v50;
	v53 =	vpop (erf)  }
0x495: {  	v55 =	vld [tilespmem:s18+$0x50];
	[tilespmem:s18+$0x40] =	vst v19;
	(erf) = vpow2.f32 v24;
	v54 =	vadd.f32 $1.000000000e+00, v53;
	v56 =	vpop (erf);
	v15 =	vsub.f32 $0.0e+00, v15  }
0x496: {  	v57 =	vld [tilespmem:s11+$0x50];
	(erf) = vrcp.f32 v52;
	v30 =	vmul.f32 v56, v48  }
0x497: {  	(erf) = vrcp.f32 v54;
	v15 =	vmul.f32 $1.442695020e+00, v15;
	v58 =	vpop (erf)  }
0x498: {  	[tilespmem:s18+$0xFFFFFFC0] =	vst v30;
	(erf) = vpow2.f32 v12;
	v19 =	vmul.f32 v58, v51  }
0x499: {  	v59 =	vld [tilespmem:s11+$0xFFFFFFD0];
	(erf) = vpow2.f32 v15  }
0x49a: {  	v60 =	vld [tilespmem:s9+$0x40];
	[tilespmem:s9+$0x30] =	vst v19  }
0x49b: {  	v61 =	vadd.f32 v57, v55;
	v62 =	vld [tilespmem:s26+$0x40];
	_ =	sdelay $0x1  }
0x49c: {  	v63 =	vld [tilespmem:s15+$0xFFFFFFB0];
	v19 =	vsub.f32 $0.0e+00, v61  }
0x49d: {  	v33 =	vpop (erf);
	v20 =	vadd.f32 v59, v20  }
0x49e: {  	v19 =	vmul.f32 $1.442695020e+00, v19;
	v12 =	vpop (erf)  }
0x49f: {  	v34 =	vpop (erf);
	v20 =	vsub.f32 $0.0e+00, v20;
	v15 =	vadd.f32 v62, v60  }
0x4a0: {  	v35 =	vadd.f32 $1.000000000e+00, v33;
	(erf) = vpow2.f32 v19;
	v36 =	vpop (erf)  }
0x4a1: {  	v29 =	vmul.f32 v34, v63;
	v20 =	vmul.f32 $1.442695020e+00, v20;
	v37 =	vpop (erf);
	v15 =	vsub.f32 $0.0e+00, v15  }
0x4a2: {  	(erf) = vrcp.f32 v35;
	v38 =	vadd.f32 $1.000000000e+00, v37  }
0x4a3: {  	[tilespmem:s9+$0xFFFFFFB0] =	vst v29;
	(erf) = vpow2.f32 v20;
	v15 =	vmul.f32 $1.442695020e+00, v15  }
0x4a4: {  	v39 =	vld [tilespmem:s26+$0xFFFFFFC0];
	(erf) = vrcp.f32 v38  }
0x4a5: {  	(erf) = vpow2.f32 v15;
	_ =	sdelay $0x1  }
0x4a6: {  	v40 =	vld [tilespmem:s2+$0x60];
	_ =	sdelay $0x1  }
0x4a7: {  	v20 =	vadd.f32 v39, v27  }
0x4a8: {  	v41 =	vpop (erf)  }
0x4a9: {  	v24 =	vadd.f32 $1.000000000e+00, v41;
	v42 =	vpop (erf);
	v20 =	vsub.f32 $0.0e+00, v20  }
0x4aa: {  	v19 =	vadd.f32 $1.000000000e+00, v36;
	v15 =	vmul.f32 v42, v40;
	v43 =	vpop (erf)  }
0x4ab: {  	(erf) = vrcp.f32 v24;
	v20 =	vmul.f32 $1.442695020e+00, v20;
	v44 =	vpop (erf)  }
0x4ac: {  	v45 =	vld [tilespmem:s1+$0x70];
	v27 =	vadd.f32 $1.000000000e+00, v43;
	(erf) = vrcp.f32 v19;
	[tilespmem:s1+$0x60] =	vst v15;
	v46 =	vpop (erf)  }
0x4ad: {  	(erf) = vpow2.f32 v20;
	v48 =	vld [tilespmem:s23+$0x70];
	v47 =	vadd.f32 $1.000000000e+00, v46  }
0x4ae: {  	(erf) = vrcp.f32 v27  }
0x4af: {  	(erf) = vrcp.f32 v47  }
0x4b0: {  	v49 =	vld [tilespmem:s8+$0x50]  }
0x4b1: {  	v50 =	vld [tilespmem:s2+$0xFFFFFFE0]  }
0x4b2: {  	v52 =	vadd.f32 v48, v45  }
0x4b3: {  	v51 =	vld [tilespmem:s8+$0xFFFFFFD0]  }
0x4b4: {  	v54 =	vld [tilespmem:s15+$0x40];
	v53 =	vpop (erf);
	v55 =	vsub.f32 $0.0e+00, v52  }
0x4b5: {  	v15 =	vpop (erf);
	v19 =	vmul.f32 v53, v49  }
0x4b6: {  	v24 =	vmul.f32 v44, v50;
	v56 =	vpop (erf);
	v31 =	vmul.f32 $1.442695020e+00, v55  }
0x4b7: {  	v57 =	vld [tilespmem:s18+$0x60];
	v58 =	vpop (erf);
	[tilespmem:s18+$0x50] =	vst v19;
	v59 =	vadd.f32 $1.000000000e+00, v56  }
0x4b8: {  	[tilespmem:s1+$0xFFFFFFE0] =	vst v24;
	v60 =	vmul.f32 v58, v51;
	v62 =	vld [tilespmem:s11+$0x60];
	(erf) = vpow2.f32 v31;
	v61 =	vpop (erf)  }
0x4b9: {  	v63 =	vld [tilespmem:s23+$0xFFFFFFF0];
	(erf) = vrcp.f32 v59;
	v29 =	vmul.f32 v61, v54  }
0x4ba: {  	v34 =	vld [tilespmem:s9+$0x50];
	[tilespmem:s18+$0xFFFFFFD0] =	vst v60  }
0x4bb: {  	v33 =	vld [tilespmem:s11+$0xFFFFFFE0];
	[tilespmem:s9+$0x40] =	vst v29  }
0x4bc: {  	v29 =	vld [tilespmem:s26+$0x50]  }
0x4bd: {  	v24 =	vadd.f32 v62, v57  }
0x4be: {  	v35 =	vld [tilespmem:s15+$0xFFFFFFC0];
	v13 =	vadd.f32 v63, v13  }
0x4bf: {  	v24 =	vsub.f32 $0.0e+00, v24  }
0x4c0: {  	v13 =	vsub.f32 $0.0e+00, v13;
	v18 =	vadd.f32 v33, v18  }
0x4c1: {  	v36 =	vmul.f32 $1.442695020e+00, v24;
	v37 =	vpop (erf);
	v20 =	vadd.f32 v29, v34  }
0x4c2: {  	v13 =	vmul.f32 $1.442695020e+00, v13;
	v24 =	vadd.f32 $1.000000000e+00, v37;
	v18 =	vsub.f32 $0.0e+00, v18;
	v38 =	vpop (erf)  }
0x4c3: {  	(erf) = vpow2.f32 v36;
	v39 =	vmul.f32 v38, v35;
	v20 =	vsub.f32 $0.0e+00, v20  }
0x4c4: {  	(erf) = vrcp.f32 v24;
	v18 =	vmul.f32 $1.442695020e+00, v18  }
0x4c5: {  	(erf) = vpow2.f32 v13;
	[tilespmem:s9+$0xFFFFFFC0] =	vst v39;
	v40 =	vmul.f32 $1.442695020e+00, v20  }
0x4c6: {  	(erf) = vpow2.f32 v18;
	v19 =	vld [tilespmem:s26+$0xFFFFFFD0]  }
0x4c7: {  	(erf) = vpow2.f32 v40;
	_ =	sdelay $0x3  }
0x4c8: {  	v41 =	vadd.f32 v19, v23  }
0x4c9: {  	v42 =	vpop (erf)  }
0x4ca: {  	v19 =	vpop (erf);
	v13 =	vsub.f32 $0.0e+00, v41  }
0x4cb: {  	v18 =	vadd.f32 $1.000000000e+00, v42;
	v43 =	vpop (erf)  }
0x4cc: {  	v44 =	vpop (erf);
	v13 =	vmul.f32 $1.442695020e+00, v13  }
0x4cd: {  	(erf) = vrcp.f32 v18;
	v45 =	vadd.f32 $1.000000000e+00, v44;
	v46 =	vpop (erf)  }
0x4ce: {  	(erf) = vpow2.f32 v13;
	v47 =	vadd.f32 $1.000000000e+00, v46  }
0x4cf: {  	(erf) = vrcp.f32 v45  }
0x4d0: {  	(erf) = vrcp.f32 v47;
	_ =	sdelay $0x1  }
0x4d1: {  	v48 =	vld [tilespmem:s8+$0x60];
	_ =	sdelay $0x2  }
0x4d2: {  	v49 =	vld [tilespmem:s15+$0x50]  }
0x4d3: {  	v50 =	vpop (erf)  }
0x4d4: {  	v13 =	vmul.f32 v50, v48;
	v51 =	vpop (erf)  }
0x4d5: {  	v20 =	vadd.f32 $1.000000000e+00, v43;
	v53 =	vpop (erf)  }
0x4d6: {  	v52 =	vld [tilespmem:s18+$0x70];
	[tilespmem:s18+$0x60] =	vst v13;
	v54 =	vadd.f32 $1.000000000e+00, v51;
	v55 =	vpop (erf)  }
0x4d7: {  	v56 =	vld [tilespmem:s11+$0x70];
	(erf) = vrcp.f32 v20;
	v18 =	vmul.f32 v55, v49  }
0x4d8: {  	(erf) = vrcp.f32 v54  }
0x4d9: {  	v57 =	vld [tilespmem:s9+$0x60];
	[tilespmem:s9+$0x50] =	vst v18  }
0x4da: {  	v18 =	vld [tilespmem:s26+$0x60];
	_ =	sdelay $0x1  }
0x4db: {  	v58 =	vld [tilespmem:s8+$0xFFFFFFE0];
	v59 =	vadd.f32 v56, v52  }
0x4dc: {  	v60 =	vld [tilespmem:s15+$0xFFFFFFD0]  }
0x4dd: {  	v23 =	vsub.f32 $0.0e+00, v59  }
0x4de: {  	v13 =	vadd.f32 v18, v57  }
0x4df: {  	v61 =	vmul.f32 $1.442695020e+00, v23;
	v62 =	vpop (erf)  }
0x4e0: {  	v20 =	vmul.f32 v53, v58;
	v63 =	vpop (erf);
	v13 =	vsub.f32 $0.0e+00, v13  }
0x4e1: {  	(erf) = vpow2.f32 v61;
	v29 =	vmul.f32 v63, v60  }
0x4e2: {  	[tilespmem:s18+$0xFFFFFFE0] =	vst v20;
	v13 =	vmul.f32 $1.442695020e+00, v13  }
0x4e3: {  	v20 =	vld [tilespmem:s11+$0xFFFFFFF0];
	[tilespmem:s9+$0xFFFFFFD0] =	vst v29  }
0x4e4: {  	v18 =	vld [tilespmem:s26+$0xFFFFFFE0];
	(erf) = vpow2.f32 v13;
	_ =	sdelay $0x3  }
0x4e5: {  	v30 =	vadd.f32 v20, v17  }
0x4e6: {  	v31 =	vadd.f32 v18, v21  }
0x4e7: {  	v13 =	vsub.f32 $0.0e+00, v30;
	v33 =	vpop (erf)  }
0x4e8: {  	v18 =	vadd.f32 $1.000000000e+00, v33;
	v17 =	vsub.f32 $0.0e+00, v31  }
0x4e9: {  	v13 =	vmul.f32 $1.442695020e+00, v13  }
0x4ea: {  	(erf) = vrcp.f32 v18;
	v17 =	vmul.f32 $1.442695020e+00, v17;
	v34 =	vpop (erf)  }
0x4eb: {  	(erf) = vpow2.f32 v13;
	v35 =	vadd.f32 $1.000000000e+00, v34  }
0x4ec: {  	(erf) = vpow2.f32 v17  }
0x4ed: {  	(erf) = vrcp.f32 v35;
	_ =	sdelay $0x4  }
0x4ee: {  	v36 =	vld [tilespmem:s15+$0x60]  }
0x4ef: {  	v37 =	vpop (erf)  }
0x4f0: {  	v38 =	vpop (erf)  }
0x4f1: {  	v39 =	vpop (erf)  }
0x4f2: {  	v40 =	vpop (erf)  }
0x4f3: {  	v13 =	vmul.f32 v40, v36  }
0x4f4: {  	v20 =	vadd.f32 $1.000000000e+00, v39  }
0x4f5: {  	v41 =	vld [tilespmem:s9+$0x70];
	[tilespmem:s9+$0x60] =	vst v13  }
0x4f6: {  	(erf) = vrcp.f32 v20;
	v13 =	vld [tilespmem:s26+$0x70];
	_ =	sdelay $0x4  }
0x4f7: {  	v42 =	vld [tilespmem:s15+$0xFFFFFFE0];
	v13 =	vadd.f32 v13, v41;
	_ =	sdelay $0x1  }
0x4f8: {  	v13 =	vsub.f32 $0.0e+00, v13  }
0x4f9: {  	v18 =	vadd.f32 $1.000000000e+00, v38  }
0x4fa: {  	v43 =	vpop (erf);
	v13 =	vmul.f32 $1.442695020e+00, v13  }
0x4fb: {  	(erf) = vrcp.f32 v18;
	v44 =	vmul.f32 v43, v42  }
0x4fc: {  	(erf) = vpow2.f32 v13  }
0x4fd: {  	[tilespmem:s9+$0xFFFFFFE0] =	vst v44  }
0x4fe: {  	v45 =	vld [tilespmem:s26+$0xFFFFFFF0];
	_ =	sdelay $0x4  }
0x4ff: {  	v13 =	vadd.f32 v45, v25  }
0x500: {  	v46 =	vpop (erf)  }
0x501: {  	v13 =	vsub.f32 $0.0e+00, v13;
	v47 =	vpop (erf)  }
0x502: {  	v20 =	vadd.f32 $1.000000000e+00, v47  }
0x503: {  	v13 =	vmul.f32 $1.442695020e+00, v13  }
0x504: {  	(erf) = vrcp.f32 v20  }
0x505: {  	(erf) = vpow2.f32 v13;
	_ =	sdelay $0x7  }
0x506: {  	v51 =	vld [tilespmem:s31+$0x70];
	v20 =	vpop (erf)  }
0x507: {  	v53 =	vld [tilespmem:s2+$0x70];
	v50 =	vpop (erf)  }
0x508: {  	v49 =	vld [tilespmem:s24+$0xFFFFFFF0];
	v24 =	vadd.f32 $1.000000000e+00, v50  }
0x509: {  	v22 =	vmul.f32 v22, v32;
	v52 =	vld [tilespmem:s31+$0xFFFFFFF0]  }
0x50a: {  	v26 =	vmul.f32 v26, v28;
	v55 =	vld [tilespmem:s8+$0x70];
	(erf) = vrcp.f32 v24  }
0x50b: {  	[tilespmem:s6+$0x70] =	vst v22;
	v48 =	vld [tilespmem:s24+$0x70];
	v12 =	vmul.f32 v12, v51  }
0x50c: {  	[tilespmem:s6+$0xFFFFFFF0] =	vst v26;
	v54 =	vld [tilespmem:s2+$0xFFFFFFF0];
	v58 =	vmul.f32 v19, v53  }
0x50d: {  	v56 =	vld [tilespmem:s8+$0xFFFFFFF0];
	[tilespmem:s25+$0x70] =	vst v12;
	v16 =	vmul.f32 v16, v49  }
0x50e: {  	v15 =	vmul.f32 v15, v52;
	[tilespmem:s1+$0x70] =	vst v58;
	v57 =	vld [tilespmem:s15+$0x70]  }
0x50f: {  	[tilespmem:s13+$0xFFFFFFF0] =	vst v16;
	v60 =	vmul.f32 v37, v55;
	v59 =	vld [tilespmem:s15+$0xFFFFFFF0]  }
0x510: {  	[tilespmem:s25+$0xFFFFFFF0] =	vst v15;
	v13 =	vmul.f32 v14, v48  }
0x511: {  	[tilespmem:s18+$0x70] =	vst v60;
	v14 =	vmul.f32 v62, v54  }
0x512: {  	[tilespmem:s13+$0x70] =	vst v13;
	v13 =	vmul.f32 v46, v56  }
0x513: {  	[tilespmem:s1+$0xFFFFFFF0] =	vst v14;
	v61 =	vmul.f32 v20, v57;
	v62 =	vpop (erf)  }
0x514: {  	[tilespmem:s18+$0xFFFFFFF0] =	vst v13;
	v63 =	vmul.f32 v62, v59  }
0x515: {  	s29 =	simm.s32 $0xC200;
	s30 =	simm.s32 $0x16400;
	[tilespmem:s9+$0x70] =	vst v61  }
0x516: {  	s31 =	smov.u32 s7;
	s7 =	smov.u32 s3;
	s11 =	rddreg [dreg:$0x3];
	[tilespmem:s9+$0xFFFFFFF0] =	vst v63  }
0x517: {  	[spmem:s11] =	stream.indirect.scatter.add.f32 [tilespmem:s29], [sflag:$0x6], $0x80, s30, s14, $0xb8;
	[tilespmem:$0x1F700] =	vst v63  }
.LBB2_25:
0x518: {  	s0 =	sadd.s32 $0x2, s22  }
0x519: {  	p3 =	sge.s32 s0, s19  }
.Ltmp18:
0x51a: {  	_ = 	snop;
	(pc) =	sbr.rel @p3 .LBB2_27-.Ltmp18, $1  }
0x51b: {  	_ =	sdelay $0x3  }
0x51c: {  	s1 =	simm.s32 $0x5  }
0x51d: {  	_ =	swait.ge [sflag:s1], $0x2000  }
0x51e: {  	[sflag:s1] =	ssyncset.done $0x0  }
0x51f: {  	s17 =	simm.s32 $0x6;
	[sflag:s1] =	ssyncadd.s32 $0xFFFFE000  }
0x520: {  	_ =	swait.ge [sflag:s17], $0x2000  }
0x521: {  	[sflag:s17] =	ssyncset.done $0x0  }
0x522: {  	s0 =	sshll.u32 s0, $0x6;
	[sflag:s17] =	ssyncadd.s32 $0xFFFFE000  }
0x523: {  	v12 =	vld [tilespmem:s0+$0x3280];
	_ =	sdelay $0x2  }
0x524: {  	v13 =	vor.u32 s0, v5  }
0x525: {  	vm0 =	vlt.s32 v13, v11  }
0x526: {  	v36 =	vshrl.u32 v12, $0x1C;
	v14 =	vand.u32 $0x3FFF, v12;
	v12 =	vshrl.u32 v12, $0xE  }
0x527: {  	v15 =	vmul.u32 $0x2710, v36;
	v12 =	vand.u32 $0x3FFF, v12;
	v16 =	vnsel vm0, $0x0, v14  }
0x528: {  	v13 =	vshll.u32 v36, $0x9;
	v37 =	vsub.s32 v12, v10;
	[tilespmem:$0x16200] =	vst v16;
	v12 =	vnsel vm0, $0x0, v12  }
0x529: {  	v14 =	vadd.s32 v14, v15;
	v13 =	vadd.s32 v37, v13;
	[tilespmem:$0x16300] =	vst v12;
	v39 =	vsel vm0, v37, v2  }
0x52a: {  	v14 =	vnsel vm0, $0x0, v14;
	v13 =	vadd.s32 $0x200, v13;
	[tilespmem:$0x16400] =	vst v39  }
0x52b: {  	[tilespmem:$0x16280] =	vst v14;
	v38 =	vsel vm0, v13, v2  }
0x52c: {  	[tilespmem:$0x16380] =	vst v38  }
0x52d: {  	v12 =	vld [tilespmem:s0+$0x3290];
	_ =	sdelay $0x1  }
0x52e: {  	s18 =	sor.u32 $0x10, s0  }
0x52f: {  	v40 =	vor.u32 s18, v5  }
0x530: {  	vm13 =	vlt.s32 v40, v11  }
0x531: {  	v41 =	vshrl.u32 v12, $0x1C;
	v42 =	vand.u32 $0x3FFF, v12;
	v12 =	vshrl.u32 v12, $0xE  }
0x532: {  	v43 =	vmul.u32 $0x2710, v41;
	v12 =	vand.u32 $0x3FFF, v12;
	v44 =	vnsel vm13, $0x0, v42  }
0x533: {  	v13 =	vshll.u32 v41, $0x9;
	v45 =	vsub.s32 v12, v10;
	[tilespmem:$0x16210] =	vst v44;
	v12 =	vnsel vm13, $0x0, v12  }
0x534: {  	v14 =	vadd.s32 v42, v43;
	v13 =	vadd.s32 v45, v13;
	[tilespmem:$0x16310] =	vst v12;
	v47 =	vsel vm13, v45, v2  }
0x535: {  	v14 =	vnsel vm13, $0x0, v14;
	v13 =	vadd.s32 $0x200, v13;
	[tilespmem:$0x16410] =	vst v47  }
0x536: {  	[tilespmem:$0x16290] =	vst v14;
	v46 =	vsel vm13, v13, v2  }
0x537: {  	[tilespmem:$0x16390] =	vst v46  }
0x538: {  	v12 =	vld [tilespmem:s0+$0x32A0];
	_ =	sdelay $0x1  }
0x539: {  	s22 =	sor.u32 $0x20, s0  }
0x53a: {  	v48 =	vor.u32 s22, v5  }
0x53b: {  	vm14 =	vlt.s32 v48, v11  }
0x53c: {  	v49 =	vshrl.u32 v12, $0x1C;
	v50 =	vand.u32 $0x3FFF, v12;
	v12 =	vshrl.u32 v12, $0xE  }
0x53d: {  	v51 =	vmul.u32 $0x2710, v49;
	v12 =	vand.u32 $0x3FFF, v12;
	v52 =	vnsel vm14, $0x0, v50  }
0x53e: {  	v13 =	vshll.u32 v49, $0x9;
	v53 =	vsub.s32 v12, v10;
	[tilespmem:$0x16220] =	vst v52;
	v12 =	vnsel vm14, $0x0, v12  }
0x53f: {  	v14 =	vadd.s32 v50, v51;
	v13 =	vadd.s32 v53, v13;
	[tilespmem:$0x16320] =	vst v12;
	v55 =	vsel vm14, v53, v2  }
0x540: {  	v14 =	vnsel vm14, $0x0, v14;
	v13 =	vadd.s32 $0x200, v13;
	[tilespmem:$0x16420] =	vst v55  }
0x541: {  	[tilespmem:$0x162A0] =	vst v14;
	v54 =	vsel vm14, v13, v2  }
0x542: {  	[tilespmem:$0x163A0] =	vst v54  }
0x543: {  	v12 =	vld [tilespmem:s0+$0x32B0];
	_ =	sdelay $0x1  }
0x544: {  	s0 =	sor.u32 $0x30, s0  }
0x545: {  	v56 =	vor.u32 s0, v5  }
0x546: {  	vm15 =	vlt.s32 v56, v11  }
0x547: {  	v57 =	vshrl.u32 v12, $0x1C;
	v58 =	vand.u32 $0x3FFF, v12;
	v12 =	vshrl.u32 v12, $0xE  }
0x548: {  	v59 =	vmul.u32 $0x2710, v57;
	v12 =	vand.u32 $0x3FFF, v12;
	v60 =	vnsel vm15, $0x0, v58  }
0x549: {  	v13 =	vshll.u32 v57, $0x9;
	v61 =	vsub.s32 v12, v10;
	[tilespmem:$0x16230] =	vst v60;
	v12 =	vnsel vm15, $0x0, v12  }
0x54a: {  	v14 =	vadd.s32 v58, v59;
	v13 =	vadd.s32 v61, v13;
	[tilespmem:$0x16330] =	vst v12;
	v63 =	vsel vm15, v61, v2  }
0x54b: {  	v14 =	vnsel vm15, $0x0, v14;
	v13 =	vadd.s32 $0x200, v13;
	[tilespmem:$0x16430] =	vst v63  }
0x54c: {  	[tilespmem:$0x162B0] =	vst v14;
	v62 =	vsel vm15, v13, v2  }
0x54d: {  	s23 =	simm.s32 $0x16200;
	s24 =	simm.s32 $0x6200;
	[tilespmem:$0x163B0] =	vst v62  }
0x54e: {  	[tilespmem:s24], [sflag:$0x1] =	stream.indirect.gather [hbm4b:s31+s14], $0x80, s23, s14, $0xb8;
	[tilespmem:$0x1F700] =	vst v63  }
0x54f: {  	s25 =	simm.s32 $0x8200  }
0x550: {  	[tilespmem:s25], [sflag:$0x2] =	stream.indirect.gather [hbm4b:s7+s14], $0x80, s23, s14, $0xb8;
	[tilespmem:$0x1F700] =	vst v63  }
0x551: {  	s26 =	simm.s32 $0x16280;
	s28 =	simm.s32 $0xA200  }
0x552: {  	[tilespmem:s28], [sflag:$0x3] =	stream.indirect.gather [hbm4b:s10+s14], $0x80, s26, s14, $0xb8;
	[tilespmem:$0x1F700] =	vst v63  }
0x553: {  	s29 =	simm.s32 $0x16300;
	s30 =	simm.s32 $0xC200  }
0x554: {  	[tilespmem:s30], [sflag:$0x4] =	stream.indirect.gather [hbm4b:s12+s14], $0x80, s29, s14, $0xb8;
	[tilespmem:$0x1F700] =	vst v63  }
.LBB2_27:
.Ltmp19:
0x555: {  	(pc) =	sbr.rel @p2 .LBB2_31-.Ltmp19, $1  }
0x556: {  	_ =	sdelay $0x3  }
0x557: {  	s0 =	simm.s32 $0x7  }
0x558: {  	_ =	swait.ge [sflag:s0], $0x2000  }
0x559: {  	[sflag:s0] =	ssyncset.done $0x0  }
0x55a: {  	s23 =	simm.s32 $0x8;
	[sflag:s0] =	ssyncadd.s32 $0xFFFFE000  }
0x55b: {  	_ =	swait.ge [sflag:s23], $0x2000  }
0x55c: {  	[sflag:s23] =	ssyncset.done $0x0  }
0x55d: {  	s24 =	simm.s32 $0x9;
	[sflag:s23] =	ssyncadd.s32 $0xFFFFE000  }
0x55e: {  	_ =	swait.ge [sflag:s24], $0x2000  }
0x55f: {  	[sflag:s24] =	ssyncset.done $0x0  }
0x560: {  	s25 =	simm.s32 $0xA;
	[sflag:s24] =	ssyncadd.s32 $0xFFFFE000  }
0x561: {  	_ =	swait.ge [sflag:s25], $0x2000  }
0x562: {  	s26 =	simm.s32 $0xE200;
	[sflag:s25] =	ssyncset.done $0x0  }
0x563: {  	s1 =	simm.s32 $0x16600;
	s6 =	simm.s32 $0x14280;
	[sflag:s25] =	ssyncadd.s32 $0xFFFFE000  }
0x564: {  	[spmem:s11] =	stream.indirect.scatter.add.f32 [tilespmem:s26], [sflag:$0xB], $0x80, s1, s14, $0xb8;
	[tilespmem:$0x1F700] =	vst v63  }
0x565: {  	s15 =	simm.s32 $0x12280;
	v12 =	vld [tilespmem:s6+$0x0]  }
0x566: {  	v13 =	vld [tilespmem:s15+$0x0];
	_ =	sdelay $0x4  }
0x567: {  	v14 =	vld [tilespmem:s6+$0xFFFFFF80];
	v12 =	vadd.f32 v13, v12  }
0x568: {  	v13 =	vld [tilespmem:s15+$0xFFFFFF80]  }
0x569: {  	v12 =	vsub.f32 $0.0e+00, v12;
	_ =	sdelay $0x1  }
0x56a: {  	v12 =	vmul.f32 $1.442695020e+00, v12;
	_ =	sdelay $0x1  }
0x56b: {  	(erf) = vpow2.f32 v12;
	v12 =	vadd.f32 v13, v14;
	_ =	sdelay $0x1  }
0x56c: {  	v12 =	vsub.f32 $0.0e+00, v12;
	_ =	sdelay $0x1  }
0x56d: {  	v12 =	vmul.f32 $1.442695020e+00, v12;
	_ =	sdelay $0x1  }
0x56e: {  	(erf) = vpow2.f32 v12;
	_ =	sdelay $0x2  }
0x56f: {  	v12 =	vpop (erf)  }
0x570: {  	v12 =	vadd.f32 $1.000000000e+00, v12;
	_ =	sdelay $0x1  }
0x571: {  	(erf) = vrcp.f32 v12;
	_ =	sdelay $0x2  }
0x572: {  	v12 =	vpop (erf)  }
0x573: {  	s26 =	simm.s32 $0x10280;
	v12 =	vadd.f32 $1.000000000e+00, v12  }
0x574: {  	v13 =	vld [tilespmem:s26+$0x0]  }
0x575: {  	(erf) = vrcp.f32 v12;
	_ =	sdelay $0x2  }
0x576: {  	v12 =	vpop (erf)  }
0x577: {  	v12 =	vmul.f32 v12, v13  }
0x578: {  	v15 =	vld [tilespmem:s26+$0xFFFFFF80]  }
0x579: {  	v18 =	vld [tilespmem:s6+$0x10];
	[tilespmem:s6+$0x0] =	vst v12  }
0x57a: {  	v19 =	vld [tilespmem:s15+$0x10];
	_ =	sdelay $0x1  }
0x57b: {  	v17 =	vpop (erf)  }
0x57c: {  	v15 =	vmul.f32 v17, v15;
	_ =	sdelay $0x1  }
0x57d: {  	v14 =	vld [tilespmem:s6+$0xFFFFFF90];
	v18 =	vadd.f32 v19, v18;
	[tilespmem:s6+$0xFFFFFF80] =	vst v15  }
0x57e: {  	v15 =	vld [tilespmem:s15+$0xFFFFFF90]  }
0x57f: {  	v18 =	vsub.f32 $0.0e+00, v18;
	_ =	sdelay $0x1  }
0x580: {  	s0 =	simm.s32 $0x12380;
	v18 =	vmul.f32 $1.442695020e+00, v18  }
0x581: {  	s13 =	simm.s32 $0x14380;
	v21 =	vld [tilespmem:s0+$0x0]  }
0x582: {  	v19 =	vld [tilespmem:s13+$0x0];
	(erf) = vpow2.f32 v18;
	v14 =	vadd.f32 v15, v14  }
0x583: {  	v15 =	vld [tilespmem:s0+$0xFFFFFF80]  }
0x584: {  	v18 =	vld [tilespmem:s13+$0xFFFFFF80];
	v14 =	vsub.f32 $0.0e+00, v14;
	_ =	sdelay $0x1  }
0x585: {  	v14 =	vmul.f32 $1.442695020e+00, v14  }
0x586: {  	v19 =	vadd.f32 v21, v19  }
0x587: {  	(erf) = vpow2.f32 v14  }
0x588: {  	v19 =	vsub.f32 $0.0e+00, v19;
	v14 =	vadd.f32 v15, v18;
	_ =	sdelay $0x1  }
0x589: {  	v15 =	vmul.f32 $1.442695020e+00, v19;
	v14 =	vsub.f32 $0.0e+00, v14;
	v18 =	vpop (erf)  }
0x58a: {  	v18 =	vadd.f32 $1.000000000e+00, v18  }
0x58b: {  	(erf) = vpow2.f32 v15;
	v14 =	vmul.f32 $1.442695020e+00, v14  }
0x58c: {  	(erf) = vrcp.f32 v18  }
0x58d: {  	(erf) = vpow2.f32 v14;
	_ =	sdelay $0x1  }
0x58e: {  	v14 =	vpop (erf)  }
0x58f: {  	v14 =	vadd.f32 $1.000000000e+00, v14;
	_ =	sdelay $0x1  }
0x590: {  	v15 =	vld [tilespmem:s26+$0x10];
	(erf) = vrcp.f32 v14;
	_ =	sdelay $0x1  }
0x591: {  	v14 =	vpop (erf)  }
0x592: {  	v14 =	vadd.f32 $1.000000000e+00, v14;
	v18 =	vpop (erf)  }
0x593: {  	v19 =	vpop (erf)  }
0x594: {  	v15 =	vmul.f32 v18, v15;
	(erf) = vrcp.f32 v14;
	v14 =	vld [tilespmem:s26+$0xFFFFFF90];
	v18 =	vadd.f32 $1.000000000e+00, v19;
	_ =	sdelay $0x1  }
0x595: {  	(erf) = vrcp.f32 v18  }
0x596: {  	s22 =	simm.s32 $0x10380  }
0x597: {  	v23 =	vld [tilespmem:s22+$0x0];
	v18 =	vpop (erf)  }
0x598: {  	v21 =	vld [tilespmem:s6+$0x20];
	[tilespmem:s6+$0x10] =	vst v15;
	v14 =	vmul.f32 v18, v14  }
0x599: {  	v22 =	vld [tilespmem:s15+$0x20]  }
0x59a: {  	v26 =	vld [tilespmem:s22+$0xFFFFFF80];
	_ =	sdelay $0x1  }
0x59b: {  	v20 =	vld [tilespmem:s6+$0xFFFFFFA0];
	[tilespmem:s6+$0xFFFFFF90] =	vst v14;
	v14 =	vpop (erf)  }
0x59c: {  	v27 =	vld [tilespmem:s15+$0xFFFFFFA0];
	v14 =	vmul.f32 v14, v23  }
0x59d: {  	v22 =	vadd.f32 v22, v21;
	v23 =	vpop (erf)  }
0x59e: {  	[tilespmem:s13+$0x0] =	vst v14;
	v14 =	vmul.f32 v23, v26;
	v23 =	vld [tilespmem:s13+$0x10]  }
0x59f: {  	v22 =	vsub.f32 $0.0e+00, v22;
	v26 =	vld [tilespmem:s0+$0x10]  }
0x5a0: {  	v19 =	vld [tilespmem:s13+$0xFFFFFF90];
	[tilespmem:s13+$0xFFFFFF80] =	vst v14  }
0x5a1: {  	v22 =	vmul.f32 $1.442695020e+00, v22;
	v20 =	vadd.f32 v27, v20;
	v14 =	vld [tilespmem:s0+$0xFFFFFF90];
	_ =	sdelay $0x1  }
0x5a2: {  	(erf) = vpow2.f32 v22;
	v20 =	vsub.f32 $0.0e+00, v20  }
0x5a3: {  	v22 =	vadd.f32 v26, v23  }
0x5a4: {  	v20 =	vmul.f32 $1.442695020e+00, v20  }
0x5a5: {  	s16 =	simm.s32 $0x12480;
	v14 =	vadd.f32 v14, v19;
	v19 =	vsub.f32 $0.0e+00, v22  }
0x5a6: {  	s24 =	simm.s32 $0x14480;
	v23 =	vld [tilespmem:s16+$0x0];
	(erf) = vpow2.f32 v20  }
0x5a7: {  	v20 =	vld [tilespmem:s24+$0x0];
	v19 =	vmul.f32 $1.442695020e+00, v19;
	_ =	sdelay $0x1  }
0x5a8: {  	v14 =	vsub.f32 $0.0e+00, v14;
	(erf) = vpow2.f32 v19  }
0x5a9: {  	v26 =	vld [tilespmem:s24+$0xFFFFFF80]  }
0x5aa: {  	v22 =	vpop (erf);
	v14 =	vmul.f32 $1.442695020e+00, v14;
	v19 =	vld [tilespmem:s16+$0xFFFFFF80]  }
0x5ab: {  	v22 =	vadd.f32 $1.000000000e+00, v22;
	v20 =	vadd.f32 v23, v20  }
0x5ac: {  	(erf) = vpow2.f32 v14  }
0x5ad: {  	v20 =	vsub.f32 $0.0e+00, v20;
	(erf) = vrcp.f32 v22  }
0x5ae: {  	v14 =	vpop (erf)  }
0x5af: {  	v14 =	vadd.f32 $1.000000000e+00, v14;
	v19 =	vadd.f32 v19, v26;
	_ =	sdelay $0x1  }
0x5b0: {  	(erf) = vrcp.f32 v14;
	v14 =	vsub.f32 $0.0e+00, v19;
	v19 =	vmul.f32 $1.442695020e+00, v20;
	v20 =	vpop (erf)  }
0x5b1: {  	v22 =	vld [tilespmem:s26+$0x20];
	v20 =	vadd.f32 $1.000000000e+00, v20;
	_ =	sdelay $0x1  }
0x5b2: {  	v14 =	vmul.f32 $1.442695020e+00, v14;
	(erf) = vpow2.f32 v19  }
0x5b3: {  	v19 =	vpop (erf);
	(erf) = vrcp.f32 v20  }
0x5b4: {  	v20 =	vpop (erf);
	(erf) = vpow2.f32 v14;
	v14 =	vld [tilespmem:s26+$0xFFFFFFA0]  }
0x5b5: {  	v20 =	vmul.f32 v20, v22;
	_ =	sdelay $0x1  }
0x5b6: {  	v19 =	vadd.f32 $1.000000000e+00, v19;
	[tilespmem:s6+$0x20] =	vst v20;
	v20 =	vld [tilespmem:s6+$0x30]  }
0x5b7: {  	v23 =	vpop (erf);
	v22 =	vld [tilespmem:s15+$0x30]  }
0x5b8: {  	v26 =	vld [tilespmem:s22+$0x10];
	(erf) = vrcp.f32 v19;
	v14 =	vmul.f32 v23, v14;
	_ =	sdelay $0x1  }
0x5b9: {  	v16 =	vld [tilespmem:s6+$0xFFFFFFB0];
	v19 =	vpop (erf);
	[tilespmem:s6+$0xFFFFFFA0] =	vst v14  }
0x5ba: {  	v19 =	vadd.f32 $1.000000000e+00, v19;
	v23 =	vpop (erf);
	v27 =	vld [tilespmem:s15+$0xFFFFFFB0]  }
0x5bb: {  	v20 =	vadd.f32 v22, v20;
	v22 =	vpop (erf)  }
0x5bc: {  	(erf) = vrcp.f32 v19;
	v19 =	vld [tilespmem:s22+$0xFFFFFF90];
	v23 =	vmul.f32 v23, v26;
	v22 =	vadd.f32 $1.000000000e+00, v22;
	_ =	sdelay $0x1  }
0x5bd: {  	[tilespmem:s13+$0x10] =	vst v23;
	v20 =	vsub.f32 $0.0e+00, v20;
	(erf) = vrcp.f32 v22;
	v22 =	vld [tilespmem:s13+$0x20]  }
0x5be: {  	v16 =	vadd.f32 v27, v16;
	v27 =	vld [tilespmem:s0+$0x20]  }
0x5bf: {  	v23 =	vpop (erf);
	v20 =	vmul.f32 $1.442695020e+00, v20  }
0x5c0: {  	s25 =	simm.s32 $0x10480;
	v24 =	vld [tilespmem:s13+$0xFFFFFFA0];
	v19 =	vmul.f32 v23, v19  }
0x5c1: {  	v29 =	vld [tilespmem:s25+$0x0];
	(erf) = vpow2.f32 v20;
	v16 =	vsub.f32 $0.0e+00, v16  }
0x5c2: {  	v30 =	vld [tilespmem:s25+$0xFFFFFF80];
	[tilespmem:s13+$0xFFFFFF90] =	vst v19  }
0x5c3: {  	v16 =	vmul.f32 $1.442695020e+00, v16;
	v19 =	vadd.f32 v27, v22;
	v27 =	vld [tilespmem:s0+$0xFFFFFFA0];
	_ =	sdelay $0x1  }
0x5c4: {  	(erf) = vpow2.f32 v16  }
0x5c5: {  	v22 =	vpop (erf)  }
0x5c6: {  	v29 =	vmul.f32 v22, v29;
	v19 =	vsub.f32 $0.0e+00, v19;
	v31 =	vpop (erf)  }
0x5c7: {  	v26 =	vld [tilespmem:s24+$0xFFFFFF90];
	v30 =	vmul.f32 v31, v30;
	v24 =	vadd.f32 v27, v24  }
0x5c8: {  	[tilespmem:s24+$0x0] =	vst v29;
	v29 =	vld [tilespmem:s24+$0x10];
	v19 =	vmul.f32 $1.442695020e+00, v19  }
0x5c9: {  	v33 =	vld [tilespmem:s16+$0x10];
	v31 =	vpop (erf);
	[tilespmem:s24+$0xFFFFFF80] =	vst v30;
	v24 =	vsub.f32 $0.0e+00, v24  }
0x5ca: {  	(erf) = vpow2.f32 v19;
	v19 =	vadd.f32 $1.000000000e+00, v31;
	v27 =	vld [tilespmem:s16+$0xFFFFFF90];
	_ =	sdelay $0x1  }
0x5cb: {  	(erf) = vrcp.f32 v19  }
0x5cc: {  	v19 =	vmul.f32 $1.442695020e+00, v24;
	v24 =	vpop (erf)  }
0x5cd: {  	v29 =	vadd.f32 v33, v29;
	v24 =	vadd.f32 $1.000000000e+00, v24  }
0x5ce: {  	s23 =	simm.s32 $0x12580;
	(erf) = vpow2.f32 v19;
	v26 =	vadd.f32 v27, v26  }
0x5cf: {  	s1 =	simm.s32 $0x14580;
	v59 =	vld [tilespmem:s23+$0xFFFFFF80];
	v19 =	vsub.f32 $0.0e+00, v29;
	(erf) = vrcp.f32 v24  }
0x5d0: {  	v30 =	vld [tilespmem:s1+$0x0];
	v26 =	vsub.f32 $0.0e+00, v26  }
0x5d1: {  	v19 =	vmul.f32 $1.442695020e+00, v19;
	v24 =	vld [tilespmem:s26+$0x30]  }
0x5d2: {  	v31 =	vld [tilespmem:s23+$0x0];
	v29 =	vpop (erf);
	v26 =	vmul.f32 $1.442695020e+00, v26  }
0x5d3: {  	v27 =	vld [tilespmem:s26+$0xFFFFFFB0];
	(erf) = vpow2.f32 v19;
	v19 =	vadd.f32 $1.000000000e+00, v29  }
0x5d4: {  	v29 =	vpop (erf);
	(erf) = vpow2.f32 v26;
	v26 =	vld [tilespmem:s1+$0xFFFFFF80];
	_ =	sdelay $0x1  }
0x5d5: {  	v24 =	vmul.f32 v29, v24;
	(erf) = vrcp.f32 v19  }
0x5d6: {  	v29 =	vadd.f32 v31, v30;
	v19 =	vpop (erf)  }
0x5d7: {  	[tilespmem:s6+$0x30] =	vst v24;
	v24 =	vld [tilespmem:s6+$0x40];
	v19 =	vadd.f32 $1.000000000e+00, v19;
	v31 =	vpop (erf)  }
0x5d8: {  	v29 =	vsub.f32 $0.0e+00, v29;
	v30 =	vld [tilespmem:s15+$0x40];
	v26 =	vadd.f32 v59, v26;
	v27 =	vmul.f32 v31, v27;
	_ =	sdelay $0x1  }
0x5d9: {  	(erf) = vrcp.f32 v19;
	v31 =	vld [tilespmem:s22+$0x20];
	v19 =	vsub.f32 $0.0e+00, v26;
	v26 =	vmul.f32 $1.442695020e+00, v29  }
0x5da: {  	v12 =	vld [tilespmem:s6+$0xFFFFFFC0];
	[tilespmem:s6+$0xFFFFFFB0] =	vst v27  }
0x5db: {  	v29 =	vld [tilespmem:s15+$0xFFFFFFC0];
	v27 =	vpop (erf)  }
0x5dc: {  	v24 =	vadd.f32 v30, v24;
	v27 =	vadd.f32 $1.000000000e+00, v27;
	v60 =	vpop (erf)  }
0x5dd: {  	v19 =	vmul.f32 $1.442695020e+00, v19;
	(erf) = vpow2.f32 v26;
	v26 =	vpop (erf)  }
0x5de: {  	v24 =	vsub.f32 $0.0e+00, v24;
	(erf) = vrcp.f32 v27;
	v26 =	vmul.f32 v26, v31;
	v27 =	vld [tilespmem:s22+$0xFFFFFFA0];
	_ =	sdelay $0x1  }
0x5df: {  	(erf) = vpow2.f32 v19;
	v19 =	vmul.f32 $1.442695020e+00, v24;
	v12 =	vadd.f32 v29, v12;
	v24 =	vld [tilespmem:s13+$0x30];
	[tilespmem:s13+$0x20] =	vst v26  }
0x5e0: {  	v26 =	vld [tilespmem:s0+$0x30]  }
0x5e1: {  	v29 =	vadd.f32 $1.000000000e+00, v60;
	v30 =	vpop (erf);
	v12 =	vsub.f32 $0.0e+00, v12  }
0x5e2: {  	(erf) = vpow2.f32 v19;
	v27 =	vmul.f32 v30, v27  }
0x5e3: {  	v19 =	vld [tilespmem:s25+$0x10];
	(erf) = vrcp.f32 v29;
	v29 =	vmul.f32 $1.442695020e+00, v12  }
0x5e4: {  	v15 =	vld [tilespmem:s13+$0xFFFFFFB0];
	[tilespmem:s13+$0xFFFFFFA0] =	vst v27  }
0x5e5: {  	v30 =	vld [tilespmem:s0+$0xFFFFFFB0];
	v24 =	vadd.f32 v26, v24  }
0x5e6: {  	v27 =	vpop (erf)  }
0x5e7: {  	(erf) = vpow2.f32 v29;
	v29 =	vpop (erf);
	v26 =	vadd.f32 $1.000000000e+00, v27;
	v24 =	vsub.f32 $0.0e+00, v24  }
0x5e8: {  	v19 =	vmul.f32 v29, v19  }
0x5e9: {  	v25 =	vld [tilespmem:s6+$0xFFFFFFF0];
	v27 =	vpop (erf);
	(erf) = vrcp.f32 v26  }
0x5ea: {  	v31 =	vld [tilespmem:s25+$0xFFFFFF90];
	v61 =	vadd.f32 $1.000000000e+00, v27;
	[tilespmem:s24+$0x10] =	vst v19;
	v19 =	vmul.f32 $1.442695020e+00, v24;
	v15 =	vadd.f32 v30, v15  }
0x5eb: {  	v30 =	vld [tilespmem:s24+$0x20];
	v24 =	vpop (erf)  }
0x5ec: {  	(erf) = vrcp.f32 v61;
	v62 =	vld [tilespmem:s16+$0x20];
	v24 =	vadd.f32 $1.000000000e+00, v24;
	v15 =	vsub.f32 $0.0e+00, v15  }
0x5ed: {  	s2 =	simm.s32 $0x10580;
	v28 =	vld [tilespmem:s13+$0xFFFFFFE0]  }
0x5ee: {  	v35 =	vld [tilespmem:s2+$0x0];
	(erf) = vpow2.f32 v19;
	v19 =	vpop (erf);
	v15 =	vmul.f32 $1.442695020e+00, v15  }
0x5ef: {  	v32 =	vld [tilespmem:s24+$0xFFFFFFC0];
	v19 =	vmul.f32 v19, v31  }
0x5f0: {  	v20 =	vld [tilespmem:s24+$0xFFFFFFA0];
	(erf) = vrcp.f32 v24;
	v24 =	vpop (erf)  }
0x5f1: {  	v31 =	vld [tilespmem:s2+$0xFFFFFF80];
	v30 =	vadd.f32 v62, v30;
	[tilespmem:s24+$0xFFFFFF90] =	vst v19;
	v24 =	vadd.f32 $1.000000000e+00, v24  }
0x5f2: {  	(erf) = vpow2.f32 v15;
	v37 =	vld [tilespmem:s16+$0xFFFFFFA0];
	v15 =	vpop (erf)  }
0x5f3: {  	v34 =	vld [tilespmem:s1+$0xFFFFFFB0];
	v30 =	vsub.f32 $0.0e+00, v30;
	(erf) = vrcp.f32 v24;
	v24 =	vmul.f32 v15, v35  }
0x5f4: {  	v63 =	vld [tilespmem:s26+$0x40]  }
0x5f5: {  	v36 =	vld [tilespmem:s26+$0xFFFFFFC0];
	v40 =	vpop (erf);
	[tilespmem:s1+$0x0] =	vst v24;
	v24 =	vmul.f32 $1.442695020e+00, v30  }
0x5f6: {  	v31 =	vmul.f32 v40, v31;
	v30 =	vld [tilespmem:s1+$0x10]  }
0x5f7: {  	v42 =	vld [tilespmem:s23+$0x10];
	v20 =	vadd.f32 v37, v20  }
0x5f8: {  	v29 =	vld [tilespmem:s1+$0xFFFFFF90];
	v41 =	vpop (erf);
	[tilespmem:s1+$0xFFFFFF80] =	vst v31  }
0x5f9: {  	s18 =	simm.s32 $0x14680;
	v35 =	vadd.f32 $1.000000000e+00, v41;
	(erf) = vpow2.f32 v24;
	v31 =	vld [tilespmem:s23+$0xFFFFFF90];
	v24 =	vpop (erf);
	v20 =	vsub.f32 $0.0e+00, v20  }
0x5fa: {  	s11 =	simm.s32 $0x12680;
	v48 =	vld [tilespmem:s18+$0x0];
	v24 =	vmul.f32 v24, v63  }
0x5fb: {  	v49 =	vld [tilespmem:s11+$0x0];
	(erf) = vrcp.f32 v35;
	v43 =	vpop (erf);
	v20 =	vmul.f32 $1.442695020e+00, v20  }
0x5fc: {  	v33 =	vadd.f32 $1.000000000e+00, v43;
	v30 =	vadd.f32 v42, v30;
	[tilespmem:s6+$0x40] =	vst v24;
	v24 =	vld [tilespmem:s6+$0x50];
	v44 =	vpop (erf)  }
0x5fd: {  	v45 =	vld [tilespmem:s15+$0x50];
	(erf) = vpow2.f32 v20;
	v20 =	vmul.f32 v44, v36  }
0x5fe: {  	v13 =	vld [tilespmem:s6+$0xFFFFFFD0];
	v29 =	vadd.f32 v31, v29;
	v30 =	vsub.f32 $0.0e+00, v30;
	(erf) = vrcp.f32 v33  }
0x5ff: {  	v17 =	vld [tilespmem:s6+$0xFFFFFFE0]  }
0x600: {  	v31 =	vld [tilespmem:s22+$0x30];
	[tilespmem:s6+$0xFFFFFFC0] =	vst v20;
	v20 =	vsub.f32 $0.0e+00, v29;
	v30 =	vmul.f32 $1.442695020e+00, v30  }
0x601: {  	v29 =	vld [tilespmem:s15+$0xFFFFFFD0]  }
0x602: {  	v38 =	vld [tilespmem:s11+$0xFFFFFF80];
	v20 =	vmul.f32 $1.442695020e+00, v20;
	v24 =	vadd.f32 v45, v24  }
0x603: {  	v46 =	vld [tilespmem:s22+$0xFFFFFFB0];
	v47 =	vpop (erf);
	(erf) = vpow2.f32 v30  }
0x604: {  	v35 =	vadd.f32 $1.000000000e+00, v47;
	v30 =	vpop (erf);
	(erf) = vpow2.f32 v20;
	v20 =	vsub.f32 $0.0e+00, v24;
	v24 =	vld [tilespmem:s18+$0xFFFFFF80]  }
0x605: {  	v18 =	vld [tilespmem:s13+$0xFFFFFFC0];
	v30 =	vmul.f32 v30, v31  }
0x606: {  	v21 =	vld [tilespmem:s13+$0xFFFFFFD0];
	(erf) = vrcp.f32 v35;
	v13 =	vadd.f32 v29, v13;
	v20 =	vmul.f32 $1.442695020e+00, v20;
	v29 =	vpop (erf)  }
0x607: {  	v14 =	vld [tilespmem:s13+$0xFFFFFFF0];
	v36 =	vadd.f32 v49, v48;
	v29 =	vadd.f32 $1.000000000e+00, v29;
	v50 =	vpop (erf)  }
0x608: {  	[tilespmem:s13+$0x30] =	vst v30;
	v30 =	vld [tilespmem:s13+$0x40];
	(erf) = vpow2.f32 v20;
	v20 =	vmul.f32 v50, v46  }
0x609: {  	v31 =	vld [tilespmem:s0+$0x40];
	(erf) = vrcp.f32 v29;
	v24 =	vadd.f32 v38, v24;
	v29 =	vsub.f32 $0.0e+00, v36  }
0x60a: {  	v23 =	vld [tilespmem:s24+$0xFFFFFFB0];
	v13 =	vsub.f32 $0.0e+00, v13  }
0x60b: {  	v51 =	vld [tilespmem:s25+$0x20];
	[tilespmem:s13+$0xFFFFFFB0] =	vst v20;
	v20 =	vsub.f32 $0.0e+00, v24;
	v24 =	vmul.f32 $1.442695020e+00, v29  }
0x60c: {  	v22 =	vld [tilespmem:s24+$0xFFFFFFD0];
	v13 =	vmul.f32 $1.442695020e+00, v13  }
0x60d: {  	s8 =	simm.s32 $0x10680;
	v16 =	vld [tilespmem:s24+$0xFFFFFFE0];
	v29 =	vpop (erf)  }
0x60e: {  	v60 =	vld [tilespmem:s8+$0x0];
	(erf) = vpow2.f32 v13;
	v30 =	vadd.f32 v31, v30;
	v31 =	vpop (erf)  }
0x60f: {  	v52 =	vld [tilespmem:s0+$0xFFFFFFC0];
	(erf) = vpow2.f32 v24;
	v24 =	vpop (erf)  }
0x610: {  	v12 =	vld [tilespmem:s24+$0xFFFFFFF0];
	v24 =	vmul.f32 v24, v51  }
0x611: {  	v27 =	vld [tilespmem:s1+$0xFFFFFFA0];
	v29 =	vadd.f32 $1.000000000e+00, v29  }
0x612: {  	v26 =	vld [tilespmem:s1+$0xFFFFFFC0];
	v20 =	vmul.f32 $1.442695020e+00, v20;
	v30 =	vsub.f32 $0.0e+00, v30  }
0x613: {  	v61 =	vld [tilespmem:s6+$0x60];
	(erf) = vrcp.f32 v29  }
0x614: {  	v53 =	vld [tilespmem:s25+$0xFFFFFFA0];
	v18 =	vadd.f32 v52, v18;
	(erf) = vpow2.f32 v20;
	v20 =	vmul.f32 $1.442695020e+00, v30;
	[tilespmem:s24+$0x20] =	vst v24;
	v24 =	vpop (erf)  }
0x615: {  	v30 =	vld [tilespmem:s24+$0x30];
	v24 =	vadd.f32 $1.000000000e+00, v24  }
0x616: {  	v18 =	vsub.f32 $0.0e+00, v18;
	(erf) = vpow2.f32 v20;
	v20 =	vld [tilespmem:s16+$0x30]  }
0x617: {  	v19 =	vld [tilespmem:s1+$0xFFFFFFD0]  }
0x618: {  	v55 =	vld [tilespmem:s2+$0x10];
	v31 =	vadd.f32 $1.000000000e+00, v31;
	v18 =	vmul.f32 $1.442695020e+00, v18;
	v29 =	vpop (erf)  }
0x619: {  	v15 =	vld [tilespmem:s1+$0xFFFFFFE0];
	v36 =	vmul.f32 v29, v53;
	(erf) = vrcp.f32 v24;
	v24 =	vpop (erf)  }
0x61a: {  	v37 =	vld [tilespmem:s18+$0xFFFFFF90];
	(erf) = vrcp.f32 v31;
	v31 =	vadd.f32 $1.000000000e+00, v24  }
0x61b: {  	v54 =	vld [tilespmem:s2+$0xFFFFFF90];
	[tilespmem:s24+$0xFFFFFFA0] =	vst v36;
	v20 =	vadd.f32 v20, v30;
	v39 =	vpop (erf);
	(erf) = vpow2.f32 v18  }
0x61c: {  	v36 =	vld [tilespmem:s16+$0xFFFFFFB0];
	v18 =	vpop (erf);
	(erf) = vrcp.f32 v31  }
0x61d: {  	v63 =	vld [tilespmem:s8+$0xFFFFFF80];
	v40 =	vsub.f32 $0.0e+00, v20;
	v18 =	vmul.f32 v18, v55  }
0x61e: {  	v57 =	vld [tilespmem:s26+$0x50];
	v30 =	vadd.f32 $1.000000000e+00, v39;
	v31 =	vpop (erf)  }
0x61f: {  	v48 =	vld [tilespmem:s18+$0x10];
	[tilespmem:s1+$0x10] =	vst v18;
	v18 =	vmul.f32 $1.442695020e+00, v40;
	v31 =	vadd.f32 $1.000000000e+00, v31  }
0x620: {  	v35 =	vld [tilespmem:s18+$0xFFFFFFA0];
	(erf) = vrcp.f32 v30  }
0x621: {  	v30 =	vld [tilespmem:s26+$0xFFFFFFD0];
	v23 =	vadd.f32 v36, v23;
	v58 =	vpop (erf);
	(erf) = vrcp.f32 v31  }
0x622: {  	v41 =	vld [tilespmem:s23+$0x20];
	v36 =	vadd.f32 $1.000000000e+00, v58;
	v59 =	vpop (erf)  }
0x623: {  	v23 =	vsub.f32 $0.0e+00, v23;
	v31 =	vld [tilespmem:s1+$0x20];
	v38 =	vmul.f32 v59, v57;
	(erf) = vpow2.f32 v18;
	v18 =	vpop (erf)  }
0x624: {  	v45 =	vld [tilespmem:s22+$0x40];
	v18 =	vmul.f32 v18, v54;
	v62 =	vpop (erf)  }
0x625: {  	v13 =	vld [tilespmem:s1+$0xFFFFFFF0];
	v23 =	vmul.f32 $1.442695020e+00, v23;
	(erf) = vrcp.f32 v36;
	[tilespmem:s6+$0x50] =	vst v38;
	v43 =	vpop (erf)  }
0x626: {  	v42 =	vld [tilespmem:s15+$0x60];
	[tilespmem:s1+$0xFFFFFF90] =	vst v18;
	v30 =	vmul.f32 v43, v30  }
0x627: {  	(erf) = vpow2.f32 v23;
	v18 =	vadd.f32 $1.000000000e+00, v62;
	v23 =	vld [tilespmem:s23+$0xFFFFFFA0]  }
0x628: {  	v56 =	vld [tilespmem:s22+$0xFFFFFFC0];
	v31 =	vadd.f32 v41, v31  }
0x629: {  	v29 =	vld [tilespmem:s18+$0xFFFFFFB0];
	v44 =	vpop (erf);
	(erf) = vrcp.f32 v18  }
0x62a: {  	v52 =	vld [tilespmem:s25+$0xFFFFFFB0];
	v33 =	vmul.f32 v44, v60;
	v31 =	vsub.f32 $0.0e+00, v31;
	[tilespmem:s6+$0xFFFFFFD0] =	vst v30;
	v30 =	vpop (erf)  }
0x62b: {  	v24 =	vld [tilespmem:s18+$0xFFFFFFC0];
	v47 =	vadd.f32 v42, v61;
	v30 =	vmul.f32 v30, v63  }
0x62c: {  	v46 =	vld [tilespmem:s15+$0xFFFFFFE0];
	[tilespmem:s18+$0x0] =	vst v33;
	v31 =	vmul.f32 $1.442695020e+00, v31;
	v23 =	vadd.f32 v23, v27  }
0x62d: {  	v20 =	vld [tilespmem:s18+$0xFFFFFFD0];
	v49 =	vpop (erf);
	[tilespmem:s18+$0xFFFFFF80] =	vst v30;
	v30 =	vsub.f32 $0.0e+00, v47  }
0x62e: {  	v27 =	vld [tilespmem:s11+$0x10];
	v38 =	vadd.f32 $1.000000000e+00, v49;
	v50 =	vpop (erf);
	(erf) = vpow2.f32 v31;
	v23 =	vsub.f32 $0.0e+00, v23  }
0x62f: {  	s28 =	simm.s32 $0x12780;
	v31 =	vmul.f32 v50, v45;
	v51 =	vld [tilespmem:s11+$0xFFFFFF90];
	v30 =	vmul.f32 $1.442695020e+00, v30  }
0x630: {  	v59 =	vld [tilespmem:s28+$0x0];
	(erf) = vrcp.f32 v38;
	v23 =	vmul.f32 $1.442695020e+00, v23  }
0x631: {  	v53 =	vpop (erf);
	v17 =	vadd.f32 v46, v17;
	[tilespmem:s13+$0x40] =	vst v31;
	v31 =	vld [tilespmem:s13+$0x50];
	(erf) = vpow2.f32 v30  }
0x632: {  	v54 =	vpop (erf);
	v30 =	vld [tilespmem:s0+$0x50];
	(erf) = vpow2.f32 v23  }
0x633: {  	v18 =	vld [tilespmem:s18+$0xFFFFFFE0];
	v43 =	vsub.f32 $0.0e+00, v17;
	v17 =	vadd.f32 v27, v48;
	v23 =	vmul.f32 v54, v56  }
0x634: {  	v42 =	vld [tilespmem:s2+$0xFFFFFFA0];
	v38 =	vadd.f32 $1.000000000e+00, v53;
	v27 =	vadd.f32 v51, v37  }
0x635: {  	v55 =	vsub.f32 $0.0e+00, v17;
	v56 =	vld [tilespmem:s25+$0x30];
	v57 =	vmul.f32 $1.442695020e+00, v43;
	[tilespmem:s13+$0xFFFFFFC0] =	vst v23  }
0x636: {  	(erf) = vrcp.f32 v38;
	v23 =	vsub.f32 $0.0e+00, v27;
	v27 =	vld [tilespmem:s0+$0xFFFFFFD0]  }
0x637: {  	v36 =	vld [tilespmem:s26+$0xFFFFFFE0];
	v33 =	vmul.f32 $1.442695020e+00, v55;
	(erf) = vpow2.f32 v57;
	v30 =	vadd.f32 v30, v31  }
0x638: {  	s9 =	simm.s32 $0x14780;
	v61 =	vld [tilespmem:s28+$0xFFFFFF80];
	v58 =	vpop (erf);
	v23 =	vmul.f32 $1.442695020e+00, v23  }
0x639: {  	v31 =	vld [tilespmem:s9+$0x0];
	(erf) = vpow2.f32 v33;
	v60 =	vpop (erf);
	v30 =	vsub.f32 $0.0e+00, v30  }
0x63a: {  	v38 =	vadd.f32 $1.000000000e+00, v58;
	v33 =	vmul.f32 v60, v56;
	(erf) = vpow2.f32 v23;
	v23 =	vld [tilespmem:s9+$0xFFFFFF80];
	v62 =	vpop (erf)  }
0x63b: {  	v63 =	vld [tilespmem:s24+$0x40];
	v30 =	vmul.f32 $1.442695020e+00, v30;
	v21 =	vadd.f32 v27, v21;
	v27 =	vpop (erf)  }
0x63c: {  	v50 =	vld [tilespmem:s2+$0x20];
	(erf) = vrcp.f32 v38;
	[tilespmem:s24+$0x30] =	vst v33;
	v48 =	vadd.f32 $1.000000000e+00, v62;
	v27 =	vadd.f32 $1.000000000e+00, v27  }
0x63d: {  	v44 =	vld [tilespmem:s16+$0x40];
	(erf) = vpow2.f32 v30  }
0x63e: {  	v17 =	vld [tilespmem:s18+$0xFFFFFFF0];
	v39 =	vadd.f32 v59, v31;
	v21 =	vsub.f32 $0.0e+00, v21;
	(erf) = vrcp.f32 v48  }
0x63f: {  	v43 =	vld [tilespmem:s8+$0xFFFFFF90];
	v30 =	vpop (erf);
	(erf) = vrcp.f32 v27;
	v23 =	vadd.f32 v61, v23  }
0x640: {  	v54 =	vld [tilespmem:s26+$0x60];
	v39 =	vsub.f32 $0.0e+00, v39;
	v21 =	vmul.f32 $1.442695020e+00, v21;
	v49 =	vmul.f32 v30, v52;
	v27 =	vpop (erf)  }
0x641: {  	v37 =	vld [tilespmem:s9+$0xFFFFFF90];
	v23 =	vsub.f32 $0.0e+00, v23;
	v27 =	vadd.f32 $1.000000000e+00, v27  }
0x642: {  	v31 =	vld [tilespmem:s9+$0xFFFFFFA0];
	v33 =	vadd.f32 v44, v63;
	[tilespmem:s24+$0xFFFFFFB0] =	vst v49;
	v51 =	vpop (erf);
	(erf) = vpow2.f32 v21;
	v21 =	vmul.f32 $1.442695020e+00, v39  }
0x643: {  	v52 =	vld [tilespmem:s16+$0xFFFFFFC0];
	v53 =	vpop (erf);
	(erf) = vrcp.f32 v27  }
0x644: {  	v59 =	vld [tilespmem:s1+$0x30];
	v38 =	vadd.f32 $1.000000000e+00, v51;
	(erf) = vpow2.f32 v21;
	v21 =	vsub.f32 $0.0e+00, v33  }
0x645: {  	v62 =	vld [tilespmem:s6+$0x70];
	v45 =	vmul.f32 $1.442695020e+00, v23;
	v23 =	vpop (erf)  }
0x646: {  	v30 =	vld [tilespmem:s9+$0xFFFFFFB0];
	(erf) = vrcp.f32 v38;
	v56 =	vpop (erf);
	v21 =	vmul.f32 $1.442695020e+00, v21  }
0x647: {  	v63 =	vld [tilespmem:s8+$0x10];
	v55 =	vmul.f32 v23, v50;
	(erf) = vpow2.f32 v45;
	v57 =	vadd.f32 $1.000000000e+00, v56;
	v58 =	vpop (erf)  }
0x648: {  	v49 =	vld [tilespmem:s13+$0x60];
	v32 =	vadd.f32 v52, v32;
	(erf) = vpow2.f32 v21;
	v21 =	vmul.f32 v58, v54  }
0x649: {  	v27 =	vld [tilespmem:s9+$0xFFFFFFC0];
	[tilespmem:s1+$0x20] =	vst v55  }
0x64a: {  	v41 =	vadd.f32 $1.000000000e+00, v53;
	v60 =	vpop (erf);
	v61 =	vld [tilespmem:s23+$0x30];
	v32 =	vsub.f32 $0.0e+00, v32;
	(erf) = vrcp.f32 v57  }
0x64b: {  	v38 =	vld [tilespmem:s25+$0xFFFFFFC0];
	v42 =	vmul.f32 v60, v42;
	[tilespmem:s6+$0x60] =	vst v21  }
0x64c: {  	(erf) = vrcp.f32 v41;
	v32 =	vmul.f32 $1.442695020e+00, v32;
	v52 =	vld [tilespmem:s15+$0x70];
	v21 =	vpop (erf)  }
0x64d: {  	v23 =	vld [tilespmem:s9+$0xFFFFFFD0];
	[tilespmem:s1+$0xFFFFFFA0] =	vst v42;
	v21 =	vadd.f32 $1.000000000e+00, v21;
	v46 =	vpop (erf)  }
0x64e: {  	v42 =	vld [tilespmem:s23+$0xFFFFFFB0];
	(erf) = vpow2.f32 v32;
	v47 =	vpop (erf)  }
0x64f: {  	v55 =	vld [tilespmem:s22+$0x50];
	v53 =	vadd.f32 v61, v59;
	v54 =	vpop (erf);
	(erf) = vrcp.f32 v21  }
0x650: {  	v60 =	vld [tilespmem:s18+$0x20];
	v36 =	vmul.f32 v46, v36;
	v56 =	vadd.f32 $1.000000000e+00, v47  }
0x651: {  	v33 =	vld [tilespmem:s2+$0xFFFFFFB0];
	v32 =	vsub.f32 $0.0e+00, v53;
	v48 =	vpop (erf);
	v39 =	vmul.f32 v54, v63;
	v57 =	vadd.f32 v52, v62  }
0x652: {  	v47 =	vld [tilespmem:s22+$0xFFFFFFD0];
	[tilespmem:s6+$0xFFFFFFE0] =	vst v36;
	v58 =	vadd.f32 $1.000000000e+00, v48;
	(erf) = vrcp.f32 v56;
	v59 =	vpop (erf)  }
0x653: {  	v34 =	vadd.f32 v42, v34;
	v44 =	vld [tilespmem:s15+$0xFFFFFFF0];
	v32 =	vmul.f32 $1.442695020e+00, v32;
	[tilespmem:s18+$0x10] =	vst v39;
	v61 =	vpop (erf);
	v36 =	vsub.f32 $0.0e+00, v57  }
0x654: {  	v62 =	vadd.f32 $1.000000000e+00, v59;
	(erf) = vrcp.f32 v58;
	v63 =	vld [tilespmem:s11+$0x20];
	v40 =	vmul.f32 v61, v55  }
0x655: {  	v21 =	vld [tilespmem:s9+$0xFFFFFFE0];
	s15 =	simm.s32 $0x10780;
	v34 =	vsub.f32 $0.0e+00, v34;
	v48 =	vpop (erf);
	(erf) = vpow2.f32 v32;
	v36 =	vmul.f32 $1.442695020e+00, v36  }
0x656: {  	v50 =	vld [tilespmem:s15+$0x0];
	v32 =	vmul.f32 v48, v43;
	(erf) = vrcp.f32 v62;
	[tilespmem:s13+$0x50] =	vst v40  }
0x657: {  	v34 =	vmul.f32 $1.442695020e+00, v34;
	v51 =	vpop (erf);
	v52 =	vld [tilespmem:s0+$0x60];
	(erf) = vpow2.f32 v36  }
0x658: {  	v53 =	vld [tilespmem:s15+$0xFFFFFF80];
	[tilespmem:s18+$0xFFFFFF90] =	vst v32;
	v25 =	vadd.f32 v44, v25;
	v54 =	vadd.f32 $1.000000000e+00, v51;
	v55 =	vpop (erf)  }
0x659: {  	v56 =	vld [tilespmem:s11+$0xFFFFFFA0];
	(erf) = vpow2.f32 v34;
	v39 =	vadd.f32 v63, v60;
	v57 =	vmul.f32 v55, v47  }
0x65a: {  	v59 =	vld [tilespmem:s25+$0x40];
	(erf) = vrcp.f32 v54  }
0x65b: {  	v36 =	vld [tilespmem:s8+$0xFFFFFFA0];
	v25 =	vsub.f32 $0.0e+00, v25;
	v58 =	vpop (erf);
	v39 =	vsub.f32 $0.0e+00, v39;
	[tilespmem:s13+$0xFFFFFFD0] =	vst v57  }
0x65c: {  	v32 =	vmul.f32 v58, v50;
	v43 =	vadd.f32 v52, v49;
	v60 =	vld [tilespmem:s0+$0xFFFFFFE0]  }
0x65d: {  	v63 =	vld [tilespmem:s9+$0x10];
	v52 =	vmul.f32 $1.442695020e+00, v25;
	v61 =	vpop (erf);
	v39 =	vmul.f32 $1.442695020e+00, v39  }
0x65e: {  	v25 =	vld [tilespmem:s9+$0xFFFFFFF0];
	v35 =	vadd.f32 v56, v35;
	v44 =	vmul.f32 v61, v53;
	[tilespmem:s9+$0x0] =	vst v32;
	v62 =	vpop (erf);
	v48 =	vsub.f32 $0.0e+00, v43  }
0x65f: {  	v49 =	vpop (erf);
	v50 =	vld [tilespmem:s28+$0x10];
	(erf) = vpow2.f32 v39;
	v32 =	vadd.f32 $1.000000000e+00, v62  }
0x660: {  	v57 =	vld [tilespmem:s24+$0x50];
	v35 =	vsub.f32 $0.0e+00, v35;
	[tilespmem:s9+$0xFFFFFF80] =	vst v44;
	v51 =	vmul.f32 v49, v59;
	v40 =	vmul.f32 $1.442695020e+00, v48;
	v53 =	vpop (erf)  }
0x661: {  	v44 =	vld [tilespmem:s28+$0xFFFFFF90];
	(erf) = vrcp.f32 v32;
	v54 =	vadd.f32 $1.000000000e+00, v53;
	v28 =	vadd.f32 v60, v28  }
0x662: {  	v34 =	vld [tilespmem:s22+$0xFFFFFFE0];
	v55 =	vmul.f32 $1.442695020e+00, v35;
	v56 =	vpop (erf);
	[tilespmem:s24+$0x40] =	vst v51;
	(erf) = vpow2.f32 v40  }
0x663: {  	v58 =	vadd.f32 $1.000000000e+00, v56;
	v59 =	vld [tilespmem:s16+$0x50];
	v60 =	vpop (erf);
	(erf) = vrcp.f32 v54;
	v28 =	vsub.f32 $0.0e+00, v28  }
0x664: {  	v35 =	vld [tilespmem:s15+$0xFFFFFF90];
	v61 =	vadd.f32 v50, v63;
	(erf) = vpow2.f32 v55;
	v38 =	vmul.f32 v60, v38  }
0x665: {  	(erf) = vrcp.f32 v58;
	v62 =	vmul.f32 $1.442695020e+00, v28;
	v28 =	vld [tilespmem:s26+$0xFFFFFFF0]  }
0x666: {  	v63 =	vadd.f32 v44, v37;
	v32 =	vsub.f32 $0.0e+00, v61;
	v37 =	vld [tilespmem:s2+$0x30];
	[tilespmem:s24+$0xFFFFFFC0] =	vst v38;
	(erf) = vpow2.f32 v52  }
0x667: {  	s29 =	simm.s32 $0xA;
	v38 =	vld [tilespmem:s16+$0xFFFFFFD0];
	(erf) = vpow2.f32 v62  }
0x668: {  	s30 =	simm.s32 $0x14880;
	v40 =	vsub.f32 $0.0e+00, v63;
	v41 =	vmul.f32 $1.442695020e+00, v32;
	v39 =	vpop (erf);
	v42 =	vadd.f32 v59, v57;
	v32 =	vld [tilespmem:s26+$0x70];
	s26 =	simm.s32 $0x12780  }
.LBB2_29:
0x669: {  	v43 =	vld [tilespmem:s30+$0x0];
	s28 =	sadd.s32 $0x100, s28;
	s17 =	smov.u32 s2;
	s2 =	smov.u32 s8  }
0x66a: {  	v47 =	vmul.f32 $1.442695020e+00, v40;
	v48 =	vsub.f32 $0.0e+00, v42;
	s8 =	smov.u32 s15;
	v44 =	vld [tilespmem:s28+$0x0];
	(erf) = vpow2.f32 v41;
	v41 =	vpop (erf)  }
0x66b: {  	v39 =	vadd.f32 $1.000000000e+00, v39;
	v45 =	vld [tilespmem:s28+$0xFFFFFF80];
	v37 =	vmul.f32 v41, v37;
	v41 =	vpop (erf)  }
0x66c: {  	v22 =	vadd.f32 v38, v22;
	v38 =	vmul.f32 $1.442695020e+00, v48;
	v46 =	vld [tilespmem:s30+$0xFFFFFF80];
	(erf) = vpow2.f32 v47;
	v40 =	vpop (erf)  }
0x66d: {  	v42 =	vpop (erf);
	(erf) = vrcp.f32 v39;
	[tilespmem:s1+$0x30] =	vst v37;
	v39 =	vld [tilespmem:s1+$0x40];
	v37 =	vadd.f32 $1.000000000e+00, v41;
	v48 =	vmul.f32 v40, v32  }
0x66e: {  	v49 =	vsub.f32 $0.0e+00, v22;
	v41 =	vadd.f32 $1.000000000e+00, v42;
	v42 =	vld [tilespmem:s23+$0x40];
	v47 =	vpop (erf);
	(erf) = vpow2.f32 v38  }
0x66f: {  	v32 =	vld [tilespmem:s30+$0xFFFFFF90];
	v38 =	vadd.f32 v44, v43;
	v33 =	vmul.f32 v47, v33;
	(erf) = vrcp.f32 v37;
	[tilespmem:s6+$0x70] =	vst v48;
	v40 =	vpop (erf)  }
0x670: {  	s29 =	sadd.s32 $0x2, s29;
	v37 =	vld [tilespmem:s30+$0xFFFFFFA0];
	(erf) = vrcp.f32 v41;
	v41 =	vmul.f32 $1.442695020e+00, v49;
	v43 =	vpop (erf);
	v40 =	vadd.f32 $1.000000000e+00, v40  }
0x671: {  	p2 =	slt.u32 s29, $0x3E;
	v22 =	vmovc v19;
	v19 =	vmovc v20;
	v20 =	vmov v23;
	v44 =	vadd.f32 v45, v46;
	v45 =	vld [tilespmem:s30+$0xFFFFFFB0];
	v38 =	vsub.f32 $0.0e+00, v38;
	[tilespmem:s1+$0xFFFFFFB0] =	vst v33  }
0x672: {  	v47 =	vadd.f32 $1.000000000e+00, v43;
	v33 =	vld [tilespmem:s2+$0x20];
	(erf) = vpow2.f32 v41  }
0x673: {  	v41 =	vsub.f32 $0.0e+00, v44;
	v38 =	vmul.f32 $1.442695020e+00, v38;
	v43 =	vpop (erf);
	v44 =	vld [tilespmem:s23+$0xFFFFFFC0];
	v39 =	vadd.f32 v42, v39  }
0x674: {  	v48 =	vadd.f32 $1.000000000e+00, v43;
	v43 =	vld [tilespmem:s22+$0x60];
	(erf) = vrcp.f32 v47  }
0x675: {  	v41 =	vmul.f32 $1.442695020e+00, v41;
	v46 =	vld [tilespmem:s30+$0xFFFFFFC0];
	(erf) = vpow2.f32 v38;
	v23 =	vpop (erf);
	v39 =	vsub.f32 $0.0e+00, v39  }
0x676: {  	v47 =	vadd.f32 $1.000000000e+00, v23;
	(erf) = vrcp.f32 v48;
	v42 =	vpop (erf);
	v38 =	vld [tilespmem:s17+$0xFFFFFFC0]  }
0x677: {  	v23 =	vld [tilespmem:s30+$0xFFFFFFD0];
	v49 =	vmul.f32 v42, v33;
	v39 =	vmul.f32 $1.442695020e+00, v39;
	v42 =	vpop (erf)  }
0x678: {  	(erf) = vpow2.f32 v41;
	v41 =	vadd.f32 v44, v26;
	v42 =	vadd.f32 $1.000000000e+00, v42;
	v44 =	vld [tilespmem:s13+$0x70];
	v26 =	vpop (erf)  }
0x679: {  	[tilespmem:s18+$0x20] =	vst v49;
	v48 =	vld [tilespmem:s18+$0x30];
	v33 =	vpop (erf);
	(erf) = vpow2.f32 v39;
	v39 =	vmul.f32 v26, v43;
	v26 =	vmov v24  }
0x67a: {  	v24 =	vmovc v27;
	v33 =	vmul.f32 v33, v36;
	v36 =	vld [tilespmem:s11+$0x30];
	v41 =	vsub.f32 $0.0e+00, v41;
	(erf) = vrcp.f32 v42;
	v27 =	vmovc v46  }
0x67b: {  	v42 =	vld [tilespmem:s15+$0x10];
	(erf) = vrcp.f32 v47;
	v43 =	vpop (erf);
	[tilespmem:s13+$0x60] =	vst v39  }
0x67c: {  	[tilespmem:s18+$0xFFFFFFA0] =	vst v33;
	v39 =	vmul.f32 $1.442695020e+00, v41;
	v41 =	vadd.f32 $1.000000000e+00, v43;
	v43 =	vld [tilespmem:s0+$0x70];
	(erf) = vrcp.f32 v40  }
0x67d: {  	v40 =	vld [tilespmem:s11+$0xFFFFFFB0];
	v46 =	vpop (erf)  }
0x67e: {  	v47 =	vpop (erf);
	v33 =	vld [tilespmem:s2+$0xFFFFFFB0];
	(erf) = vpow2.f32 v39;
	v49 =	vmul.f32 v46, v34  }
0x67f: {  	v46 =	vpop (erf);
	v36 =	vadd.f32 v36, v48;
	v48 =	vld [tilespmem:s25+$0x50];
	(erf) = vrcp.f32 v41  }
0x680: {  	v50 =	vadd.f32 $1.000000000e+00, v47;
	v47 =	vld [tilespmem:s25+$0xFFFFFFD0];
	[tilespmem:s13+$0xFFFFFFE0] =	vst v49  }
0x681: {  	v42 =	vmul.f32 v46, v42;
	v39 =	vld [tilespmem:s30+$0xFFFFFFE0];
	v34 =	vpop (erf);
	v36 =	vsub.f32 $0.0e+00, v36;
	v43 =	vadd.f32 v43, v44  }
0x682: {  	v34 =	vadd.f32 $1.000000000e+00, v34;
	(erf) = vrcp.f32 v50;
	v40 =	vadd.f32 v40, v29;
	v41 =	vpop (erf);
	v44 =	vld [tilespmem:s0+$0xFFFFFFF0];
	s0 =	smov.u32 s16;
	s16 =	smov.u32 s23;
	s23 =	smov.u32 s11  }
0x683: {  	v29 =	vmov v30;
	s11 =	smov.u32 s26;
	s26 =	smov.u32 s28;
	[tilespmem:s9+$0x10] =	vst v42;
	v42 =	vld [tilespmem:s9+$0x20];
	v36 =	vmul.f32 $1.442695020e+00, v36;
	v46 =	vpop (erf);
	v49 =	vsub.f32 $0.0e+00, v43  }
0x684: {  	v50 =	vadd.f32 $1.000000000e+00, v41;
	(erf) = vrcp.f32 v34;
	v34 =	vld [tilespmem:s11+$0x20];
	v30 =	vpop (erf);
	v46 =	vmul.f32 v46, v48  }
0x685: {  	s15 =	sadd.s32 $0x100, s15;
	v40 =	vsub.f32 $0.0e+00, v40;
	(erf) = vpow2.f32 v36;
	v48 =	vld [tilespmem:s24+$0x60];
	v51 =	vmul.f32 $1.442695020e+00, v49;
	v43 =	vpop (erf)  }
0x686: {  	v35 =	vmul.f32 v30, v35;
	v30 =	vmov v45;
	v49 =	vld [tilespmem:s15+$0x0];
	(erf) = vrcp.f32 v50;
	[tilespmem:s24+$0x50] =	vst v46  }
0x687: {  	v40 =	vmul.f32 $1.442695020e+00, v40;
	v41 =	vpop (erf);
	v45 =	vld [tilespmem:s0+$0x60];
	v44 =	vadd.f32 v44, v14;
	(erf) = vpow2.f32 v51  }
0x688: {  	v28 =	vmul.f32 v43, v28;
	v14 =	vmov v12;
	v46 =	vld [tilespmem:s15+$0xFFFFFF80];
	[tilespmem:s9+$0xFFFFFF90] =	vst v35;
	v35 =	vadd.f32 $1.000000000e+00, v41;
	v36 =	vpop (erf)  }
0x689: {  	v12 =	vmovc v13;
	v13 =	vmovc v17;
	v41 =	vld [tilespmem:s11+$0xFFFFFFA0];
	v34 =	vadd.f32 v34, v42;
	(erf) = vpow2.f32 v40;
	v40 =	vmul.f32 v36, v47  }
0x68a: {  	v17 =	vmov v25;
	v47 =	vsub.f32 $0.0e+00, v44;
	v36 =	vld [tilespmem:s8+$0xFFFFFFA0];
	(erf) = vrcp.f32 v35;
	[tilespmem:s6+$0xFFFFFFF0] =	vst v28;
	s6 =	smov.u32 s13;
	s13 =	smov.u32 s24;
	s24 =	smov.u32 s1  }
0x68b: {  	s1 =	smov.u32 s18;
	s18 =	smov.u32 s9;
	s9 =	smov.u32 s30;
	v25 =	vpop (erf);
	v28 =	vsub.f32 $0.0e+00, v34;
	v42 =	vld [tilespmem:s17+$0x40];
	[tilespmem:s13+$0xFFFFFFD0] =	vst v40  }
0x68c: {  	v44 =	vmul.f32 $1.442695020e+00, v47;
	v49 =	vmul.f32 v25, v49;
	v40 =	vld [tilespmem:s0+$0xFFFFFFE0];
	v43 =	vadd.f32 v45, v48  }
0x68d: {  	v35 =	vpop (erf);
	v28 =	vmul.f32 $1.442695020e+00, v28;
	v34 =	vld [tilespmem:s25+$0xFFFFFFE0]  }
0x68e: {  	v35 =	vmul.f32 v35, v46;
	[tilespmem:s30+$0x0] =	vst v49;
	v45 =	vld [tilespmem:s30+$0x10];
	v41 =	vadd.f32 v41, v31;
	v25 =	vpop (erf);
	v43 =	vsub.f32 $0.0e+00, v43  }
0x68f: {  	v31 =	vmov v37;
	v46 =	vld [tilespmem:s28+$0x10];
	(erf) = vpow2.f32 v28;
	v28 =	vadd.f32 $1.000000000e+00, v25;
	v47 =	vpop (erf)  }
0x690: {  	[tilespmem:s30+$0xFFFFFF80] =	vst v35;
	v25 =	vld [tilespmem:s30+$0xFFFFFFF0];
	v48 =	vsub.f32 $0.0e+00, v41;
	v37 =	vmul.f32 v47, v42;
	v41 =	vmul.f32 $1.442695020e+00, v43;
	v42 =	vpop (erf)  }
0x691: {  	v43 =	vld [tilespmem:s28+$0xFFFFFF90];
	(erf) = vrcp.f32 v28;
	v28 =	vadd.f32 v40, v16;
	v40 =	vadd.f32 $1.000000000e+00, v42;
	v16 =	vmovc v15;
	v15 =	vmovc v18  }
0x692: {  	v18 =	vmov v21;
	v42 =	vmul.f32 $1.442695020e+00, v48;
	v35 =	vpop (erf);
	[tilespmem:s24+$0x40] =	vst v37;
	v47 =	vld [tilespmem:s24+$0x50];
	(erf) = vpow2.f32 v41  }
0x693: {  	v37 =	vadd.f32 $1.000000000e+00, v35;
	v48 =	vld [tilespmem:s16+$0x50];
	v21 =	vpop (erf);
	v28 =	vsub.f32 $0.0e+00, v28;
	(erf) = vrcp.f32 v40  }
.Ltmp20:
0x694: {  	v35 =	vld [tilespmem:s15+$0xFFFFFF90];
	v40 =	vadd.f32 v46, v45;
	(erf) = vpow2.f32 v42;
	v38 =	vmul.f32 v21, v38;
	v21 =	vmovc v39;
	(pc) =	sbr.rel @p2 .LBB2_29-.Ltmp20, $4  }
0x695: {  	(erf) = vrcp.f32 v37;
	v42 =	vmul.f32 $1.442695020e+00, v28;
	v28 =	vld [tilespmem:s22+$0xFFFFFFF0]  }
0x696: {  	v32 =	vadd.f32 v43, v32;
	v41 =	vsub.f32 $0.0e+00, v40;
	v37 =	vld [tilespmem:s2+$0x30];
	[tilespmem:s24+$0xFFFFFFC0] =	vst v38;
	(erf) = vpow2.f32 v44  }
0x697: {  	v38 =	vld [tilespmem:s16+$0xFFFFFFD0];
	(erf) = vpow2.f32 v42  }
0x698: {  	s30 =	sadd.s32 $0x100, s30;
	v40 =	vsub.f32 $0.0e+00, v32;
	v41 =	vmul.f32 $1.442695020e+00, v41;
	v39 =	vpop (erf);
	v42 =	vadd.f32 v48, v47;
	v32 =	vld [tilespmem:s22+$0x70];
	s22 =	smov.u32 s25;
	s25 =	smov.u32 s17  }
.Ltmp21:
0x699: {  	_ = 	snop;
	(pc) =	sbr.rel .LBB2_30-.Ltmp21, $1  }
0x69a: {  	_ =	sdelay $0x3  }
.LBB2_10:
.Ltmp22:
0x69b: {  	(pc) =	sbr.rel .LBB2_14-.Ltmp22, $2  }
0x69c: {  	_ =	sdelay $0x2  }
0x69d: {  	s2 =	simm.s32 $0x0;
	s1 =	simm.s32 $0x0  }
.LBB2_12:
.Ltmp23:
0x69e: {  	(pc) =	sbr.rel .LBB2_14-.Ltmp23, $2  }
0x69f: {  	_ =	sdelay $0x2  }
0x6a0: {  	s2 =	simm.s32 $0x0;
	s1 =	simm.s32 $0x0  }
.LBB2_34:
0x6a1: {  	_ =	sfence.sel $0x180000  }
0x6a2: {  	[bflag:$0x0] =	sbarrier.arrive $0xFFFF  }
0x6a3: {  	_ =	strace $0x90000047  }
0x6a4: {  	s0 =	stileid.u32;
	[bflag:$0x2] =	sbarrier.arrive $0xFFFF  }
0x6a5: {  	p0 =	sne.s32 s0, $0x0;
	s0 =	rddreg [dreg:$0x4]  }
0x6a6: {  	s0 =	sadd.s32 @!p0 $0x100000, s0  }
0x6a7: {  	[sflag:s0] =	ssyncadd.tile.s32 @!p0 $0x1;
	_ =	shalt  }
.Lfunc_end2:
_tile_overlayer_lowered:
.L_overlay_start_2:
0x6a8: {  	(tag) =	ssettag $0x2  }
0x6a9: {  	s0 =	rddreg [dreg:$0x0];
	s2 =	stileid.u32  }
0x6aa: {  	s1 =	rddreg [dreg:$0x1];
	p0 =	sne.s32 s2, $0x0  }
0x6ab: {  	s3 =	rddreg [dreg:$0x2];
	[bflag:$0x3] =	sbarrier.arrive $0xFFFF;
	s2 =	simm.s32 @!p0 $0x1C0D  }
0x6ac: {  	[timem:s3], [sflag:s2] =	dma.local @!p0 [hbm:s0], s1  }
0x6ad: {  	s0 =	simm.s32 @!p0 $0xD  }
0x6ae: {  	_ =	swait.ge @!p0 [sflag:s0], s1  }
0x6af: {  	s1 =	ssub.s32 @!p0 $0x0, s1;
	[sflag:s0] =	ssyncset.done @!p0 $0x0  }
0x6b0: {  	[sflag:s0] =	ssyncadd.s32 @!p0 s1  }
0x6b1: {  	[bflag:$0x3] =	sbarrier.arrive $0xFFFF  }
0x6b2: {  	_ =	shalt  }

</sc_bundles>
